<compile_context>
chip_gen: v7x
topology: tpu7x:2x2x1
jax: 0.10.2.dev20260603
libtpu: 0.0.44.dev20260713+nightly
codegen_flags: <defaults>
</compile_context>

<pallas_src>
import functools

import jax
import jax.numpy as jnp
from jax import lax
from jax.experimental import pallas as pl
from jax.experimental.pallas import tpu as pltpu
from jax.experimental.pallas import tpu_sc as plsc

N = 50000
E = 800000
DIM = 64
HALF = 32
G = 128
C = 10

NT = 16
BLK = 128
NODE_BLKS = 26
NPAD = NT * NODE_BLKS * BLK
EDGE_BLKS = 392
ET = EDGE_BLKS * BLK
EPAD = NT * ET

TBLK = 416
NTB = NPAD // TBLK


def _tbl_body(w0_ref, out_ref):
    wd = w0_ref[0:64, :]
    wl = w0_ref[64:80, :]
    i0 = lax.broadcasted_iota(jnp.int32, (1024, 64), 0)
    j0 = lax.broadcasted_iota(jnp.int32, (1024, 64), 1)
    r = (i0 // 16 == j0).astype(jnp.float32)
    i1 = lax.broadcasted_iota(jnp.int32, (1024, 16), 0)
    j1 = lax.broadcasted_iota(jnp.int32, (1024, 16), 1)
    s = (i1 % 16 == j1).astype(jnp.float32)
    t = (jnp.dot(r, wd, preferred_element_type=jnp.float32)
         + jnp.dot(s, wl, preferred_element_type=jnp.float32))
    out_ref[0:1024, :] = t[:, 0:HALF]
    out_ref[1024:2048, :] = t[:, HALF:DIM]


def _build_table(w0):
    return pl.pallas_call(
        _tbl_body,
        out_shape=jax.ShapeDtypeStruct((2048, HALF), jnp.float32),
    )(w0)


IDEPTH = 8
NQ8 = EDGE_BLKS // IDEPTH

_SC_SCRATCH = (
    [pltpu.VMEM((BLK,), jnp.int32)] * IDEPTH
    + [pltpu.VMEM((BLK,), jnp.int32)] * IDEPTH
    + [pltpu.VMEM((BLK, HALF), jnp.float32)] * 4
    + [pltpu.VMEM((2, DIM), jnp.float32)]
    + [pltpu.VMEM_SHARED((NPAD, HALF), jnp.float32)]
    + [pltpu.SemaphoreType.DMA] * (4 + IDEPTH + IDEPTH + 4)
)


def _edge_pass(tbl_hbm, src_hbm, dst_hbm, spm, si, di, rows, gsem, isem, dsem,
               ssem, ebase, dbase):
    def src_copy(j, b8):
        return pltpu.make_async_copy(
            src_hbm.at[pl.ds(ebase + j * BLK, BLK)], si[b8], isem[b8])

    def dst_copy(j, b8):
        return pltpu.make_async_copy(
            dst_hbm.at[pl.ds(dbase + j * BLK, BLK)], di[b8], dsem[b8])

    def gath(b8, b4):
        return pltpu.make_async_copy(tbl_hbm.at[si[b8]], rows[b4], gsem[b4])

    def scat_wait(b4, b8):
        return pltpu.make_async_copy(rows[b4], spm.at[di[b8]], ssem[b4])

    for b in range(IDEPTH):
        src_copy(b, b).start()
    for b in range(IDEPTH - 1):
        dst_copy(b, b).start()
    for b in range(3):
        src_copy(b, b).wait()
        gath(b, b).start()

    def body(p, carry):
        for b in range(IDEPTH):
            j = IDEPTH * p + b
            b4 = b % 4
            gath(b, b4).wait()
            dst_copy(j, b).wait()

            def wait_prev_scatter():
                scat_wait((b + 3) % 4, (b + 7) % IDEPTH).wait()
            if b == 0:
                @pl.when(p > 0)
                def _():
                    wait_prev_scatter()
            else:
                wait_prev_scatter()

            pltpu.async_copy(rows[b4], spm.at[di[b]], ssem[b4], add=True)

            @pl.when(p < NQ8 - 1)
            def _():
                src_copy(j + IDEPTH, b).start()

            def dst_prefetch():
                dst_copy(j + 7, (b + 7) % IDEPTH).start()
            if b == 0:
                dst_prefetch()
            else:
                @pl.when(p < NQ8 - 1)
                def _():
                    dst_prefetch()

            def next_gather():
                src_copy(j + 3, (b + 3) % IDEPTH).wait()
                gath((b + 3) % IDEPTH, (b + 3) % 4).start()
            if b <= 4:
                next_gather()
            else:
                @pl.when(p < NQ8 - 1)
                def _():
                    next_gather()
        return carry

    lax.fori_loop(0, NQ8, body, 0)
    scat_wait(3, 7).wait()


def _writeback(spm, agg_hbm, stats_hbm, rows, stv, gsem, c, wid, nbase, obase):
    zero = jnp.zeros((16,), jnp.float32)

    for b in range(2):
        pltpu.make_async_copy(
            spm.at[pl.ds(nbase + b * BLK, BLK)], rows[b], gsem[b]).start()

    def body(p, carry):
        s0, s1, q0, q1 = carry
        for b in range(2):
            j = 2 * p + b
            pltpu.make_async_copy(
                spm.at[pl.ds(nbase + j * BLK, BLK)], rows[b], gsem[b]).wait()
            pltpu.sync_copy(rows[b], agg_hbm.at[pl.ds(obase + j * BLK, BLK)])

            @pl.when(p < NODE_BLKS // 2 - 1)
            def _():
                pltpu.make_async_copy(
                    spm.at[pl.ds(nbase + (j + 2) * BLK, BLK)],
                    rows[b], gsem[b]).start()

            vr = jnp.clip(N - (nbase + j * BLK), 0, BLK)

            def acc(r, cr):
                a0, a1, b0, b1 = cr
                lo = rows[b][r, 0:16]
                hi = rows[b][r, 16:32]
                return (a0 + lo, a1 + hi, b0 + lo * lo, b1 + hi * hi)

            z16 = jnp.zeros((16,), jnp.float32)
            p0, p1_, p2, p3 = lax.fori_loop(0, vr, acc, (z16, z16, z16, z16))
            s0, s1, q0, q1 = s0 + p0, s1 + p1_, q0 + p2, q1 + p3
        return (s0, s1, q0, q1)

    s0, s1, q0, q1 = lax.fori_loop(
        0, NODE_BLKS // 2, body, (zero, zero, zero, zero))

    for k in range(2):
        for t in range(4):
            stv[k, pl.ds(16 * t, 16)] = zero

    @pl.when(c == 0)
    def _():
        stv[0, 0:16] = s0
        stv[0, 16:32] = s1
        stv[1, 0:16] = q0
        stv[1, 16:32] = q1

    @pl.when(c == 1)
    def _():
        stv[0, 32:48] = s0
        stv[0, 48:64] = s1
        stv[1, 32:48] = q0
        stv[1, 48:64] = q1

    pltpu.sync_copy(stv, stats_hbm.at[wid])


def _split_scratch(scr):
    si = list(scr[0:IDEPTH])
    di = list(scr[IDEPTH:2 * IDEPTH])
    rows = list(scr[2 * IDEPTH:2 * IDEPTH + 4])
    stv = scr[2 * IDEPTH + 4]
    spm = scr[2 * IDEPTH + 5]
    sems = scr[2 * IDEPTH + 6:]
    gsem = list(sems[0:4])
    isem = list(sems[4:4 + IDEPTH])
    dsem = list(sems[4 + IDEPTH:4 + 2 * IDEPTH])
    ssem = list(sems[4 + 2 * IDEPTH:])
    return si, di, rows, stv, spm, gsem, isem, dsem, ssem


def _gin1_body(t_hbm, comb_hbm, src_hbm, dst_hbm, e_hbm, agg_hbm, st_hbm,
               *scr):
    si, di, rows, stv, spm, gsem, isem, dsem, ssem = _split_scratch(scr)
    c = lax.axis_index("c")
    s = lax.axis_index("s")
    nbase = s * (NODE_BLKS * BLK)
    obase = c * NPAD + nbase
    cbase = obase

    def idx_copy(j, b):
        return pltpu.make_async_copy(
            comb_hbm.at[pl.ds(cbase + j * BLK, BLK)], si[b], isem[b])

    def gather(b):
        return pltpu.make_async_copy(t_hbm.at[si[b]], rows[b], gsem[b])

    idx_copy(0, 0).start()
    idx_copy(1, 1).start()
    idx_copy(0, 0).wait()
    gather(0).start()

    def p1(p, carry):
        for b in range(2):
            j = 2 * p + b
            gather(b).wait()
            pltpu.sync_copy(rows[b], e_hbm.at[pl.ds(obase + j * BLK, BLK)])
            pltpu.sync_copy(rows[b], spm.at[pl.ds(nbase + j * BLK, BLK)])

            @pl.when(p < NODE_BLKS // 2 - 1)
            def _():
                idx_copy(j + 2, b).start()

            b1 = 1 - b
            if b == 0:
                idx_copy(j + 1, b1).wait()
                gather(b1).start()
            else:
                @pl.when(p < NODE_BLKS // 2 - 1)
                def _():
                    idx_copy(j + 1, b1).wait()
                    gather(b1).start()
        return carry

    lax.fori_loop(0, NODE_BLKS // 2, p1, 0)
    plsc.subcore_barrier()

    ebase = (c * NT + s) * ET
    dbase = s * ET
    _edge_pass(e_hbm, src_hbm, dst_hbm, spm, si, di, rows, gsem, isem, dsem,
               ssem, ebase, dbase)
    plsc.subcore_barrier()
    _writeback(spm, agg_hbm, st_hbm, rows, stv, gsem, c, c * NT + s,
               nbase, obase)


def _gin2_body(y_hbm, src_hbm, dst_hbm, agg_hbm, st_hbm, *scr):
    si, di, rows, stv, spm, gsem, isem, dsem, ssem = _split_scratch(scr)
    c = lax.axis_index("c")
    s = lax.axis_index("s")
    nbase = s * (NODE_BLKS * BLK)
    obase = c * NPAD + nbase

    for b in range(2):
        pltpu.make_async_copy(
            y_hbm.at[pl.ds(obase + b * BLK, BLK)], rows[b], gsem[b]).start()

    def pre(p, carry):
        for b in range(2):
            j = 2 * p + b
            pltpu.make_async_copy(
                y_hbm.at[pl.ds(obase + j * BLK, BLK)], rows[b], gsem[b]).wait()
            pltpu.sync_copy(rows[b], spm.at[pl.ds(nbase + j * BLK, BLK)])

            @pl.when(p < NODE_BLKS // 2 - 1)
            def _():
                pltpu.make_async_copy(
                    y_hbm.at[pl.ds(obase + (j + 2) * BLK, BLK)],
                    rows[b], gsem[b]).start()
        return carry

    lax.fori_loop(0, NODE_BLKS // 2, pre, 0)
    plsc.subcore_barrier()

    ebase = (c * NT + s) * ET
    dbase = s * ET
    _edge_pass(y_hbm, src_hbm, dst_hbm, spm, si, di, rows, gsem, isem, dsem,
               ssem, ebase, dbase)
    plsc.subcore_barrier()
    _writeback(spm, agg_hbm, st_hbm, rows, stv, gsem, c, c * NT + s,
               nbase, obase)


def _sc_mesh():
    return plsc.VectorSubcoreMesh(core_axis_name="c", subcore_axis_name="s",
                                  num_cores=2, num_subcores=NT)


def _gin1(tcat, combd, srcd, dstp):
    fn = pl.kernel(
        _gin1_body,
        out_type=[jax.ShapeDtypeStruct((2 * NPAD, HALF), jnp.float32),
                  jax.ShapeDtypeStruct((2 * NPAD, HALF), jnp.float32),
                  jax.ShapeDtypeStruct((2 * NT, 2, DIM), jnp.float32)],
        mesh=_sc_mesh(),
        scratch_types=list(_SC_SCRATCH),
        compiler_params=pltpu.CompilerParams(use_tc_tiling_on_sc=False),
    )
    return fn(tcat, combd, srcd, dstp)


def _gin2(ycat, srcd, dstp):
    fn = pl.kernel(
        _gin2_body,
        out_type=[jax.ShapeDtypeStruct((2 * NPAD, HALF), jnp.float32),
                  jax.ShapeDtypeStruct((2 * NT, 2, DIM), jnp.float32)],
        mesh=_sc_mesh(),
        scratch_types=list(_SC_SCRATCH),
        compiler_params=pltpu.CompilerParams(use_tc_tiling_on_sc=False),
    )
    return fn(ycat, srcd, dstp)


def _mid_body(a_ref, st_ref, g_ref, be_ref, w_ref, y_ref, s_mu, s_rs):
    i = pl.program_id(0)

    @pl.when(i == 0)
    def _():
        su = jnp.sum(st_ref[...], axis=0)
        mu = su[0:1, :] * (1.0 / N)
        var = su[1:2, :] * (1.0 / N) - mu * mu
        s_mu[...] = mu
        s_rs[...] = lax.rsqrt(var + 1e-5)

    z = jnp.concatenate([a_ref[0], a_ref[1]], axis=1)
    h = (z - s_mu[...]) * s_rs[...] * g_ref[...] + be_ref[...]
    h = jnp.where(h > 0, h, 0.01 * h)
    y = jnp.dot(h, w_ref[...], preferred_element_type=jnp.float32)
    y_ref[0] = y[:, 0:HALF]
    y_ref[1] = y[:, HALF:DIM]


def _mid(a3, st1, g0, be0, w1):
    spec3 = pl.BlockSpec((2, TBLK, HALF), lambda i: (0, i, 0))
    return pl.pallas_call(
        _mid_body,
        grid=(NTB,),
        in_specs=[spec3,
                  pl.BlockSpec((2 * NT, 2, DIM), lambda i: (0, 0, 0)),
                  pl.BlockSpec((1, DIM), lambda i: (0, 0)),
                  pl.BlockSpec((1, DIM), lambda i: (0, 0)),
                  pl.BlockSpec((DIM, DIM), lambda i: (0, 0))],
        out_specs=spec3,
        out_shape=jax.ShapeDtypeStruct((2, NPAD, HALF), jnp.float32),
        scratch_shapes=[pltpu.VMEM((1, DIM), jnp.float32)] * 2,
    )(a3, st1, g0, be0, w1)


def _out_body(a_ref, st_ref, b_ref, g_ref, be_ref,
              wf1_ref, bf1_ref, wf2_ref, bf2_ref, o_ref,
              s_mu, s_rs, s_pool):
    i = pl.program_id(0)

    @pl.when(i == 0)
    def _():
        su = jnp.sum(st_ref[...], axis=0)
        mu = su[0:1, :] * (1.0 / N)
        var = su[1:2, :] * (1.0 / N) - mu * mu
        s_mu[...] = mu
        s_rs[...] = lax.rsqrt(var + 1e-5)
        s_pool[...] = jnp.zeros((G, DIM), jnp.float32)

    z = jnp.concatenate([a_ref[0], a_ref[1]], axis=1)
    h = (z - s_mu[...]) * s_rs[...] * g_ref[...] + be_ref[...]
    h = jnp.where(h > 0, h, 0.01 * h)
    oh = (b_ref[...] == lax.broadcasted_iota(jnp.int32, (TBLK, G), 1)
          ).astype(jnp.float32)
    s_pool[...] += lax.dot_general(
        oh, h, (((0,), (0,)), ((), ())),
        preferred_element_type=jnp.float32)

    @pl.when(i == NTB - 1)
    def _():
        p = s_pool[...]
        hp = jnp.where(p > 0, p, 0.01 * p)
        h1 = jnp.dot(hp, wf1_ref[...],
                     preferred_element_type=jnp.float32) + bf1_ref[...]
        o_ref[...] = jnp.dot(h1, wf2_ref[...],
                             preferred_element_type=jnp.float32) + bf2_ref[...]


def _out(a3, st2, bcol, g1, be1, wf1, bf1, wf2, bf2):
    spec3 = pl.BlockSpec((2, TBLK, HALF), lambda i: (0, i, 0))
    return pl.pallas_call(
        _out_body,
        grid=(NTB,),
        in_specs=[spec3,
                  pl.BlockSpec((2 * NT, 2, DIM), lambda i: (0, 0, 0)),
                  pl.BlockSpec((TBLK, 1), lambda i: (i, 0)),
                  pl.BlockSpec((1, DIM), lambda i: (0, 0)),
                  pl.BlockSpec((1, DIM), lambda i: (0, 0)),
                  pl.BlockSpec((DIM, DIM), lambda i: (0, 0)),
                  pl.BlockSpec((1, DIM), lambda i: (0, 0)),
                  pl.BlockSpec((DIM, C), lambda i: (0, 0)),
                  pl.BlockSpec((1, C), lambda i: (0, 0))],
        out_specs=pl.BlockSpec((G, C), lambda i: (0, 0)),
        out_shape=jax.ShapeDtypeStruct((G, C), jnp.float32),
        scratch_shapes=[pltpu.VMEM((1, DIM), jnp.float32)] * 2
        + [pltpu.VMEM((G, DIM), jnp.float32)],
    )(a3, st2, bcol, g1, be1, wf1, bf1, wf2, bf2)


def kernel(node_deg, node_lab, edge_index, batch,
           eps0, eps1, W0, b0, W1, b1, g0, be0, g1, be1,
           Wf1, bf1, Wf2, bf2):
    del b0, b1
    del eps0, eps1
    comb = (node_deg.astype(jnp.int32) * 16 + node_lab.astype(jnp.int32))
    comb_p = jnp.pad(comb, (0, NPAD - N))
    combd = jnp.concatenate([comb_p, comb_p + 1024])

    src = edge_index[0].astype(jnp.int32).reshape(NT, E // NT)
    dst = edge_index[1].astype(jnp.int32).reshape(NT, E // NT)
    srcp = jnp.pad(src, ((0, 0), (0, ET - E // NT))).reshape(-1)
    dstp = jnp.pad(dst, ((0, 0), (0, ET - E // NT)),
                   constant_values=NPAD - 1).reshape(-1)
    srcd = jnp.concatenate([srcp, srcp + NPAD])

    tcat = _build_table(W0)
    e_cat, a1_cat, st1 = _gin1(tcat, combd, srcd, dstp)
    del e_cat
    y3 = _mid(a1_cat.reshape(2, NPAD, HALF), st1,
              g0.reshape(1, DIM), be0.reshape(1, DIM), W1)
    a2_cat, st2 = _gin2(y3.reshape(2 * NPAD, HALF), srcd, dstp)
    bcol = jnp.pad(batch.astype(jnp.int32), (0, NPAD - N),
                   constant_values=-1).reshape(NPAD, 1)
    return _out(a2_cat.reshape(2, NPAD, HALF), st2, bcol,
                g1.reshape(1, DIM), be1.reshape(1, DIM),
                Wf1, bf1.reshape(1, DIM), Wf2, bf2.reshape(1, C))

# --- scband reference (transcript-rebuilt; emitter-appended) ---
"""Pipeline reference for scband-gin-82222853914925 (READ-ONLY COPY).

The authoritative reference and input builder live on the scoring server;
editing this copy changes nothing except your own understanding.
"""

import jax, jax.numpy as jnp
import numpy as np

N = 50000
E = 800000
DEG = 64
LAB = 16
DIM = 64
G = 128
C = 10
DIN = DEG + LAB


def _leaky(x):
    return jnp.where(x > 0, x, 0.01 * x)


def setup_inputs(seed: int = 0) -> dict:
    key = jax.random.key(seed)
    ks = jax.random.split(key, 16)

    node_deg = jax.random.randint(ks[0], (N,), 0, DEG)
    node_lab = jax.random.randint(ks[1], (N,), 0, LAB)
    edge_index = jax.random.randint(ks[2], (2, E), 0, N)
    batch = jnp.sort(jax.random.randint(ks[3], (N,), 0, G))

    def lin(k, fan_in, fan_out):
        s = 1.0 / np.sqrt(fan_in)
        k1, k2 = jax.random.split(k)
        W = jax.random.uniform(k1, (fan_in, fan_out), minval=-s, maxval=s, dtype=jnp.float32)
        b = jax.random.uniform(k2, (fan_out,), minval=-s, maxval=s, dtype=jnp.float32)
        return W, b

    W0, b0 = lin(ks[4], DIN, DIM)
    W1, b1 = lin(ks[5], DIM, DIM)
    Wf1, bf1 = lin(ks[6], DIM, DIM)
    Wf2, bf2 = lin(ks[7], DIM, C)

    return {
        'node_deg': node_deg,
        'node_lab': node_lab,
        'edge_index': edge_index,
        'batch': batch,
        'eps0': jnp.zeros((), jnp.float32),
        'eps1': jnp.zeros((), jnp.float32),
        'W0': W0, 'b0': b0,
        'W1': W1, 'b1': b1,
        'g0': jnp.ones((DIM,), jnp.float32), 'be0': jnp.zeros((DIM,), jnp.float32),
        'g1': jnp.ones((DIM,), jnp.float32), 'be1': jnp.zeros((DIM,), jnp.float32),
        'Wf1': Wf1, 'bf1': bf1,
        'Wf2': Wf2, 'bf2': bf2,
    }


def reference(node_deg, node_lab, edge_index, batch,
              eps0, eps1, W0, b0, W1, b1, g0, be0, g1, be1,
              Wf1, bf1, Wf2, bf2):
    # OneHotEmbedding: eye.index_select(0, idx)
    eye_deg = jnp.eye(DEG, dtype=jnp.float32)
    eye_lab = jnp.eye(LAB, dtype=jnp.float32)
    x = jnp.concatenate([jnp.take(eye_deg, node_deg, axis=0),
                         jnp.take(eye_lab, node_lab, axis=0)], axis=1)

    src = edge_index[0]
    dst = edge_index[1]

    def gin_layer(h, eps, W, b, g, be):
        # GINConv with train_eps: (1+eps)*x + sum_{j in N(i)} x_j, then MLP ('lin')
        agg = jax.ops.segment_sum(jnp.take(h, src, axis=0), dst, num_segments=N)
        h2 = (1.0 + eps) * h + agg
        h2 = h2 @ W + b
        # BatchNorm1d (training-mode batch stats, biased variance)
        mean = jnp.mean(h2, axis=0)
        var = jnp.var(h2, axis=0)
        h2 = (h2 - mean) / jnp.sqrt(var + 1e-5) * g + be
        return _leaky(h2)

    x = gin_layer(x, eps0, W0, b0, g0, be0)
    x = gin_layer(x, eps1, W1, b1, g1, be1)

    # global_add_pool over graph ids
    p = jax.ops.segment_sum(x, batch, num_segments=G)

    # fc head: LeakyReLU -> Dropout (eval: identity) -> Linear -> Linear
    h = _leaky(p)
    h = h @ Wf1 + bf1
    h = h @ Wf2 + bf2
    return h

if __name__ == "__main__":
    import jax
    _d = setup_inputs()
    print(jax.jit(kernel)(*tuple(_d.values())))

</pallas_src>

<mosaic_0001>
#map = affine_map<(d0, d1) -> (0, 0)>
#map1 = affine_map<(d0, d1) -> (0)>
#map2 = affine_map<(d0, d1) -> (0, 0, 0)>
module attributes {stable_mosaic.version = 14 : i64} {
  func.func @_gin1_body(%arg0: i32, %arg1: i32, %arg2: memref<2048x32xf32, #tpu.memory_space<hbm>>, %arg3: memref<106496xi32, #tpu.memory_space<hbm>>, %arg4: memref<1605632xi32, #tpu.memory_space<hbm>>, %arg5: memref<802816xi32, #tpu.memory_space<hbm>>, %arg6: memref<106496x32xf32, #tpu.memory_space<hbm>>, %arg7: memref<106496x32xf32, #tpu.memory_space<hbm>>, %arg8: memref<32x2x64xf32, #tpu.memory_space<hbm>>, %arg9: memref<128xi32, #tpu.memory_space<vmem>>, %arg10: memref<128xi32, #tpu.memory_space<vmem>>, %arg11: memref<128xi32, #tpu.memory_space<vmem>>, %arg12: memref<128xi32, #tpu.memory_space<vmem>>, %arg13: memref<128xi32, #tpu.memory_space<vmem>>, %arg14: memref<128xi32, #tpu.memory_space<vmem>>, %arg15: memref<128xi32, #tpu.memory_space<vmem>>, %arg16: memref<128xi32, #tpu.memory_space<vmem>>, %arg17: memref<128xi32, #tpu.memory_space<vmem>>, %arg18: memref<128xi32, #tpu.memory_space<vmem>>, %arg19: memref<128xi32, #tpu.memory_space<vmem>>, %arg20: memref<128xi32, #tpu.memory_space<vmem>>, %arg21: memref<128xi32, #tpu.memory_space<vmem>>, %arg22: memref<128xi32, #tpu.memory_space<vmem>>, %arg23: memref<128xi32, #tpu.memory_space<vmem>>, %arg24: memref<128xi32, #tpu.memory_space<vmem>>, %arg25: memref<128x32xf32, #tpu.memory_space<vmem>>, %arg26: memref<128x32xf32, #tpu.memory_space<vmem>>, %arg27: memref<128x32xf32, #tpu.memory_space<vmem>>, %arg28: memref<128x32xf32, #tpu.memory_space<vmem>>, %arg29: memref<2x64xf32, #tpu.memory_space<vmem>>, %arg30: memref<53248x32xf32, #tpu.memory_space<vmem_shared>>, %arg31: memref<!tpu.dma_semaphore, #tpu.memory_space<semaphore_mem>>, %arg32: memref<!tpu.dma_semaphore, #tpu.memory_space<semaphore_mem>>, %arg33: memref<!tpu.dma_semaphore, #tpu.memory_space<semaphore_mem>>, %arg34: memref<!tpu.dma_semaphore, #tpu.memory_space<semaphore_mem>>, %arg35: memref<!tpu.dma_semaphore, #tpu.memory_space<semaphore_mem>>, %arg36: memref<!tpu.dma_semaphore, #tpu.memory_space<semaphore_mem>>, %arg37: memref<!tpu.dma_semaphore, #tpu.memory_space<semaphore_mem>>, %arg38: memref<!tpu.dma_semaphore, #tpu.memory_space<semaphore_mem>>, %arg39: memref<!tpu.dma_semaphore, #tpu.memory_space<semaphore_mem>>, %arg40: memref<!tpu.dma_semaphore, #tpu.memory_space<semaphore_mem>>, %arg41: memref<!tpu.dma_semaphore, #tpu.memory_space<semaphore_mem>>, %arg42: memref<!tpu.dma_semaphore, #tpu.memory_space<semaphore_mem>>, %arg43: memref<!tpu.dma_semaphore, #tpu.memory_space<semaphore_mem>>, %arg44: memref<!tpu.dma_semaphore, #tpu.memory_space<semaphore_mem>>, %arg45: memref<!tpu.dma_semaphore, #tpu.memory_space<semaphore_mem>>, %arg46: memref<!tpu.dma_semaphore, #tpu.memory_space<semaphore_mem>>, %arg47: memref<!tpu.dma_semaphore, #tpu.memory_space<semaphore_mem>>, %arg48: memref<!tpu.dma_semaphore, #tpu.memory_space<semaphore_mem>>, %arg49: memref<!tpu.dma_semaphore, #tpu.memory_space<semaphore_mem>>, %arg50: memref<!tpu.dma_semaphore, #tpu.memory_space<semaphore_mem>>, %arg51: memref<!tpu.dma_semaphore, #tpu.memory_space<semaphore_mem>>, %arg52: memref<!tpu.dma_semaphore, #tpu.memory_space<semaphore_mem>>, %arg53: memref<!tpu.dma_semaphore, #tpu.memory_space<semaphore_mem>>, %arg54: memref<!tpu.dma_semaphore, #tpu.memory_space<semaphore_mem>>) attributes {dimension_semantics = [#tpu.dimension_semantics<core_parallel>, #tpu.dimension_semantics<subcore_parallel>], iteration_bounds = array<i64: 2, 16>, scalar_prefetch = 0 : i64, scratch_operands = 46 : i64, tpu.core_type = #tpu.core_type<sc_vector_subcore>, window_params = [{transform_indices = #map}, {transform_indices = #map1}, {transform_indices = #map1}, {transform_indices = #map1}, {transform_indices = #map}, {transform_indices = #map}, {transform_indices = #map2}]} {
    %mul3A = arith.constant 3328 : i32
    %mul3A_0 = arith.muli %arg1, %mul3A : i32
    %mul3A_1 = arith.constant 53248 : i32
    %mul3A_2 = arith.muli %arg0, %mul3A_1 : i32
    %add3A = arith.addi %mul3A_2, %mul3A_0 : i32
    %add3A_3 = arith.constant 0 : i32
    %add3A_4 = arith.addi %add3A, %add3A_3 : i32
    %dma_start3A = tpu.memref_slice %arg3[%add3A_4] : memref<106496xi32, #tpu.memory_space<hbm>> -> memref<128xi32, #tpu.memory_space<hbm>>
    %dma_start3A_5 = tpu.memref_slice %arg3[%add3A_4] : memref<106496xi32, #tpu.memory_space<hbm>> -> memref<128xi32, #tpu.memory_space<hbm>>
    tpu.enqueue_dma source(%dma_start3A_5 : memref<128xi32, #tpu.memory_space<hbm>>) target(%arg9 : memref<128xi32, #tpu.memory_space<vmem>>) target_semaphore(%arg35 : memref<!tpu.dma_semaphore, #tpu.memory_space<semaphore_mem>>)
    %add3A_6 = arith.constant 128 : i32
    %add3A_7 = arith.addi %add3A, %add3A_6 : i32
    %dma_start3A_8 = tpu.memref_slice %arg3[%add3A_7] : memref<106496xi32, #tpu.memory_space<hbm>> -> memref<128xi32, #tpu.memory_space<hbm>>
    %dma_start3A_9 = tpu.memref_slice %arg3[%add3A_7] : memref<106496xi32, #tpu.memory_space<hbm>> -> memref<128xi32, #tpu.memory_space<hbm>>
    tpu.enqueue_dma source(%dma_start3A_9 : memref<128xi32, #tpu.memory_space<hbm>>) target(%arg10 : memref<128xi32, #tpu.memory_space<vmem>>) target_semaphore(%arg36 : memref<!tpu.dma_semaphore, #tpu.memory_space<semaphore_mem>>)
    %add3A_10 = arith.constant 0 : i32
    %add3A_11 = arith.addi %add3A, %add3A_10 : i32
    %dma_wait3A = tpu.memref_slice %arg3[%add3A_11] : memref<106496xi32, #tpu.memory_space<hbm>> -> memref<128xi32, #tpu.memory_space<hbm>>
    %dma_wait3A_12 = tpu.memref_slice %arg3[%add3A_11] : memref<106496xi32, #tpu.memory_space<hbm>> -> memref<128xi32, #tpu.memory_space<hbm>>
    tpu.wait_dma2 semaphore(%arg35 : memref<!tpu.dma_semaphore, #tpu.memory_space<semaphore_mem>>) src(%dma_wait3A_12 : memref<128xi32, #tpu.memory_space<hbm>>) dst(%arg9 : memref<128xi32, #tpu.memory_space<vmem>>)
    %dma_start3A_13 = arith.constant 0 : i32
    %dma_start3A_14 = arith.constant 0 : i32
    %dma_start3A_15 = tpu.memref_slice %arg2[%dma_start3A_13, %dma_start3A_14] : memref<2048x32xf32, #tpu.memory_space<hbm>> -> memref<2048x32xf32, #tpu.memory_space<hbm>>
    tpu.enqueue_indirect_dma source(%dma_start3A_15 : memref<2048x32xf32, #tpu.memory_space<hbm>>) target(%arg25 : memref<128x32xf32, #tpu.memory_space<vmem>>) offsets(%arg9 : memref<128xi32, #tpu.memory_space<vmem>>) semaphore(%arg31 : memref<!tpu.dma_semaphore, #tpu.memory_space<semaphore_mem>>)
    %scan3A = arith.constant 0 : i32
    %scan3A_16 = arith.constant 0 : i32
    %scan3A_17 = arith.constant 13 : i32
    %scan3A_18 = arith.addi %scan3A_16, %scan3A_17 : i32
    %scan3A_19 = arith.constant 1 : i32
    scf.for %scan3A_195 = %scan3A_16 to %scan3A_18 step %scan3A_19  : i32 {
      %mul3A_196 = arith.constant 2 : i32
      %mul3A_197 = arith.muli %mul3A_196, %scan3A_195 : i32
      %add3A_198 = arith.constant 0 : i32
      %add3A_199 = arith.addi %mul3A_197, %add3A_198 : i32
      %dma_wait3A_200 = arith.constant 0 : i32
      %dma_wait3A_201 = arith.constant 0 : i32
      %dma_wait3A_202 = tpu.memref_slice %arg2[%dma_wait3A_200, %dma_wait3A_201] : memref<2048x32xf32, #tpu.memory_space<hbm>> -> memref<2048x32xf32, #tpu.memory_space<hbm>>
      tpu.wait_indirect_dma semaphore(%arg31 : memref<!tpu.dma_semaphore, #tpu.memory_space<semaphore_mem>>) src(%dma_wait3A_202 : memref<2048x32xf32, #tpu.memory_space<hbm>>) dst(%arg25 : memref<128x32xf32, #tpu.memory_space<vmem>>)
      %mul3A_203 = arith.constant 128 : i32
      %mul3A_204 = arith.muli %add3A_199, %mul3A_203 : i32
      %add3A_205 = arith.addi %add3A, %mul3A_204 : i32
      "tpu.region"() ({
        %run_scoped3A = tpu.sem_alloc : memref<!tpu.dma_semaphore, #tpu.memory_space<semaphore_mem>>
        %dma_start3A_246 = arith.constant 0 : i32
        %dma_start3A_247 = tpu.memref_slice %arg6[%add3A_205, %dma_start3A_246] : memref<106496x32xf32, #tpu.memory_space<hbm>> -> memref<128x32xf32, #tpu.memory_space<hbm>>
        %dma_start3A_248 = arith.constant 0 : i32
        %dma_start3A_249 = tpu.memref_slice %arg6[%add3A_205, %dma_start3A_248] : memref<106496x32xf32, #tpu.memory_space<hbm>> -> memref<128x32xf32, #tpu.memory_space<hbm>>
        tpu.enqueue_dma source(%arg25 : memref<128x32xf32, #tpu.memory_space<vmem>>) target(%dma_start3A_249 : memref<128x32xf32, #tpu.memory_space<hbm>>) target_semaphore(%run_scoped3A : memref<!tpu.dma_semaphore, #tpu.memory_space<semaphore_mem>>)
        %dma_wait3A_250 = arith.constant 0 : i32
        %dma_wait3A_251 = tpu.memref_slice %arg6[%add3A_205, %dma_wait3A_250] : memref<106496x32xf32, #tpu.memory_space<hbm>> -> memref<128x32xf32, #tpu.memory_space<hbm>>
        %dma_wait3A_252 = arith.constant 0 : i32
        %dma_wait3A_253 = tpu.memref_slice %arg6[%add3A_205, %dma_wait3A_252] : memref<106496x32xf32, #tpu.memory_space<hbm>> -> memref<128x32xf32, #tpu.memory_space<hbm>>
        tpu.wait_dma2 semaphore(%run_scoped3A : memref<!tpu.dma_semaphore, #tpu.memory_space<semaphore_mem>>) src(%arg25 : memref<128x32xf32, #tpu.memory_space<vmem>>) dst(%dma_wait3A_253 : memref<128x32xf32, #tpu.memory_space<hbm>>)
        tpu.yield
      }) : () -> ()
      %mul3A_206 = arith.constant 128 : i32
      %mul3A_207 = arith.muli %add3A_199, %mul3A_206 : i32
      %add3A_208 = arith.addi %mul3A_0, %mul3A_207 : i32
      "tpu.region"() ({
        %run_scoped3A = tpu.sem_alloc : memref<!tpu.dma_semaphore, #tpu.memory_space<semaphore_mem>>
        %dma_start3A_246 = arith.constant 0 : i32
        %dma_start3A_247 = tpu.memref_slice %arg30[%add3A_208, %dma_start3A_246] : memref<53248x32xf32, #tpu.memory_space<vmem_shared>> -> memref<128x32xf32, #tpu.memory_space<vmem_shared>>
        %dma_start3A_248 = arith.constant 0 : i32
        %dma_start3A_249 = tpu.memref_slice %arg30[%add3A_208, %dma_start3A_248] : memref<53248x32xf32, #tpu.memory_space<vmem_shared>> -> memref<128x32xf32, #tpu.memory_space<vmem_shared>>
        tpu.enqueue_dma source(%arg25 : memref<128x32xf32, #tpu.memory_space<vmem>>) target(%dma_start3A_249 : memref<128x32xf32, #tpu.memory_space<vmem_shared>>) target_semaphore(%run_scoped3A : memref<!tpu.dma_semaphore, #tpu.memory_space<semaphore_mem>>)
        %dma_wait3A_250 = arith.constant 0 : i32
        %dma_wait3A_251 = tpu.memref_slice %arg30[%add3A_208, %dma_wait3A_250] : memref<53248x32xf32, #tpu.memory_space<vmem_shared>> -> memref<128x32xf32, #tpu.memory_space<vmem_shared>>
        %dma_wait3A_252 = arith.constant 0 : i32
        %dma_wait3A_253 = tpu.memref_slice %arg30[%add3A_208, %dma_wait3A_252] : memref<53248x32xf32, #tpu.memory_space<vmem_shared>> -> memref<128x32xf32, #tpu.memory_space<vmem_shared>>
        tpu.wait_dma2 semaphore(%run_scoped3A : memref<!tpu.dma_semaphore, #tpu.memory_space<semaphore_mem>>) src(%arg25 : memref<128x32xf32, #tpu.memory_space<vmem>>) dst(%dma_wait3A_253 : memref<128x32xf32, #tpu.memory_space<vmem_shared>>)
        tpu.yield
      }) : () -> ()
      %lt3A = arith.constant 12 : i32
      %lt3A_209 = arith.cmpi slt, %scan3A_195, %lt3A : i32
      %convert_element_type3A_210 = arith.extui %lt3A_209 : i1 to i32
      %cond3A_211 = arith.constant 0 : i32
      %cond3A_212 = arith.cmpi ne, %convert_element_type3A_210, %cond3A_211 : i32
      scf.if %cond3A_212 {
        %add3A_246 = arith.constant 2 : i32
        %add3A_247 = arith.addi %add3A_199, %add3A_246 : i32
        %mul3A_248 = arith.constant 128 : i32
        %mul3A_249 = arith.muli %add3A_247, %mul3A_248 : i32
        %add3A_250 = arith.addi %add3A, %mul3A_249 : i32
        %dma_start3A_251 = tpu.memref_slice %arg3[%add3A_250] : memref<106496xi32, #tpu.memory_space<hbm>> -> memref<128xi32, #tpu.memory_space<hbm>>
        %dma_start3A_252 = tpu.memref_slice %arg3[%add3A_250] : memref<106496xi32, #tpu.memory_space<hbm>> -> memref<128xi32, #tpu.memory_space<hbm>>
        tpu.enqueue_dma source(%dma_start3A_252 : memref<128xi32, #tpu.memory_space<hbm>>) target(%arg9 : memref<128xi32, #tpu.memory_space<vmem>>) target_semaphore(%arg35 : memref<!tpu.dma_semaphore, #tpu.memory_space<semaphore_mem>>)
      } else {
      }
      %add3A_213 = arith.constant 1 : i32
      %add3A_214 = arith.addi %add3A_199, %add3A_213 : i32
      %mul3A_215 = arith.constant 128 : i32
      %mul3A_216 = arith.muli %add3A_214, %mul3A_215 : i32
      %add3A_217 = arith.addi %add3A, %mul3A_216 : i32
      %dma_wait3A_218 = tpu.memref_slice %arg3[%add3A_217] : memref<106496xi32, #tpu.memory_space<hbm>> -> memref<128xi32, #tpu.memory_space<hbm>>
      %dma_wait3A_219 = tpu.memref_slice %arg3[%add3A_217] : memref<106496xi32, #tpu.memory_space<hbm>> -> memref<128xi32, #tpu.memory_space<hbm>>
      tpu.wait_dma2 semaphore(%arg36 : memref<!tpu.dma_semaphore, #tpu.memory_space<semaphore_mem>>) src(%dma_wait3A_219 : memref<128xi32, #tpu.memory_space<hbm>>) dst(%arg10 : memref<128xi32, #tpu.memory_space<vmem>>)
      %dma_start3A_220 = arith.constant 0 : i32
      %dma_start3A_221 = arith.constant 0 : i32
      %dma_start3A_222 = tpu.memref_slice %arg2[%dma_start3A_220, %dma_start3A_221] : memref<2048x32xf32, #tpu.memory_space<hbm>> -> memref<2048x32xf32, #tpu.memory_space<hbm>>
      tpu.enqueue_indirect_dma source(%dma_start3A_222 : memref<2048x32xf32, #tpu.memory_space<hbm>>) target(%arg26 : memref<128x32xf32, #tpu.memory_space<vmem>>) offsets(%arg10 : memref<128xi32, #tpu.memory_space<vmem>>) semaphore(%arg32 : memref<!tpu.dma_semaphore, #tpu.memory_space<semaphore_mem>>)
      %mul3A_223 = arith.constant 2 : i32
      %mul3A_224 = arith.muli %mul3A_223, %scan3A_195 : i32
      %add3A_225 = arith.constant 1 : i32
      %add3A_226 = arith.addi %mul3A_224, %add3A_225 : i32
      %dma_wait3A_227 = arith.constant 0 : i32
      %dma_wait3A_228 = arith.constant 0 : i32
      %dma_wait3A_229 = tpu.memref_slice %arg2[%dma_wait3A_227, %dma_wait3A_228] : memref<2048x32xf32, #tpu.memory_space<hbm>> -> memref<2048x32xf32, #tpu.memory_space<hbm>>
      tpu.wait_indirect_dma semaphore(%arg32 : memref<!tpu.dma_semaphore, #tpu.memory_space<semaphore_mem>>) src(%dma_wait3A_229 : memref<2048x32xf32, #tpu.memory_space<hbm>>) dst(%arg26 : memref<128x32xf32, #tpu.memory_space<vmem>>)
      %mul3A_230 = arith.constant 128 : i32
      %mul3A_231 = arith.muli %add3A_226, %mul3A_230 : i32
      %add3A_232 = arith.addi %add3A, %mul3A_231 : i32
      "tpu.region"() ({
        %run_scoped3A = tpu.sem_alloc : memref<!tpu.dma_semaphore, #tpu.memory_space<semaphore_mem>>
        %dma_start3A_246 = arith.constant 0 : i32
        %dma_start3A_247 = tpu.memref_slice %arg6[%add3A_232, %dma_start3A_246] : memref<106496x32xf32, #tpu.memory_space<hbm>> -> memref<128x32xf32, #tpu.memory_space<hbm>>
        %dma_start3A_248 = arith.constant 0 : i32
        %dma_start3A_249 = tpu.memref_slice %arg6[%add3A_232, %dma_start3A_248] : memref<106496x32xf32, #tpu.memory_space<hbm>> -> memref<128x32xf32, #tpu.memory_space<hbm>>
        tpu.enqueue_dma source(%arg26 : memref<128x32xf32, #tpu.memory_space<vmem>>) target(%dma_start3A_249 : memref<128x32xf32, #tpu.memory_space<hbm>>) target_semaphore(%run_scoped3A : memref<!tpu.dma_semaphore, #tpu.memory_space<semaphore_mem>>)
        %dma_wait3A_250 = arith.constant 0 : i32
        %dma_wait3A_251 = tpu.memref_slice %arg6[%add3A_232, %dma_wait3A_250] : memref<106496x32xf32, #tpu.memory_space<hbm>> -> memref<128x32xf32, #tpu.memory_space<hbm>>
        %dma_wait3A_252 = arith.constant 0 : i32
        %dma_wait3A_253 = tpu.memref_slice %arg6[%add3A_232, %dma_wait3A_252] : memref<106496x32xf32, #tpu.memory_space<hbm>> -> memref<128x32xf32, #tpu.memory_space<hbm>>
        tpu.wait_dma2 semaphore(%run_scoped3A : memref<!tpu.dma_semaphore, #tpu.memory_space<semaphore_mem>>) src(%arg26 : memref<128x32xf32, #tpu.memory_space<vmem>>) dst(%dma_wait3A_253 : memref<128x32xf32, #tpu.memory_space<hbm>>)
        tpu.yield
      }) : () -> ()
      %mul3A_233 = arith.constant 128 : i32
      %mul3A_234 = arith.muli %add3A_226, %mul3A_233 : i32
      %add3A_235 = arith.addi %mul3A_0, %mul3A_234 : i32
      "tpu.region"() ({
        %run_scoped3A = tpu.sem_alloc : memref<!tpu.dma_semaphore, #tpu.memory_space<semaphore_mem>>
        %dma_start3A_246 = arith.constant 0 : i32
        %dma_start3A_247 = tpu.memref_slice %arg30[%add3A_235, %dma_start3A_246] : memref<53248x32xf32, #tpu.memory_space<vmem_shared>> -> memref<128x32xf32, #tpu.memory_space<vmem_shared>>
        %dma_start3A_248 = arith.constant 0 : i32
        %dma_start3A_249 = tpu.memref_slice %arg30[%add3A_235, %dma_start3A_248] : memref<53248x32xf32, #tpu.memory_space<vmem_shared>> -> memref<128x32xf32, #tpu.memory_space<vmem_shared>>
        tpu.enqueue_dma source(%arg26 : memref<128x32xf32, #tpu.memory_space<vmem>>) target(%dma_start3A_249 : memref<128x32xf32, #tpu.memory_space<vmem_shared>>) target_semaphore(%run_scoped3A : memref<!tpu.dma_semaphore, #tpu.memory_space<semaphore_mem>>)
        %dma_wait3A_250 = arith.constant 0 : i32
        %dma_wait3A_251 = tpu.memref_slice %arg30[%add3A_235, %dma_wait3A_250] : memref<53248x32xf32, #tpu.memory_space<vmem_shared>> -> memref<128x32xf32, #tpu.memory_space<vmem_shared>>
        %dma_wait3A_252 = arith.constant 0 : i32
        %dma_wait3A_253 = tpu.memref_slice %arg30[%add3A_235, %dma_wait3A_252] : memref<53248x32xf32, #tpu.memory_space<vmem_shared>> -> memref<128x32xf32, #tpu.memory_space<vmem_shared>>
        tpu.wait_dma2 semaphore(%run_scoped3A : memref<!tpu.dma_semaphore, #tpu.memory_space<semaphore_mem>>) src(%arg26 : memref<128x32xf32, #tpu.memory_space<vmem>>) dst(%dma_wait3A_253 : memref<128x32xf32, #tpu.memory_space<vmem_shared>>)
        tpu.yield
      }) : () -> ()
      %lt3A_236 = arith.constant 12 : i32
      %lt3A_237 = arith.cmpi slt, %scan3A_195, %lt3A_236 : i32
      %convert_element_type3A_238 = arith.extui %lt3A_237 : i1 to i32
      %cond3A_239 = arith.constant 0 : i32
      %cond3A_240 = arith.cmpi ne, %convert_element_type3A_238, %cond3A_239 : i32
      scf.if %cond3A_240 {
        %add3A_246 = arith.constant 2 : i32
        %add3A_247 = arith.addi %add3A_226, %add3A_246 : i32
        %mul3A_248 = arith.constant 128 : i32
        %mul3A_249 = arith.muli %add3A_247, %mul3A_248 : i32
        %add3A_250 = arith.addi %add3A, %mul3A_249 : i32
        %dma_start3A_251 = tpu.memref_slice %arg3[%add3A_250] : memref<106496xi32, #tpu.memory_space<hbm>> -> memref<128xi32, #tpu.memory_space<hbm>>
        %dma_start3A_252 = tpu.memref_slice %arg3[%add3A_250] : memref<106496xi32, #tpu.memory_space<hbm>> -> memref<128xi32, #tpu.memory_space<hbm>>
        tpu.enqueue_dma source(%dma_start3A_252 : memref<128xi32, #tpu.memory_space<hbm>>) target(%arg10 : memref<128xi32, #tpu.memory_space<vmem>>) target_semaphore(%arg36 : memref<!tpu.dma_semaphore, #tpu.memory_space<semaphore_mem>>)
      } else {
      }
      %lt3A_241 = arith.constant 12 : i32
      %lt3A_242 = arith.cmpi slt, %scan3A_195, %lt3A_241 : i32
      %convert_element_type3A_243 = arith.extui %lt3A_242 : i1 to i32
      %cond3A_244 = arith.constant 0 : i32
      %cond3A_245 = arith.cmpi ne, %convert_element_type3A_243, %cond3A_244 : i32
      scf.if %cond3A_245 {
        %add3A_246 = arith.constant 1 : i32
        %add3A_247 = arith.addi %add3A_226, %add3A_246 : i32
        %mul3A_248 = arith.constant 128 : i32
        %mul3A_249 = arith.muli %add3A_247, %mul3A_248 : i32
        %add3A_250 = arith.addi %add3A, %mul3A_249 : i32
        %dma_wait3A_251 = tpu.memref_slice %arg3[%add3A_250] : memref<106496xi32, #tpu.memory_space<hbm>> -> memref<128xi32, #tpu.memory_space<hbm>>
        %dma_wait3A_252 = tpu.memref_slice %arg3[%add3A_250] : memref<106496xi32, #tpu.memory_space<hbm>> -> memref<128xi32, #tpu.memory_space<hbm>>
        tpu.wait_dma2 semaphore(%arg35 : memref<!tpu.dma_semaphore, #tpu.memory_space<semaphore_mem>>) src(%dma_wait3A_252 : memref<128xi32, #tpu.memory_space<hbm>>) dst(%arg9 : memref<128xi32, #tpu.memory_space<vmem>>)
        %dma_start3A_253 = arith.constant 0 : i32
        %dma_start3A_254 = arith.constant 0 : i32
        %dma_start3A_255 = tpu.memref_slice %arg2[%dma_start3A_253, %dma_start3A_254] : memref<2048x32xf32, #tpu.memory_space<hbm>> -> memref<2048x32xf32, #tpu.memory_space<hbm>>
        tpu.enqueue_indirect_dma source(%dma_start3A_255 : memref<2048x32xf32, #tpu.memory_space<hbm>>) target(%arg25 : memref<128x32xf32, #tpu.memory_space<vmem>>) offsets(%arg9 : memref<128xi32, #tpu.memory_space<vmem>>) semaphore(%arg31 : memref<!tpu.dma_semaphore, #tpu.memory_space<semaphore_mem>>)
      } else {
      }
    }
    %scan3A_20 = arith.constant 13 : i32
    %barrier3A = arith.constant 0 : index
    tpu.barrier barrier_id(%barrier3A)
    %mul3A_21 = arith.constant 16 : i32
    %mul3A_22 = arith.muli %arg0, %mul3A_21 : i32
    %add3A_23 = arith.addi %mul3A_22, %arg1 : i32
    %mul3A_24 = arith.constant 50176 : i32
    %mul3A_25 = arith.muli %add3A_23, %mul3A_24 : i32
    %mul3A_26 = arith.constant 50176 : i32
    %mul3A_27 = arith.muli %arg1, %mul3A_26 : i32
    %add3A_28 = arith.constant 0 : i32
    %add3A_29 = arith.addi %mul3A_25, %add3A_28 : i32
    %dma_start3A_30 = tpu.memref_slice %arg4[%add3A_29] : memref<1605632xi32, #tpu.memory_space<hbm>> -> memref<128xi32, #tpu.memory_space<hbm>>
    %dma_start3A_31 = tpu.memref_slice %arg4[%add3A_29] : memref<1605632xi32, #tpu.memory_space<hbm>> -> memref<128xi32, #tpu.memory_space<hbm>>
    tpu.enqueue_dma source(%dma_start3A_31 : memref<128xi32, #tpu.memory_space<hbm>>) target(%arg9 : memref<128xi32, #tpu.memory_space<vmem>>) target_semaphore(%arg35 : memref<!tpu.dma_semaphore, #tpu.memory_space<semaphore_mem>>)
    %add3A_32 = arith.constant 128 : i32
    %add3A_33 = arith.addi %mul3A_25, %add3A_32 : i32
    %dma_start3A_34 = tpu.memref_slice %arg4[%add3A_33] : memref<1605632xi32, #tpu.memory_space<hbm>> -> memref<128xi32, #tpu.memory_space<hbm>>
    %dma_start3A_35 = tpu.memref_slice %arg4[%add3A_33] : memref<1605632xi32, #tpu.memory_space<hbm>> -> memref<128xi32, #tpu.memory_space<hbm>>
    tpu.enqueue_dma source(%dma_start3A_35 : memref<128xi32, #tpu.memory_space<hbm>>) target(%arg10 : memref<128xi32, #tpu.memory_space<vmem>>) target_semaphore(%arg36 : memref<!tpu.dma_semaphore, #tpu.memory_space<semaphore_mem>>)
    %add3A_36 = arith.constant 256 : i32
    %add3A_37 = arith.addi %mul3A_25, %add3A_36 : i32
    %dma_start3A_38 = tpu.memref_slice %arg4[%add3A_37] : memref<1605632xi32, #tpu.memory_space<hbm>> -> memref<128xi32, #tpu.memory_space<hbm>>
    %dma_start3A_39 = tpu.memref_slice %arg4[%add3A_37] : memref<1605632xi32, #tpu.memory_space<hbm>> -> memref<128xi32, #tpu.memory_space<hbm>>
    tpu.enqueue_dma source(%dma_start3A_39 : memref<128xi32, #tpu.memory_space<hbm>>) target(%arg11 : memref<128xi32, #tpu.memory_space<vmem>>) target_semaphore(%arg37 : memref<!tpu.dma_semaphore, #tpu.memory_space<semaphore_mem>>)
    %add3A_40 = arith.constant 384 : i32
    %add3A_41 = arith.addi %mul3A_25, %add3A_40 : i32
    %dma_start3A_42 = tpu.memref_slice %arg4[%add3A_41] : memref<1605632xi32, #tpu.memory_space<hbm>> -> memref<128xi32, #tpu.memory_space<hbm>>
    %dma_start3A_43 = tpu.memref_slice %arg4[%add3A_41] : memref<1605632xi32, #tpu.memory_space<hbm>> -> memref<128xi32, #tpu.memory_space<hbm>>
    tpu.enqueue_dma source(%dma_start3A_43 : memref<128xi32, #tpu.memory_space<hbm>>) target(%arg12 : memref<128xi32, #tpu.memory_space<vmem>>) target_semaphore(%arg38 : memref<!tpu.dma_semaphore, #tpu.memory_space<semaphore_mem>>)
    %add3A_44 = arith.constant 512 : i32
    %add3A_45 = arith.addi %mul3A_25, %add3A_44 : i32
    %dma_start3A_46 = tpu.memref_slice %arg4[%add3A_45] : memref<1605632xi32, #tpu.memory_space<hbm>> -> memref<128xi32, #tpu.memory_space<hbm>>
    %dma_start3A_47 = tpu.memref_slice %arg4[%add3A_45] : memref<1605632xi32, #tpu.memory_space<hbm>> -> memref<128xi32, #tpu.memory_space<hbm>>
    tpu.enqueue_dma source(%dma_start3A_47 : memref<128xi32, #tpu.memory_space<hbm>>) target(%arg13 : memref<128xi32, #tpu.memory_space<vmem>>) target_semaphore(%arg39 : memref<!tpu.dma_semaphore, #tpu.memory_space<semaphore_mem>>)
    %add3A_48 = arith.constant 640 : i32
    %add3A_49 = arith.addi %mul3A_25, %add3A_48 : i32
    %dma_start3A_50 = tpu.memref_slice %arg4[%add3A_49] : memref<1605632xi32, #tpu.memory_space<hbm>> -> memref<128xi32, #tpu.memory_space<hbm>>
    %dma_start3A_51 = tpu.memref_slice %arg4[%add3A_49] : memref<1605632xi32, #tpu.memory_space<hbm>> -> memref<128xi32, #tpu.memory_space<hbm>>
    tpu.enqueue_dma source(%dma_start3A_51 : memref<128xi32, #tpu.memory_space<hbm>>) target(%arg14 : memref<128xi32, #tpu.memory_space<vmem>>) target_semaphore(%arg40 : memref<!tpu.dma_semaphore, #tpu.memory_space<semaphore_mem>>)
    %add3A_52 = arith.constant 768 : i32
    %add3A_53 = arith.addi %mul3A_25, %add3A_52 : i32
    %dma_start3A_54 = tpu.memref_slice %arg4[%add3A_53] : memref<1605632xi32, #tpu.memory_space<hbm>> -> memref<128xi32, #tpu.memory_space<hbm>>
    %dma_start3A_55 = tpu.memref_slice %arg4[%add3A_53] : memref<1605632xi32, #tpu.memory_space<hbm>> -> memref<128xi32, #tpu.memory_space<hbm>>
    tpu.enqueue_dma source(%dma_start3A_55 : memref<128xi32, #tpu.memory_space<hbm>>) target(%arg15 : memref<128xi32, #tpu.memory_space<vmem>>) target_semaphore(%arg41 : memref<!tpu.dma_semaphore, #tpu.memory_space<semaphore_mem>>)
    %add3A_56 = arith.constant 896 : i32
    %add3A_57 = arith.addi %mul3A_25, %add3A_56 : i32
    %dma_start3A_58 = tpu.memref_slice %arg4[%add3A_57] : memref<1605632xi32, #tpu.memory_space<hbm>> -> memref<128xi32, #tpu.memory_space<hbm>>
    %dma_start3A_59 = tpu.memref_slice %arg4[%add3A_57] : memref<1605632xi32, #tpu.memory_space<hbm>> -> memref<128xi32, #tpu.memory_space<hbm>>
    tpu.enqueue_dma source(%dma_start3A_59 : memref<128xi32, #tpu.memory_space<hbm>>) target(%arg16 : memref<128xi32, #tpu.memory_space<vmem>>) target_semaphore(%arg42 : memref<!tpu.dma_semaphore, #tpu.memory_space<semaphore_mem>>)
    %add3A_60 = arith.constant 0 : i32
    %add3A_61 = arith.addi %mul3A_27, %add3A_60 : i32
    %dma_start3A_62 = tpu.memref_slice %arg5[%add3A_61] : memref<802816xi32, #tpu.memory_space<hbm>> -> memref<128xi32, #tpu.memory_space<hbm>>
    %dma_start3A_63 = tpu.memref_slice %arg5[%add3A_61] : memref<802816xi32, #tpu.memory_space<hbm>> -> memref<128xi32, #tpu.memory_space<hbm>>
    tpu.enqueue_dma source(%dma_start3A_63 : memref<128xi32, #tpu.memory_space<hbm>>) target(%arg17 : memref<128xi32, #tpu.memory_space<vmem>>) target_semaphore(%arg43 : memref<!tpu.dma_semaphore, #tpu.memory_space<semaphore_mem>>)
    %add3A_64 = arith.constant 128 : i32
    %add3A_65 = arith.addi %mul3A_27, %add3A_64 : i32
    %dma_start3A_66 = tpu.memref_slice %arg5[%add3A_65] : memref<802816xi32, #tpu.memory_space<hbm>> -> memref<128xi32, #tpu.memory_space<hbm>>
    %dma_start3A_67 = tpu.memref_slice %arg5[%add3A_65] : memref<802816xi32, #tpu.memory_space<hbm>> -> memref<128xi32, #tpu.memory_space<hbm>>
    tpu.enqueue_dma source(%dma_start3A_67 : memref<128xi32, #tpu.memory_space<hbm>>) target(%arg18 : memref<128xi32, #tpu.memory_space<vmem>>) target_semaphore(%arg44 : memref<!tpu.dma_semaphore, #tpu.memory_space<semaphore_mem>>)
    %add3A_68 = arith.constant 256 : i32
    %add3A_69 = arith.addi %mul3A_27, %add3A_68 : i32
    %dma_start3A_70 = tpu.memref_slice %arg5[%add3A_69] : memref<802816xi32, #tpu.memory_space<hbm>> -> memref<128xi32, #tpu.memory_space<hbm>>
    %dma_start3A_71 = tpu.memref_slice %arg5[%add3A_69] : memref<802816xi32, #tpu.memory_space<hbm>> -> memref<128xi32, #tpu.memory_space<hbm>>
    tpu.enqueue_dma source(%dma_start3A_71 : memref<128xi32, #tpu.memory_space<hbm>>) target(%arg19 : memref<128xi32, #tpu.memory_space<vmem>>) target_semaphore(%arg45 : memref<!tpu.dma_semaphore, #tpu.memory_space<semaphore_mem>>)
    %add3A_72 = arith.constant 384 : i32
    %add3A_73 = arith.addi %mul3A_27, %add3A_72 : i32
    %dma_start3A_74 = tpu.memref_slice %arg5[%add3A_73] : memref<802816xi32, #tpu.memory_space<hbm>> -> memref<128xi32, #tpu.memory_space<hbm>>
    %dma_start3A_75 = tpu.memref_slice %arg5[%add3A_73] : memref<802816xi32, #tpu.memory_space<hbm>> -> memref<128xi32, #tpu.memory_space<hbm>>
    tpu.enqueue_dma source(%dma_start3A_75 : memref<128xi32, #tpu.memory_space<hbm>>) target(%arg20 : memref<128xi32, #tpu.memory_space<vmem>>) target_semaphore(%arg46 : memref<!tpu.dma_semaphore, #tpu.memory_space<semaphore_mem>>)
    %add3A_76 = arith.constant 512 : i32
    %add3A_77 = arith.addi %mul3A_27, %add3A_76 : i32
    %dma_start3A_78 = tpu.memref_slice %arg5[%add3A_77] : memref<802816xi32, #tpu.memory_space<hbm>> -> memref<128xi32, #tpu.memory_space<hbm>>
    %dma_start3A_79 = tpu.memref_slice %arg5[%add3A_77] : memref<802816xi32, #tpu.memory_space<hbm>> -> memref<128xi32, #tpu.memory_space<hbm>>
    tpu.enqueue_dma source(%dma_start3A_79 : memref<128xi32, #tpu.memory_space<hbm>>) target(%arg21 : memref<128xi32, #tpu.memory_space<vmem>>) target_semaphore(%arg47 : memref<!tpu.dma_semaphore, #tpu.memory_space<semaphore_mem>>)
    %add3A_80 = arith.constant 640 : i32
    %add3A_81 = arith.addi %mul3A_27, %add3A_80 : i32
    %dma_start3A_82 = tpu.memref_slice %arg5[%add3A_81] : memref<802816xi32, #tpu.memory_space<hbm>> -> memref<128xi32, #tpu.memory_space<hbm>>
    %dma_start3A_83 = tpu.memref_slice %arg5[%add3A_81] : memref<802816xi32, #tpu.memory_space<hbm>> -> memref<128xi32, #tpu.memory_space<hbm>>
    tpu.enqueue_dma source(%dma_start3A_83 : memref<128xi32, #tpu.memory_space<hbm>>) target(%arg22 : memref<128xi32, #tpu.memory_space<vmem>>) target_semaphore(%arg48 : memref<!tpu.dma_semaphore, #tpu.memory_space<semaphore_mem>>)
    %add3A_84 = arith.constant 768 : i32
    %add3A_85 = arith.addi %mul3A_27, %add3A_84 : i32
    %dma_start3A_86 = tpu.memref_slice %arg5[%add3A_85] : memref<802816xi32, #tpu.memory_space<hbm>> -> memref<128xi32, #tpu.memory_space<hbm>>
    %dma_start3A_87 = tpu.memref_slice %arg5[%add3A_85] : memref<802816xi32, #tpu.memory_space<hbm>> -> memref<128xi32, #tpu.memory_space<hbm>>
    tpu.enqueue_dma source(%dma_start3A_87 : memref<128xi32, #tpu.memory_space<hbm>>) target(%arg23 : memref<128xi32, #tpu.memory_space<vmem>>) target_semaphore(%arg49 : memref<!tpu.dma_semaphore, #tpu.memory_space<semaphore_mem>>)
    %add3A_88 = arith.constant 0 : i32
    %add3A_89 = arith.addi %mul3A_25, %add3A_88 : i32
    %dma_wait3A_90 = tpu.memref_slice %arg4[%add3A_89] : memref<1605632xi32, #tpu.memory_space<hbm>> -> memref<128xi32, #tpu.memory_space<hbm>>
    %dma_wait3A_91 = tpu.memref_slice %arg4[%add3A_89] : memref<1605632xi32, #tpu.memory_space<hbm>> -> memref<128xi32, #tpu.memory_space<hbm>>
    tpu.wait_dma2 semaphore(%arg35 : memref<!tpu.dma_semaphore, #tpu.memory_space<semaphore_mem>>) src(%dma_wait3A_91 : memref<128xi32, #tpu.memory_space<hbm>>) dst(%arg9 : memref<128xi32, #tpu.memory_space<vmem>>)
    %dma_start3A_92 = arith.constant 0 : i32
    %dma_start3A_93 = arith.constant 0 : i32
    %dma_start3A_94 = tpu.memref_slice %arg6[%dma_start3A_92, %dma_start3A_93] : memref<106496x32xf32, #tpu.memory_space<hbm>> -> memref<106496x32xf32, #tpu.memory_space<hbm>>
    tpu.enqueue_indirect_dma source(%dma_start3A_94 : memref<106496x32xf32, #tpu.memory_space<hbm>>) target(%arg25 : memref<128x32xf32, #tpu.memory_space<vmem>>) offsets(%arg9 : memref<128xi32, #tpu.memory_space<vmem>>) semaphore(%arg31 : memref<!tpu.dma_semaphore, #tpu.memory_space<semaphore_mem>>)
    %add3A_95 = arith.constant 128 : i32
    %add3A_96 = arith.addi %mul3A_25, %add3A_95 : i32
    %dma_wait3A_97 = tpu.memref_slice %arg4[%add3A_96] : memref<1605632xi32, #tpu.memory_space<hbm>> -> memref<128xi32, #tpu.memory_space<hbm>>
    %dma_wait3A_98 = tpu.memref_slice %arg4[%add3A_96] : memref<1605632xi32, #tpu.memory_space<hbm>> -> memref<128xi32, #tpu.memory_space<hbm>>
    tpu.wait_dma2 semaphore(%arg36 : memref<!tpu.dma_semaphore, #tpu.memory_space<semaphore_mem>>) src(%dma_wait3A_98 : memref<128xi32, #tpu.memory_space<hbm>>) dst(%arg10 : memref<128xi32, #tpu.memory_space<vmem>>)
    %dma_start3A_99 = arith.constant 0 : i32
    %dma_start3A_100 = arith.constant 0 : i32
    %dma_start3A_101 = tpu.memref_slice %arg6[%dma_start3A_99, %dma_start3A_100] : memref<106496x32xf32, #tpu.memory_space<hbm>> -> memref<106496x32xf32, #tpu.memory_space<hbm>>
    tpu.enqueue_indirect_dma source(%dma_start3A_101 : memref<106496x32xf32, #tpu.memory_space<hbm>>) target(%arg26 : memref<128x32xf32, #tpu.memory_space<vmem>>) offsets(%arg10 : memref<128xi32, #tpu.memory_space<vmem>>) semaphore(%arg32 : memref<!tpu.dma_semaphore, #tpu.memory_space<semaphore_mem>>)
    %add3A_102 = arith.constant 256 : i32
    %add3A_103 = arith.addi %mul3A_25, %add3A_102 : i32
    %dma_wait3A_104 = tpu.memref_slice %arg4[%add3A_103] : memref<1605632xi32, #tpu.memory_space<hbm>> -> memref<128xi32, #tpu.memory_space<hbm>>
    %dma_wait3A_105 = tpu.memref_slice %arg4[%add3A_103] : memref<1605632xi32, #tpu.memory_space<hbm>> -> memref<128xi32, #tpu.memory_space<hbm>>
    tpu.wait_dma2 semaphore(%arg37 : memref<!tpu.dma_semaphore, #tpu.memory_space<semaphore_mem>>) src(%dma_wait3A_105 : memref<128xi32, #tpu.memory_space<hbm>>) dst(%arg11 : memref<128xi32, #tpu.memory_space<vmem>>)
    %dma_start3A_106 = arith.constant 0 : i32
    %dma_start3A_107 = arith.constant 0 : i32
    %dma_start3A_108 = tpu.memref_slice %arg6[%dma_start3A_106, %dma_start3A_107] : memref<106496x32xf32, #tpu.memory_space<hbm>> -> memref<106496x32xf32, #tpu.memory_space<hbm>>
    tpu.enqueue_indirect_dma source(%dma_start3A_108 : memref<106496x32xf32, #tpu.memory_space<hbm>>) target(%arg27 : memref<128x32xf32, #tpu.memory_space<vmem>>) offsets(%arg11 : memref<128xi32, #tpu.memory_space<vmem>>) semaphore(%arg33 : memref<!tpu.dma_semaphore, #tpu.memory_space<semaphore_mem>>)
    %scan3A_109 = arith.constant 0 : i32
    %scan3A_110 = arith.constant 0 : i32
    %scan3A_111 = arith.constant 49 : i32
    %scan3A_112 = arith.addi %scan3A_110, %scan3A_111 : i32
    %scan3A_113 = arith.constant 1 : i32
    scf.for %scan3A_195 = %scan3A_110 to %scan3A_112 step %scan3A_113  : i32 {
      %mul3A_196 = arith.constant 8 : i32
      %mul3A_197 = arith.muli %mul3A_196, %scan3A_195 : i32
      %add3A_198 = arith.constant 0 : i32
      %add3A_199 = arith.addi %mul3A_197, %add3A_198 : i32
      %dma_wait3A_200 = arith.constant 0 : i32
      %dma_wait3A_201 = arith.constant 0 : i32
      %dma_wait3A_202 = tpu.memref_slice %arg6[%dma_wait3A_200, %dma_wait3A_201] : memref<106496x32xf32, #tpu.memory_space<hbm>> -> memref<106496x32xf32, #tpu.memory_space<hbm>>
      tpu.wait_indirect_dma semaphore(%arg31 : memref<!tpu.dma_semaphore, #tpu.memory_space<semaphore_mem>>) src(%dma_wait3A_202 : memref<106496x32xf32, #tpu.memory_space<hbm>>) dst(%arg25 : memref<128x32xf32, #tpu.memory_space<vmem>>)
      %mul3A_203 = arith.constant 128 : i32
      %mul3A_204 = arith.muli %add3A_199, %mul3A_203 : i32
      %add3A_205 = arith.addi %mul3A_27, %mul3A_204 : i32
      %dma_wait3A_206 = tpu.memref_slice %arg5[%add3A_205] : memref<802816xi32, #tpu.memory_space<hbm>> -> memref<128xi32, #tpu.memory_space<hbm>>
      %dma_wait3A_207 = tpu.memref_slice %arg5[%add3A_205] : memref<802816xi32, #tpu.memory_space<hbm>> -> memref<128xi32, #tpu.memory_space<hbm>>
      tpu.wait_dma2 semaphore(%arg43 : memref<!tpu.dma_semaphore, #tpu.memory_space<semaphore_mem>>) src(%dma_wait3A_207 : memref<128xi32, #tpu.memory_space<hbm>>) dst(%arg17 : memref<128xi32, #tpu.memory_space<vmem>>)
      %gt3A = arith.constant 0 : i32
      %gt3A_208 = arith.cmpi sgt, %scan3A_195, %gt3A : i32
      %convert_element_type3A_209 = arith.extui %gt3A_208 : i1 to i32
      %cond3A_210 = arith.constant 0 : i32
      %cond3A_211 = arith.cmpi ne, %convert_element_type3A_209, %cond3A_210 : i32
      scf.if %cond3A_211 {
        %dma_wait3A_487 = arith.constant 0 : i32
        %dma_wait3A_488 = arith.constant 0 : i32
        %dma_wait3A_489 = tpu.memref_slice %arg30[%dma_wait3A_487, %dma_wait3A_488] : memref<53248x32xf32, #tpu.memory_space<vmem_shared>> -> memref<53248x32xf32, #tpu.memory_space<vmem_shared>>
        tpu.wait_indirect_dma semaphore(%arg54 : memref<!tpu.dma_semaphore, #tpu.memory_space<semaphore_mem>>) src(%arg28 : memref<128x32xf32, #tpu.memory_space<vmem>>) dst(%dma_wait3A_489 : memref<53248x32xf32, #tpu.memory_space<vmem_shared>>)
      } else {
      }
      %dma_start3A_212 = arith.constant 0 : i32
      %dma_start3A_213 = arith.constant 0 : i32
      %dma_start3A_214 = tpu.memref_slice %arg30[%dma_start3A_212, %dma_start3A_213] : memref<53248x32xf32, #tpu.memory_space<vmem_shared>> -> memref<53248x32xf32, #tpu.memory_space<vmem_shared>>
      tpu.enqueue_indirect_dma source(%arg25 : memref<128x32xf32, #tpu.memory_space<vmem>>) target(%dma_start3A_214 : memref<53248x32xf32, #tpu.memory_space<vmem_shared>>) offsets(%arg17 : memref<128xi32, #tpu.memory_space<vmem>>) semaphore(%arg51 : memref<!tpu.dma_semaphore, #tpu.memory_space<semaphore_mem>>) {add = true}
      %lt3A = arith.constant 48 : i32
      %lt3A_215 = arith.cmpi slt, %scan3A_195, %lt3A : i32
      %convert_element_type3A_216 = arith.extui %lt3A_215 : i1 to i32
      %cond3A_217 = arith.constant 0 : i32
      %cond3A_218 = arith.cmpi ne, %convert_element_type3A_216, %cond3A_217 : i32
      scf.if %cond3A_218 {
        %add3A_487 = arith.constant 8 : i32
        %add3A_488 = arith.addi %add3A_199, %add3A_487 : i32
        %mul3A_489 = arith.constant 128 : i32
        %mul3A_490 = arith.muli %add3A_488, %mul3A_489 : i32
        %add3A_491 = arith.addi %mul3A_25, %mul3A_490 : i32
        %dma_start3A_492 = tpu.memref_slice %arg4[%add3A_491] : memref<1605632xi32, #tpu.memory_space<hbm>> -> memref<128xi32, #tpu.memory_space<hbm>>
        %dma_start3A_493 = tpu.memref_slice %arg4[%add3A_491] : memref<1605632xi32, #tpu.memory_space<hbm>> -> memref<128xi32, #tpu.memory_space<hbm>>
        tpu.enqueue_dma source(%dma_start3A_493 : memref<128xi32, #tpu.memory_space<hbm>>) target(%arg9 : memref<128xi32, #tpu.memory_space<vmem>>) target_semaphore(%arg35 : memref<!tpu.dma_semaphore, #tpu.memory_space<semaphore_mem>>)
      } else {
      }
      %add3A_219 = arith.constant 7 : i32
      %add3A_220 = arith.addi %add3A_199, %add3A_219 : i32
      %mul3A_221 = arith.constant 128 : i32
      %mul3A_222 = arith.muli %add3A_220, %mul3A_221 : i32
      %add3A_223 = arith.addi %mul3A_27, %mul3A_222 : i32
      %dma_start3A_224 = tpu.memref_slice %arg5[%add3A_223] : memref<802816xi32, #tpu.memory_space<hbm>> -> memref<128xi32, #tpu.memory_space<hbm>>
      %dma_start3A_225 = tpu.memref_slice %arg5[%add3A_223] : memref<802816xi32, #tpu.memory_space<hbm>> -> memref<128xi32, #tpu.memory_space<hbm>>
      tpu.enqueue_dma source(%dma_start3A_225 : memref<128xi32, #tpu.memory_space<hbm>>) target(%arg24 : memref<128xi32, #tpu.memory_space<vmem>>) target_semaphore(%arg50 : memref<!tpu.dma_semaphore, #tpu.memory_space<semaphore_mem>>)
      %add3A_226 = arith.constant 3 : i32
      %add3A_227 = arith.addi %add3A_199, %add3A_226 : i32
      %mul3A_228 = arith.constant 128 : i32
      %mul3A_229 = arith.muli %add3A_227, %mul3A_228 : i32
      %add3A_230 = arith.addi %mul3A_25, %mul3A_229 : i32
      %dma_wait3A_231 = tpu.memref_slice %arg4[%add3A_230] : memref<1605632xi32, #tpu.memory_space<hbm>> -> memref<128xi32, #tpu.memory_space<hbm>>
      %dma_wait3A_232 = tpu.memref_slice %arg4[%add3A_230] : memref<1605632xi32, #tpu.memory_space<hbm>> -> memref<128xi32, #tpu.memory_space<hbm>>
      tpu.wait_dma2 semaphore(%arg38 : memref<!tpu.dma_semaphore, #tpu.memory_space<semaphore_mem>>) src(%dma_wait3A_232 : memref<128xi32, #tpu.memory_space<hbm>>) dst(%arg12 : memref<128xi32, #tpu.memory_space<vmem>>)
      %dma_start3A_233 = arith.constant 0 : i32
      %dma_start3A_234 = arith.constant 0 : i32
      %dma_start3A_235 = tpu.memref_slice %arg6[%dma_start3A_233, %dma_start3A_234] : memref<106496x32xf32, #tpu.memory_space<hbm>> -> memref<106496x32xf32, #tpu.memory_space<hbm>>
      tpu.enqueue_indirect_dma source(%dma_start3A_235 : memref<106496x32xf32, #tpu.memory_space<hbm>>) target(%arg28 : memref<128x32xf32, #tpu.memory_space<vmem>>) offsets(%arg12 : memref<128xi32, #tpu.memory_space<vmem>>) semaphore(%arg34 : memref<!tpu.dma_semaphore, #tpu.memory_space<semaphore_mem>>)
      %mul3A_236 = arith.constant 8 : i32
      %mul3A_237 = arith.muli %mul3A_236, %scan3A_195 : i32
      %add3A_238 = arith.constant 1 : i32
      %add3A_239 = arith.addi %mul3A_237, %add3A_238 : i32
      %dma_wait3A_240 = arith.constant 0 : i32
      %dma_wait3A_241 = arith.constant 0 : i32
      %dma_wait3A_242 = tpu.memref_slice %arg6[%dma_wait3A_240, %dma_wait3A_241] : memref<106496x32xf32, #tpu.memory_space<hbm>> -> memref<106496x32xf32, #tpu.memory_space<hbm>>
      tpu.wait_indirect_dma semaphore(%arg32 : memref<!tpu.dma_semaphore, #tpu.memory_space<semaphore_mem>>) src(%dma_wait3A_242 : memref<106496x32xf32, #tpu.memory_space<hbm>>) dst(%arg26 : memref<128x32xf32, #tpu.memory_space<vmem>>)
      %mul3A_243 = arith.constant 128 : i32
      %mul3A_244 = arith.muli %add3A_239, %mul3A_243 : i32
      %add3A_245 = arith.addi %mul3A_27, %mul3A_244 : i32
      %dma_wait3A_246 = tpu.memref_slice %arg5[%add3A_245] : memref<802816xi32, #tpu.memory_space<hbm>> -> memref<128xi32, #tpu.memory_space<hbm>>
      %dma_wait3A_247 = tpu.memref_slice %arg5[%add3A_245] : memref<802816xi32, #tpu.memory_space<hbm>> -> memref<128xi32, #tpu.memory_space<hbm>>
      tpu.wait_dma2 semaphore(%arg44 : memref<!tpu.dma_semaphore, #tpu.memory_space<semaphore_mem>>) src(%dma_wait3A_247 : memref<128xi32, #tpu.memory_space<hbm>>) dst(%arg18 : memref<128xi32, #tpu.memory_space<vmem>>)
      %dma_wait3A_248 = arith.constant 0 : i32
      %dma_wait3A_249 = arith.constant 0 : i32
      %dma_wait3A_250 = tpu.memref_slice %arg30[%dma_wait3A_248, %dma_wait3A_249] : memref<53248x32xf32, #tpu.memory_space<vmem_shared>> -> memref<53248x32xf32, #tpu.memory_space<vmem_shared>>
      tpu.wait_indirect_dma semaphore(%arg51 : memref<!tpu.dma_semaphore, #tpu.memory_space<semaphore_mem>>) src(%arg25 : memref<128x32xf32, #tpu.memory_space<vmem>>) dst(%dma_wait3A_250 : memref<53248x32xf32, #tpu.memory_space<vmem_shared>>)
      %dma_start3A_251 = arith.constant 0 : i32
      %dma_start3A_252 = arith.constant 0 : i32
      %dma_start3A_253 = tpu.memref_slice %arg30[%dma_start3A_251, %dma_start3A_252] : memref<53248x32xf32, #tpu.memory_space<vmem_shared>> -> memref<53248x32xf32, #tpu.memory_space<vmem_shared>>
      tpu.enqueue_indirect_dma source(%arg26 : memref<128x32xf32, #tpu.memory_space<vmem>>) target(%dma_start3A_253 : memref<53248x32xf32, #tpu.memory_space<vmem_shared>>) offsets(%arg18 : memref<128xi32, #tpu.memory_space<vmem>>) semaphore(%arg52 : memref<!tpu.dma_semaphore, #tpu.memory_space<semaphore_mem>>) {add = true}
      %lt3A_254 = arith.constant 48 : i32
      %lt3A_255 = arith.cmpi slt, %scan3A_195, %lt3A_254 : i32
      %convert_element_type3A_256 = arith.extui %lt3A_255 : i1 to i32
      %cond3A_257 = arith.constant 0 : i32
      %cond3A_258 = arith.cmpi ne, %convert_element_type3A_256, %cond3A_257 : i32
      scf.if %cond3A_258 {
        %add3A_487 = arith.constant 8 : i32
        %add3A_488 = arith.addi %add3A_239, %add3A_487 : i32
        %mul3A_489 = arith.constant 128 : i32
        %mul3A_490 = arith.muli %add3A_488, %mul3A_489 : i32
        %add3A_491 = arith.addi %mul3A_25, %mul3A_490 : i32
        %dma_start3A_492 = tpu.memref_slice %arg4[%add3A_491] : memref<1605632xi32, #tpu.memory_space<hbm>> -> memref<128xi32, #tpu.memory_space<hbm>>
        %dma_start3A_493 = tpu.memref_slice %arg4[%add3A_491] : memref<1605632xi32, #tpu.memory_space<hbm>> -> memref<128xi32, #tpu.memory_space<hbm>>
        tpu.enqueue_dma source(%dma_start3A_493 : memref<128xi32, #tpu.memory_space<hbm>>) target(%arg10 : memref<128xi32, #tpu.memory_space<vmem>>) target_semaphore(%arg36 : memref<!tpu.dma_semaphore, #tpu.memory_space<semaphore_mem>>)
      } else {
      }
      %lt3A_259 = arith.constant 48 : i32
      %lt3A_260 = arith.cmpi slt, %scan3A_195, %lt3A_259 : i32
      %convert_element_type3A_261 = arith.extui %lt3A_260 : i1 to i32
      %cond3A_262 = arith.constant 0 : i32
      %cond3A_263 = arith.cmpi ne, %convert_element_type3A_261, %cond3A_262 : i32
      scf.if %cond3A_263 {
        %add3A_487 = arith.constant 7 : i32
        %add3A_488 = arith.addi %add3A_239, %add3A_487 : i32
        %mul3A_489 = arith.constant 128 : i32
        %mul3A_490 = arith.muli %add3A_488, %mul3A_489 : i32
        %add3A_491 = arith.addi %mul3A_27, %mul3A_490 : i32
        %dma_start3A_492 = tpu.memref_slice %arg5[%add3A_491] : memref<802816xi32, #tpu.memory_space<hbm>> -> memref<128xi32, #tpu.memory_space<hbm>>
        %dma_start3A_493 = tpu.memref_slice %arg5[%add3A_491] : memref<802816xi32, #tpu.memory_space<hbm>> -> memref<128xi32, #tpu.memory_space<hbm>>
        tpu.enqueue_dma source(%dma_start3A_493 : memref<128xi32, #tpu.memory_space<hbm>>) target(%arg17 : memref<128xi32, #tpu.memory_space<vmem>>) target_semaphore(%arg43 : memref<!tpu.dma_semaphore, #tpu.memory_space<semaphore_mem>>)
      } else {
      }
      %add3A_264 = arith.constant 3 : i32
      %add3A_265 = arith.addi %add3A_239, %add3A_264 : i32
      %mul3A_266 = arith.constant 128 : i32
      %mul3A_267 = arith.muli %add3A_265, %mul3A_266 : i32
      %add3A_268 = arith.addi %mul3A_25, %mul3A_267 : i32
      %dma_wait3A_269 = tpu.memref_slice %arg4[%add3A_268] : memref<1605632xi32, #tpu.memory_space<hbm>> -> memref<128xi32, #tpu.memory_space<hbm>>
      %dma_wait3A_270 = tpu.memref_slice %arg4[%add3A_268] : memref<1605632xi32, #tpu.memory_space<hbm>> -> memref<128xi32, #tpu.memory_space<hbm>>
      tpu.wait_dma2 semaphore(%arg39 : memref<!tpu.dma_semaphore, #tpu.memory_space<semaphore_mem>>) src(%dma_wait3A_270 : memref<128xi32, #tpu.memory_space<hbm>>) dst(%arg13 : memref<128xi32, #tpu.memory_space<vmem>>)
      %dma_start3A_271 = arith.constant 0 : i32
      %dma_start3A_272 = arith.constant 0 : i32
      %dma_start3A_273 = tpu.memref_slice %arg6[%dma_start3A_271, %dma_start3A_272] : memref<106496x32xf32, #tpu.memory_space<hbm>> -> memref<106496x32xf32, #tpu.memory_space<hbm>>
      tpu.enqueue_indirect_dma source(%dma_start3A_273 : memref<106496x32xf32, #tpu.memory_space<hbm>>) target(%arg25 : memref<128x32xf32, #tpu.memory_space<vmem>>) offsets(%arg13 : memref<128xi32, #tpu.memory_space<vmem>>) semaphore(%arg31 : memref<!tpu.dma_semaphore, #tpu.memory_space<semaphore_mem>>)
      %mul3A_274 = arith.constant 8 : i32
      %mul3A_275 = arith.muli %mul3A_274, %scan3A_195 : i32
      %add3A_276 = arith.constant 2 : i32
      %add3A_277 = arith.addi %mul3A_275, %add3A_276 : i32
      %dma_wait3A_278 = arith.constant 0 : i32
      %dma_wait3A_279 = arith.constant 0 : i32
      %dma_wait3A_280 = tpu.memref_slice %arg6[%dma_wait3A_278, %dma_wait3A_279] : memref<106496x32xf32, #tpu.memory_space<hbm>> -> memref<106496x32xf32, #tpu.memory_space<hbm>>
      tpu.wait_indirect_dma semaphore(%arg33 : memref<!tpu.dma_semaphore, #tpu.memory_space<semaphore_mem>>) src(%dma_wait3A_280 : memref<106496x32xf32, #tpu.memory_space<hbm>>) dst(%arg27 : memref<128x32xf32, #tpu.memory_space<vmem>>)
      %mul3A_281 = arith.constant 128 : i32
      %mul3A_282 = arith.muli %add3A_277, %mul3A_281 : i32
      %add3A_283 = arith.addi %mul3A_27, %mul3A_282 : i32
      %dma_wait3A_284 = tpu.memref_slice %arg5[%add3A_283] : memref<802816xi32, #tpu.memory_space<hbm>> -> memref<128xi32, #tpu.memory_space<hbm>>
      %dma_wait3A_285 = tpu.memref_slice %arg5[%add3A_283] : memref<802816xi32, #tpu.memory_space<hbm>> -> memref<128xi32, #tpu.memory_space<hbm>>
      tpu.wait_dma2 semaphore(%arg45 : memref<!tpu.dma_semaphore, #tpu.memory_space<semaphore_mem>>) src(%dma_wait3A_285 : memref<128xi32, #tpu.memory_space<hbm>>) dst(%arg19 : memref<128xi32, #tpu.memory_space<vmem>>)
      %dma_wait3A_286 = arith.constant 0 : i32
      %dma_wait3A_287 = arith.constant 0 : i32
      %dma_wait3A_288 = tpu.memref_slice %arg30[%dma_wait3A_286, %dma_wait3A_287] : memref<53248x32xf32, #tpu.memory_space<vmem_shared>> -> memref<53248x32xf32, #tpu.memory_space<vmem_shared>>
      tpu.wait_indirect_dma semaphore(%arg52 : memref<!tpu.dma_semaphore, #tpu.memory_space<semaphore_mem>>) src(%arg26 : memref<128x32xf32, #tpu.memory_space<vmem>>) dst(%dma_wait3A_288 : memref<53248x32xf32, #tpu.memory_space<vmem_shared>>)
      %dma_start3A_289 = arith.constant 0 : i32
      %dma_start3A_290 = arith.constant 0 : i32
      %dma_start3A_291 = tpu.memref_slice %arg30[%dma_start3A_289, %dma_start3A_290] : memref<53248x32xf32, #tpu.memory_space<vmem_shared>> -> memref<53248x32xf32, #tpu.memory_space<vmem_shared>>
      tpu.enqueue_indirect_dma source(%arg27 : memref<128x32xf32, #tpu.memory_space<vmem>>) target(%dma_start3A_291 : memref<53248x32xf32, #tpu.memory_space<vmem_shared>>) offsets(%arg19 : memref<128xi32, #tpu.memory_space<vmem>>) semaphore(%arg53 : memref<!tpu.dma_semaphore, #tpu.memory_space<semaphore_mem>>) {add = true}
      %lt3A_292 = arith.constant 48 : i32
      %lt3A_293 = arith.cmpi slt, %scan3A_195, %lt3A_292 : i32
      %convert_element_type3A_294 = arith.extui %lt3A_293 : i1 to i32
      %cond3A_295 = arith.constant 0 : i32
      %cond3A_296 = arith.cmpi ne, %convert_element_type3A_294, %cond3A_295 : i32
      scf.if %cond3A_296 {
        %add3A_487 = arith.constant 8 : i32
        %add3A_488 = arith.addi %add3A_277, %add3A_487 : i32
        %mul3A_489 = arith.constant 128 : i32
        %mul3A_490 = arith.muli %add3A_488, %mul3A_489 : i32
        %add3A_491 = arith.addi %mul3A_25, %mul3A_490 : i32
        %dma_start3A_492 = tpu.memref_slice %arg4[%add3A_491] : memref<1605632xi32, #tpu.memory_space<hbm>> -> memref<128xi32, #tpu.memory_space<hbm>>
        %dma_start3A_493 = tpu.memref_slice %arg4[%add3A_491] : memref<1605632xi32, #tpu.memory_space<hbm>> -> memref<128xi32, #tpu.memory_space<hbm>>
        tpu.enqueue_dma source(%dma_start3A_493 : memref<128xi32, #tpu.memory_space<hbm>>) target(%arg11 : memref<128xi32, #tpu.memory_space<vmem>>) target_semaphore(%arg37 : memref<!tpu.dma_semaphore, #tpu.memory_space<semaphore_mem>>)
      } else {
      }
      %lt3A_297 = arith.constant 48 : i32
      %lt3A_298 = arith.cmpi slt, %scan3A_195, %lt3A_297 : i32
      %convert_element_type3A_299 = arith.extui %lt3A_298 : i1 to i32
      %cond3A_300 = arith.constant 0 : i32
      %cond3A_301 = arith.cmpi ne, %convert_element_type3A_299, %cond3A_300 : i32
      scf.if %cond3A_301 {
        %add3A_487 = arith.constant 7 : i32
        %add3A_488 = arith.addi %add3A_277, %add3A_487 : i32
        %mul3A_489 = arith.constant 128 : i32
        %mul3A_490 = arith.muli %add3A_488, %mul3A_489 : i32
        %add3A_491 = arith.addi %mul3A_27, %mul3A_490 : i32
        %dma_start3A_492 = tpu.memref_slice %arg5[%add3A_491] : memref<802816xi32, #tpu.memory_space<hbm>> -> memref<128xi32, #tpu.memory_space<hbm>>
        %dma_start3A_493 = tpu.memref_slice %arg5[%add3A_491] : memref<802816xi32, #tpu.memory_space<hbm>> -> memref<128xi32, #tpu.memory_space<hbm>>
        tpu.enqueue_dma source(%dma_start3A_493 : memref<128xi32, #tpu.memory_space<hbm>>) target(%arg18 : memref<128xi32, #tpu.memory_space<vmem>>) target_semaphore(%arg44 : memref<!tpu.dma_semaphore, #tpu.memory_space<semaphore_mem>>)
      } else {
      }
      %add3A_302 = arith.constant 3 : i32
      %add3A_303 = arith.addi %add3A_277, %add3A_302 : i32
      %mul3A_304 = arith.constant 128 : i32
      %mul3A_305 = arith.muli %add3A_303, %mul3A_304 : i32
      %add3A_306 = arith.addi %mul3A_25, %mul3A_305 : i32
      %dma_wait3A_307 = tpu.memref_slice %arg4[%add3A_306] : memref<1605632xi32, #tpu.memory_space<hbm>> -> memref<128xi32, #tpu.memory_space<hbm>>
      %dma_wait3A_308 = tpu.memref_slice %arg4[%add3A_306] : memref<1605632xi32, #tpu.memory_space<hbm>> -> memref<128xi32, #tpu.memory_space<hbm>>
      tpu.wait_dma2 semaphore(%arg40 : memref<!tpu.dma_semaphore, #tpu.memory_space<semaphore_mem>>) src(%dma_wait3A_308 : memref<128xi32, #tpu.memory_space<hbm>>) dst(%arg14 : memref<128xi32, #tpu.memory_space<vmem>>)
      %dma_start3A_309 = arith.constant 0 : i32
      %dma_start3A_310 = arith.constant 0 : i32
      %dma_start3A_311 = tpu.memref_slice %arg6[%dma_start3A_309, %dma_start3A_310] : memref<106496x32xf32, #tpu.memory_space<hbm>> -> memref<106496x32xf32, #tpu.memory_space<hbm>>
      tpu.enqueue_indirect_dma source(%dma_start3A_311 : memref<106496x32xf32, #tpu.memory_space<hbm>>) target(%arg26 : memref<128x32xf32, #tpu.memory_space<vmem>>) offsets(%arg14 : memref<128xi32, #tpu.memory_space<vmem>>) semaphore(%arg32 : memref<!tpu.dma_semaphore, #tpu.memory_space<semaphore_mem>>)
      %mul3A_312 = arith.constant 8 : i32
      %mul3A_313 = arith.muli %mul3A_312, %scan3A_195 : i32
      %add3A_314 = arith.constant 3 : i32
      %add3A_315 = arith.addi %mul3A_313, %add3A_314 : i32
      %dma_wait3A_316 = arith.constant 0 : i32
      %dma_wait3A_317 = arith.constant 0 : i32
      %dma_wait3A_318 = tpu.memref_slice %arg6[%dma_wait3A_316, %dma_wait3A_317] : memref<106496x32xf32, #tpu.memory_space<hbm>> -> memref<106496x32xf32, #tpu.memory_space<hbm>>
      tpu.wait_indirect_dma semaphore(%arg34 : memref<!tpu.dma_semaphore, #tpu.memory_space<semaphore_mem>>) src(%dma_wait3A_318 : memref<106496x32xf32, #tpu.memory_space<hbm>>) dst(%arg28 : memref<128x32xf32, #tpu.memory_space<vmem>>)
      %mul3A_319 = arith.constant 128 : i32
      %mul3A_320 = arith.muli %add3A_315, %mul3A_319 : i32
      %add3A_321 = arith.addi %mul3A_27, %mul3A_320 : i32
      %dma_wait3A_322 = tpu.memref_slice %arg5[%add3A_321] : memref<802816xi32, #tpu.memory_space<hbm>> -> memref<128xi32, #tpu.memory_space<hbm>>
      %dma_wait3A_323 = tpu.memref_slice %arg5[%add3A_321] : memref<802816xi32, #tpu.memory_space<hbm>> -> memref<128xi32, #tpu.memory_space<hbm>>
      tpu.wait_dma2 semaphore(%arg46 : memref<!tpu.dma_semaphore, #tpu.memory_space<semaphore_mem>>) src(%dma_wait3A_323 : memref<128xi32, #tpu.memory_space<hbm>>) dst(%arg20 : memref<128xi32, #tpu.memory_space<vmem>>)
      %dma_wait3A_324 = arith.constant 0 : i32
      %dma_wait3A_325 = arith.constant 0 : i32
      %dma_wait3A_326 = tpu.memref_slice %arg30[%dma_wait3A_324, %dma_wait3A_325] : memref<53248x32xf32, #tpu.memory_space<vmem_shared>> -> memref<53248x32xf32, #tpu.memory_space<vmem_shared>>
      tpu.wait_indirect_dma semaphore(%arg53 : memref<!tpu.dma_semaphore, #tpu.memory_space<semaphore_mem>>) src(%arg27 : memref<128x32xf32, #tpu.memory_space<vmem>>) dst(%dma_wait3A_326 : memref<53248x32xf32, #tpu.memory_space<vmem_shared>>)
      %dma_start3A_327 = arith.constant 0 : i32
      %dma_start3A_328 = arith.constant 0 : i32
      %dma_start3A_329 = tpu.memref_slice %arg30[%dma_start3A_327, %dma_start3A_328] : memref<53248x32xf32, #tpu.memory_space<vmem_shared>> -> memref<53248x32xf32, #tpu.memory_space<vmem_shared>>
      tpu.enqueue_indirect_dma source(%arg28 : memref<128x32xf32, #tpu.memory_space<vmem>>) target(%dma_start3A_329 : memref<53248x32xf32, #tpu.memory_space<vmem_shared>>) offsets(%arg20 : memref<128xi32, #tpu.memory_space<vmem>>) semaphore(%arg54 : memref<!tpu.dma_semaphore, #tpu.memory_space<semaphore_mem>>) {add = true}
      %lt3A_330 = arith.constant 48 : i32
      %lt3A_331 = arith.cmpi slt, %scan3A_195, %lt3A_330 : i32
      %convert_element_type3A_332 = arith.extui %lt3A_331 : i1 to i32
      %cond3A_333 = arith.constant 0 : i32
      %cond3A_334 = arith.cmpi ne, %convert_element_type3A_332, %cond3A_333 : i32
      scf.if %cond3A_334 {
        %add3A_487 = arith.constant 8 : i32
        %add3A_488 = arith.addi %add3A_315, %add3A_487 : i32
        %mul3A_489 = arith.constant 128 : i32
        %mul3A_490 = arith.muli %add3A_488, %mul3A_489 : i32
        %add3A_491 = arith.addi %mul3A_25, %mul3A_490 : i32
        %dma_start3A_492 = tpu.memref_slice %arg4[%add3A_491] : memref<1605632xi32, #tpu.memory_space<hbm>> -> memref<128xi32, #tpu.memory_space<hbm>>
        %dma_start3A_493 = tpu.memref_slice %arg4[%add3A_491] : memref<1605632xi32, #tpu.memory_space<hbm>> -> memref<128xi32, #tpu.memory_space<hbm>>
        tpu.enqueue_dma source(%dma_start3A_493 : memref<128xi32, #tpu.memory_space<hbm>>) target(%arg12 : memref<128xi32, #tpu.memory_space<vmem>>) target_semaphore(%arg38 : memref<!tpu.dma_semaphore, #tpu.memory_space<semaphore_mem>>)
      } else {
      }
      %lt3A_335 = arith.constant 48 : i32
      %lt3A_336 = arith.cmpi slt, %scan3A_195, %lt3A_335 : i32
      %convert_element_type3A_337 = arith.extui %lt3A_336 : i1 to i32
      %cond3A_338 = arith.constant 0 : i32
      %cond3A_339 = arith.cmpi ne, %convert_element_type3A_337, %cond3A_338 : i32
      scf.if %cond3A_339 {
        %add3A_487 = arith.constant 7 : i32
        %add3A_488 = arith.addi %add3A_315, %add3A_487 : i32
        %mul3A_489 = arith.constant 128 : i32
        %mul3A_490 = arith.muli %add3A_488, %mul3A_489 : i32
        %add3A_491 = arith.addi %mul3A_27, %mul3A_490 : i32
        %dma_start3A_492 = tpu.memref_slice %arg5[%add3A_491] : memref<802816xi32, #tpu.memory_space<hbm>> -> memref<128xi32, #tpu.memory_space<hbm>>
        %dma_start3A_493 = tpu.memref_slice %arg5[%add3A_491] : memref<802816xi32, #tpu.memory_space<hbm>> -> memref<128xi32, #tpu.memory_space<hbm>>
        tpu.enqueue_dma source(%dma_start3A_493 : memref<128xi32, #tpu.memory_space<hbm>>) target(%arg19 : memref<128xi32, #tpu.memory_space<vmem>>) target_semaphore(%arg45 : memref<!tpu.dma_semaphore, #tpu.memory_space<semaphore_mem>>)
      } else {
      }
      %add3A_340 = arith.constant 3 : i32
      %add3A_341 = arith.addi %add3A_315, %add3A_340 : i32
      %mul3A_342 = arith.constant 128 : i32
      %mul3A_343 = arith.muli %add3A_341, %mul3A_342 : i32
      %add3A_344 = arith.addi %mul3A_25, %mul3A_343 : i32
      %dma_wait3A_345 = tpu.memref_slice %arg4[%add3A_344] : memref<1605632xi32, #tpu.memory_space<hbm>> -> memref<128xi32, #tpu.memory_space<hbm>>
      %dma_wait3A_346 = tpu.memref_slice %arg4[%add3A_344] : memref<1605632xi32, #tpu.memory_space<hbm>> -> memref<128xi32, #tpu.memory_space<hbm>>
      tpu.wait_dma2 semaphore(%arg41 : memref<!tpu.dma_semaphore, #tpu.memory_space<semaphore_mem>>) src(%dma_wait3A_346 : memref<128xi32, #tpu.memory_space<hbm>>) dst(%arg15 : memref<128xi32, #tpu.memory_space<vmem>>)
      %dma_start3A_347 = arith.constant 0 : i32
      %dma_start3A_348 = arith.constant 0 : i32
      %dma_start3A_349 = tpu.memref_slice %arg6[%dma_start3A_347, %dma_start3A_348] : memref<106496x32xf32, #tpu.memory_space<hbm>> -> memref<106496x32xf32, #tpu.memory_space<hbm>>
      tpu.enqueue_indirect_dma source(%dma_start3A_349 : memref<106496x32xf32, #tpu.memory_space<hbm>>) target(%arg27 : memref<128x32xf32, #tpu.memory_space<vmem>>) offsets(%arg15 : memref<128xi32, #tpu.memory_space<vmem>>) semaphore(%arg33 : memref<!tpu.dma_semaphore, #tpu.memory_space<semaphore_mem>>)
      %mul3A_350 = arith.constant 8 : i32
      %mul3A_351 = arith.muli %mul3A_350, %scan3A_195 : i32
      %add3A_352 = arith.constant 4 : i32
      %add3A_353 = arith.addi %mul3A_351, %add3A_352 : i32
      %dma_wait3A_354 = arith.constant 0 : i32
      %dma_wait3A_355 = arith.constant 0 : i32
      %dma_wait3A_356 = tpu.memref_slice %arg6[%dma_wait3A_354, %dma_wait3A_355] : memref<106496x32xf32, #tpu.memory_space<hbm>> -> memref<106496x32xf32, #tpu.memory_space<hbm>>
      tpu.wait_indirect_dma semaphore(%arg31 : memref<!tpu.dma_semaphore, #tpu.memory_space<semaphore_mem>>) src(%dma_wait3A_356 : memref<106496x32xf32, #tpu.memory_space<hbm>>) dst(%arg25 : memref<128x32xf32, #tpu.memory_space<vmem>>)
      %mul3A_357 = arith.constant 128 : i32
      %mul3A_358 = arith.muli %add3A_353, %mul3A_357 : i32
      %add3A_359 = arith.addi %mul3A_27, %mul3A_358 : i32
      %dma_wait3A_360 = tpu.memref_slice %arg5[%add3A_359] : memref<802816xi32, #tpu.memory_space<hbm>> -> memref<128xi32, #tpu.memory_space<hbm>>
      %dma_wait3A_361 = tpu.memref_slice %arg5[%add3A_359] : memref<802816xi32, #tpu.memory_space<hbm>> -> memref<128xi32, #tpu.memory_space<hbm>>
      tpu.wait_dma2 semaphore(%arg47 : memref<!tpu.dma_semaphore, #tpu.memory_space<semaphore_mem>>) src(%dma_wait3A_361 : memref<128xi32, #tpu.memory_space<hbm>>) dst(%arg21 : memref<128xi32, #tpu.memory_space<vmem>>)
      %dma_wait3A_362 = arith.constant 0 : i32
      %dma_wait3A_363 = arith.constant 0 : i32
      %dma_wait3A_364 = tpu.memref_slice %arg30[%dma_wait3A_362, %dma_wait3A_363] : memref<53248x32xf32, #tpu.memory_space<vmem_shared>> -> memref<53248x32xf32, #tpu.memory_space<vmem_shared>>
      tpu.wait_indirect_dma semaphore(%arg54 : memref<!tpu.dma_semaphore, #tpu.memory_space<semaphore_mem>>) src(%arg28 : memref<128x32xf32, #tpu.memory_space<vmem>>) dst(%dma_wait3A_364 : memref<53248x32xf32, #tpu.memory_space<vmem_shared>>)
      %dma_start3A_365 = arith.constant 0 : i32
      %dma_start3A_366 = arith.constant 0 : i32
      %dma_start3A_367 = tpu.memref_slice %arg30[%dma_start3A_365, %dma_start3A_366] : memref<53248x32xf32, #tpu.memory_space<vmem_shared>> -> memref<53248x32xf32, #tpu.memory_space<vmem_shared>>
      tpu.enqueue_indirect_dma source(%arg25 : memref<128x32xf32, #tpu.memory_space<vmem>>) target(%dma_start3A_367 : memref<53248x32xf32, #tpu.memory_space<vmem_shared>>) offsets(%arg21 : memref<128xi32, #tpu.memory_space<vmem>>) semaphore(%arg51 : memref<!tpu.dma_semaphore, #tpu.memory_space<semaphore_mem>>) {add = true}
      %lt3A_368 = arith.constant 48 : i32
      %lt3A_369 = arith.cmpi slt, %scan3A_195, %lt3A_368 : i32
      %convert_element_type3A_370 = arith.extui %lt3A_369 : i1 to i32
      %cond3A_371 = arith.constant 0 : i32
      %cond3A_372 = arith.cmpi ne, %convert_element_type3A_370, %cond3A_371 : i32
      scf.if %cond3A_372 {
        %add3A_487 = arith.constant 8 : i32
        %add3A_488 = arith.addi %add3A_353, %add3A_487 : i32
        %mul3A_489 = arith.constant 128 : i32
        %mul3A_490 = arith.muli %add3A_488, %mul3A_489 : i32
        %add3A_491 = arith.addi %mul3A_25, %mul3A_490 : i32
        %dma_start3A_492 = tpu.memref_slice %arg4[%add3A_491] : memref<1605632xi32, #tpu.memory_space<hbm>> -> memref<128xi32, #tpu.memory_space<hbm>>
        %dma_start3A_493 = tpu.memref_slice %arg4[%add3A_491] : memref<1605632xi32, #tpu.memory_space<hbm>> -> memref<128xi32, #tpu.memory_space<hbm>>
        tpu.enqueue_dma source(%dma_start3A_493 : memref<128xi32, #tpu.memory_space<hbm>>) target(%arg13 : memref<128xi32, #tpu.memory_space<vmem>>) target_semaphore(%arg39 : memref<!tpu.dma_semaphore, #tpu.memory_space<semaphore_mem>>)
      } else {
      }
      %lt3A_373 = arith.constant 48 : i32
      %lt3A_374 = arith.cmpi slt, %scan3A_195, %lt3A_373 : i32
      %convert_element_type3A_375 = arith.extui %lt3A_374 : i1 to i32
      %cond3A_376 = arith.constant 0 : i32
      %cond3A_377 = arith.cmpi ne, %convert_element_type3A_375, %cond3A_376 : i32
      scf.if %cond3A_377 {
        %add3A_487 = arith.constant 7 : i32
        %add3A_488 = arith.addi %add3A_353, %add3A_487 : i32
        %mul3A_489 = arith.constant 128 : i32
        %mul3A_490 = arith.muli %add3A_488, %mul3A_489 : i32
        %add3A_491 = arith.addi %mul3A_27, %mul3A_490 : i32
        %dma_start3A_492 = tpu.memref_slice %arg5[%add3A_491] : memref<802816xi32, #tpu.memory_space<hbm>> -> memref<128xi32, #tpu.memory_space<hbm>>
        %dma_start3A_493 = tpu.memref_slice %arg5[%add3A_491] : memref<802816xi32, #tpu.memory_space<hbm>> -> memref<128xi32, #tpu.memory_space<hbm>>
        tpu.enqueue_dma source(%dma_start3A_493 : memref<128xi32, #tpu.memory_space<hbm>>) target(%arg20 : memref<128xi32, #tpu.memory_space<vmem>>) target_semaphore(%arg46 : memref<!tpu.dma_semaphore, #tpu.memory_space<semaphore_mem>>)
      } else {
      }
      %add3A_378 = arith.constant 3 : i32
      %add3A_379 = arith.addi %add3A_353, %add3A_378 : i32
      %mul3A_380 = arith.constant 128 : i32
      %mul3A_381 = arith.muli %add3A_379, %mul3A_380 : i32
      %add3A_382 = arith.addi %mul3A_25, %mul3A_381 : i32
      %dma_wait3A_383 = tpu.memref_slice %arg4[%add3A_382] : memref<1605632xi32, #tpu.memory_space<hbm>> -> memref<128xi32, #tpu.memory_space<hbm>>
      %dma_wait3A_384 = tpu.memref_slice %arg4[%add3A_382] : memref<1605632xi32, #tpu.memory_space<hbm>> -> memref<128xi32, #tpu.memory_space<hbm>>
      tpu.wait_dma2 semaphore(%arg42 : memref<!tpu.dma_semaphore, #tpu.memory_space<semaphore_mem>>) src(%dma_wait3A_384 : memref<128xi32, #tpu.memory_space<hbm>>) dst(%arg16 : memref<128xi32, #tpu.memory_space<vmem>>)
      %dma_start3A_385 = arith.constant 0 : i32
      %dma_start3A_386 = arith.constant 0 : i32
      %dma_start3A_387 = tpu.memref_slice %arg6[%dma_start3A_385, %dma_start3A_386] : memref<106496x32xf32, #tpu.memory_space<hbm>> -> memref<106496x32xf32, #tpu.memory_space<hbm>>
      tpu.enqueue_indirect_dma source(%dma_start3A_387 : memref<106496x32xf32, #tpu.memory_space<hbm>>) target(%arg28 : memref<128x32xf32, #tpu.memory_space<vmem>>) offsets(%arg16 : memref<128xi32, #tpu.memory_space<vmem>>) semaphore(%arg34 : memref<!tpu.dma_semaphore, #tpu.memory_space<semaphore_mem>>)
      %mul3A_388 = arith.constant 8 : i32
      %mul3A_389 = arith.muli %mul3A_388, %scan3A_195 : i32
      %add3A_390 = arith.constant 5 : i32
      %add3A_391 = arith.addi %mul3A_389, %add3A_390 : i32
      %dma_wait3A_392 = arith.constant 0 : i32
      %dma_wait3A_393 = arith.constant 0 : i32
      %dma_wait3A_394 = tpu.memref_slice %arg6[%dma_wait3A_392, %dma_wait3A_393] : memref<106496x32xf32, #tpu.memory_space<hbm>> -> memref<106496x32xf32, #tpu.memory_space<hbm>>
      tpu.wait_indirect_dma semaphore(%arg32 : memref<!tpu.dma_semaphore, #tpu.memory_space<semaphore_mem>>) src(%dma_wait3A_394 : memref<106496x32xf32, #tpu.memory_space<hbm>>) dst(%arg26 : memref<128x32xf32, #tpu.memory_space<vmem>>)
      %mul3A_395 = arith.constant 128 : i32
      %mul3A_396 = arith.muli %add3A_391, %mul3A_395 : i32
      %add3A_397 = arith.addi %mul3A_27, %mul3A_396 : i32
      %dma_wait3A_398 = tpu.memref_slice %arg5[%add3A_397] : memref<802816xi32, #tpu.memory_space<hbm>> -> memref<128xi32, #tpu.memory_space<hbm>>
      %dma_wait3A_399 = tpu.memref_slice %arg5[%add3A_397] : memref<802816xi32, #tpu.memory_space<hbm>> -> memref<128xi32, #tpu.memory_space<hbm>>
      tpu.wait_dma2 semaphore(%arg48 : memref<!tpu.dma_semaphore, #tpu.memory_space<semaphore_mem>>) src(%dma_wait3A_399 : memref<128xi32, #tpu.memory_space<hbm>>) dst(%arg22 : memref<128xi32, #tpu.memory_space<vmem>>)
      %dma_wait3A_400 = arith.constant 0 : i32
      %dma_wait3A_401 = arith.constant 0 : i32
      %dma_wait3A_402 = tpu.memref_slice %arg30[%dma_wait3A_400, %dma_wait3A_401] : memref<53248x32xf32, #tpu.memory_space<vmem_shared>> -> memref<53248x32xf32, #tpu.memory_space<vmem_shared>>
      tpu.wait_indirect_dma semaphore(%arg51 : memref<!tpu.dma_semaphore, #tpu.memory_space<semaphore_mem>>) src(%arg25 : memref<128x32xf32, #tpu.memory_space<vmem>>) dst(%dma_wait3A_402 : memref<53248x32xf32, #tpu.memory_space<vmem_shared>>)
      %dma_start3A_403 = arith.constant 0 : i32
      %dma_start3A_404 = arith.constant 0 : i32
      %dma_start3A_405 = tpu.memref_slice %arg30[%dma_start3A_403, %dma_start3A_404] : memref<53248x32xf32, #tpu.memory_space<vmem_shared>> -> memref<53248x32xf32, #tpu.memory_space<vmem_shared>>
      tpu.enqueue_indirect_dma source(%arg26 : memref<128x32xf32, #tpu.memory_space<vmem>>) target(%dma_start3A_405 : memref<53248x32xf32, #tpu.memory_space<vmem_shared>>) offsets(%arg22 : memref<128xi32, #tpu.memory_space<vmem>>) semaphore(%arg52 : memref<!tpu.dma_semaphore, #tpu.memory_space<semaphore_mem>>) {add = true}
      %lt3A_406 = arith.constant 48 : i32
      %lt3A_407 = arith.cmpi slt, %scan3A_195, %lt3A_406 : i32
      %convert_element_type3A_408 = arith.extui %lt3A_407 : i1 to i32
      %cond3A_409 = arith.constant 0 : i32
      %cond3A_410 = arith.cmpi ne, %convert_element_type3A_408, %cond3A_409 : i32
      scf.if %cond3A_410 {
        %add3A_487 = arith.constant 8 : i32
        %add3A_488 = arith.addi %add3A_391, %add3A_487 : i32
        %mul3A_489 = arith.constant 128 : i32
        %mul3A_490 = arith.muli %add3A_488, %mul3A_489 : i32
        %add3A_491 = arith.addi %mul3A_25, %mul3A_490 : i32
        %dma_start3A_492 = tpu.memref_slice %arg4[%add3A_491] : memref<1605632xi32, #tpu.memory_space<hbm>> -> memref<128xi32, #tpu.memory_space<hbm>>
        %dma_start3A_493 = tpu.memref_slice %arg4[%add3A_491] : memref<1605632xi32, #tpu.memory_space<hbm>> -> memref<128xi32, #tpu.memory_space<hbm>>
        tpu.enqueue_dma source(%dma_start3A_493 : memref<128xi32, #tpu.memory_space<hbm>>) target(%arg14 : memref<128xi32, #tpu.memory_space<vmem>>) target_semaphore(%arg40 : memref<!tpu.dma_semaphore, #tpu.memory_space<semaphore_mem>>)
      } else {
      }
      %lt3A_411 = arith.constant 48 : i32
      %lt3A_412 = arith.cmpi slt, %scan3A_195, %lt3A_411 : i32
      %convert_element_type3A_413 = arith.extui %lt3A_412 : i1 to i32
      %cond3A_414 = arith.constant 0 : i32
      %cond3A_415 = arith.cmpi ne, %convert_element_type3A_413, %cond3A_414 : i32
      scf.if %cond3A_415 {
        %add3A_487 = arith.constant 7 : i32
        %add3A_488 = arith.addi %add3A_391, %add3A_487 : i32
        %mul3A_489 = arith.constant 128 : i32
        %mul3A_490 = arith.muli %add3A_488, %mul3A_489 : i32
        %add3A_491 = arith.addi %mul3A_27, %mul3A_490 : i32
        %dma_start3A_492 = tpu.memref_slice %arg5[%add3A_491] : memref<802816xi32, #tpu.memory_space<hbm>> -> memref<128xi32, #tpu.memory_space<hbm>>
        %dma_start3A_493 = tpu.memref_slice %arg5[%add3A_491] : memref<802816xi32, #tpu.memory_space<hbm>> -> memref<128xi32, #tpu.memory_space<hbm>>
        tpu.enqueue_dma source(%dma_start3A_493 : memref<128xi32, #tpu.memory_space<hbm>>) target(%arg21 : memref<128xi32, #tpu.memory_space<vmem>>) target_semaphore(%arg47 : memref<!tpu.dma_semaphore, #tpu.memory_space<semaphore_mem>>)
      } else {
      }
      %lt3A_416 = arith.constant 48 : i32
      %lt3A_417 = arith.cmpi slt, %scan3A_195, %lt3A_416 : i32
      %convert_element_type3A_418 = arith.extui %lt3A_417 : i1 to i32
      %cond3A_419 = arith.constant 0 : i32
      %cond3A_420 = arith.cmpi ne, %convert_element_type3A_418, %cond3A_419 : i32
      scf.if %cond3A_420 {
        %add3A_487 = arith.constant 3 : i32
        %add3A_488 = arith.addi %add3A_391, %add3A_487 : i32
        %mul3A_489 = arith.constant 128 : i32
        %mul3A_490 = arith.muli %add3A_488, %mul3A_489 : i32
        %add3A_491 = arith.addi %mul3A_25, %mul3A_490 : i32
        %dma_wait3A_492 = tpu.memref_slice %arg4[%add3A_491] : memref<1605632xi32, #tpu.memory_space<hbm>> -> memref<128xi32, #tpu.memory_space<hbm>>
        %dma_wait3A_493 = tpu.memref_slice %arg4[%add3A_491] : memref<1605632xi32, #tpu.memory_space<hbm>> -> memref<128xi32, #tpu.memory_space<hbm>>
        tpu.wait_dma2 semaphore(%arg35 : memref<!tpu.dma_semaphore, #tpu.memory_space<semaphore_mem>>) src(%dma_wait3A_493 : memref<128xi32, #tpu.memory_space<hbm>>) dst(%arg9 : memref<128xi32, #tpu.memory_space<vmem>>)
        %dma_start3A_494 = arith.constant 0 : i32
        %dma_start3A_495 = arith.constant 0 : i32
        %dma_start3A_496 = tpu.memref_slice %arg6[%dma_start3A_494, %dma_start3A_495] : memref<106496x32xf32, #tpu.memory_space<hbm>> -> memref<106496x32xf32, #tpu.memory_space<hbm>>
        tpu.enqueue_indirect_dma source(%dma_start3A_496 : memref<106496x32xf32, #tpu.memory_space<hbm>>) target(%arg25 : memref<128x32xf32, #tpu.memory_space<vmem>>) offsets(%arg9 : memref<128xi32, #tpu.memory_space<vmem>>) semaphore(%arg31 : memref<!tpu.dma_semaphore, #tpu.memory_space<semaphore_mem>>)
      } else {
      }
      %mul3A_421 = arith.constant 8 : i32
      %mul3A_422 = arith.muli %mul3A_421, %scan3A_195 : i32
      %add3A_423 = arith.constant 6 : i32
      %add3A_424 = arith.addi %mul3A_422, %add3A_423 : i32
      %dma_wait3A_425 = arith.constant 0 : i32
      %dma_wait3A_426 = arith.constant 0 : i32
      %dma_wait3A_427 = tpu.memref_slice %arg6[%dma_wait3A_425, %dma_wait3A_426] : memref<106496x32xf32, #tpu.memory_space<hbm>> -> memref<106496x32xf32, #tpu.memory_space<hbm>>
      tpu.wait_indirect_dma semaphore(%arg33 : memref<!tpu.dma_semaphore, #tpu.memory_space<semaphore_mem>>) src(%dma_wait3A_427 : memref<106496x32xf32, #tpu.memory_space<hbm>>) dst(%arg27 : memref<128x32xf32, #tpu.memory_space<vmem>>)
      %mul3A_428 = arith.constant 128 : i32
      %mul3A_429 = arith.muli %add3A_424, %mul3A_428 : i32
      %add3A_430 = arith.addi %mul3A_27, %mul3A_429 : i32
      %dma_wait3A_431 = tpu.memref_slice %arg5[%add3A_430] : memref<802816xi32, #tpu.memory_space<hbm>> -> memref<128xi32, #tpu.memory_space<hbm>>
      %dma_wait3A_432 = tpu.memref_slice %arg5[%add3A_430] : memref<802816xi32, #tpu.memory_space<hbm>> -> memref<128xi32, #tpu.memory_space<hbm>>
      tpu.wait_dma2 semaphore(%arg49 : memref<!tpu.dma_semaphore, #tpu.memory_space<semaphore_mem>>) src(%dma_wait3A_432 : memref<128xi32, #tpu.memory_space<hbm>>) dst(%arg23 : memref<128xi32, #tpu.memory_space<vmem>>)
      %dma_wait3A_433 = arith.constant 0 : i32
      %dma_wait3A_434 = arith.constant 0 : i32
      %dma_wait3A_435 = tpu.memref_slice %arg30[%dma_wait3A_433, %dma_wait3A_434] : memref<53248x32xf32, #tpu.memory_space<vmem_shared>> -> memref<53248x32xf32, #tpu.memory_space<vmem_shared>>
      tpu.wait_indirect_dma semaphore(%arg52 : memref<!tpu.dma_semaphore, #tpu.memory_space<semaphore_mem>>) src(%arg26 : memref<128x32xf32, #tpu.memory_space<vmem>>) dst(%dma_wait3A_435 : memref<53248x32xf32, #tpu.memory_space<vmem_shared>>)
      %dma_start3A_436 = arith.constant 0 : i32
      %dma_start3A_437 = arith.constant 0 : i32
      %dma_start3A_438 = tpu.memref_slice %arg30[%dma_start3A_436, %dma_start3A_437] : memref<53248x32xf32, #tpu.memory_space<vmem_shared>> -> memref<53248x32xf32, #tpu.memory_space<vmem_shared>>
      tpu.enqueue_indirect_dma source(%arg27 : memref<128x32xf32, #tpu.memory_space<vmem>>) target(%dma_start3A_438 : memref<53248x32xf32, #tpu.memory_space<vmem_shared>>) offsets(%arg23 : memref<128xi32, #tpu.memory_space<vmem>>) semaphore(%arg53 : memref<!tpu.dma_semaphore, #tpu.memory_space<semaphore_mem>>) {add = true}
      %lt3A_439 = arith.constant 48 : i32
      %lt3A_440 = arith.cmpi slt, %scan3A_195, %lt3A_439 : i32
      %convert_element_type3A_441 = arith.extui %lt3A_440 : i1 to i32
      %cond3A_442 = arith.constant 0 : i32
      %cond3A_443 = arith.cmpi ne, %convert_element_type3A_441, %cond3A_442 : i32
      scf.if %cond3A_443 {
        %add3A_487 = arith.constant 8 : i32
        %add3A_488 = arith.addi %add3A_424, %add3A_487 : i32
        %mul3A_489 = arith.constant 128 : i32
        %mul3A_490 = arith.muli %add3A_488, %mul3A_489 : i32
        %add3A_491 = arith.addi %mul3A_25, %mul3A_490 : i32
        %dma_start3A_492 = tpu.memref_slice %arg4[%add3A_491] : memref<1605632xi32, #tpu.memory_space<hbm>> -> memref<128xi32, #tpu.memory_space<hbm>>
        %dma_start3A_493 = tpu.memref_slice %arg4[%add3A_491] : memref<1605632xi32, #tpu.memory_space<hbm>> -> memref<128xi32, #tpu.memory_space<hbm>>
        tpu.enqueue_dma source(%dma_start3A_493 : memref<128xi32, #tpu.memory_space<hbm>>) target(%arg15 : memref<128xi32, #tpu.memory_space<vmem>>) target_semaphore(%arg41 : memref<!tpu.dma_semaphore, #tpu.memory_space<semaphore_mem>>)
      } else {
      }
      %lt3A_444 = arith.constant 48 : i32
      %lt3A_445 = arith.cmpi slt, %scan3A_195, %lt3A_444 : i32
      %convert_element_type3A_446 = arith.extui %lt3A_445 : i1 to i32
      %cond3A_447 = arith.constant 0 : i32
      %cond3A_448 = arith.cmpi ne, %convert_element_type3A_446, %cond3A_447 : i32
      scf.if %cond3A_448 {
        %add3A_487 = arith.constant 7 : i32
        %add3A_488 = arith.addi %add3A_424, %add3A_487 : i32
        %mul3A_489 = arith.constant 128 : i32
        %mul3A_490 = arith.muli %add3A_488, %mul3A_489 : i32
        %add3A_491 = arith.addi %mul3A_27, %mul3A_490 : i32
        %dma_start3A_492 = tpu.memref_slice %arg5[%add3A_491] : memref<802816xi32, #tpu.memory_space<hbm>> -> memref<128xi32, #tpu.memory_space<hbm>>
        %dma_start3A_493 = tpu.memref_slice %arg5[%add3A_491] : memref<802816xi32, #tpu.memory_space<hbm>> -> memref<128xi32, #tpu.memory_space<hbm>>
        tpu.enqueue_dma source(%dma_start3A_493 : memref<128xi32, #tpu.memory_space<hbm>>) target(%arg22 : memref<128xi32, #tpu.memory_space<vmem>>) target_semaphore(%arg48 : memref<!tpu.dma_semaphore, #tpu.memory_space<semaphore_mem>>)
      } else {
      }
      %lt3A_449 = arith.constant 48 : i32
      %lt3A_450 = arith.cmpi slt, %scan3A_195, %lt3A_449 : i32
      %convert_element_type3A_451 = arith.extui %lt3A_450 : i1 to i32
      %cond3A_452 = arith.constant 0 : i32
      %cond3A_453 = arith.cmpi ne, %convert_element_type3A_451, %cond3A_452 : i32
      scf.if %cond3A_453 {
        %add3A_487 = arith.constant 3 : i32
        %add3A_488 = arith.addi %add3A_424, %add3A_487 : i32
        %mul3A_489 = arith.constant 128 : i32
        %mul3A_490 = arith.muli %add3A_488, %mul3A_489 : i32
        %add3A_491 = arith.addi %mul3A_25, %mul3A_490 : i32
        %dma_wait3A_492 = tpu.memref_slice %arg4[%add3A_491] : memref<1605632xi32, #tpu.memory_space<hbm>> -> memref<128xi32, #tpu.memory_space<hbm>>
        %dma_wait3A_493 = tpu.memref_slice %arg4[%add3A_491] : memref<1605632xi32, #tpu.memory_space<hbm>> -> memref<128xi32, #tpu.memory_space<hbm>>
        tpu.wait_dma2 semaphore(%arg36 : memref<!tpu.dma_semaphore, #tpu.memory_space<semaphore_mem>>) src(%dma_wait3A_493 : memref<128xi32, #tpu.memory_space<hbm>>) dst(%arg10 : memref<128xi32, #tpu.memory_space<vmem>>)
        %dma_start3A_494 = arith.constant 0 : i32
        %dma_start3A_495 = arith.constant 0 : i32
        %dma_start3A_496 = tpu.memref_slice %arg6[%dma_start3A_494, %dma_start3A_495] : memref<106496x32xf32, #tpu.memory_space<hbm>> -> memref<106496x32xf32, #tpu.memory_space<hbm>>
        tpu.enqueue_indirect_dma source(%dma_start3A_496 : memref<106496x32xf32, #tpu.memory_space<hbm>>) target(%arg26 : memref<128x32xf32, #tpu.memory_space<vmem>>) offsets(%arg10 : memref<128xi32, #tpu.memory_space<vmem>>) semaphore(%arg32 : memref<!tpu.dma_semaphore, #tpu.memory_space<semaphore_mem>>)
      } else {
      }
      %mul3A_454 = arith.constant 8 : i32
      %mul3A_455 = arith.muli %mul3A_454, %scan3A_195 : i32
      %add3A_456 = arith.constant 7 : i32
      %add3A_457 = arith.addi %mul3A_455, %add3A_456 : i32
      %dma_wait3A_458 = arith.constant 0 : i32
      %dma_wait3A_459 = arith.constant 0 : i32
      %dma_wait3A_460 = tpu.memref_slice %arg6[%dma_wait3A_458, %dma_wait3A_459] : memref<106496x32xf32, #tpu.memory_space<hbm>> -> memref<106496x32xf32, #tpu.memory_space<hbm>>
      tpu.wait_indirect_dma semaphore(%arg34 : memref<!tpu.dma_semaphore, #tpu.memory_space<semaphore_mem>>) src(%dma_wait3A_460 : memref<106496x32xf32, #tpu.memory_space<hbm>>) dst(%arg28 : memref<128x32xf32, #tpu.memory_space<vmem>>)
      %mul3A_461 = arith.constant 128 : i32
      %mul3A_462 = arith.muli %add3A_457, %mul3A_461 : i32
      %add3A_463 = arith.addi %mul3A_27, %mul3A_462 : i32
      %dma_wait3A_464 = tpu.memref_slice %arg5[%add3A_463] : memref<802816xi32, #tpu.memory_space<hbm>> -> memref<128xi32, #tpu.memory_space<hbm>>
      %dma_wait3A_465 = tpu.memref_slice %arg5[%add3A_463] : memref<802816xi32, #tpu.memory_space<hbm>> -> memref<128xi32, #tpu.memory_space<hbm>>
      tpu.wait_dma2 semaphore(%arg50 : memref<!tpu.dma_semaphore, #tpu.memory_space<semaphore_mem>>) src(%dma_wait3A_465 : memref<128xi32, #tpu.memory_space<hbm>>) dst(%arg24 : memref<128xi32, #tpu.memory_space<vmem>>)
      %dma_wait3A_466 = arith.constant 0 : i32
      %dma_wait3A_467 = arith.constant 0 : i32
      %dma_wait3A_468 = tpu.memref_slice %arg30[%dma_wait3A_466, %dma_wait3A_467] : memref<53248x32xf32, #tpu.memory_space<vmem_shared>> -> memref<53248x32xf32, #tpu.memory_space<vmem_shared>>
      tpu.wait_indirect_dma semaphore(%arg53 : memref<!tpu.dma_semaphore, #tpu.memory_space<semaphore_mem>>) src(%arg27 : memref<128x32xf32, #tpu.memory_space<vmem>>) dst(%dma_wait3A_468 : memref<53248x32xf32, #tpu.memory_space<vmem_shared>>)
      %dma_start3A_469 = arith.constant 0 : i32
      %dma_start3A_470 = arith.constant 0 : i32
      %dma_start3A_471 = tpu.memref_slice %arg30[%dma_start3A_469, %dma_start3A_470] : memref<53248x32xf32, #tpu.memory_space<vmem_shared>> -> memref<53248x32xf32, #tpu.memory_space<vmem_shared>>
      tpu.enqueue_indirect_dma source(%arg28 : memref<128x32xf32, #tpu.memory_space<vmem>>) target(%dma_start3A_471 : memref<53248x32xf32, #tpu.memory_space<vmem_shared>>) offsets(%arg24 : memref<128xi32, #tpu.memory_space<vmem>>) semaphore(%arg54 : memref<!tpu.dma_semaphore, #tpu.memory_space<semaphore_mem>>) {add = true}
      %lt3A_472 = arith.constant 48 : i32
      %lt3A_473 = arith.cmpi slt, %scan3A_195, %lt3A_472 : i32
      %convert_element_type3A_474 = arith.extui %lt3A_473 : i1 to i32
      %cond3A_475 = arith.constant 0 : i32
      %cond3A_476 = arith.cmpi ne, %convert_element_type3A_474, %cond3A_475 : i32
      scf.if %cond3A_476 {
        %add3A_487 = arith.constant 8 : i32
        %add3A_488 = arith.addi %add3A_457, %add3A_487 : i32
        %mul3A_489 = arith.constant 128 : i32
        %mul3A_490 = arith.muli %add3A_488, %mul3A_489 : i32
        %add3A_491 = arith.addi %mul3A_25, %mul3A_490 : i32
        %dma_start3A_492 = tpu.memref_slice %arg4[%add3A_491] : memref<1605632xi32, #tpu.memory_space<hbm>> -> memref<128xi32, #tpu.memory_space<hbm>>
        %dma_start3A_493 = tpu.memref_slice %arg4[%add3A_491] : memref<1605632xi32, #tpu.memory_space<hbm>> -> memref<128xi32, #tpu.memory_space<hbm>>
        tpu.enqueue_dma source(%dma_start3A_493 : memref<128xi32, #tpu.memory_space<hbm>>) target(%arg16 : memref<128xi32, #tpu.memory_space<vmem>>) target_semaphore(%arg42 : memref<!tpu.dma_semaphore, #tpu.memory_space<semaphore_mem>>)
      } else {
      }
      %lt3A_477 = arith.constant 48 : i32
      %lt3A_478 = arith.cmpi slt, %scan3A_195, %lt3A_477 : i32
      %convert_element_type3A_479 = arith.extui %lt3A_478 : i1 to i32
      %cond3A_480 = arith.constant 0 : i32
      %cond3A_481 = arith.cmpi ne, %convert_element_type3A_479, %cond3A_480 : i32
      scf.if %cond3A_481 {
        %add3A_487 = arith.constant 7 : i32
        %add3A_488 = arith.addi %add3A_457, %add3A_487 : i32
        %mul3A_489 = arith.constant 128 : i32
        %mul3A_490 = arith.muli %add3A_488, %mul3A_489 : i32
        %add3A_491 = arith.addi %mul3A_27, %mul3A_490 : i32
        %dma_start3A_492 = tpu.memref_slice %arg5[%add3A_491] : memref<802816xi32, #tpu.memory_space<hbm>> -> memref<128xi32, #tpu.memory_space<hbm>>
        %dma_start3A_493 = tpu.memref_slice %arg5[%add3A_491] : memref<802816xi32, #tpu.memory_space<hbm>> -> memref<128xi32, #tpu.memory_space<hbm>>
        tpu.enqueue_dma source(%dma_start3A_493 : memref<128xi32, #tpu.memory_space<hbm>>) target(%arg23 : memref<128xi32, #tpu.memory_space<vmem>>) target_semaphore(%arg49 : memref<!tpu.dma_semaphore, #tpu.memory_space<semaphore_mem>>)
      } else {
      }
      %lt3A_482 = arith.constant 48 : i32
      %lt3A_483 = arith.cmpi slt, %scan3A_195, %lt3A_482 : i32
      %convert_element_type3A_484 = arith.extui %lt3A_483 : i1 to i32
      %cond3A_485 = arith.constant 0 : i32
      %cond3A_486 = arith.cmpi ne, %convert_element_type3A_484, %cond3A_485 : i32
      scf.if %cond3A_486 {
        %add3A_487 = arith.constant 3 : i32
        %add3A_488 = arith.addi %add3A_457, %add3A_487 : i32
        %mul3A_489 = arith.constant 128 : i32
        %mul3A_490 = arith.muli %add3A_488, %mul3A_489 : i32
        %add3A_491 = arith.addi %mul3A_25, %mul3A_490 : i32
        %dma_wait3A_492 = tpu.memref_slice %arg4[%add3A_491] : memref<1605632xi32, #tpu.memory_space<hbm>> -> memref<128xi32, #tpu.memory_space<hbm>>
        %dma_wait3A_493 = tpu.memref_slice %arg4[%add3A_491] : memref<1605632xi32, #tpu.memory_space<hbm>> -> memref<128xi32, #tpu.memory_space<hbm>>
        tpu.wait_dma2 semaphore(%arg37 : memref<!tpu.dma_semaphore, #tpu.memory_space<semaphore_mem>>) src(%dma_wait3A_493 : memref<128xi32, #tpu.memory_space<hbm>>) dst(%arg11 : memref<128xi32, #tpu.memory_space<vmem>>)
        %dma_start3A_494 = arith.constant 0 : i32
        %dma_start3A_495 = arith.constant 0 : i32
        %dma_start3A_496 = tpu.memref_slice %arg6[%dma_start3A_494, %dma_start3A_495] : memref<106496x32xf32, #tpu.memory_space<hbm>> -> memref<106496x32xf32, #tpu.memory_space<hbm>>
        tpu.enqueue_indirect_dma source(%dma_start3A_496 : memref<106496x32xf32, #tpu.memory_space<hbm>>) target(%arg27 : memref<128x32xf32, #tpu.memory_space<vmem>>) offsets(%arg11 : memref<128xi32, #tpu.memory_space<vmem>>) semaphore(%arg33 : memref<!tpu.dma_semaphore, #tpu.memory_space<semaphore_mem>>)
      } else {
      }
    }
    %scan3A_114 = arith.constant 49 : i32
    %dma_wait3A_115 = arith.constant 0 : i32
    %dma_wait3A_116 = arith.constant 0 : i32
    %dma_wait3A_117 = tpu.memref_slice %arg30[%dma_wait3A_115, %dma_wait3A_116] : memref<53248x32xf32, #tpu.memory_space<vmem_shared>> -> memref<53248x32xf32, #tpu.memory_space<vmem_shared>>
    tpu.wait_indirect_dma semaphore(%arg54 : memref<!tpu.dma_semaphore, #tpu.memory_space<semaphore_mem>>) src(%arg28 : memref<128x32xf32, #tpu.memory_space<vmem>>) dst(%dma_wait3A_117 : memref<53248x32xf32, #tpu.memory_space<vmem_shared>>)
    %barrier3A_118 = arith.constant 0 : index
    tpu.barrier barrier_id(%barrier3A_118)
    %mul3A_119 = arith.constant 16 : i32
    %mul3A_120 = arith.muli %arg0, %mul3A_119 : i32
    %add3A_121 = arith.addi %mul3A_120, %arg1 : i32
    %broadcast_in_dim3A = arith.constant 0.000000e+00 : f32
    %broadcast_in_dim3A_122 = vector.broadcast %broadcast_in_dim3A : f32 to vector<16xf32>
    %add3A_123 = arith.constant 0 : i32
    %add3A_124 = arith.addi %mul3A_0, %add3A_123 : i32
    %dma_start3A_125 = arith.constant 0 : i32
    %dma_start3A_126 = tpu.memref_slice %arg30[%add3A_124, %dma_start3A_125] : memref<53248x32xf32, #tpu.memory_space<vmem_shared>> -> memref<128x32xf32, #tpu.memory_space<vmem_shared>>
    %dma_start3A_127 = arith.constant 0 : i32
    %dma_start3A_128 = tpu.memref_slice %arg30[%add3A_124, %dma_start3A_127] : memref<53248x32xf32, #tpu.memory_space<vmem_shared>> -> memref<128x32xf32, #tpu.memory_space<vmem_shared>>
    tpu.enqueue_dma source(%dma_start3A_128 : memref<128x32xf32, #tpu.memory_space<vmem_shared>>) target(%arg25 : memref<128x32xf32, #tpu.memory_space<vmem>>) target_semaphore(%arg31 : memref<!tpu.dma_semaphore, #tpu.memory_space<semaphore_mem>>)
    %add3A_129 = arith.constant 128 : i32
    %add3A_130 = arith.addi %mul3A_0, %add3A_129 : i32
    %dma_start3A_131 = arith.constant 0 : i32
    %dma_start3A_132 = tpu.memref_slice %arg30[%add3A_130, %dma_start3A_131] : memref<53248x32xf32, #tpu.memory_space<vmem_shared>> -> memref<128x32xf32, #tpu.memory_space<vmem_shared>>
    %dma_start3A_133 = arith.constant 0 : i32
    %dma_start3A_134 = tpu.memref_slice %arg30[%add3A_130, %dma_start3A_133] : memref<53248x32xf32, #tpu.memory_space<vmem_shared>> -> memref<128x32xf32, #tpu.memory_space<vmem_shared>>
    tpu.enqueue_dma source(%dma_start3A_134 : memref<128x32xf32, #tpu.memory_space<vmem_shared>>) target(%arg26 : memref<128x32xf32, #tpu.memory_space<vmem>>) target_semaphore(%arg32 : memref<!tpu.dma_semaphore, #tpu.memory_space<semaphore_mem>>)
    %scan3A_135 = arith.constant 0 : i32
    %scan3A_136 = arith.constant 13 : i32
    %scan3A_137 = arith.addi %scan3A_135, %scan3A_136 : i32
    %scan3A_138 = arith.constant 1 : i32
    %scan3A_139:4 = scf.for %scan3A_195 = %scan3A_135 to %scan3A_137 step %scan3A_138 iter_args(%scan3A_196 = %broadcast_in_dim3A_122, %scan3A_197 = %broadcast_in_dim3A_122, %scan3A_198 = %broadcast_in_dim3A_122, %scan3A_199 = %broadcast_in_dim3A_122) -> (vector<16xf32>, vector<16xf32>, vector<16xf32>, vector<16xf32>)  : i32 {
      %mul3A_200 = arith.constant 2 : i32
      %mul3A_201 = arith.muli %mul3A_200, %scan3A_195 : i32
      %add3A_202 = arith.constant 0 : i32
      %add3A_203 = arith.addi %mul3A_201, %add3A_202 : i32
      %mul3A_204 = arith.constant 128 : i32
      %mul3A_205 = arith.muli %add3A_203, %mul3A_204 : i32
      %add3A_206 = arith.addi %mul3A_0, %mul3A_205 : i32
      %dma_wait3A_207 = arith.constant 0 : i32
      %dma_wait3A_208 = tpu.memref_slice %arg30[%add3A_206, %dma_wait3A_207] : memref<53248x32xf32, #tpu.memory_space<vmem_shared>> -> memref<128x32xf32, #tpu.memory_space<vmem_shared>>
      %dma_wait3A_209 = arith.constant 0 : i32
      %dma_wait3A_210 = tpu.memref_slice %arg30[%add3A_206, %dma_wait3A_209] : memref<53248x32xf32, #tpu.memory_space<vmem_shared>> -> memref<128x32xf32, #tpu.memory_space<vmem_shared>>
      tpu.wait_dma2 semaphore(%arg31 : memref<!tpu.dma_semaphore, #tpu.memory_space<semaphore_mem>>) src(%dma_wait3A_210 : memref<128x32xf32, #tpu.memory_space<vmem_shared>>) dst(%arg25 : memref<128x32xf32, #tpu.memory_space<vmem>>)
      %mul3A_211 = arith.constant 128 : i32
      %mul3A_212 = arith.muli %add3A_203, %mul3A_211 : i32
      %add3A_213 = arith.addi %add3A, %mul3A_212 : i32
      "tpu.region"() ({
        %run_scoped3A = tpu.sem_alloc : memref<!tpu.dma_semaphore, #tpu.memory_space<semaphore_mem>>
        %dma_start3A_284 = arith.constant 0 : i32
        %dma_start3A_285 = tpu.memref_slice %arg7[%add3A_213, %dma_start3A_284] : memref<106496x32xf32, #tpu.memory_space<hbm>> -> memref<128x32xf32, #tpu.memory_space<hbm>>
        %dma_start3A_286 = arith.constant 0 : i32
        %dma_start3A_287 = tpu.memref_slice %arg7[%add3A_213, %dma_start3A_286] : memref<106496x32xf32, #tpu.memory_space<hbm>> -> memref<128x32xf32, #tpu.memory_space<hbm>>
        tpu.enqueue_dma source(%arg25 : memref<128x32xf32, #tpu.memory_space<vmem>>) target(%dma_start3A_287 : memref<128x32xf32, #tpu.memory_space<hbm>>) target_semaphore(%run_scoped3A : memref<!tpu.dma_semaphore, #tpu.memory_space<semaphore_mem>>)
        %dma_wait3A_288 = arith.constant 0 : i32
        %dma_wait3A_289 = tpu.memref_slice %arg7[%add3A_213, %dma_wait3A_288] : memref<106496x32xf32, #tpu.memory_space<hbm>> -> memref<128x32xf32, #tpu.memory_space<hbm>>
        %dma_wait3A_290 = arith.constant 0 : i32
        %dma_wait3A_291 = tpu.memref_slice %arg7[%add3A_213, %dma_wait3A_290] : memref<106496x32xf32, #tpu.memory_space<hbm>> -> memref<128x32xf32, #tpu.memory_space<hbm>>
        tpu.wait_dma2 semaphore(%run_scoped3A : memref<!tpu.dma_semaphore, #tpu.memory_space<semaphore_mem>>) src(%arg25 : memref<128x32xf32, #tpu.memory_space<vmem>>) dst(%dma_wait3A_291 : memref<128x32xf32, #tpu.memory_space<hbm>>)
        tpu.yield
      }) : () -> ()
      %lt3A = arith.constant 12 : i32
      %lt3A_214 = arith.cmpi slt, %scan3A_195, %lt3A : i32
      %convert_element_type3A_215 = arith.extui %lt3A_214 : i1 to i32
      %cond3A_216 = arith.constant 0 : i32
      %cond3A_217 = arith.cmpi ne, %convert_element_type3A_215, %cond3A_216 : i32
      scf.if %cond3A_217 {
        %add3A_284 = arith.constant 2 : i32
        %add3A_285 = arith.addi %add3A_203, %add3A_284 : i32
        %mul3A_286 = arith.constant 128 : i32
        %mul3A_287 = arith.muli %add3A_285, %mul3A_286 : i32
        %add3A_288 = arith.addi %mul3A_0, %mul3A_287 : i32
        %dma_start3A_289 = arith.constant 0 : i32
        %dma_start3A_290 = tpu.memref_slice %arg30[%add3A_288, %dma_start3A_289] : memref<53248x32xf32, #tpu.memory_space<vmem_shared>> -> memref<128x32xf32, #tpu.memory_space<vmem_shared>>
        %dma_start3A_291 = arith.constant 0 : i32
        %dma_start3A_292 = tpu.memref_slice %arg30[%add3A_288, %dma_start3A_291] : memref<53248x32xf32, #tpu.memory_space<vmem_shared>> -> memref<128x32xf32, #tpu.memory_space<vmem_shared>>
        tpu.enqueue_dma source(%dma_start3A_292 : memref<128x32xf32, #tpu.memory_space<vmem_shared>>) target(%arg25 : memref<128x32xf32, #tpu.memory_space<vmem>>) target_semaphore(%arg31 : memref<!tpu.dma_semaphore, #tpu.memory_space<semaphore_mem>>)
      } else {
      }
      %mul3A_218 = arith.constant 128 : i32
      %mul3A_219 = arith.muli %add3A_203, %mul3A_218 : i32
      %add3A_220 = arith.addi %mul3A_0, %mul3A_219 : i32
      %sub3A = arith.constant 50000 : i32
      %sub3A_221 = arith.subi %sub3A, %add3A_220 : i32
      %jit3A = arith.constant 0 : i32
      %jit3A_222 = arith.constant 128 : i32
      %max3A = arith.maxsi %jit3A, %sub3A_221 : i32
      %min3A = arith.minsi %jit3A_222, %max3A : i32
      %broadcast_in_dim3A_223 = arith.constant 0.000000e+00 : f32
      %broadcast_in_dim3A_224 = vector.broadcast %broadcast_in_dim3A_223 : f32 to vector<16xf32>
      %while3A = arith.constant 0 : i32
      %while3A_225 = arith.subi %min3A, %while3A : i32
      %while3A_226 = arith.addi %while3A, %while3A_225 : i32
      %while3A_227 = arith.constant 1 : i32
      %while3A_228 = arith.divsi %while3A_225, %while3A_227 : i32
      %while3A_229 = arith.muli %while3A_228, %while3A_227 : i32
      %while3A_230 = arith.addi %while3A, %while3A_229 : i32
      %while3A_231 = arith.constant 1 : i32
      %while3A_232:4 = scf.for %while3A_284 = %while3A to %while3A_230 step %while3A_231 iter_args(%while3A_285 = %broadcast_in_dim3A_224, %while3A_286 = %broadcast_in_dim3A_224, %while3A_287 = %broadcast_in_dim3A_224, %while3A_288 = %broadcast_in_dim3A_224) -> (vector<16xf32>, vector<16xf32>, vector<16xf32>, vector<16xf32>)  : i32 {
        %get3A = arith.index_cast %while3A_284 : i32 to index
        %get3A_289 = arith.constant 0 : index
        %get3A_290 = tpu.vector_load %arg25[%get3A, %get3A_289] {strides = array<i32>} : memref<128x32xf32, #tpu.memory_space<vmem>>, vector<1x16xf32>,
        %get3A_291 = vector.shape_cast %get3A_290 : vector<1x16xf32> to vector<16xf32>
        %get3A_292 = arith.index_cast %while3A_284 : i32 to index
        %get3A_293 = arith.constant 16 : index
        %get3A_294 = tpu.vector_load %arg25[%get3A_292, %get3A_293] {strides = array<i32>} : memref<128x32xf32, #tpu.memory_space<vmem>>, vector<1x16xf32>,
        %get3A_295 = vector.shape_cast %get3A_294 : vector<1x16xf32> to vector<16xf32>
        %add3A_296 = arith.addf %while3A_285, %get3A_291 : vector<16xf32>
        %add3A_297 = arith.addf %while3A_286, %get3A_295 : vector<16xf32>
        %mul3A_298 = arith.mulf %get3A_291, %get3A_291 : vector<16xf32>
        %add3A_299 = arith.addf %while3A_287, %mul3A_298 : vector<16xf32>
        %mul3A_300 = arith.mulf %get3A_295, %get3A_295 : vector<16xf32>
        %add3A_301 = arith.addf %while3A_288, %mul3A_300 : vector<16xf32>
        scf.yield %add3A_296, %add3A_297, %add3A_299, %add3A_301 : vector<16xf32>, vector<16xf32>, vector<16xf32>, vector<16xf32>
      }
      %while3A_233 = arith.constant 1 : i32
      %while3A_234:4 = scf.for %while3A_284 = %while3A_230 to %while3A_226 step %while3A_233 iter_args(%while3A_285 = %while3A_232#0, %while3A_286 = %while3A_232#1, %while3A_287 = %while3A_232#2, %while3A_288 = %while3A_232#3) -> (vector<16xf32>, vector<16xf32>, vector<16xf32>, vector<16xf32>)  : i32 {
        %get3A = arith.index_cast %while3A_284 : i32 to index
        %get3A_289 = arith.constant 0 : index
        %get3A_290 = tpu.vector_load %arg25[%get3A, %get3A_289] {strides = array<i32>} : memref<128x32xf32, #tpu.memory_space<vmem>>, vector<1x16xf32>,
        %get3A_291 = vector.shape_cast %get3A_290 : vector<1x16xf32> to vector<16xf32>
        %get3A_292 = arith.index_cast %while3A_284 : i32 to index
        %get3A_293 = arith.constant 16 : index
        %get3A_294 = tpu.vector_load %arg25[%get3A_292, %get3A_293] {strides = array<i32>} : memref<128x32xf32, #tpu.memory_space<vmem>>, vector<1x16xf32>,
        %get3A_295 = vector.shape_cast %get3A_294 : vector<1x16xf32> to vector<16xf32>
        %add3A_296 = arith.addf %while3A_285, %get3A_291 : vector<16xf32>
        %add3A_297 = arith.addf %while3A_286, %get3A_295 : vector<16xf32>
        %mul3A_298 = arith.mulf %get3A_291, %get3A_291 : vector<16xf32>
        %add3A_299 = arith.addf %while3A_287, %mul3A_298 : vector<16xf32>
        %mul3A_300 = arith.mulf %get3A_295, %get3A_295 : vector<16xf32>
        %add3A_301 = arith.addf %while3A_288, %mul3A_300 : vector<16xf32>
        scf.yield %add3A_296, %add3A_297, %add3A_299, %add3A_301 : vector<16xf32>, vector<16xf32>, vector<16xf32>, vector<16xf32>
      }
      %add3A_235 = arith.addf %scan3A_196, %while3A_234#0 : vector<16xf32>
      %add3A_236 = arith.addf %scan3A_197, %while3A_234#1 : vector<16xf32>
      %add3A_237 = arith.addf %scan3A_198, %while3A_234#2 : vector<16xf32>
      %add3A_238 = arith.addf %scan3A_199, %while3A_234#3 : vector<16xf32>
      %mul3A_239 = arith.constant 2 : i32
      %mul3A_240 = arith.muli %mul3A_239, %scan3A_195 : i32
      %add3A_241 = arith.constant 1 : i32
      %add3A_242 = arith.addi %mul3A_240, %add3A_241 : i32
      %mul3A_243 = arith.constant 128 : i32
      %mul3A_244 = arith.muli %add3A_242, %mul3A_243 : i32
      %add3A_245 = arith.addi %mul3A_0, %mul3A_244 : i32
      %dma_wait3A_246 = arith.constant 0 : i32
      %dma_wait3A_247 = tpu.memref_slice %arg30[%add3A_245, %dma_wait3A_246] : memref<53248x32xf32, #tpu.memory_space<vmem_shared>> -> memref<128x32xf32, #tpu.memory_space<vmem_shared>>
      %dma_wait3A_248 = arith.constant 0 : i32
      %dma_wait3A_249 = tpu.memref_slice %arg30[%add3A_245, %dma_wait3A_248] : memref<53248x32xf32, #tpu.memory_space<vmem_shared>> -> memref<128x32xf32, #tpu.memory_space<vmem_shared>>
      tpu.wait_dma2 semaphore(%arg32 : memref<!tpu.dma_semaphore, #tpu.memory_space<semaphore_mem>>) src(%dma_wait3A_249 : memref<128x32xf32, #tpu.memory_space<vmem_shared>>) dst(%arg26 : memref<128x32xf32, #tpu.memory_space<vmem>>)
      %mul3A_250 = arith.constant 128 : i32
      %mul3A_251 = arith.muli %add3A_242, %mul3A_250 : i32
      %add3A_252 = arith.addi %add3A, %mul3A_251 : i32
      "tpu.region"() ({
        %run_scoped3A = tpu.sem_alloc : memref<!tpu.dma_semaphore, #tpu.memory_space<semaphore_mem>>
        %dma_start3A_284 = arith.constant 0 : i32
        %dma_start3A_285 = tpu.memref_slice %arg7[%add3A_252, %dma_start3A_284] : memref<106496x32xf32, #tpu.memory_space<hbm>> -> memref<128x32xf32, #tpu.memory_space<hbm>>
        %dma_start3A_286 = arith.constant 0 : i32
        %dma_start3A_287 = tpu.memref_slice %arg7[%add3A_252, %dma_start3A_286] : memref<106496x32xf32, #tpu.memory_space<hbm>> -> memref<128x32xf32, #tpu.memory_space<hbm>>
        tpu.enqueue_dma source(%arg26 : memref<128x32xf32, #tpu.memory_space<vmem>>) target(%dma_start3A_287 : memref<128x32xf32, #tpu.memory_space<hbm>>) target_semaphore(%run_scoped3A : memref<!tpu.dma_semaphore, #tpu.memory_space<semaphore_mem>>)
        %dma_wait3A_288 = arith.constant 0 : i32
        %dma_wait3A_289 = tpu.memref_slice %arg7[%add3A_252, %dma_wait3A_288] : memref<106496x32xf32, #tpu.memory_space<hbm>> -> memref<128x32xf32, #tpu.memory_space<hbm>>
        %dma_wait3A_290 = arith.constant 0 : i32
        %dma_wait3A_291 = tpu.memref_slice %arg7[%add3A_252, %dma_wait3A_290] : memref<106496x32xf32, #tpu.memory_space<hbm>> -> memref<128x32xf32, #tpu.memory_space<hbm>>
        tpu.wait_dma2 semaphore(%run_scoped3A : memref<!tpu.dma_semaphore, #tpu.memory_space<semaphore_mem>>) src(%arg26 : memref<128x32xf32, #tpu.memory_space<vmem>>) dst(%dma_wait3A_291 : memref<128x32xf32, #tpu.memory_space<hbm>>)
        tpu.yield
      }) : () -> ()
      %lt3A_253 = arith.constant 12 : i32
      %lt3A_254 = arith.cmpi slt, %scan3A_195, %lt3A_253 : i32
      %convert_element_type3A_255 = arith.extui %lt3A_254 : i1 to i32
      %cond3A_256 = arith.constant 0 : i32
      %cond3A_257 = arith.cmpi ne, %convert_element_type3A_255, %cond3A_256 : i32
      scf.if %cond3A_257 {
        %add3A_284 = arith.constant 2 : i32
        %add3A_285 = arith.addi %add3A_242, %add3A_284 : i32
        %mul3A_286 = arith.constant 128 : i32
        %mul3A_287 = arith.muli %add3A_285, %mul3A_286 : i32
        %add3A_288 = arith.addi %mul3A_0, %mul3A_287 : i32
        %dma_start3A_289 = arith.constant 0 : i32
        %dma_start3A_290 = tpu.memref_slice %arg30[%add3A_288, %dma_start3A_289] : memref<53248x32xf32, #tpu.memory_space<vmem_shared>> -> memref<128x32xf32, #tpu.memory_space<vmem_shared>>
        %dma_start3A_291 = arith.constant 0 : i32
        %dma_start3A_292 = tpu.memref_slice %arg30[%add3A_288, %dma_start3A_291] : memref<53248x32xf32, #tpu.memory_space<vmem_shared>> -> memref<128x32xf32, #tpu.memory_space<vmem_shared>>
        tpu.enqueue_dma source(%dma_start3A_292 : memref<128x32xf32, #tpu.memory_space<vmem_shared>>) target(%arg26 : memref<128x32xf32, #tpu.memory_space<vmem>>) target_semaphore(%arg32 : memref<!tpu.dma_semaphore, #tpu.memory_space<semaphore_mem>>)
      } else {
      }
      %mul3A_258 = arith.constant 128 : i32
      %mul3A_259 = arith.muli %add3A_242, %mul3A_258 : i32
      %add3A_260 = arith.addi %mul3A_0, %mul3A_259 : i32
      %sub3A_261 = arith.constant 50000 : i32
      %sub3A_262 = arith.subi %sub3A_261, %add3A_260 : i32
      %jit3A_263 = arith.constant 0 : i32
      %jit3A_264 = arith.constant 128 : i32
      %max3A_265 = arith.maxsi %jit3A_263, %sub3A_262 : i32
      %min3A_266 = arith.minsi %jit3A_264, %max3A_265 : i32
      %broadcast_in_dim3A_267 = arith.constant 0.000000e+00 : f32
      %broadcast_in_dim3A_268 = vector.broadcast %broadcast_in_dim3A_267 : f32 to vector<16xf32>
      %while3A_269 = arith.constant 0 : i32
      %while3A_270 = arith.subi %min3A_266, %while3A_269 : i32
      %while3A_271 = arith.addi %while3A_269, %while3A_270 : i32
      %while3A_272 = arith.constant 1 : i32
      %while3A_273 = arith.divsi %while3A_270, %while3A_272 : i32
      %while3A_274 = arith.muli %while3A_273, %while3A_272 : i32
      %while3A_275 = arith.addi %while3A_269, %while3A_274 : i32
      %while3A_276 = arith.constant 1 : i32
      %while3A_277:4 = scf.for %while3A_284 = %while3A_269 to %while3A_275 step %while3A_276 iter_args(%while3A_285 = %broadcast_in_dim3A_268, %while3A_286 = %broadcast_in_dim3A_268, %while3A_287 = %broadcast_in_dim3A_268, %while3A_288 = %broadcast_in_dim3A_268) -> (vector<16xf32>, vector<16xf32>, vector<16xf32>, vector<16xf32>)  : i32 {
        %get3A = arith.index_cast %while3A_284 : i32 to index
        %get3A_289 = arith.constant 0 : index
        %get3A_290 = tpu.vector_load %arg26[%get3A, %get3A_289] {strides = array<i32>} : memref<128x32xf32, #tpu.memory_space<vmem>>, vector<1x16xf32>,
        %get3A_291 = vector.shape_cast %get3A_290 : vector<1x16xf32> to vector<16xf32>
        %get3A_292 = arith.index_cast %while3A_284 : i32 to index
        %get3A_293 = arith.constant 16 : index
        %get3A_294 = tpu.vector_load %arg26[%get3A_292, %get3A_293] {strides = array<i32>} : memref<128x32xf32, #tpu.memory_space<vmem>>, vector<1x16xf32>,
        %get3A_295 = vector.shape_cast %get3A_294 : vector<1x16xf32> to vector<16xf32>
        %add3A_296 = arith.addf %while3A_285, %get3A_291 : vector<16xf32>
        %add3A_297 = arith.addf %while3A_286, %get3A_295 : vector<16xf32>
        %mul3A_298 = arith.mulf %get3A_291, %get3A_291 : vector<16xf32>
        %add3A_299 = arith.addf %while3A_287, %mul3A_298 : vector<16xf32>
        %mul3A_300 = arith.mulf %get3A_295, %get3A_295 : vector<16xf32>
        %add3A_301 = arith.addf %while3A_288, %mul3A_300 : vector<16xf32>
        scf.yield %add3A_296, %add3A_297, %add3A_299, %add3A_301 : vector<16xf32>, vector<16xf32>, vector<16xf32>, vector<16xf32>
      }
      %while3A_278 = arith.constant 1 : i32
      %while3A_279:4 = scf.for %while3A_284 = %while3A_275 to %while3A_271 step %while3A_278 iter_args(%while3A_285 = %while3A_277#0, %while3A_286 = %while3A_277#1, %while3A_287 = %while3A_277#2, %while3A_288 = %while3A_277#3) -> (vector<16xf32>, vector<16xf32>, vector<16xf32>, vector<16xf32>)  : i32 {
        %get3A = arith.index_cast %while3A_284 : i32 to index
        %get3A_289 = arith.constant 0 : index
        %get3A_290 = tpu.vector_load %arg26[%get3A, %get3A_289] {strides = array<i32>} : memref<128x32xf32, #tpu.memory_space<vmem>>, vector<1x16xf32>,
        %get3A_291 = vector.shape_cast %get3A_290 : vector<1x16xf32> to vector<16xf32>
        %get3A_292 = arith.index_cast %while3A_284 : i32 to index
        %get3A_293 = arith.constant 16 : index
        %get3A_294 = tpu.vector_load %arg26[%get3A_292, %get3A_293] {strides = array<i32>} : memref<128x32xf32, #tpu.memory_space<vmem>>, vector<1x16xf32>,
        %get3A_295 = vector.shape_cast %get3A_294 : vector<1x16xf32> to vector<16xf32>
        %add3A_296 = arith.addf %while3A_285, %get3A_291 : vector<16xf32>
        %add3A_297 = arith.addf %while3A_286, %get3A_295 : vector<16xf32>
        %mul3A_298 = arith.mulf %get3A_291, %get3A_291 : vector<16xf32>
        %add3A_299 = arith.addf %while3A_287, %mul3A_298 : vector<16xf32>
        %mul3A_300 = arith.mulf %get3A_295, %get3A_295 : vector<16xf32>
        %add3A_301 = arith.addf %while3A_288, %mul3A_300 : vector<16xf32>
        scf.yield %add3A_296, %add3A_297, %add3A_299, %add3A_301 : vector<16xf32>, vector<16xf32>, vector<16xf32>, vector<16xf32>
      }
      %add3A_280 = arith.addf %add3A_235, %while3A_279#0 : vector<16xf32>
      %add3A_281 = arith.addf %add3A_236, %while3A_279#1 : vector<16xf32>
      %add3A_282 = arith.addf %add3A_237, %while3A_279#2 : vector<16xf32>
      %add3A_283 = arith.addf %add3A_238, %while3A_279#3 : vector<16xf32>
      scf.yield %add3A_280, %add3A_281, %add3A_282, %add3A_283 : vector<16xf32>, vector<16xf32>, vector<16xf32>, vector<16xf32>
    }
    %scan3A_140 = arith.constant 13 : i32
    %swap3A = arith.constant 0 : i32
    %swap3A_141 = arith.index_cast %swap3A : i32 to index
    %swap3A_142 = arith.constant 0 : index
    %swap3A_143 = tpu.vector_load %arg29[%swap3A_141, %swap3A_142] {strides = array<i32>} : memref<2x64xf32, #tpu.memory_space<vmem>>, vector<1x16xf32>,
    %swap3A_144 = vector.shape_cast %swap3A_143 : vector<1x16xf32> to vector<16xf32>
    %swap3A_145 = vector.shape_cast %broadcast_in_dim3A_122 : vector<16xf32> to vector<1x16xf32>
    tpu.vector_store %arg29[%swap3A_141, %swap3A_142], %swap3A_145 {strides = array<i32>} : memref<2x64xf32, #tpu.memory_space<vmem>>, vector<1x16xf32>,
    %swap3A_146 = arith.constant 0 : i32
    %swap3A_147 = arith.index_cast %swap3A_146 : i32 to index
    %swap3A_148 = arith.constant 16 : index
    %swap3A_149 = tpu.vector_load %arg29[%swap3A_147, %swap3A_148] {strides = array<i32>} : memref<2x64xf32, #tpu.memory_space<vmem>>, vector<1x16xf32>,
    %swap3A_150 = vector.shape_cast %swap3A_149 : vector<1x16xf32> to vector<16xf32>
    %swap3A_151 = vector.shape_cast %broadcast_in_dim3A_122 : vector<16xf32> to vector<1x16xf32>
    tpu.vector_store %arg29[%swap3A_147, %swap3A_148], %swap3A_151 {strides = array<i32>} : memref<2x64xf32, #tpu.memory_space<vmem>>, vector<1x16xf32>,
    %swap3A_152 = arith.constant 0 : i32
    %swap3A_153 = arith.index_cast %swap3A_152 : i32 to index
    %swap3A_154 = arith.constant 32 : index
    %swap3A_155 = tpu.vector_load %arg29[%swap3A_153, %swap3A_154] {strides = array<i32>} : memref<2x64xf32, #tpu.memory_space<vmem>>, vector<1x16xf32>,
    %swap3A_156 = vector.shape_cast %swap3A_155 : vector<1x16xf32> to vector<16xf32>
    %swap3A_157 = vector.shape_cast %broadcast_in_dim3A_122 : vector<16xf32> to vector<1x16xf32>
    tpu.vector_store %arg29[%swap3A_153, %swap3A_154], %swap3A_157 {strides = array<i32>} : memref<2x64xf32, #tpu.memory_space<vmem>>, vector<1x16xf32>,
    %swap3A_158 = arith.constant 0 : i32
    %swap3A_159 = arith.index_cast %swap3A_158 : i32 to index
    %swap3A_160 = arith.constant 48 : index
    %swap3A_161 = tpu.vector_load %arg29[%swap3A_159, %swap3A_160] {strides = array<i32>} : memref<2x64xf32, #tpu.memory_space<vmem>>, vector<1x16xf32>,
    %swap3A_162 = vector.shape_cast %swap3A_161 : vector<1x16xf32> to vector<16xf32>
    %swap3A_163 = vector.shape_cast %broadcast_in_dim3A_122 : vector<16xf32> to vector<1x16xf32>
    tpu.vector_store %arg29[%swap3A_159, %swap3A_160], %swap3A_163 {strides = array<i32>} : memref<2x64xf32, #tpu.memory_space<vmem>>, vector<1x16xf32>,
    %swap3A_164 = arith.constant 1 : i32
    %swap3A_165 = arith.index_cast %swap3A_164 : i32 to index
    %swap3A_166 = arith.constant 0 : index
    %swap3A_167 = tpu.vector_load %arg29[%swap3A_165, %swap3A_166] {strides = array<i32>} : memref<2x64xf32, #tpu.memory_space<vmem>>, vector<1x16xf32>,
    %swap3A_168 = vector.shape_cast %swap3A_167 : vector<1x16xf32> to vector<16xf32>
    %swap3A_169 = vector.shape_cast %broadcast_in_dim3A_122 : vector<16xf32> to vector<1x16xf32>
    tpu.vector_store %arg29[%swap3A_165, %swap3A_166], %swap3A_169 {strides = array<i32>} : memref<2x64xf32, #tpu.memory_space<vmem>>, vector<1x16xf32>,
    %swap3A_170 = arith.constant 1 : i32
    %swap3A_171 = arith.index_cast %swap3A_170 : i32 to index
    %swap3A_172 = arith.constant 16 : index
    %swap3A_173 = tpu.vector_load %arg29[%swap3A_171, %swap3A_172] {strides = array<i32>} : memref<2x64xf32, #tpu.memory_space<vmem>>, vector<1x16xf32>,
    %swap3A_174 = vector.shape_cast %swap3A_173 : vector<1x16xf32> to vector<16xf32>
    %swap3A_175 = vector.shape_cast %broadcast_in_dim3A_122 : vector<16xf32> to vector<1x16xf32>
    tpu.vector_store %arg29[%swap3A_171, %swap3A_172], %swap3A_175 {strides = array<i32>} : memref<2x64xf32, #tpu.memory_space<vmem>>, vector<1x16xf32>,
    %swap3A_176 = arith.constant 1 : i32
    %swap3A_177 = arith.index_cast %swap3A_176 : i32 to index
    %swap3A_178 = arith.constant 32 : index
    %swap3A_179 = tpu.vector_load %arg29[%swap3A_177, %swap3A_178] {strides = array<i32>} : memref<2x64xf32, #tpu.memory_space<vmem>>, vector<1x16xf32>,
    %swap3A_180 = vector.shape_cast %swap3A_179 : vector<1x16xf32> to vector<16xf32>
    %swap3A_181 = vector.shape_cast %broadcast_in_dim3A_122 : vector<16xf32> to vector<1x16xf32>
    tpu.vector_store %arg29[%swap3A_177, %swap3A_178], %swap3A_181 {strides = array<i32>} : memref<2x64xf32, #tpu.memory_space<vmem>>, vector<1x16xf32>,
    %swap3A_182 = arith.constant 1 : i32
    %swap3A_183 = arith.index_cast %swap3A_182 : i32 to index
    %swap3A_184 = arith.constant 48 : index
    %swap3A_185 = tpu.vector_load %arg29[%swap3A_183, %swap3A_184] {strides = array<i32>} : memref<2x64xf32, #tpu.memory_space<vmem>>, vector<1x16xf32>,
    %swap3A_186 = vector.shape_cast %swap3A_185 : vector<1x16xf32> to vector<16xf32>
    %swap3A_187 = vector.shape_cast %broadcast_in_dim3A_122 : vector<16xf32> to vector<1x16xf32>
    tpu.vector_store %arg29[%swap3A_183, %swap3A_184], %swap3A_187 {strides = array<i32>} : memref<2x64xf32, #tpu.memory_space<vmem>>, vector<1x16xf32>,
    %eq3A = arith.constant 0 : i32
    %eq3A_188 = arith.cmpi eq, %arg0, %eq3A : i32
    %convert_element_type3A = arith.extui %eq3A_188 : i1 to i32
    %cond3A = arith.constant 0 : i32
    %cond3A_189 = arith.cmpi ne, %convert_element_type3A, %cond3A : i32
    scf.if %cond3A_189 {
      %swap3A_195 = arith.constant 0 : i32
      %swap3A_196 = arith.index_cast %swap3A_195 : i32 to index
      %swap3A_197 = arith.constant 0 : index
      %swap3A_198 = tpu.vector_load %arg29[%swap3A_196, %swap3A_197] {strides = array<i32>} : memref<2x64xf32, #tpu.memory_space<vmem>>, vector<1x16xf32>,
      %swap3A_199 = vector.shape_cast %swap3A_198 : vector<1x16xf32> to vector<16xf32>
      %swap3A_200 = vector.shape_cast %scan3A_139#0 : vector<16xf32> to vector<1x16xf32>
      tpu.vector_store %arg29[%swap3A_196, %swap3A_197], %swap3A_200 {strides = array<i32>} : memref<2x64xf32, #tpu.memory_space<vmem>>, vector<1x16xf32>,
      %swap3A_201 = arith.constant 0 : i32
      %swap3A_202 = arith.index_cast %swap3A_201 : i32 to index
      %swap3A_203 = arith.constant 16 : index
      %swap3A_204 = tpu.vector_load %arg29[%swap3A_202, %swap3A_203] {strides = array<i32>} : memref<2x64xf32, #tpu.memory_space<vmem>>, vector<1x16xf32>,
      %swap3A_205 = vector.shape_cast %swap3A_204 : vector<1x16xf32> to vector<16xf32>
      %swap3A_206 = vector.shape_cast %scan3A_139#1 : vector<16xf32> to vector<1x16xf32>
      tpu.vector_store %arg29[%swap3A_202, %swap3A_203], %swap3A_206 {strides = array<i32>} : memref<2x64xf32, #tpu.memory_space<vmem>>, vector<1x16xf32>,
      %swap3A_207 = arith.constant 1 : i32
      %swap3A_208 = arith.index_cast %swap3A_207 : i32 to index
      %swap3A_209 = arith.constant 0 : index
      %swap3A_210 = tpu.vector_load %arg29[%swap3A_208, %swap3A_209] {strides = array<i32>} : memref<2x64xf32, #tpu.memory_space<vmem>>, vector<1x16xf32>,
      %swap3A_211 = vector.shape_cast %swap3A_210 : vector<1x16xf32> to vector<16xf32>
      %swap3A_212 = vector.shape_cast %scan3A_139#2 : vector<16xf32> to vector<1x16xf32>
      tpu.vector_store %arg29[%swap3A_208, %swap3A_209], %swap3A_212 {strides = array<i32>} : memref<2x64xf32, #tpu.memory_space<vmem>>, vector<1x16xf32>,
      %swap3A_213 = arith.constant 1 : i32
      %swap3A_214 = arith.index_cast %swap3A_213 : i32 to index
      %swap3A_215 = arith.constant 16 : index
      %swap3A_216 = tpu.vector_load %arg29[%swap3A_214, %swap3A_215] {strides = array<i32>} : memref<2x64xf32, #tpu.memory_space<vmem>>, vector<1x16xf32>,
      %swap3A_217 = vector.shape_cast %swap3A_216 : vector<1x16xf32> to vector<16xf32>
      %swap3A_218 = vector.shape_cast %scan3A_139#3 : vector<16xf32> to vector<1x16xf32>
      tpu.vector_store %arg29[%swap3A_214, %swap3A_215], %swap3A_218 {strides = array<i32>} : memref<2x64xf32, #tpu.memory_space<vmem>>, vector<1x16xf32>,
    } else {
    }
    %eq3A_190 = arith.constant 1 : i32
    %eq3A_191 = arith.cmpi eq, %arg0, %eq3A_190 : i32
    %convert_element_type3A_192 = arith.extui %eq3A_191 : i1 to i32
    %cond3A_193 = arith.constant 0 : i32
    %cond3A_194 = arith.cmpi ne, %convert_element_type3A_192, %cond3A_193 : i32
    scf.if %cond3A_194 {
      %swap3A_195 = arith.constant 0 : i32
      %swap3A_196 = arith.index_cast %swap3A_195 : i32 to index
      %swap3A_197 = arith.constant 32 : index
      %swap3A_198 = tpu.vector_load %arg29[%swap3A_196, %swap3A_197] {strides = array<i32>} : memref<2x64xf32, #tpu.memory_space<vmem>>, vector<1x16xf32>,
      %swap3A_199 = vector.shape_cast %swap3A_198 : vector<1x16xf32> to vector<16xf32>
      %swap3A_200 = vector.shape_cast %scan3A_139#0 : vector<16xf32> to vector<1x16xf32>
      tpu.vector_store %arg29[%swap3A_196, %swap3A_197], %swap3A_200 {strides = array<i32>} : memref<2x64xf32, #tpu.memory_space<vmem>>, vector<1x16xf32>,
      %swap3A_201 = arith.constant 0 : i32
      %swap3A_202 = arith.index_cast %swap3A_201 : i32 to index
      %swap3A_203 = arith.constant 48 : index
      %swap3A_204 = tpu.vector_load %arg29[%swap3A_202, %swap3A_203] {strides = array<i32>} : memref<2x64xf32, #tpu.memory_space<vmem>>, vector<1x16xf32>,
      %swap3A_205 = vector.shape_cast %swap3A_204 : vector<1x16xf32> to vector<16xf32>
      %swap3A_206 = vector.shape_cast %scan3A_139#1 : vector<16xf32> to vector<1x16xf32>
      tpu.vector_store %arg29[%swap3A_202, %swap3A_203], %swap3A_206 {strides = array<i32>} : memref<2x64xf32, #tpu.memory_space<vmem>>, vector<1x16xf32>,
      %swap3A_207 = arith.constant 1 : i32
      %swap3A_208 = arith.index_cast %swap3A_207 : i32 to index
      %swap3A_209 = arith.constant 32 : index
      %swap3A_210 = tpu.vector_load %arg29[%swap3A_208, %swap3A_209] {strides = array<i32>} : memref<2x64xf32, #tpu.memory_space<vmem>>, vector<1x16xf32>,
      %swap3A_211 = vector.shape_cast %swap3A_210 : vector<1x16xf32> to vector<16xf32>
      %swap3A_212 = vector.shape_cast %scan3A_139#2 : vector<16xf32> to vector<1x16xf32>
      tpu.vector_store %arg29[%swap3A_208, %swap3A_209], %swap3A_212 {strides = array<i32>} : memref<2x64xf32, #tpu.memory_space<vmem>>, vector<1x16xf32>,
      %swap3A_213 = arith.constant 1 : i32
      %swap3A_214 = arith.index_cast %swap3A_213 : i32 to index
      %swap3A_215 = arith.constant 48 : index
      %swap3A_216 = tpu.vector_load %arg29[%swap3A_214, %swap3A_215] {strides = array<i32>} : memref<2x64xf32, #tpu.memory_space<vmem>>, vector<1x16xf32>,
      %swap3A_217 = vector.shape_cast %swap3A_216 : vector<1x16xf32> to vector<16xf32>
      %swap3A_218 = vector.shape_cast %scan3A_139#3 : vector<16xf32> to vector<1x16xf32>
      tpu.vector_store %arg29[%swap3A_214, %swap3A_215], %swap3A_218 {strides = array<i32>} : memref<2x64xf32, #tpu.memory_space<vmem>>, vector<1x16xf32>,
    } else {
    }
    "tpu.region"() ({
      %run_scoped3A = tpu.sem_alloc : memref<!tpu.dma_semaphore, #tpu.memory_space<semaphore_mem>>
      %dma_start3A_195 = arith.constant 0 : i32
      %dma_start3A_196 = arith.constant 0 : i32
      %dma_start3A_197 = tpu.memref_slice %arg8[%add3A_121, %dma_start3A_195, %dma_start3A_196] : memref<32x2x64xf32, #tpu.memory_space<hbm>> -> memref<1x2x64xf32, #tpu.memory_space<hbm>>
      %dma_start3A_198 = tpu.memref_squeeze %dma_start3A_197 : memref<1x2x64xf32, #tpu.memory_space<hbm>> -> memref<2x64xf32, #tpu.memory_space<hbm>>
      %dma_start3A_199 = arith.constant 0 : i32
      %dma_start3A_200 = arith.constant 0 : i32
      %dma_start3A_201 = tpu.memref_slice %arg8[%add3A_121, %dma_start3A_199, %dma_start3A_200] : memref<32x2x64xf32, #tpu.memory_space<hbm>> -> memref<1x2x64xf32, #tpu.memory_space<hbm>>
      %dma_start3A_202 = tpu.memref_squeeze %dma_start3A_201 : memref<1x2x64xf32, #tpu.memory_space<hbm>> -> memref<2x64xf32, #tpu.memory_space<hbm>>
      tpu.enqueue_dma source(%arg29 : memref<2x64xf32, #tpu.memory_space<vmem>>) target(%dma_start3A_202 : memref<2x64xf32, #tpu.memory_space<hbm>>) target_semaphore(%run_scoped3A : memref<!tpu.dma_semaphore, #tpu.memory_space<semaphore_mem>>)
      %dma_wait3A_203 = arith.constant 0 : i32
      %dma_wait3A_204 = arith.constant 0 : i32
      %dma_wait3A_205 = tpu.memref_slice %arg8[%add3A_121, %dma_wait3A_203, %dma_wait3A_204] : memref<32x2x64xf32, #tpu.memory_space<hbm>> -> memref<1x2x64xf32, #tpu.memory_space<hbm>>
      %dma_wait3A_206 = tpu.memref_squeeze %dma_wait3A_205 : memref<1x2x64xf32, #tpu.memory_space<hbm>> -> memref<2x64xf32, #tpu.memory_space<hbm>>
      %dma_wait3A_207 = arith.constant 0 : i32
      %dma_wait3A_208 = arith.constant 0 : i32
      %dma_wait3A_209 = tpu.memref_slice %arg8[%add3A_121, %dma_wait3A_207, %dma_wait3A_208] : memref<32x2x64xf32, #tpu.memory_space<hbm>> -> memref<1x2x64xf32, #tpu.memory_space<hbm>>
      %dma_wait3A_210 = tpu.memref_squeeze %dma_wait3A_209 : memref<1x2x64xf32, #tpu.memory_space<hbm>> -> memref<2x64xf32, #tpu.memory_space<hbm>>
      tpu.wait_dma2 semaphore(%run_scoped3A : memref<!tpu.dma_semaphore, #tpu.memory_space<semaphore_mem>>) src(%arg29 : memref<2x64xf32, #tpu.memory_space<vmem>>) dst(%dma_wait3A_210 : memref<2x64xf32, #tpu.memory_space<hbm>>)
      tpu.yield
    }) : () -> ()
    return
  }
}

#map = affine_map<(d0, d1) -> (0, 0)>
#map1 = affine_map<(d0, d1) -> (0)>
#map2 = affine_map<(d0, d1) -> (0, 0, 0)>
module attributes {stable_mosaic.version = 14 : i64} {
  func.func @_gin2_body(%arg0: i32, %arg1: i32, %arg2: memref<106496x32xf32, #tpu.memory_space<hbm>>, %arg3: memref<1605632xi32, #tpu.memory_space<hbm>>, %arg4: memref<802816xi32, #tpu.memory_space<hbm>>, %arg5: memref<106496x32xf32, #tpu.memory_space<hbm>>, %arg6: memref<32x2x64xf32, #tpu.memory_space<hbm>>, %arg7: memref<128xi32, #tpu.memory_space<vmem>>, %arg8: memref<128xi32, #tpu.memory_space<vmem>>, %arg9: memref<128xi32, #tpu.memory_space<vmem>>, %arg10: memref<128xi32, #tpu.memory_space<vmem>>, %arg11: memref<128xi32, #tpu.memory_space<vmem>>, %arg12: memref<128xi32, #tpu.memory_space<vmem>>, %arg13: memref<128xi32, #tpu.memory_space<vmem>>, %arg14: memref<128xi32, #tpu.memory_space<vmem>>, %arg15: memref<128xi32, #tpu.memory_space<vmem>>, %arg16: memref<128xi32, #tpu.memory_space<vmem>>, %arg17: memref<128xi32, #tpu.memory_space<vmem>>, %arg18: memref<128xi32, #tpu.memory_space<vmem>>, %arg19: memref<128xi32, #tpu.memory_space<vmem>>, %arg20: memref<128xi32, #tpu.memory_space<vmem>>, %arg21: memref<128xi32, #tpu.memory_space<vmem>>, %arg22: memref<128xi32, #tpu.memory_space<vmem>>, %arg23: memref<128x32xf32, #tpu.memory_space<vmem>>, %arg24: memref<128x32xf32, #tpu.memory_space<vmem>>, %arg25: memref<128x32xf32, #tpu.memory_space<vmem>>, %arg26: memref<128x32xf32, #tpu.memory_space<vmem>>, %arg27: memref<2x64xf32, #tpu.memory_space<vmem>>, %arg28: memref<53248x32xf32, #tpu.memory_space<vmem_shared>>, %arg29: memref<!tpu.dma_semaphore, #tpu.memory_space<semaphore_mem>>, %arg30: memref<!tpu.dma_semaphore, #tpu.memory_space<semaphore_mem>>, %arg31: memref<!tpu.dma_semaphore, #tpu.memory_space<semaphore_mem>>, %arg32: memref<!tpu.dma_semaphore, #tpu.memory_space<semaphore_mem>>, %arg33: memref<!tpu.dma_semaphore, #tpu.memory_space<semaphore_mem>>, %arg34: memref<!tpu.dma_semaphore, #tpu.memory_space<semaphore_mem>>, %arg35: memref<!tpu.dma_semaphore, #tpu.memory_space<semaphore_mem>>, %arg36: memref<!tpu.dma_semaphore, #tpu.memory_space<semaphore_mem>>, %arg37: memref<!tpu.dma_semaphore, #tpu.memory_space<semaphore_mem>>, %arg38: memref<!tpu.dma_semaphore, #tpu.memory_space<semaphore_mem>>, %arg39: memref<!tpu.dma_semaphore, #tpu.memory_space<semaphore_mem>>, %arg40: memref<!tpu.dma_semaphore, #tpu.memory_space<semaphore_mem>>, %arg41: memref<!tpu.dma_semaphore, #tpu.memory_space<semaphore_mem>>, %arg42: memref<!tpu.dma_semaphore, #tpu.memory_space<semaphore_mem>>, %arg43: memref<!tpu.dma_semaphore, #tpu.memory_space<semaphore_mem>>, %arg44: memref<!tpu.dma_semaphore, #tpu.memory_space<semaphore_mem>>, %arg45: memref<!tpu.dma_semaphore, #tpu.memory_space<semaphore_mem>>, %arg46: memref<!tpu.dma_semaphore, #tpu.memory_space<semaphore_mem>>, %arg47: memref<!tpu.dma_semaphore, #tpu.memory_space<semaphore_mem>>, %arg48: memref<!tpu.dma_semaphore, #tpu.memory_space<semaphore_mem>>, %arg49: memref<!tpu.dma_semaphore, #tpu.memory_space<semaphore_mem>>, %arg50: memref<!tpu.dma_semaphore, #tpu.memory_space<semaphore_mem>>, %arg51: memref<!tpu.dma_semaphore, #tpu.memory_space<semaphore_mem>>, %arg52: memref<!tpu.dma_semaphore, #tpu.memory_space<semaphore_mem>>) attributes {dimension_semantics = [#tpu.dimension_semantics<core_parallel>, #tpu.dimension_semantics<subcore_parallel>], iteration_bounds = array<i64: 2, 16>, scalar_prefetch = 0 : i64, scratch_operands = 46 : i64, tpu.core_type = #tpu.core_type<sc_vector_subcore>, window_params = [{transform_indices = #map}, {transform_indices = #map1}, {transform_indices = #map1}, {transform_indices = #map}, {transform_indices = #map2}]} {
    %mul3A = arith.constant 3328 : i32
    %mul3A_0 = arith.muli %arg1, %mul3A : i32
    %mul3A_1 = arith.constant 53248 : i32
    %mul3A_2 = arith.muli %arg0, %mul3A_1 : i32
    %add3A = arith.addi %mul3A_2, %mul3A_0 : i32
    %add3A_3 = arith.constant 0 : i32
    %add3A_4 = arith.addi %add3A, %add3A_3 : i32
    %dma_start3A = arith.constant 0 : i32
    %dma_start3A_5 = tpu.memref_slice %arg2[%add3A_4, %dma_start3A] : memref<106496x32xf32, #tpu.memory_space<hbm>> -> memref<128x32xf32, #tpu.memory_space<hbm>>
    %dma_start3A_6 = arith.constant 0 : i32
    %dma_start3A_7 = tpu.memref_slice %arg2[%add3A_4, %dma_start3A_6] : memref<106496x32xf32, #tpu.memory_space<hbm>> -> memref<128x32xf32, #tpu.memory_space<hbm>>
    tpu.enqueue_dma source(%dma_start3A_7 : memref<128x32xf32, #tpu.memory_space<hbm>>) target(%arg23 : memref<128x32xf32, #tpu.memory_space<vmem>>) target_semaphore(%arg29 : memref<!tpu.dma_semaphore, #tpu.memory_space<semaphore_mem>>)
    %add3A_8 = arith.constant 128 : i32
    %add3A_9 = arith.addi %add3A, %add3A_8 : i32
    %dma_start3A_10 = arith.constant 0 : i32
    %dma_start3A_11 = tpu.memref_slice %arg2[%add3A_9, %dma_start3A_10] : memref<106496x32xf32, #tpu.memory_space<hbm>> -> memref<128x32xf32, #tpu.memory_space<hbm>>
    %dma_start3A_12 = arith.constant 0 : i32
    %dma_start3A_13 = tpu.memref_slice %arg2[%add3A_9, %dma_start3A_12] : memref<106496x32xf32, #tpu.memory_space<hbm>> -> memref<128x32xf32, #tpu.memory_space<hbm>>
    tpu.enqueue_dma source(%dma_start3A_13 : memref<128x32xf32, #tpu.memory_space<hbm>>) target(%arg24 : memref<128x32xf32, #tpu.memory_space<vmem>>) target_semaphore(%arg30 : memref<!tpu.dma_semaphore, #tpu.memory_space<semaphore_mem>>)
    %scan3A = arith.constant 0 : i32
    %scan3A_14 = arith.constant 0 : i32
    %scan3A_15 = arith.constant 13 : i32
    %scan3A_16 = arith.addi %scan3A_14, %scan3A_15 : i32
    %scan3A_17 = arith.constant 1 : i32
    scf.for %scan3A_192 = %scan3A_14 to %scan3A_16 step %scan3A_17  : i32 {
      %mul3A_193 = arith.constant 2 : i32
      %mul3A_194 = arith.muli %mul3A_193, %scan3A_192 : i32
      %add3A_195 = arith.constant 0 : i32
      %add3A_196 = arith.addi %mul3A_194, %add3A_195 : i32
      %mul3A_197 = arith.constant 128 : i32
      %mul3A_198 = arith.muli %add3A_196, %mul3A_197 : i32
      %add3A_199 = arith.addi %add3A, %mul3A_198 : i32
      %dma_wait3A_200 = arith.constant 0 : i32
      %dma_wait3A_201 = tpu.memref_slice %arg2[%add3A_199, %dma_wait3A_200] : memref<106496x32xf32, #tpu.memory_space<hbm>> -> memref<128x32xf32, #tpu.memory_space<hbm>>
      %dma_wait3A_202 = arith.constant 0 : i32
      %dma_wait3A_203 = tpu.memref_slice %arg2[%add3A_199, %dma_wait3A_202] : memref<106496x32xf32, #tpu.memory_space<hbm>> -> memref<128x32xf32, #tpu.memory_space<hbm>>
      tpu.wait_dma2 semaphore(%arg29 : memref<!tpu.dma_semaphore, #tpu.memory_space<semaphore_mem>>) src(%dma_wait3A_203 : memref<128x32xf32, #tpu.memory_space<hbm>>) dst(%arg23 : memref<128x32xf32, #tpu.memory_space<vmem>>)
      %mul3A_204 = arith.constant 128 : i32
      %mul3A_205 = arith.muli %add3A_196, %mul3A_204 : i32
      %add3A_206 = arith.addi %mul3A_0, %mul3A_205 : i32
      "tpu.region"() ({
        %run_scoped3A = tpu.sem_alloc : memref<!tpu.dma_semaphore, #tpu.memory_space<semaphore_mem>>
        %dma_start3A_230 = arith.constant 0 : i32
        %dma_start3A_231 = tpu.memref_slice %arg28[%add3A_206, %dma_start3A_230] : memref<53248x32xf32, #tpu.memory_space<vmem_shared>> -> memref<128x32xf32, #tpu.memory_space<vmem_shared>>
        %dma_start3A_232 = arith.constant 0 : i32
        %dma_start3A_233 = tpu.memref_slice %arg28[%add3A_206, %dma_start3A_232] : memref<53248x32xf32, #tpu.memory_space<vmem_shared>> -> memref<128x32xf32, #tpu.memory_space<vmem_shared>>
        tpu.enqueue_dma source(%arg23 : memref<128x32xf32, #tpu.memory_space<vmem>>) target(%dma_start3A_233 : memref<128x32xf32, #tpu.memory_space<vmem_shared>>) target_semaphore(%run_scoped3A : memref<!tpu.dma_semaphore, #tpu.memory_space<semaphore_mem>>)
        %dma_wait3A_234 = arith.constant 0 : i32
        %dma_wait3A_235 = tpu.memref_slice %arg28[%add3A_206, %dma_wait3A_234] : memref<53248x32xf32, #tpu.memory_space<vmem_shared>> -> memref<128x32xf32, #tpu.memory_space<vmem_shared>>
        %dma_wait3A_236 = arith.constant 0 : i32
        %dma_wait3A_237 = tpu.memref_slice %arg28[%add3A_206, %dma_wait3A_236] : memref<53248x32xf32, #tpu.memory_space<vmem_shared>> -> memref<128x32xf32, #tpu.memory_space<vmem_shared>>
        tpu.wait_dma2 semaphore(%run_scoped3A : memref<!tpu.dma_semaphore, #tpu.memory_space<semaphore_mem>>) src(%arg23 : memref<128x32xf32, #tpu.memory_space<vmem>>) dst(%dma_wait3A_237 : memref<128x32xf32, #tpu.memory_space<vmem_shared>>)
        tpu.yield
      }) : () -> ()
      %lt3A = arith.constant 12 : i32
      %lt3A_207 = arith.cmpi slt, %scan3A_192, %lt3A : i32
      %convert_element_type3A_208 = arith.extui %lt3A_207 : i1 to i32
      %cond3A_209 = arith.constant 0 : i32
      %cond3A_210 = arith.cmpi ne, %convert_element_type3A_208, %cond3A_209 : i32
      scf.if %cond3A_210 {
        %add3A_230 = arith.constant 2 : i32
        %add3A_231 = arith.addi %add3A_196, %add3A_230 : i32
        %mul3A_232 = arith.constant 128 : i32
        %mul3A_233 = arith.muli %add3A_231, %mul3A_232 : i32
        %add3A_234 = arith.addi %add3A, %mul3A_233 : i32
        %dma_start3A_235 = arith.constant 0 : i32
        %dma_start3A_236 = tpu.memref_slice %arg2[%add3A_234, %dma_start3A_235] : memref<106496x32xf32, #tpu.memory_space<hbm>> -> memref<128x32xf32, #tpu.memory_space<hbm>>
        %dma_start3A_237 = arith.constant 0 : i32
        %dma_start3A_238 = tpu.memref_slice %arg2[%add3A_234, %dma_start3A_237] : memref<106496x32xf32, #tpu.memory_space<hbm>> -> memref<128x32xf32, #tpu.memory_space<hbm>>
        tpu.enqueue_dma source(%dma_start3A_238 : memref<128x32xf32, #tpu.memory_space<hbm>>) target(%arg23 : memref<128x32xf32, #tpu.memory_space<vmem>>) target_semaphore(%arg29 : memref<!tpu.dma_semaphore, #tpu.memory_space<semaphore_mem>>)
      } else {
      }
      %mul3A_211 = arith.constant 2 : i32
      %mul3A_212 = arith.muli %mul3A_211, %scan3A_192 : i32
      %add3A_213 = arith.constant 1 : i32
      %add3A_214 = arith.addi %mul3A_212, %add3A_213 : i32
      %mul3A_215 = arith.constant 128 : i32
      %mul3A_216 = arith.muli %add3A_214, %mul3A_215 : i32
      %add3A_217 = arith.addi %add3A, %mul3A_216 : i32
      %dma_wait3A_218 = arith.constant 0 : i32
      %dma_wait3A_219 = tpu.memref_slice %arg2[%add3A_217, %dma_wait3A_218] : memref<106496x32xf32, #tpu.memory_space<hbm>> -> memref<128x32xf32, #tpu.memory_space<hbm>>
      %dma_wait3A_220 = arith.constant 0 : i32
      %dma_wait3A_221 = tpu.memref_slice %arg2[%add3A_217, %dma_wait3A_220] : memref<106496x32xf32, #tpu.memory_space<hbm>> -> memref<128x32xf32, #tpu.memory_space<hbm>>
      tpu.wait_dma2 semaphore(%arg30 : memref<!tpu.dma_semaphore, #tpu.memory_space<semaphore_mem>>) src(%dma_wait3A_221 : memref<128x32xf32, #tpu.memory_space<hbm>>) dst(%arg24 : memref<128x32xf32, #tpu.memory_space<vmem>>)
      %mul3A_222 = arith.constant 128 : i32
      %mul3A_223 = arith.muli %add3A_214, %mul3A_222 : i32
      %add3A_224 = arith.addi %mul3A_0, %mul3A_223 : i32
      "tpu.region"() ({
        %run_scoped3A = tpu.sem_alloc : memref<!tpu.dma_semaphore, #tpu.memory_space<semaphore_mem>>
        %dma_start3A_230 = arith.constant 0 : i32
        %dma_start3A_231 = tpu.memref_slice %arg28[%add3A_224, %dma_start3A_230] : memref<53248x32xf32, #tpu.memory_space<vmem_shared>> -> memref<128x32xf32, #tpu.memory_space<vmem_shared>>
        %dma_start3A_232 = arith.constant 0 : i32
        %dma_start3A_233 = tpu.memref_slice %arg28[%add3A_224, %dma_start3A_232] : memref<53248x32xf32, #tpu.memory_space<vmem_shared>> -> memref<128x32xf32, #tpu.memory_space<vmem_shared>>
        tpu.enqueue_dma source(%arg24 : memref<128x32xf32, #tpu.memory_space<vmem>>) target(%dma_start3A_233 : memref<128x32xf32, #tpu.memory_space<vmem_shared>>) target_semaphore(%run_scoped3A : memref<!tpu.dma_semaphore, #tpu.memory_space<semaphore_mem>>)
        %dma_wait3A_234 = arith.constant 0 : i32
        %dma_wait3A_235 = tpu.memref_slice %arg28[%add3A_224, %dma_wait3A_234] : memref<53248x32xf32, #tpu.memory_space<vmem_shared>> -> memref<128x32xf32, #tpu.memory_space<vmem_shared>>
        %dma_wait3A_236 = arith.constant 0 : i32
        %dma_wait3A_237 = tpu.memref_slice %arg28[%add3A_224, %dma_wait3A_236] : memref<53248x32xf32, #tpu.memory_space<vmem_shared>> -> memref<128x32xf32, #tpu.memory_space<vmem_shared>>
        tpu.wait_dma2 semaphore(%run_scoped3A : memref<!tpu.dma_semaphore, #tpu.memory_space<semaphore_mem>>) src(%arg24 : memref<128x32xf32, #tpu.memory_space<vmem>>) dst(%dma_wait3A_237 : memref<128x32xf32, #tpu.memory_space<vmem_shared>>)
        tpu.yield
      }) : () -> ()
      %lt3A_225 = arith.constant 12 : i32
      %lt3A_226 = arith.cmpi slt, %scan3A_192, %lt3A_225 : i32
      %convert_element_type3A_227 = arith.extui %lt3A_226 : i1 to i32
      %cond3A_228 = arith.constant 0 : i32
      %cond3A_229 = arith.cmpi ne, %convert_element_type3A_227, %cond3A_228 : i32
      scf.if %cond3A_229 {
        %add3A_230 = arith.constant 2 : i32
        %add3A_231 = arith.addi %add3A_214, %add3A_230 : i32
        %mul3A_232 = arith.constant 128 : i32
        %mul3A_233 = arith.muli %add3A_231, %mul3A_232 : i32
        %add3A_234 = arith.addi %add3A, %mul3A_233 : i32
        %dma_start3A_235 = arith.constant 0 : i32
        %dma_start3A_236 = tpu.memref_slice %arg2[%add3A_234, %dma_start3A_235] : memref<106496x32xf32, #tpu.memory_space<hbm>> -> memref<128x32xf32, #tpu.memory_space<hbm>>
        %dma_start3A_237 = arith.constant 0 : i32
        %dma_start3A_238 = tpu.memref_slice %arg2[%add3A_234, %dma_start3A_237] : memref<106496x32xf32, #tpu.memory_space<hbm>> -> memref<128x32xf32, #tpu.memory_space<hbm>>
        tpu.enqueue_dma source(%dma_start3A_238 : memref<128x32xf32, #tpu.memory_space<hbm>>) target(%arg24 : memref<128x32xf32, #tpu.memory_space<vmem>>) target_semaphore(%arg30 : memref<!tpu.dma_semaphore, #tpu.memory_space<semaphore_mem>>)
      } else {
      }
    }
    %scan3A_18 = arith.constant 13 : i32
    %barrier3A = arith.constant 0 : index
    tpu.barrier barrier_id(%barrier3A)
    %mul3A_19 = arith.constant 16 : i32
    %mul3A_20 = arith.muli %arg0, %mul3A_19 : i32
    %add3A_21 = arith.addi %mul3A_20, %arg1 : i32
    %mul3A_22 = arith.constant 50176 : i32
    %mul3A_23 = arith.muli %add3A_21, %mul3A_22 : i32
    %mul3A_24 = arith.constant 50176 : i32
    %mul3A_25 = arith.muli %arg1, %mul3A_24 : i32
    %add3A_26 = arith.constant 0 : i32
    %add3A_27 = arith.addi %mul3A_23, %add3A_26 : i32
    %dma_start3A_28 = tpu.memref_slice %arg3[%add3A_27] : memref<1605632xi32, #tpu.memory_space<hbm>> -> memref<128xi32, #tpu.memory_space<hbm>>
    %dma_start3A_29 = tpu.memref_slice %arg3[%add3A_27] : memref<1605632xi32, #tpu.memory_space<hbm>> -> memref<128xi32, #tpu.memory_space<hbm>>
    tpu.enqueue_dma source(%dma_start3A_29 : memref<128xi32, #tpu.memory_space<hbm>>) target(%arg7 : memref<128xi32, #tpu.memory_space<vmem>>) target_semaphore(%arg33 : memref<!tpu.dma_semaphore, #tpu.memory_space<semaphore_mem>>)
    %add3A_30 = arith.constant 128 : i32
    %add3A_31 = arith.addi %mul3A_23, %add3A_30 : i32
    %dma_start3A_32 = tpu.memref_slice %arg3[%add3A_31] : memref<1605632xi32, #tpu.memory_space<hbm>> -> memref<128xi32, #tpu.memory_space<hbm>>
    %dma_start3A_33 = tpu.memref_slice %arg3[%add3A_31] : memref<1605632xi32, #tpu.memory_space<hbm>> -> memref<128xi32, #tpu.memory_space<hbm>>
    tpu.enqueue_dma source(%dma_start3A_33 : memref<128xi32, #tpu.memory_space<hbm>>) target(%arg8 : memref<128xi32, #tpu.memory_space<vmem>>) target_semaphore(%arg34 : memref<!tpu.dma_semaphore, #tpu.memory_space<semaphore_mem>>)
    %add3A_34 = arith.constant 256 : i32
    %add3A_35 = arith.addi %mul3A_23, %add3A_34 : i32
    %dma_start3A_36 = tpu.memref_slice %arg3[%add3A_35] : memref<1605632xi32, #tpu.memory_space<hbm>> -> memref<128xi32, #tpu.memory_space<hbm>>
    %dma_start3A_37 = tpu.memref_slice %arg3[%add3A_35] : memref<1605632xi32, #tpu.memory_space<hbm>> -> memref<128xi32, #tpu.memory_space<hbm>>
    tpu.enqueue_dma source(%dma_start3A_37 : memref<128xi32, #tpu.memory_space<hbm>>) target(%arg9 : memref<128xi32, #tpu.memory_space<vmem>>) target_semaphore(%arg35 : memref<!tpu.dma_semaphore, #tpu.memory_space<semaphore_mem>>)
    %add3A_38 = arith.constant 384 : i32
    %add3A_39 = arith.addi %mul3A_23, %add3A_38 : i32
    %dma_start3A_40 = tpu.memref_slice %arg3[%add3A_39] : memref<1605632xi32, #tpu.memory_space<hbm>> -> memref<128xi32, #tpu.memory_space<hbm>>
    %dma_start3A_41 = tpu.memref_slice %arg3[%add3A_39] : memref<1605632xi32, #tpu.memory_space<hbm>> -> memref<128xi32, #tpu.memory_space<hbm>>
    tpu.enqueue_dma source(%dma_start3A_41 : memref<128xi32, #tpu.memory_space<hbm>>) target(%arg10 : memref<128xi32, #tpu.memory_space<vmem>>) target_semaphore(%arg36 : memref<!tpu.dma_semaphore, #tpu.memory_space<semaphore_mem>>)
    %add3A_42 = arith.constant 512 : i32
    %add3A_43 = arith.addi %mul3A_23, %add3A_42 : i32
    %dma_start3A_44 = tpu.memref_slice %arg3[%add3A_43] : memref<1605632xi32, #tpu.memory_space<hbm>> -> memref<128xi32, #tpu.memory_space<hbm>>
    %dma_start3A_45 = tpu.memref_slice %arg3[%add3A_43] : memref<1605632xi32, #tpu.memory_space<hbm>> -> memref<128xi32, #tpu.memory_space<hbm>>
    tpu.enqueue_dma source(%dma_start3A_45 : memref<128xi32, #tpu.memory_space<hbm>>) target(%arg11 : memref<128xi32, #tpu.memory_space<vmem>>) target_semaphore(%arg37 : memref<!tpu.dma_semaphore, #tpu.memory_space<semaphore_mem>>)
    %add3A_46 = arith.constant 640 : i32
    %add3A_47 = arith.addi %mul3A_23, %add3A_46 : i32
    %dma_start3A_48 = tpu.memref_slice %arg3[%add3A_47] : memref<1605632xi32, #tpu.memory_space<hbm>> -> memref<128xi32, #tpu.memory_space<hbm>>
    %dma_start3A_49 = tpu.memref_slice %arg3[%add3A_47] : memref<1605632xi32, #tpu.memory_space<hbm>> -> memref<128xi32, #tpu.memory_space<hbm>>
    tpu.enqueue_dma source(%dma_start3A_49 : memref<128xi32, #tpu.memory_space<hbm>>) target(%arg12 : memref<128xi32, #tpu.memory_space<vmem>>) target_semaphore(%arg38 : memref<!tpu.dma_semaphore, #tpu.memory_space<semaphore_mem>>)
    %add3A_50 = arith.constant 768 : i32
    %add3A_51 = arith.addi %mul3A_23, %add3A_50 : i32
    %dma_start3A_52 = tpu.memref_slice %arg3[%add3A_51] : memref<1605632xi32, #tpu.memory_space<hbm>> -> memref<128xi32, #tpu.memory_space<hbm>>
    %dma_start3A_53 = tpu.memref_slice %arg3[%add3A_51] : memref<1605632xi32, #tpu.memory_space<hbm>> -> memref<128xi32, #tpu.memory_space<hbm>>
    tpu.enqueue_dma source(%dma_start3A_53 : memref<128xi32, #tpu.memory_space<hbm>>) target(%arg13 : memref<128xi32, #tpu.memory_space<vmem>>) target_semaphore(%arg39 : memref<!tpu.dma_semaphore, #tpu.memory_space<semaphore_mem>>)
    %add3A_54 = arith.constant 896 : i32
    %add3A_55 = arith.addi %mul3A_23, %add3A_54 : i32
    %dma_start3A_56 = tpu.memref_slice %arg3[%add3A_55] : memref<1605632xi32, #tpu.memory_space<hbm>> -> memref<128xi32, #tpu.memory_space<hbm>>
    %dma_start3A_57 = tpu.memref_slice %arg3[%add3A_55] : memref<1605632xi32, #tpu.memory_space<hbm>> -> memref<128xi32, #tpu.memory_space<hbm>>
    tpu.enqueue_dma source(%dma_start3A_57 : memref<128xi32, #tpu.memory_space<hbm>>) target(%arg14 : memref<128xi32, #tpu.memory_space<vmem>>) target_semaphore(%arg40 : memref<!tpu.dma_semaphore, #tpu.memory_space<semaphore_mem>>)
    %add3A_58 = arith.constant 0 : i32
    %add3A_59 = arith.addi %mul3A_25, %add3A_58 : i32
    %dma_start3A_60 = tpu.memref_slice %arg4[%add3A_59] : memref<802816xi32, #tpu.memory_space<hbm>> -> memref<128xi32, #tpu.memory_space<hbm>>
    %dma_start3A_61 = tpu.memref_slice %arg4[%add3A_59] : memref<802816xi32, #tpu.memory_space<hbm>> -> memref<128xi32, #tpu.memory_space<hbm>>
    tpu.enqueue_dma source(%dma_start3A_61 : memref<128xi32, #tpu.memory_space<hbm>>) target(%arg15 : memref<128xi32, #tpu.memory_space<vmem>>) target_semaphore(%arg41 : memref<!tpu.dma_semaphore, #tpu.memory_space<semaphore_mem>>)
    %add3A_62 = arith.constant 128 : i32
    %add3A_63 = arith.addi %mul3A_25, %add3A_62 : i32
    %dma_start3A_64 = tpu.memref_slice %arg4[%add3A_63] : memref<802816xi32, #tpu.memory_space<hbm>> -> memref<128xi32, #tpu.memory_space<hbm>>
    %dma_start3A_65 = tpu.memref_slice %arg4[%add3A_63] : memref<802816xi32, #tpu.memory_space<hbm>> -> memref<128xi32, #tpu.memory_space<hbm>>
    tpu.enqueue_dma source(%dma_start3A_65 : memref<128xi32, #tpu.memory_space<hbm>>) target(%arg16 : memref<128xi32, #tpu.memory_space<vmem>>) target_semaphore(%arg42 : memref<!tpu.dma_semaphore, #tpu.memory_space<semaphore_mem>>)
    %add3A_66 = arith.constant 256 : i32
    %add3A_67 = arith.addi %mul3A_25, %add3A_66 : i32
    %dma_start3A_68 = tpu.memref_slice %arg4[%add3A_67] : memref<802816xi32, #tpu.memory_space<hbm>> -> memref<128xi32, #tpu.memory_space<hbm>>
    %dma_start3A_69 = tpu.memref_slice %arg4[%add3A_67] : memref<802816xi32, #tpu.memory_space<hbm>> -> memref<128xi32, #tpu.memory_space<hbm>>
    tpu.enqueue_dma source(%dma_start3A_69 : memref<128xi32, #tpu.memory_space<hbm>>) target(%arg17 : memref<128xi32, #tpu.memory_space<vmem>>) target_semaphore(%arg43 : memref<!tpu.dma_semaphore, #tpu.memory_space<semaphore_mem>>)
    %add3A_70 = arith.constant 384 : i32
    %add3A_71 = arith.addi %mul3A_25, %add3A_70 : i32
    %dma_start3A_72 = tpu.memref_slice %arg4[%add3A_71] : memref<802816xi32, #tpu.memory_space<hbm>> -> memref<128xi32, #tpu.memory_space<hbm>>
    %dma_start3A_73 = tpu.memref_slice %arg4[%add3A_71] : memref<802816xi32, #tpu.memory_space<hbm>> -> memref<128xi32, #tpu.memory_space<hbm>>
    tpu.enqueue_dma source(%dma_start3A_73 : memref<128xi32, #tpu.memory_space<hbm>>) target(%arg18 : memref<128xi32, #tpu.memory_space<vmem>>) target_semaphore(%arg44 : memref<!tpu.dma_semaphore, #tpu.memory_space<semaphore_mem>>)
    %add3A_74 = arith.constant 512 : i32
    %add3A_75 = arith.addi %mul3A_25, %add3A_74 : i32
    %dma_start3A_76 = tpu.memref_slice %arg4[%add3A_75] : memref<802816xi32, #tpu.memory_space<hbm>> -> memref<128xi32, #tpu.memory_space<hbm>>
    %dma_start3A_77 = tpu.memref_slice %arg4[%add3A_75] : memref<802816xi32, #tpu.memory_space<hbm>> -> memref<128xi32, #tpu.memory_space<hbm>>
    tpu.enqueue_dma source(%dma_start3A_77 : memref<128xi32, #tpu.memory_space<hbm>>) target(%arg19 : memref<128xi32, #tpu.memory_space<vmem>>) target_semaphore(%arg45 : memref<!tpu.dma_semaphore, #tpu.memory_space<semaphore_mem>>)
    %add3A_78 = arith.constant 640 : i32
    %add3A_79 = arith.addi %mul3A_25, %add3A_78 : i32
    %dma_start3A_80 = tpu.memref_slice %arg4[%add3A_79] : memref<802816xi32, #tpu.memory_space<hbm>> -> memref<128xi32, #tpu.memory_space<hbm>>
    %dma_start3A_81 = tpu.memref_slice %arg4[%add3A_79] : memref<802816xi32, #tpu.memory_space<hbm>> -> memref<128xi32, #tpu.memory_space<hbm>>
    tpu.enqueue_dma source(%dma_start3A_81 : memref<128xi32, #tpu.memory_space<hbm>>) target(%arg20 : memref<128xi32, #tpu.memory_space<vmem>>) target_semaphore(%arg46 : memref<!tpu.dma_semaphore, #tpu.memory_space<semaphore_mem>>)
    %add3A_82 = arith.constant 768 : i32
    %add3A_83 = arith.addi %mul3A_25, %add3A_82 : i32
    %dma_start3A_84 = tpu.memref_slice %arg4[%add3A_83] : memref<802816xi32, #tpu.memory_space<hbm>> -> memref<128xi32, #tpu.memory_space<hbm>>
    %dma_start3A_85 = tpu.memref_slice %arg4[%add3A_83] : memref<802816xi32, #tpu.memory_space<hbm>> -> memref<128xi32, #tpu.memory_space<hbm>>
    tpu.enqueue_dma source(%dma_start3A_85 : memref<128xi32, #tpu.memory_space<hbm>>) target(%arg21 : memref<128xi32, #tpu.memory_space<vmem>>) target_semaphore(%arg47 : memref<!tpu.dma_semaphore, #tpu.memory_space<semaphore_mem>>)
    %add3A_86 = arith.constant 0 : i32
    %add3A_87 = arith.addi %mul3A_23, %add3A_86 : i32
    %dma_wait3A = tpu.memref_slice %arg3[%add3A_87] : memref<1605632xi32, #tpu.memory_space<hbm>> -> memref<128xi32, #tpu.memory_space<hbm>>
    %dma_wait3A_88 = tpu.memref_slice %arg3[%add3A_87] : memref<1605632xi32, #tpu.memory_space<hbm>> -> memref<128xi32, #tpu.memory_space<hbm>>
    tpu.wait_dma2 semaphore(%arg33 : memref<!tpu.dma_semaphore, #tpu.memory_space<semaphore_mem>>) src(%dma_wait3A_88 : memref<128xi32, #tpu.memory_space<hbm>>) dst(%arg7 : memref<128xi32, #tpu.memory_space<vmem>>)
    %dma_start3A_89 = arith.constant 0 : i32
    %dma_start3A_90 = arith.constant 0 : i32
    %dma_start3A_91 = tpu.memref_slice %arg2[%dma_start3A_89, %dma_start3A_90] : memref<106496x32xf32, #tpu.memory_space<hbm>> -> memref<106496x32xf32, #tpu.memory_space<hbm>>
    tpu.enqueue_indirect_dma source(%dma_start3A_91 : memref<106496x32xf32, #tpu.memory_space<hbm>>) target(%arg23 : memref<128x32xf32, #tpu.memory_space<vmem>>) offsets(%arg7 : memref<128xi32, #tpu.memory_space<vmem>>) semaphore(%arg29 : memref<!tpu.dma_semaphore, #tpu.memory_space<semaphore_mem>>)
    %add3A_92 = arith.constant 128 : i32
    %add3A_93 = arith.addi %mul3A_23, %add3A_92 : i32
    %dma_wait3A_94 = tpu.memref_slice %arg3[%add3A_93] : memref<1605632xi32, #tpu.memory_space<hbm>> -> memref<128xi32, #tpu.memory_space<hbm>>
    %dma_wait3A_95 = tpu.memref_slice %arg3[%add3A_93] : memref<1605632xi32, #tpu.memory_space<hbm>> -> memref<128xi32, #tpu.memory_space<hbm>>
    tpu.wait_dma2 semaphore(%arg34 : memref<!tpu.dma_semaphore, #tpu.memory_space<semaphore_mem>>) src(%dma_wait3A_95 : memref<128xi32, #tpu.memory_space<hbm>>) dst(%arg8 : memref<128xi32, #tpu.memory_space<vmem>>)
    %dma_start3A_96 = arith.constant 0 : i32
    %dma_start3A_97 = arith.constant 0 : i32
    %dma_start3A_98 = tpu.memref_slice %arg2[%dma_start3A_96, %dma_start3A_97] : memref<106496x32xf32, #tpu.memory_space<hbm>> -> memref<106496x32xf32, #tpu.memory_space<hbm>>
    tpu.enqueue_indirect_dma source(%dma_start3A_98 : memref<106496x32xf32, #tpu.memory_space<hbm>>) target(%arg24 : memref<128x32xf32, #tpu.memory_space<vmem>>) offsets(%arg8 : memref<128xi32, #tpu.memory_space<vmem>>) semaphore(%arg30 : memref<!tpu.dma_semaphore, #tpu.memory_space<semaphore_mem>>)
    %add3A_99 = arith.constant 256 : i32
    %add3A_100 = arith.addi %mul3A_23, %add3A_99 : i32
    %dma_wait3A_101 = tpu.memref_slice %arg3[%add3A_100] : memref<1605632xi32, #tpu.memory_space<hbm>> -> memref<128xi32, #tpu.memory_space<hbm>>
    %dma_wait3A_102 = tpu.memref_slice %arg3[%add3A_100] : memref<1605632xi32, #tpu.memory_space<hbm>> -> memref<128xi32, #tpu.memory_space<hbm>>
    tpu.wait_dma2 semaphore(%arg35 : memref<!tpu.dma_semaphore, #tpu.memory_space<semaphore_mem>>) src(%dma_wait3A_102 : memref<128xi32, #tpu.memory_space<hbm>>) dst(%arg9 : memref<128xi32, #tpu.memory_space<vmem>>)
    %dma_start3A_103 = arith.constant 0 : i32
    %dma_start3A_104 = arith.constant 0 : i32
    %dma_start3A_105 = tpu.memref_slice %arg2[%dma_start3A_103, %dma_start3A_104] : memref<106496x32xf32, #tpu.memory_space<hbm>> -> memref<106496x32xf32, #tpu.memory_space<hbm>>
    tpu.enqueue_indirect_dma source(%dma_start3A_105 : memref<106496x32xf32, #tpu.memory_space<hbm>>) target(%arg25 : memref<128x32xf32, #tpu.memory_space<vmem>>) offsets(%arg9 : memref<128xi32, #tpu.memory_space<vmem>>) semaphore(%arg31 : memref<!tpu.dma_semaphore, #tpu.memory_space<semaphore_mem>>)
    %scan3A_106 = arith.constant 0 : i32
    %scan3A_107 = arith.constant 0 : i32
    %scan3A_108 = arith.constant 49 : i32
    %scan3A_109 = arith.addi %scan3A_107, %scan3A_108 : i32
    %scan3A_110 = arith.constant 1 : i32
    scf.for %scan3A_192 = %scan3A_107 to %scan3A_109 step %scan3A_110  : i32 {
      %mul3A_193 = arith.constant 8 : i32
      %mul3A_194 = arith.muli %mul3A_193, %scan3A_192 : i32
      %add3A_195 = arith.constant 0 : i32
      %add3A_196 = arith.addi %mul3A_194, %add3A_195 : i32
      %dma_wait3A_197 = arith.constant 0 : i32
      %dma_wait3A_198 = arith.constant 0 : i32
      %dma_wait3A_199 = tpu.memref_slice %arg2[%dma_wait3A_197, %dma_wait3A_198] : memref<106496x32xf32, #tpu.memory_space<hbm>> -> memref<106496x32xf32, #tpu.memory_space<hbm>>
      tpu.wait_indirect_dma semaphore(%arg29 : memref<!tpu.dma_semaphore, #tpu.memory_space<semaphore_mem>>) src(%dma_wait3A_199 : memref<106496x32xf32, #tpu.memory_space<hbm>>) dst(%arg23 : memref<128x32xf32, #tpu.memory_space<vmem>>)
      %mul3A_200 = arith.constant 128 : i32
      %mul3A_201 = arith.muli %add3A_196, %mul3A_200 : i32
      %add3A_202 = arith.addi %mul3A_25, %mul3A_201 : i32
      %dma_wait3A_203 = tpu.memref_slice %arg4[%add3A_202] : memref<802816xi32, #tpu.memory_space<hbm>> -> memref<128xi32, #tpu.memory_space<hbm>>
      %dma_wait3A_204 = tpu.memref_slice %arg4[%add3A_202] : memref<802816xi32, #tpu.memory_space<hbm>> -> memref<128xi32, #tpu.memory_space<hbm>>
      tpu.wait_dma2 semaphore(%arg41 : memref<!tpu.dma_semaphore, #tpu.memory_space<semaphore_mem>>) src(%dma_wait3A_204 : memref<128xi32, #tpu.memory_space<hbm>>) dst(%arg15 : memref<128xi32, #tpu.memory_space<vmem>>)
      %gt3A = arith.constant 0 : i32
      %gt3A_205 = arith.cmpi sgt, %scan3A_192, %gt3A : i32
      %convert_element_type3A_206 = arith.extui %gt3A_205 : i1 to i32
      %cond3A_207 = arith.constant 0 : i32
      %cond3A_208 = arith.cmpi ne, %convert_element_type3A_206, %cond3A_207 : i32
      scf.if %cond3A_208 {
        %dma_wait3A_484 = arith.constant 0 : i32
        %dma_wait3A_485 = arith.constant 0 : i32
        %dma_wait3A_486 = tpu.memref_slice %arg28[%dma_wait3A_484, %dma_wait3A_485] : memref<53248x32xf32, #tpu.memory_space<vmem_shared>> -> memref<53248x32xf32, #tpu.memory_space<vmem_shared>>
        tpu.wait_indirect_dma semaphore(%arg52 : memref<!tpu.dma_semaphore, #tpu.memory_space<semaphore_mem>>) src(%arg26 : memref<128x32xf32, #tpu.memory_space<vmem>>) dst(%dma_wait3A_486 : memref<53248x32xf32, #tpu.memory_space<vmem_shared>>)
      } else {
      }
      %dma_start3A_209 = arith.constant 0 : i32
      %dma_start3A_210 = arith.constant 0 : i32
      %dma_start3A_211 = tpu.memref_slice %arg28[%dma_start3A_209, %dma_start3A_210] : memref<53248x32xf32, #tpu.memory_space<vmem_shared>> -> memref<53248x32xf32, #tpu.memory_space<vmem_shared>>
      tpu.enqueue_indirect_dma source(%arg23 : memref<128x32xf32, #tpu.memory_space<vmem>>) target(%dma_start3A_211 : memref<53248x32xf32, #tpu.memory_space<vmem_shared>>) offsets(%arg15 : memref<128xi32, #tpu.memory_space<vmem>>) semaphore(%arg49 : memref<!tpu.dma_semaphore, #tpu.memory_space<semaphore_mem>>) {add = true}
      %lt3A = arith.constant 48 : i32
      %lt3A_212 = arith.cmpi slt, %scan3A_192, %lt3A : i32
      %convert_element_type3A_213 = arith.extui %lt3A_212 : i1 to i32
      %cond3A_214 = arith.constant 0 : i32
      %cond3A_215 = arith.cmpi ne, %convert_element_type3A_213, %cond3A_214 : i32
      scf.if %cond3A_215 {
        %add3A_484 = arith.constant 8 : i32
        %add3A_485 = arith.addi %add3A_196, %add3A_484 : i32
        %mul3A_486 = arith.constant 128 : i32
        %mul3A_487 = arith.muli %add3A_485, %mul3A_486 : i32
        %add3A_488 = arith.addi %mul3A_23, %mul3A_487 : i32
        %dma_start3A_489 = tpu.memref_slice %arg3[%add3A_488] : memref<1605632xi32, #tpu.memory_space<hbm>> -> memref<128xi32, #tpu.memory_space<hbm>>
        %dma_start3A_490 = tpu.memref_slice %arg3[%add3A_488] : memref<1605632xi32, #tpu.memory_space<hbm>> -> memref<128xi32, #tpu.memory_space<hbm>>
        tpu.enqueue_dma source(%dma_start3A_490 : memref<128xi32, #tpu.memory_space<hbm>>) target(%arg7 : memref<128xi32, #tpu.memory_space<vmem>>) target_semaphore(%arg33 : memref<!tpu.dma_semaphore, #tpu.memory_space<semaphore_mem>>)
      } else {
      }
      %add3A_216 = arith.constant 7 : i32
      %add3A_217 = arith.addi %add3A_196, %add3A_216 : i32
      %mul3A_218 = arith.constant 128 : i32
      %mul3A_219 = arith.muli %add3A_217, %mul3A_218 : i32
      %add3A_220 = arith.addi %mul3A_25, %mul3A_219 : i32
      %dma_start3A_221 = tpu.memref_slice %arg4[%add3A_220] : memref<802816xi32, #tpu.memory_space<hbm>> -> memref<128xi32, #tpu.memory_space<hbm>>
      %dma_start3A_222 = tpu.memref_slice %arg4[%add3A_220] : memref<802816xi32, #tpu.memory_space<hbm>> -> memref<128xi32, #tpu.memory_space<hbm>>
      tpu.enqueue_dma source(%dma_start3A_222 : memref<128xi32, #tpu.memory_space<hbm>>) target(%arg22 : memref<128xi32, #tpu.memory_space<vmem>>) target_semaphore(%arg48 : memref<!tpu.dma_semaphore, #tpu.memory_space<semaphore_mem>>)
      %add3A_223 = arith.constant 3 : i32
      %add3A_224 = arith.addi %add3A_196, %add3A_223 : i32
      %mul3A_225 = arith.constant 128 : i32
      %mul3A_226 = arith.muli %add3A_224, %mul3A_225 : i32
      %add3A_227 = arith.addi %mul3A_23, %mul3A_226 : i32
      %dma_wait3A_228 = tpu.memref_slice %arg3[%add3A_227] : memref<1605632xi32, #tpu.memory_space<hbm>> -> memref<128xi32, #tpu.memory_space<hbm>>
      %dma_wait3A_229 = tpu.memref_slice %arg3[%add3A_227] : memref<1605632xi32, #tpu.memory_space<hbm>> -> memref<128xi32, #tpu.memory_space<hbm>>
      tpu.wait_dma2 semaphore(%arg36 : memref<!tpu.dma_semaphore, #tpu.memory_space<semaphore_mem>>) src(%dma_wait3A_229 : memref<128xi32, #tpu.memory_space<hbm>>) dst(%arg10 : memref<128xi32, #tpu.memory_space<vmem>>)
      %dma_start3A_230 = arith.constant 0 : i32
      %dma_start3A_231 = arith.constant 0 : i32
      %dma_start3A_232 = tpu.memref_slice %arg2[%dma_start3A_230, %dma_start3A_231] : memref<106496x32xf32, #tpu.memory_space<hbm>> -> memref<106496x32xf32, #tpu.memory_space<hbm>>
      tpu.enqueue_indirect_dma source(%dma_start3A_232 : memref<106496x32xf32, #tpu.memory_space<hbm>>) target(%arg26 : memref<128x32xf32, #tpu.memory_space<vmem>>) offsets(%arg10 : memref<128xi32, #tpu.memory_space<vmem>>) semaphore(%arg32 : memref<!tpu.dma_semaphore, #tpu.memory_space<semaphore_mem>>)
      %mul3A_233 = arith.constant 8 : i32
      %mul3A_234 = arith.muli %mul3A_233, %scan3A_192 : i32
      %add3A_235 = arith.constant 1 : i32
      %add3A_236 = arith.addi %mul3A_234, %add3A_235 : i32
      %dma_wait3A_237 = arith.constant 0 : i32
      %dma_wait3A_238 = arith.constant 0 : i32
      %dma_wait3A_239 = tpu.memref_slice %arg2[%dma_wait3A_237, %dma_wait3A_238] : memref<106496x32xf32, #tpu.memory_space<hbm>> -> memref<106496x32xf32, #tpu.memory_space<hbm>>
      tpu.wait_indirect_dma semaphore(%arg30 : memref<!tpu.dma_semaphore, #tpu.memory_space<semaphore_mem>>) src(%dma_wait3A_239 : memref<106496x32xf32, #tpu.memory_space<hbm>>) dst(%arg24 : memref<128x32xf32, #tpu.memory_space<vmem>>)
      %mul3A_240 = arith.constant 128 : i32
      %mul3A_241 = arith.muli %add3A_236, %mul3A_240 : i32
      %add3A_242 = arith.addi %mul3A_25, %mul3A_241 : i32
      %dma_wait3A_243 = tpu.memref_slice %arg4[%add3A_242] : memref<802816xi32, #tpu.memory_space<hbm>> -> memref<128xi32, #tpu.memory_space<hbm>>
      %dma_wait3A_244 = tpu.memref_slice %arg4[%add3A_242] : memref<802816xi32, #tpu.memory_space<hbm>> -> memref<128xi32, #tpu.memory_space<hbm>>
      tpu.wait_dma2 semaphore(%arg42 : memref<!tpu.dma_semaphore, #tpu.memory_space<semaphore_mem>>) src(%dma_wait3A_244 : memref<128xi32, #tpu.memory_space<hbm>>) dst(%arg16 : memref<128xi32, #tpu.memory_space<vmem>>)
      %dma_wait3A_245 = arith.constant 0 : i32
      %dma_wait3A_246 = arith.constant 0 : i32
      %dma_wait3A_247 = tpu.memref_slice %arg28[%dma_wait3A_245, %dma_wait3A_246] : memref<53248x32xf32, #tpu.memory_space<vmem_shared>> -> memref<53248x32xf32, #tpu.memory_space<vmem_shared>>
      tpu.wait_indirect_dma semaphore(%arg49 : memref<!tpu.dma_semaphore, #tpu.memory_space<semaphore_mem>>) src(%arg23 : memref<128x32xf32, #tpu.memory_space<vmem>>) dst(%dma_wait3A_247 : memref<53248x32xf32, #tpu.memory_space<vmem_shared>>)
      %dma_start3A_248 = arith.constant 0 : i32
      %dma_start3A_249 = arith.constant 0 : i32
      %dma_start3A_250 = tpu.memref_slice %arg28[%dma_start3A_248, %dma_start3A_249] : memref<53248x32xf32, #tpu.memory_space<vmem_shared>> -> memref<53248x32xf32, #tpu.memory_space<vmem_shared>>
      tpu.enqueue_indirect_dma source(%arg24 : memref<128x32xf32, #tpu.memory_space<vmem>>) target(%dma_start3A_250 : memref<53248x32xf32, #tpu.memory_space<vmem_shared>>) offsets(%arg16 : memref<128xi32, #tpu.memory_space<vmem>>) semaphore(%arg50 : memref<!tpu.dma_semaphore, #tpu.memory_space<semaphore_mem>>) {add = true}
      %lt3A_251 = arith.constant 48 : i32
      %lt3A_252 = arith.cmpi slt, %scan3A_192, %lt3A_251 : i32
      %convert_element_type3A_253 = arith.extui %lt3A_252 : i1 to i32
      %cond3A_254 = arith.constant 0 : i32
      %cond3A_255 = arith.cmpi ne, %convert_element_type3A_253, %cond3A_254 : i32
      scf.if %cond3A_255 {
        %add3A_484 = arith.constant 8 : i32
        %add3A_485 = arith.addi %add3A_236, %add3A_484 : i32
        %mul3A_486 = arith.constant 128 : i32
        %mul3A_487 = arith.muli %add3A_485, %mul3A_486 : i32
        %add3A_488 = arith.addi %mul3A_23, %mul3A_487 : i32
        %dma_start3A_489 = tpu.memref_slice %arg3[%add3A_488] : memref<1605632xi32, #tpu.memory_space<hbm>> -> memref<128xi32, #tpu.memory_space<hbm>>
        %dma_start3A_490 = tpu.memref_slice %arg3[%add3A_488] : memref<1605632xi32, #tpu.memory_space<hbm>> -> memref<128xi32, #tpu.memory_space<hbm>>
        tpu.enqueue_dma source(%dma_start3A_490 : memref<128xi32, #tpu.memory_space<hbm>>) target(%arg8 : memref<128xi32, #tpu.memory_space<vmem>>) target_semaphore(%arg34 : memref<!tpu.dma_semaphore, #tpu.memory_space<semaphore_mem>>)
      } else {
      }
      %lt3A_256 = arith.constant 48 : i32
      %lt3A_257 = arith.cmpi slt, %scan3A_192, %lt3A_256 : i32
      %convert_element_type3A_258 = arith.extui %lt3A_257 : i1 to i32
      %cond3A_259 = arith.constant 0 : i32
      %cond3A_260 = arith.cmpi ne, %convert_element_type3A_258, %cond3A_259 : i32
      scf.if %cond3A_260 {
        %add3A_484 = arith.constant 7 : i32
        %add3A_485 = arith.addi %add3A_236, %add3A_484 : i32
        %mul3A_486 = arith.constant 128 : i32
        %mul3A_487 = arith.muli %add3A_485, %mul3A_486 : i32
        %add3A_488 = arith.addi %mul3A_25, %mul3A_487 : i32
        %dma_start3A_489 = tpu.memref_slice %arg4[%add3A_488] : memref<802816xi32, #tpu.memory_space<hbm>> -> memref<128xi32, #tpu.memory_space<hbm>>
        %dma_start3A_490 = tpu.memref_slice %arg4[%add3A_488] : memref<802816xi32, #tpu.memory_space<hbm>> -> memref<128xi32, #tpu.memory_space<hbm>>
        tpu.enqueue_dma source(%dma_start3A_490 : memref<128xi32, #tpu.memory_space<hbm>>) target(%arg15 : memref<128xi32, #tpu.memory_space<vmem>>) target_semaphore(%arg41 : memref<!tpu.dma_semaphore, #tpu.memory_space<semaphore_mem>>)
      } else {
      }
      %add3A_261 = arith.constant 3 : i32
      %add3A_262 = arith.addi %add3A_236, %add3A_261 : i32
      %mul3A_263 = arith.constant 128 : i32
      %mul3A_264 = arith.muli %add3A_262, %mul3A_263 : i32
      %add3A_265 = arith.addi %mul3A_23, %mul3A_264 : i32
      %dma_wait3A_266 = tpu.memref_slice %arg3[%add3A_265] : memref<1605632xi32, #tpu.memory_space<hbm>> -> memref<128xi32, #tpu.memory_space<hbm>>
      %dma_wait3A_267 = tpu.memref_slice %arg3[%add3A_265] : memref<1605632xi32, #tpu.memory_space<hbm>> -> memref<128xi32, #tpu.memory_space<hbm>>
      tpu.wait_dma2 semaphore(%arg37 : memref<!tpu.dma_semaphore, #tpu.memory_space<semaphore_mem>>) src(%dma_wait3A_267 : memref<128xi32, #tpu.memory_space<hbm>>) dst(%arg11 : memref<128xi32, #tpu.memory_space<vmem>>)
      %dma_start3A_268 = arith.constant 0 : i32
      %dma_start3A_269 = arith.constant 0 : i32
      %dma_start3A_270 = tpu.memref_slice %arg2[%dma_start3A_268, %dma_start3A_269] : memref<106496x32xf32, #tpu.memory_space<hbm>> -> memref<106496x32xf32, #tpu.memory_space<hbm>>
      tpu.enqueue_indirect_dma source(%dma_start3A_270 : memref<106496x32xf32, #tpu.memory_space<hbm>>) target(%arg23 : memref<128x32xf32, #tpu.memory_space<vmem>>) offsets(%arg11 : memref<128xi32, #tpu.memory_space<vmem>>) semaphore(%arg29 : memref<!tpu.dma_semaphore, #tpu.memory_space<semaphore_mem>>)
      %mul3A_271 = arith.constant 8 : i32
      %mul3A_272 = arith.muli %mul3A_271, %scan3A_192 : i32
      %add3A_273 = arith.constant 2 : i32
      %add3A_274 = arith.addi %mul3A_272, %add3A_273 : i32
      %dma_wait3A_275 = arith.constant 0 : i32
      %dma_wait3A_276 = arith.constant 0 : i32
      %dma_wait3A_277 = tpu.memref_slice %arg2[%dma_wait3A_275, %dma_wait3A_276] : memref<106496x32xf32, #tpu.memory_space<hbm>> -> memref<106496x32xf32, #tpu.memory_space<hbm>>
      tpu.wait_indirect_dma semaphore(%arg31 : memref<!tpu.dma_semaphore, #tpu.memory_space<semaphore_mem>>) src(%dma_wait3A_277 : memref<106496x32xf32, #tpu.memory_space<hbm>>) dst(%arg25 : memref<128x32xf32, #tpu.memory_space<vmem>>)
      %mul3A_278 = arith.constant 128 : i32
      %mul3A_279 = arith.muli %add3A_274, %mul3A_278 : i32
      %add3A_280 = arith.addi %mul3A_25, %mul3A_279 : i32
      %dma_wait3A_281 = tpu.memref_slice %arg4[%add3A_280] : memref<802816xi32, #tpu.memory_space<hbm>> -> memref<128xi32, #tpu.memory_space<hbm>>
      %dma_wait3A_282 = tpu.memref_slice %arg4[%add3A_280] : memref<802816xi32, #tpu.memory_space<hbm>> -> memref<128xi32, #tpu.memory_space<hbm>>
      tpu.wait_dma2 semaphore(%arg43 : memref<!tpu.dma_semaphore, #tpu.memory_space<semaphore_mem>>) src(%dma_wait3A_282 : memref<128xi32, #tpu.memory_space<hbm>>) dst(%arg17 : memref<128xi32, #tpu.memory_space<vmem>>)
      %dma_wait3A_283 = arith.constant 0 : i32
      %dma_wait3A_284 = arith.constant 0 : i32
      %dma_wait3A_285 = tpu.memref_slice %arg28[%dma_wait3A_283, %dma_wait3A_284] : memref<53248x32xf32, #tpu.memory_space<vmem_shared>> -> memref<53248x32xf32, #tpu.memory_space<vmem_shared>>
      tpu.wait_indirect_dma semaphore(%arg50 : memref<!tpu.dma_semaphore, #tpu.memory_space<semaphore_mem>>) src(%arg24 : memref<128x32xf32, #tpu.memory_space<vmem>>) dst(%dma_wait3A_285 : memref<53248x32xf32, #tpu.memory_space<vmem_shared>>)
      %dma_start3A_286 = arith.constant 0 : i32
      %dma_start3A_287 = arith.constant 0 : i32
      %dma_start3A_288 = tpu.memref_slice %arg28[%dma_start3A_286, %dma_start3A_287] : memref<53248x32xf32, #tpu.memory_space<vmem_shared>> -> memref<53248x32xf32, #tpu.memory_space<vmem_shared>>
      tpu.enqueue_indirect_dma source(%arg25 : memref<128x32xf32, #tpu.memory_space<vmem>>) target(%dma_start3A_288 : memref<53248x32xf32, #tpu.memory_space<vmem_shared>>) offsets(%arg17 : memref<128xi32, #tpu.memory_space<vmem>>) semaphore(%arg51 : memref<!tpu.dma_semaphore, #tpu.memory_space<semaphore_mem>>) {add = true}
      %lt3A_289 = arith.constant 48 : i32
      %lt3A_290 = arith.cmpi slt, %scan3A_192, %lt3A_289 : i32
      %convert_element_type3A_291 = arith.extui %lt3A_290 : i1 to i32
      %cond3A_292 = arith.constant 0 : i32
      %cond3A_293 = arith.cmpi ne, %convert_element_type3A_291, %cond3A_292 : i32
      scf.if %cond3A_293 {
        %add3A_484 = arith.constant 8 : i32
        %add3A_485 = arith.addi %add3A_274, %add3A_484 : i32
        %mul3A_486 = arith.constant 128 : i32
        %mul3A_487 = arith.muli %add3A_485, %mul3A_486 : i32
        %add3A_488 = arith.addi %mul3A_23, %mul3A_487 : i32
        %dma_start3A_489 = tpu.memref_slice %arg3[%add3A_488] : memref<1605632xi32, #tpu.memory_space<hbm>> -> memref<128xi32, #tpu.memory_space<hbm>>
        %dma_start3A_490 = tpu.memref_slice %arg3[%add3A_488] : memref<1605632xi32, #tpu.memory_space<hbm>> -> memref<128xi32, #tpu.memory_space<hbm>>
        tpu.enqueue_dma source(%dma_start3A_490 : memref<128xi32, #tpu.memory_space<hbm>>) target(%arg9 : memref<128xi32, #tpu.memory_space<vmem>>) target_semaphore(%arg35 : memref<!tpu.dma_semaphore, #tpu.memory_space<semaphore_mem>>)
      } else {
      }
      %lt3A_294 = arith.constant 48 : i32
      %lt3A_295 = arith.cmpi slt, %scan3A_192, %lt3A_294 : i32
      %convert_element_type3A_296 = arith.extui %lt3A_295 : i1 to i32
      %cond3A_297 = arith.constant 0 : i32
      %cond3A_298 = arith.cmpi ne, %convert_element_type3A_296, %cond3A_297 : i32
      scf.if %cond3A_298 {
        %add3A_484 = arith.constant 7 : i32
        %add3A_485 = arith.addi %add3A_274, %add3A_484 : i32
        %mul3A_486 = arith.constant 128 : i32
        %mul3A_487 = arith.muli %add3A_485, %mul3A_486 : i32
        %add3A_488 = arith.addi %mul3A_25, %mul3A_487 : i32
        %dma_start3A_489 = tpu.memref_slice %arg4[%add3A_488] : memref<802816xi32, #tpu.memory_space<hbm>> -> memref<128xi32, #tpu.memory_space<hbm>>
        %dma_start3A_490 = tpu.memref_slice %arg4[%add3A_488] : memref<802816xi32, #tpu.memory_space<hbm>> -> memref<128xi32, #tpu.memory_space<hbm>>
        tpu.enqueue_dma source(%dma_start3A_490 : memref<128xi32, #tpu.memory_space<hbm>>) target(%arg16 : memref<128xi32, #tpu.memory_space<vmem>>) target_semaphore(%arg42 : memref<!tpu.dma_semaphore, #tpu.memory_space<semaphore_mem>>)
      } else {
      }
      %add3A_299 = arith.constant 3 : i32
      %add3A_300 = arith.addi %add3A_274, %add3A_299 : i32
      %mul3A_301 = arith.constant 128 : i32
      %mul3A_302 = arith.muli %add3A_300, %mul3A_301 : i32
      %add3A_303 = arith.addi %mul3A_23, %mul3A_302 : i32
      %dma_wait3A_304 = tpu.memref_slice %arg3[%add3A_303] : memref<1605632xi32, #tpu.memory_space<hbm>> -> memref<128xi32, #tpu.memory_space<hbm>>
      %dma_wait3A_305 = tpu.memref_slice %arg3[%add3A_303] : memref<1605632xi32, #tpu.memory_space<hbm>> -> memref<128xi32, #tpu.memory_space<hbm>>
      tpu.wait_dma2 semaphore(%arg38 : memref<!tpu.dma_semaphore, #tpu.memory_space<semaphore_mem>>) src(%dma_wait3A_305 : memref<128xi32, #tpu.memory_space<hbm>>) dst(%arg12 : memref<128xi32, #tpu.memory_space<vmem>>)
      %dma_start3A_306 = arith.constant 0 : i32
      %dma_start3A_307 = arith.constant 0 : i32
      %dma_start3A_308 = tpu.memref_slice %arg2[%dma_start3A_306, %dma_start3A_307] : memref<106496x32xf32, #tpu.memory_space<hbm>> -> memref<106496x32xf32, #tpu.memory_space<hbm>>
      tpu.enqueue_indirect_dma source(%dma_start3A_308 : memref<106496x32xf32, #tpu.memory_space<hbm>>) target(%arg24 : memref<128x32xf32, #tpu.memory_space<vmem>>) offsets(%arg12 : memref<128xi32, #tpu.memory_space<vmem>>) semaphore(%arg30 : memref<!tpu.dma_semaphore, #tpu.memory_space<semaphore_mem>>)
      %mul3A_309 = arith.constant 8 : i32
      %mul3A_310 = arith.muli %mul3A_309, %scan3A_192 : i32
      %add3A_311 = arith.constant 3 : i32
      %add3A_312 = arith.addi %mul3A_310, %add3A_311 : i32
      %dma_wait3A_313 = arith.constant 0 : i32
      %dma_wait3A_314 = arith.constant 0 : i32
      %dma_wait3A_315 = tpu.memref_slice %arg2[%dma_wait3A_313, %dma_wait3A_314] : memref<106496x32xf32, #tpu.memory_space<hbm>> -> memref<106496x32xf32, #tpu.memory_space<hbm>>
      tpu.wait_indirect_dma semaphore(%arg32 : memref<!tpu.dma_semaphore, #tpu.memory_space<semaphore_mem>>) src(%dma_wait3A_315 : memref<106496x32xf32, #tpu.memory_space<hbm>>) dst(%arg26 : memref<128x32xf32, #tpu.memory_space<vmem>>)
      %mul3A_316 = arith.constant 128 : i32
      %mul3A_317 = arith.muli %add3A_312, %mul3A_316 : i32
      %add3A_318 = arith.addi %mul3A_25, %mul3A_317 : i32
      %dma_wait3A_319 = tpu.memref_slice %arg4[%add3A_318] : memref<802816xi32, #tpu.memory_space<hbm>> -> memref<128xi32, #tpu.memory_space<hbm>>
      %dma_wait3A_320 = tpu.memref_slice %arg4[%add3A_318] : memref<802816xi32, #tpu.memory_space<hbm>> -> memref<128xi32, #tpu.memory_space<hbm>>
      tpu.wait_dma2 semaphore(%arg44 : memref<!tpu.dma_semaphore, #tpu.memory_space<semaphore_mem>>) src(%dma_wait3A_320 : memref<128xi32, #tpu.memory_space<hbm>>) dst(%arg18 : memref<128xi32, #tpu.memory_space<vmem>>)
      %dma_wait3A_321 = arith.constant 0 : i32
      %dma_wait3A_322 = arith.constant 0 : i32
      %dma_wait3A_323 = tpu.memref_slice %arg28[%dma_wait3A_321, %dma_wait3A_322] : memref<53248x32xf32, #tpu.memory_space<vmem_shared>> -> memref<53248x32xf32, #tpu.memory_space<vmem_shared>>
      tpu.wait_indirect_dma semaphore(%arg51 : memref<!tpu.dma_semaphore, #tpu.memory_space<semaphore_mem>>) src(%arg25 : memref<128x32xf32, #tpu.memory_space<vmem>>) dst(%dma_wait3A_323 : memref<53248x32xf32, #tpu.memory_space<vmem_shared>>)
      %dma_start3A_324 = arith.constant 0 : i32
      %dma_start3A_325 = arith.constant 0 : i32
      %dma_start3A_326 = tpu.memref_slice %arg28[%dma_start3A_324, %dma_start3A_325] : memref<53248x32xf32, #tpu.memory_space<vmem_shared>> -> memref<53248x32xf32, #tpu.memory_space<vmem_shared>>
      tpu.enqueue_indirect_dma source(%arg26 : memref<128x32xf32, #tpu.memory_space<vmem>>) target(%dma_start3A_326 : memref<53248x32xf32, #tpu.memory_space<vmem_shared>>) offsets(%arg18 : memref<128xi32, #tpu.memory_space<vmem>>) semaphore(%arg52 : memref<!tpu.dma_semaphore, #tpu.memory_space<semaphore_mem>>) {add = true}
      %lt3A_327 = arith.constant 48 : i32
      %lt3A_328 = arith.cmpi slt, %scan3A_192, %lt3A_327 : i32
      %convert_element_type3A_329 = arith.extui %lt3A_328 : i1 to i32
      %cond3A_330 = arith.constant 0 : i32
      %cond3A_331 = arith.cmpi ne, %convert_element_type3A_329, %cond3A_330 : i32
      scf.if %cond3A_331 {
        %add3A_484 = arith.constant 8 : i32
        %add3A_485 = arith.addi %add3A_312, %add3A_484 : i32
        %mul3A_486 = arith.constant 128 : i32
        %mul3A_487 = arith.muli %add3A_485, %mul3A_486 : i32
        %add3A_488 = arith.addi %mul3A_23, %mul3A_487 : i32
        %dma_start3A_489 = tpu.memref_slice %arg3[%add3A_488] : memref<1605632xi32, #tpu.memory_space<hbm>> -> memref<128xi32, #tpu.memory_space<hbm>>
        %dma_start3A_490 = tpu.memref_slice %arg3[%add3A_488] : memref<1605632xi32, #tpu.memory_space<hbm>> -> memref<128xi32, #tpu.memory_space<hbm>>
        tpu.enqueue_dma source(%dma_start3A_490 : memref<128xi32, #tpu.memory_space<hbm>>) target(%arg10 : memref<128xi32, #tpu.memory_space<vmem>>) target_semaphore(%arg36 : memref<!tpu.dma_semaphore, #tpu.memory_space<semaphore_mem>>)
      } else {
      }
      %lt3A_332 = arith.constant 48 : i32
      %lt3A_333 = arith.cmpi slt, %scan3A_192, %lt3A_332 : i32
      %convert_element_type3A_334 = arith.extui %lt3A_333 : i1 to i32
      %cond3A_335 = arith.constant 0 : i32
      %cond3A_336 = arith.cmpi ne, %convert_element_type3A_334, %cond3A_335 : i32
      scf.if %cond3A_336 {
        %add3A_484 = arith.constant 7 : i32
        %add3A_485 = arith.addi %add3A_312, %add3A_484 : i32
        %mul3A_486 = arith.constant 128 : i32
        %mul3A_487 = arith.muli %add3A_485, %mul3A_486 : i32
        %add3A_488 = arith.addi %mul3A_25, %mul3A_487 : i32
        %dma_start3A_489 = tpu.memref_slice %arg4[%add3A_488] : memref<802816xi32, #tpu.memory_space<hbm>> -> memref<128xi32, #tpu.memory_space<hbm>>
        %dma_start3A_490 = tpu.memref_slice %arg4[%add3A_488] : memref<802816xi32, #tpu.memory_space<hbm>> -> memref<128xi32, #tpu.memory_space<hbm>>
        tpu.enqueue_dma source(%dma_start3A_490 : memref<128xi32, #tpu.memory_space<hbm>>) target(%arg17 : memref<128xi32, #tpu.memory_space<vmem>>) target_semaphore(%arg43 : memref<!tpu.dma_semaphore, #tpu.memory_space<semaphore_mem>>)
      } else {
      }
      %add3A_337 = arith.constant 3 : i32
      %add3A_338 = arith.addi %add3A_312, %add3A_337 : i32
      %mul3A_339 = arith.constant 128 : i32
      %mul3A_340 = arith.muli %add3A_338, %mul3A_339 : i32
      %add3A_341 = arith.addi %mul3A_23, %mul3A_340 : i32
      %dma_wait3A_342 = tpu.memref_slice %arg3[%add3A_341] : memref<1605632xi32, #tpu.memory_space<hbm>> -> memref<128xi32, #tpu.memory_space<hbm>>
      %dma_wait3A_343 = tpu.memref_slice %arg3[%add3A_341] : memref<1605632xi32, #tpu.memory_space<hbm>> -> memref<128xi32, #tpu.memory_space<hbm>>
      tpu.wait_dma2 semaphore(%arg39 : memref<!tpu.dma_semaphore, #tpu.memory_space<semaphore_mem>>) src(%dma_wait3A_343 : memref<128xi32, #tpu.memory_space<hbm>>) dst(%arg13 : memref<128xi32, #tpu.memory_space<vmem>>)
      %dma_start3A_344 = arith.constant 0 : i32
      %dma_start3A_345 = arith.constant 0 : i32
      %dma_start3A_346 = tpu.memref_slice %arg2[%dma_start3A_344, %dma_start3A_345] : memref<106496x32xf32, #tpu.memory_space<hbm>> -> memref<106496x32xf32, #tpu.memory_space<hbm>>
      tpu.enqueue_indirect_dma source(%dma_start3A_346 : memref<106496x32xf32, #tpu.memory_space<hbm>>) target(%arg25 : memref<128x32xf32, #tpu.memory_space<vmem>>) offsets(%arg13 : memref<128xi32, #tpu.memory_space<vmem>>) semaphore(%arg31 : memref<!tpu.dma_semaphore, #tpu.memory_space<semaphore_mem>>)
      %mul3A_347 = arith.constant 8 : i32
      %mul3A_348 = arith.muli %mul3A_347, %scan3A_192 : i32
      %add3A_349 = arith.constant 4 : i32
      %add3A_350 = arith.addi %mul3A_348, %add3A_349 : i32
      %dma_wait3A_351 = arith.constant 0 : i32
      %dma_wait3A_352 = arith.constant 0 : i32
      %dma_wait3A_353 = tpu.memref_slice %arg2[%dma_wait3A_351, %dma_wait3A_352] : memref<106496x32xf32, #tpu.memory_space<hbm>> -> memref<106496x32xf32, #tpu.memory_space<hbm>>
      tpu.wait_indirect_dma semaphore(%arg29 : memref<!tpu.dma_semaphore, #tpu.memory_space<semaphore_mem>>) src(%dma_wait3A_353 : memref<106496x32xf32, #tpu.memory_space<hbm>>) dst(%arg23 : memref<128x32xf32, #tpu.memory_space<vmem>>)
      %mul3A_354 = arith.constant 128 : i32
      %mul3A_355 = arith.muli %add3A_350, %mul3A_354 : i32
      %add3A_356 = arith.addi %mul3A_25, %mul3A_355 : i32
      %dma_wait3A_357 = tpu.memref_slice %arg4[%add3A_356] : memref<802816xi32, #tpu.memory_space<hbm>> -> memref<128xi32, #tpu.memory_space<hbm>>
      %dma_wait3A_358 = tpu.memref_slice %arg4[%add3A_356] : memref<802816xi32, #tpu.memory_space<hbm>> -> memref<128xi32, #tpu.memory_space<hbm>>
      tpu.wait_dma2 semaphore(%arg45 : memref<!tpu.dma_semaphore, #tpu.memory_space<semaphore_mem>>) src(%dma_wait3A_358 : memref<128xi32, #tpu.memory_space<hbm>>) dst(%arg19 : memref<128xi32, #tpu.memory_space<vmem>>)
      %dma_wait3A_359 = arith.constant 0 : i32
      %dma_wait3A_360 = arith.constant 0 : i32
      %dma_wait3A_361 = tpu.memref_slice %arg28[%dma_wait3A_359, %dma_wait3A_360] : memref<53248x32xf32, #tpu.memory_space<vmem_shared>> -> memref<53248x32xf32, #tpu.memory_space<vmem_shared>>
      tpu.wait_indirect_dma semaphore(%arg52 : memref<!tpu.dma_semaphore, #tpu.memory_space<semaphore_mem>>) src(%arg26 : memref<128x32xf32, #tpu.memory_space<vmem>>) dst(%dma_wait3A_361 : memref<53248x32xf32, #tpu.memory_space<vmem_shared>>)
      %dma_start3A_362 = arith.constant 0 : i32
      %dma_start3A_363 = arith.constant 0 : i32
      %dma_start3A_364 = tpu.memref_slice %arg28[%dma_start3A_362, %dma_start3A_363] : memref<53248x32xf32, #tpu.memory_space<vmem_shared>> -> memref<53248x32xf32, #tpu.memory_space<vmem_shared>>
      tpu.enqueue_indirect_dma source(%arg23 : memref<128x32xf32, #tpu.memory_space<vmem>>) target(%dma_start3A_364 : memref<53248x32xf32, #tpu.memory_space<vmem_shared>>) offsets(%arg19 : memref<128xi32, #tpu.memory_space<vmem>>) semaphore(%arg49 : memref<!tpu.dma_semaphore, #tpu.memory_space<semaphore_mem>>) {add = true}
      %lt3A_365 = arith.constant 48 : i32
      %lt3A_366 = arith.cmpi slt, %scan3A_192, %lt3A_365 : i32
      %convert_element_type3A_367 = arith.extui %lt3A_366 : i1 to i32
      %cond3A_368 = arith.constant 0 : i32
      %cond3A_369 = arith.cmpi ne, %convert_element_type3A_367, %cond3A_368 : i32
      scf.if %cond3A_369 {
        %add3A_484 = arith.constant 8 : i32
        %add3A_485 = arith.addi %add3A_350, %add3A_484 : i32
        %mul3A_486 = arith.constant 128 : i32
        %mul3A_487 = arith.muli %add3A_485, %mul3A_486 : i32
        %add3A_488 = arith.addi %mul3A_23, %mul3A_487 : i32
        %dma_start3A_489 = tpu.memref_slice %arg3[%add3A_488] : memref<1605632xi32, #tpu.memory_space<hbm>> -> memref<128xi32, #tpu.memory_space<hbm>>
        %dma_start3A_490 = tpu.memref_slice %arg3[%add3A_488] : memref<1605632xi32, #tpu.memory_space<hbm>> -> memref<128xi32, #tpu.memory_space<hbm>>
        tpu.enqueue_dma source(%dma_start3A_490 : memref<128xi32, #tpu.memory_space<hbm>>) target(%arg11 : memref<128xi32, #tpu.memory_space<vmem>>) target_semaphore(%arg37 : memref<!tpu.dma_semaphore, #tpu.memory_space<semaphore_mem>>)
      } else {
      }
      %lt3A_370 = arith.constant 48 : i32
      %lt3A_371 = arith.cmpi slt, %scan3A_192, %lt3A_370 : i32
      %convert_element_type3A_372 = arith.extui %lt3A_371 : i1 to i32
      %cond3A_373 = arith.constant 0 : i32
      %cond3A_374 = arith.cmpi ne, %convert_element_type3A_372, %cond3A_373 : i32
      scf.if %cond3A_374 {
        %add3A_484 = arith.constant 7 : i32
        %add3A_485 = arith.addi %add3A_350, %add3A_484 : i32
        %mul3A_486 = arith.constant 128 : i32
        %mul3A_487 = arith.muli %add3A_485, %mul3A_486 : i32
        %add3A_488 = arith.addi %mul3A_25, %mul3A_487 : i32
        %dma_start3A_489 = tpu.memref_slice %arg4[%add3A_488] : memref<802816xi32, #tpu.memory_space<hbm>> -> memref<128xi32, #tpu.memory_space<hbm>>
        %dma_start3A_490 = tpu.memref_slice %arg4[%add3A_488] : memref<802816xi32, #tpu.memory_space<hbm>> -> memref<128xi32, #tpu.memory_space<hbm>>
        tpu.enqueue_dma source(%dma_start3A_490 : memref<128xi32, #tpu.memory_space<hbm>>) target(%arg18 : memref<128xi32, #tpu.memory_space<vmem>>) target_semaphore(%arg44 : memref<!tpu.dma_semaphore, #tpu.memory_space<semaphore_mem>>)
      } else {
      }
      %add3A_375 = arith.constant 3 : i32
      %add3A_376 = arith.addi %add3A_350, %add3A_375 : i32
      %mul3A_377 = arith.constant 128 : i32
      %mul3A_378 = arith.muli %add3A_376, %mul3A_377 : i32
      %add3A_379 = arith.addi %mul3A_23, %mul3A_378 : i32
      %dma_wait3A_380 = tpu.memref_slice %arg3[%add3A_379] : memref<1605632xi32, #tpu.memory_space<hbm>> -> memref<128xi32, #tpu.memory_space<hbm>>
      %dma_wait3A_381 = tpu.memref_slice %arg3[%add3A_379] : memref<1605632xi32, #tpu.memory_space<hbm>> -> memref<128xi32, #tpu.memory_space<hbm>>
      tpu.wait_dma2 semaphore(%arg40 : memref<!tpu.dma_semaphore, #tpu.memory_space<semaphore_mem>>) src(%dma_wait3A_381 : memref<128xi32, #tpu.memory_space<hbm>>) dst(%arg14 : memref<128xi32, #tpu.memory_space<vmem>>)
      %dma_start3A_382 = arith.constant 0 : i32
      %dma_start3A_383 = arith.constant 0 : i32
      %dma_start3A_384 = tpu.memref_slice %arg2[%dma_start3A_382, %dma_start3A_383] : memref<106496x32xf32, #tpu.memory_space<hbm>> -> memref<106496x32xf32, #tpu.memory_space<hbm>>
      tpu.enqueue_indirect_dma source(%dma_start3A_384 : memref<106496x32xf32, #tpu.memory_space<hbm>>) target(%arg26 : memref<128x32xf32, #tpu.memory_space<vmem>>) offsets(%arg14 : memref<128xi32, #tpu.memory_space<vmem>>) semaphore(%arg32 : memref<!tpu.dma_semaphore, #tpu.memory_space<semaphore_mem>>)
      %mul3A_385 = arith.constant 8 : i32
      %mul3A_386 = arith.muli %mul3A_385, %scan3A_192 : i32
      %add3A_387 = arith.constant 5 : i32
      %add3A_388 = arith.addi %mul3A_386, %add3A_387 : i32
      %dma_wait3A_389 = arith.constant 0 : i32
      %dma_wait3A_390 = arith.constant 0 : i32
      %dma_wait3A_391 = tpu.memref_slice %arg2[%dma_wait3A_389, %dma_wait3A_390] : memref<106496x32xf32, #tpu.memory_space<hbm>> -> memref<106496x32xf32, #tpu.memory_space<hbm>>
      tpu.wait_indirect_dma semaphore(%arg30 : memref<!tpu.dma_semaphore, #tpu.memory_space<semaphore_mem>>) src(%dma_wait3A_391 : memref<106496x32xf32, #tpu.memory_space<hbm>>) dst(%arg24 : memref<128x32xf32, #tpu.memory_space<vmem>>)
      %mul3A_392 = arith.constant 128 : i32
      %mul3A_393 = arith.muli %add3A_388, %mul3A_392 : i32
      %add3A_394 = arith.addi %mul3A_25, %mul3A_393 : i32
      %dma_wait3A_395 = tpu.memref_slice %arg4[%add3A_394] : memref<802816xi32, #tpu.memory_space<hbm>> -> memref<128xi32, #tpu.memory_space<hbm>>
      %dma_wait3A_396 = tpu.memref_slice %arg4[%add3A_394] : memref<802816xi32, #tpu.memory_space<hbm>> -> memref<128xi32, #tpu.memory_space<hbm>>
      tpu.wait_dma2 semaphore(%arg46 : memref<!tpu.dma_semaphore, #tpu.memory_space<semaphore_mem>>) src(%dma_wait3A_396 : memref<128xi32, #tpu.memory_space<hbm>>) dst(%arg20 : memref<128xi32, #tpu.memory_space<vmem>>)
      %dma_wait3A_397 = arith.constant 0 : i32
      %dma_wait3A_398 = arith.constant 0 : i32
      %dma_wait3A_399 = tpu.memref_slice %arg28[%dma_wait3A_397, %dma_wait3A_398] : memref<53248x32xf32, #tpu.memory_space<vmem_shared>> -> memref<53248x32xf32, #tpu.memory_space<vmem_shared>>
      tpu.wait_indirect_dma semaphore(%arg49 : memref<!tpu.dma_semaphore, #tpu.memory_space<semaphore_mem>>) src(%arg23 : memref<128x32xf32, #tpu.memory_space<vmem>>) dst(%dma_wait3A_399 : memref<53248x32xf32, #tpu.memory_space<vmem_shared>>)
      %dma_start3A_400 = arith.constant 0 : i32
      %dma_start3A_401 = arith.constant 0 : i32
      %dma_start3A_402 = tpu.memref_slice %arg28[%dma_start3A_400, %dma_start3A_401] : memref<53248x32xf32, #tpu.memory_space<vmem_shared>> -> memref<53248x32xf32, #tpu.memory_space<vmem_shared>>
      tpu.enqueue_indirect_dma source(%arg24 : memref<128x32xf32, #tpu.memory_space<vmem>>) target(%dma_start3A_402 : memref<53248x32xf32, #tpu.memory_space<vmem_shared>>) offsets(%arg20 : memref<128xi32, #tpu.memory_space<vmem>>) semaphore(%arg50 : memref<!tpu.dma_semaphore, #tpu.memory_space<semaphore_mem>>) {add = true}
      %lt3A_403 = arith.constant 48 : i32
      %lt3A_404 = arith.cmpi slt, %scan3A_192, %lt3A_403 : i32
      %convert_element_type3A_405 = arith.extui %lt3A_404 : i1 to i32
      %cond3A_406 = arith.constant 0 : i32
      %cond3A_407 = arith.cmpi ne, %convert_element_type3A_405, %cond3A_406 : i32
      scf.if %cond3A_407 {
        %add3A_484 = arith.constant 8 : i32
        %add3A_485 = arith.addi %add3A_388, %add3A_484 : i32
        %mul3A_486 = arith.constant 128 : i32
        %mul3A_487 = arith.muli %add3A_485, %mul3A_486 : i32
        %add3A_488 = arith.addi %mul3A_23, %mul3A_487 : i32
        %dma_start3A_489 = tpu.memref_slice %arg3[%add3A_488] : memref<1605632xi32, #tpu.memory_space<hbm>> -> memref<128xi32, #tpu.memory_space<hbm>>
        %dma_start3A_490 = tpu.memref_slice %arg3[%add3A_488] : memref<1605632xi32, #tpu.memory_space<hbm>> -> memref<128xi32, #tpu.memory_space<hbm>>
        tpu.enqueue_dma source(%dma_start3A_490 : memref<128xi32, #tpu.memory_space<hbm>>) target(%arg12 : memref<128xi32, #tpu.memory_space<vmem>>) target_semaphore(%arg38 : memref<!tpu.dma_semaphore, #tpu.memory_space<semaphore_mem>>)
      } else {
      }
      %lt3A_408 = arith.constant 48 : i32
      %lt3A_409 = arith.cmpi slt, %scan3A_192, %lt3A_408 : i32
      %convert_element_type3A_410 = arith.extui %lt3A_409 : i1 to i32
      %cond3A_411 = arith.constant 0 : i32
      %cond3A_412 = arith.cmpi ne, %convert_element_type3A_410, %cond3A_411 : i32
      scf.if %cond3A_412 {
        %add3A_484 = arith.constant 7 : i32
        %add3A_485 = arith.addi %add3A_388, %add3A_484 : i32
        %mul3A_486 = arith.constant 128 : i32
        %mul3A_487 = arith.muli %add3A_485, %mul3A_486 : i32
        %add3A_488 = arith.addi %mul3A_25, %mul3A_487 : i32
        %dma_start3A_489 = tpu.memref_slice %arg4[%add3A_488] : memref<802816xi32, #tpu.memory_space<hbm>> -> memref<128xi32, #tpu.memory_space<hbm>>
        %dma_start3A_490 = tpu.memref_slice %arg4[%add3A_488] : memref<802816xi32, #tpu.memory_space<hbm>> -> memref<128xi32, #tpu.memory_space<hbm>>
        tpu.enqueue_dma source(%dma_start3A_490 : memref<128xi32, #tpu.memory_space<hbm>>) target(%arg19 : memref<128xi32, #tpu.memory_space<vmem>>) target_semaphore(%arg45 : memref<!tpu.dma_semaphore, #tpu.memory_space<semaphore_mem>>)
      } else {
      }
      %lt3A_413 = arith.constant 48 : i32
      %lt3A_414 = arith.cmpi slt, %scan3A_192, %lt3A_413 : i32
      %convert_element_type3A_415 = arith.extui %lt3A_414 : i1 to i32
      %cond3A_416 = arith.constant 0 : i32
      %cond3A_417 = arith.cmpi ne, %convert_element_type3A_415, %cond3A_416 : i32
      scf.if %cond3A_417 {
        %add3A_484 = arith.constant 3 : i32
        %add3A_485 = arith.addi %add3A_388, %add3A_484 : i32
        %mul3A_486 = arith.constant 128 : i32
        %mul3A_487 = arith.muli %add3A_485, %mul3A_486 : i32
        %add3A_488 = arith.addi %mul3A_23, %mul3A_487 : i32
        %dma_wait3A_489 = tpu.memref_slice %arg3[%add3A_488] : memref<1605632xi32, #tpu.memory_space<hbm>> -> memref<128xi32, #tpu.memory_space<hbm>>
        %dma_wait3A_490 = tpu.memref_slice %arg3[%add3A_488] : memref<1605632xi32, #tpu.memory_space<hbm>> -> memref<128xi32, #tpu.memory_space<hbm>>
        tpu.wait_dma2 semaphore(%arg33 : memref<!tpu.dma_semaphore, #tpu.memory_space<semaphore_mem>>) src(%dma_wait3A_490 : memref<128xi32, #tpu.memory_space<hbm>>) dst(%arg7 : memref<128xi32, #tpu.memory_space<vmem>>)
        %dma_start3A_491 = arith.constant 0 : i32
        %dma_start3A_492 = arith.constant 0 : i32
        %dma_start3A_493 = tpu.memref_slice %arg2[%dma_start3A_491, %dma_start3A_492] : memref<106496x32xf32, #tpu.memory_space<hbm>> -> memref<106496x32xf32, #tpu.memory_space<hbm>>
        tpu.enqueue_indirect_dma source(%dma_start3A_493 : memref<106496x32xf32, #tpu.memory_space<hbm>>) target(%arg23 : memref<128x32xf32, #tpu.memory_space<vmem>>) offsets(%arg7 : memref<128xi32, #tpu.memory_space<vmem>>) semaphore(%arg29 : memref<!tpu.dma_semaphore, #tpu.memory_space<semaphore_mem>>)
      } else {
      }
      %mul3A_418 = arith.constant 8 : i32
      %mul3A_419 = arith.muli %mul3A_418, %scan3A_192 : i32
      %add3A_420 = arith.constant 6 : i32
      %add3A_421 = arith.addi %mul3A_419, %add3A_420 : i32
      %dma_wait3A_422 = arith.constant 0 : i32
      %dma_wait3A_423 = arith.constant 0 : i32
      %dma_wait3A_424 = tpu.memref_slice %arg2[%dma_wait3A_422, %dma_wait3A_423] : memref<106496x32xf32, #tpu.memory_space<hbm>> -> memref<106496x32xf32, #tpu.memory_space<hbm>>
      tpu.wait_indirect_dma semaphore(%arg31 : memref<!tpu.dma_semaphore, #tpu.memory_space<semaphore_mem>>) src(%dma_wait3A_424 : memref<106496x32xf32, #tpu.memory_space<hbm>>) dst(%arg25 : memref<128x32xf32, #tpu.memory_space<vmem>>)
      %mul3A_425 = arith.constant 128 : i32
      %mul3A_426 = arith.muli %add3A_421, %mul3A_425 : i32
      %add3A_427 = arith.addi %mul3A_25, %mul3A_426 : i32
      %dma_wait3A_428 = tpu.memref_slice %arg4[%add3A_427] : memref<802816xi32, #tpu.memory_space<hbm>> -> memref<128xi32, #tpu.memory_space<hbm>>
      %dma_wait3A_429 = tpu.memref_slice %arg4[%add3A_427] : memref<802816xi32, #tpu.memory_space<hbm>> -> memref<128xi32, #tpu.memory_space<hbm>>
      tpu.wait_dma2 semaphore(%arg47 : memref<!tpu.dma_semaphore, #tpu.memory_space<semaphore_mem>>) src(%dma_wait3A_429 : memref<128xi32, #tpu.memory_space<hbm>>) dst(%arg21 : memref<128xi32, #tpu.memory_space<vmem>>)
      %dma_wait3A_430 = arith.constant 0 : i32
      %dma_wait3A_431 = arith.constant 0 : i32
      %dma_wait3A_432 = tpu.memref_slice %arg28[%dma_wait3A_430, %dma_wait3A_431] : memref<53248x32xf32, #tpu.memory_space<vmem_shared>> -> memref<53248x32xf32, #tpu.memory_space<vmem_shared>>
      tpu.wait_indirect_dma semaphore(%arg50 : memref<!tpu.dma_semaphore, #tpu.memory_space<semaphore_mem>>) src(%arg24 : memref<128x32xf32, #tpu.memory_space<vmem>>) dst(%dma_wait3A_432 : memref<53248x32xf32, #tpu.memory_space<vmem_shared>>)
      %dma_start3A_433 = arith.constant 0 : i32
      %dma_start3A_434 = arith.constant 0 : i32
      %dma_start3A_435 = tpu.memref_slice %arg28[%dma_start3A_433, %dma_start3A_434] : memref<53248x32xf32, #tpu.memory_space<vmem_shared>> -> memref<53248x32xf32, #tpu.memory_space<vmem_shared>>
      tpu.enqueue_indirect_dma source(%arg25 : memref<128x32xf32, #tpu.memory_space<vmem>>) target(%dma_start3A_435 : memref<53248x32xf32, #tpu.memory_space<vmem_shared>>) offsets(%arg21 : memref<128xi32, #tpu.memory_space<vmem>>) semaphore(%arg51 : memref<!tpu.dma_semaphore, #tpu.memory_space<semaphore_mem>>) {add = true}
      %lt3A_436 = arith.constant 48 : i32
      %lt3A_437 = arith.cmpi slt, %scan3A_192, %lt3A_436 : i32
      %convert_element_type3A_438 = arith.extui %lt3A_437 : i1 to i32
      %cond3A_439 = arith.constant 0 : i32
      %cond3A_440 = arith.cmpi ne, %convert_element_type3A_438, %cond3A_439 : i32
      scf.if %cond3A_440 {
        %add3A_484 = arith.constant 8 : i32
        %add3A_485 = arith.addi %add3A_421, %add3A_484 : i32
        %mul3A_486 = arith.constant 128 : i32
        %mul3A_487 = arith.muli %add3A_485, %mul3A_486 : i32
        %add3A_488 = arith.addi %mul3A_23, %mul3A_487 : i32
        %dma_start3A_489 = tpu.memref_slice %arg3[%add3A_488] : memref<1605632xi32, #tpu.memory_space<hbm>> -> memref<128xi32, #tpu.memory_space<hbm>>
        %dma_start3A_490 = tpu.memref_slice %arg3[%add3A_488] : memref<1605632xi32, #tpu.memory_space<hbm>> -> memref<128xi32, #tpu.memory_space<hbm>>
        tpu.enqueue_dma source(%dma_start3A_490 : memref<128xi32, #tpu.memory_space<hbm>>) target(%arg13 : memref<128xi32, #tpu.memory_space<vmem>>) target_semaphore(%arg39 : memref<!tpu.dma_semaphore, #tpu.memory_space<semaphore_mem>>)
      } else {
      }
      %lt3A_441 = arith.constant 48 : i32
      %lt3A_442 = arith.cmpi slt, %scan3A_192, %lt3A_441 : i32
      %convert_element_type3A_443 = arith.extui %lt3A_442 : i1 to i32
      %cond3A_444 = arith.constant 0 : i32
      %cond3A_445 = arith.cmpi ne, %convert_element_type3A_443, %cond3A_444 : i32
      scf.if %cond3A_445 {
        %add3A_484 = arith.constant 7 : i32
        %add3A_485 = arith.addi %add3A_421, %add3A_484 : i32
        %mul3A_486 = arith.constant 128 : i32
        %mul3A_487 = arith.muli %add3A_485, %mul3A_486 : i32
        %add3A_488 = arith.addi %mul3A_25, %mul3A_487 : i32
        %dma_start3A_489 = tpu.memref_slice %arg4[%add3A_488] : memref<802816xi32, #tpu.memory_space<hbm>> -> memref<128xi32, #tpu.memory_space<hbm>>
        %dma_start3A_490 = tpu.memref_slice %arg4[%add3A_488] : memref<802816xi32, #tpu.memory_space<hbm>> -> memref<128xi32, #tpu.memory_space<hbm>>
        tpu.enqueue_dma source(%dma_start3A_490 : memref<128xi32, #tpu.memory_space<hbm>>) target(%arg20 : memref<128xi32, #tpu.memory_space<vmem>>) target_semaphore(%arg46 : memref<!tpu.dma_semaphore, #tpu.memory_space<semaphore_mem>>)
      } else {
      }
      %lt3A_446 = arith.constant 48 : i32
      %lt3A_447 = arith.cmpi slt, %scan3A_192, %lt3A_446 : i32
      %convert_element_type3A_448 = arith.extui %lt3A_447 : i1 to i32
      %cond3A_449 = arith.constant 0 : i32
      %cond3A_450 = arith.cmpi ne, %convert_element_type3A_448, %cond3A_449 : i32
      scf.if %cond3A_450 {
        %add3A_484 = arith.constant 3 : i32
        %add3A_485 = arith.addi %add3A_421, %add3A_484 : i32
        %mul3A_486 = arith.constant 128 : i32
        %mul3A_487 = arith.muli %add3A_485, %mul3A_486 : i32
        %add3A_488 = arith.addi %mul3A_23, %mul3A_487 : i32
        %dma_wait3A_489 = tpu.memref_slice %arg3[%add3A_488] : memref<1605632xi32, #tpu.memory_space<hbm>> -> memref<128xi32, #tpu.memory_space<hbm>>
        %dma_wait3A_490 = tpu.memref_slice %arg3[%add3A_488] : memref<1605632xi32, #tpu.memory_space<hbm>> -> memref<128xi32, #tpu.memory_space<hbm>>
        tpu.wait_dma2 semaphore(%arg34 : memref<!tpu.dma_semaphore, #tpu.memory_space<semaphore_mem>>) src(%dma_wait3A_490 : memref<128xi32, #tpu.memory_space<hbm>>) dst(%arg8 : memref<128xi32, #tpu.memory_space<vmem>>)
        %dma_start3A_491 = arith.constant 0 : i32
        %dma_start3A_492 = arith.constant 0 : i32
        %dma_start3A_493 = tpu.memref_slice %arg2[%dma_start3A_491, %dma_start3A_492] : memref<106496x32xf32, #tpu.memory_space<hbm>> -> memref<106496x32xf32, #tpu.memory_space<hbm>>
        tpu.enqueue_indirect_dma source(%dma_start3A_493 : memref<106496x32xf32, #tpu.memory_space<hbm>>) target(%arg24 : memref<128x32xf32, #tpu.memory_space<vmem>>) offsets(%arg8 : memref<128xi32, #tpu.memory_space<vmem>>) semaphore(%arg30 : memref<!tpu.dma_semaphore, #tpu.memory_space<semaphore_mem>>)
      } else {
      }
      %mul3A_451 = arith.constant 8 : i32
      %mul3A_452 = arith.muli %mul3A_451, %scan3A_192 : i32
      %add3A_453 = arith.constant 7 : i32
      %add3A_454 = arith.addi %mul3A_452, %add3A_453 : i32
      %dma_wait3A_455 = arith.constant 0 : i32
      %dma_wait3A_456 = arith.constant 0 : i32
      %dma_wait3A_457 = tpu.memref_slice %arg2[%dma_wait3A_455, %dma_wait3A_456] : memref<106496x32xf32, #tpu.memory_space<hbm>> -> memref<106496x32xf32, #tpu.memory_space<hbm>>
      tpu.wait_indirect_dma semaphore(%arg32 : memref<!tpu.dma_semaphore, #tpu.memory_space<semaphore_mem>>) src(%dma_wait3A_457 : memref<106496x32xf32, #tpu.memory_space<hbm>>) dst(%arg26 : memref<128x32xf32, #tpu.memory_space<vmem>>)
      %mul3A_458 = arith.constant 128 : i32
      %mul3A_459 = arith.muli %add3A_454, %mul3A_458 : i32
      %add3A_460 = arith.addi %mul3A_25, %mul3A_459 : i32
      %dma_wait3A_461 = tpu.memref_slice %arg4[%add3A_460] : memref<802816xi32, #tpu.memory_space<hbm>> -> memref<128xi32, #tpu.memory_space<hbm>>
      %dma_wait3A_462 = tpu.memref_slice %arg4[%add3A_460] : memref<802816xi32, #tpu.memory_space<hbm>> -> memref<128xi32, #tpu.memory_space<hbm>>
      tpu.wait_dma2 semaphore(%arg48 : memref<!tpu.dma_semaphore, #tpu.memory_space<semaphore_mem>>) src(%dma_wait3A_462 : memref<128xi32, #tpu.memory_space<hbm>>) dst(%arg22 : memref<128xi32, #tpu.memory_space<vmem>>)
      %dma_wait3A_463 = arith.constant 0 : i32
      %dma_wait3A_464 = arith.constant 0 : i32
      %dma_wait3A_465 = tpu.memref_slice %arg28[%dma_wait3A_463, %dma_wait3A_464] : memref<53248x32xf32, #tpu.memory_space<vmem_shared>> -> memref<53248x32xf32, #tpu.memory_space<vmem_shared>>
      tpu.wait_indirect_dma semaphore(%arg51 : memref<!tpu.dma_semaphore, #tpu.memory_space<semaphore_mem>>) src(%arg25 : memref<128x32xf32, #tpu.memory_space<vmem>>) dst(%dma_wait3A_465 : memref<53248x32xf32, #tpu.memory_space<vmem_shared>>)
      %dma_start3A_466 = arith.constant 0 : i32
      %dma_start3A_467 = arith.constant 0 : i32
      %dma_start3A_468 = tpu.memref_slice %arg28[%dma_start3A_466, %dma_start3A_467] : memref<53248x32xf32, #tpu.memory_space<vmem_shared>> -> memref<53248x32xf32, #tpu.memory_space<vmem_shared>>
      tpu.enqueue_indirect_dma source(%arg26 : memref<128x32xf32, #tpu.memory_space<vmem>>) target(%dma_start3A_468 : memref<53248x32xf32, #tpu.memory_space<vmem_shared>>) offsets(%arg22 : memref<128xi32, #tpu.memory_space<vmem>>) semaphore(%arg52 : memref<!tpu.dma_semaphore, #tpu.memory_space<semaphore_mem>>) {add = true}
      %lt3A_469 = arith.constant 48 : i32
      %lt3A_470 = arith.cmpi slt, %scan3A_192, %lt3A_469 : i32
      %convert_element_type3A_471 = arith.extui %lt3A_470 : i1 to i32
      %cond3A_472 = arith.constant 0 : i32
      %cond3A_473 = arith.cmpi ne, %convert_element_type3A_471, %cond3A_472 : i32
      scf.if %cond3A_473 {
        %add3A_484 = arith.constant 8 : i32
        %add3A_485 = arith.addi %add3A_454, %add3A_484 : i32
        %mul3A_486 = arith.constant 128 : i32
        %mul3A_487 = arith.muli %add3A_485, %mul3A_486 : i32
        %add3A_488 = arith.addi %mul3A_23, %mul3A_487 : i32
        %dma_start3A_489 = tpu.memref_slice %arg3[%add3A_488] : memref<1605632xi32, #tpu.memory_space<hbm>> -> memref<128xi32, #tpu.memory_space<hbm>>
        %dma_start3A_490 = tpu.memref_slice %arg3[%add3A_488] : memref<1605632xi32, #tpu.memory_space<hbm>> -> memref<128xi32, #tpu.memory_space<hbm>>
        tpu.enqueue_dma source(%dma_start3A_490 : memref<128xi32, #tpu.memory_space<hbm>>) target(%arg14 : memref<128xi32, #tpu.memory_space<vmem>>) target_semaphore(%arg40 : memref<!tpu.dma_semaphore, #tpu.memory_space<semaphore_mem>>)
      } else {
      }
      %lt3A_474 = arith.constant 48 : i32
      %lt3A_475 = arith.cmpi slt, %scan3A_192, %lt3A_474 : i32
      %convert_element_type3A_476 = arith.extui %lt3A_475 : i1 to i32
      %cond3A_477 = arith.constant 0 : i32
      %cond3A_478 = arith.cmpi ne, %convert_element_type3A_476, %cond3A_477 : i32
      scf.if %cond3A_478 {
        %add3A_484 = arith.constant 7 : i32
        %add3A_485 = arith.addi %add3A_454, %add3A_484 : i32
        %mul3A_486 = arith.constant 128 : i32
        %mul3A_487 = arith.muli %add3A_485, %mul3A_486 : i32
        %add3A_488 = arith.addi %mul3A_25, %mul3A_487 : i32
        %dma_start3A_489 = tpu.memref_slice %arg4[%add3A_488] : memref<802816xi32, #tpu.memory_space<hbm>> -> memref<128xi32, #tpu.memory_space<hbm>>
        %dma_start3A_490 = tpu.memref_slice %arg4[%add3A_488] : memref<802816xi32, #tpu.memory_space<hbm>> -> memref<128xi32, #tpu.memory_space<hbm>>
        tpu.enqueue_dma source(%dma_start3A_490 : memref<128xi32, #tpu.memory_space<hbm>>) target(%arg21 : memref<128xi32, #tpu.memory_space<vmem>>) target_semaphore(%arg47 : memref<!tpu.dma_semaphore, #tpu.memory_space<semaphore_mem>>)
      } else {
      }
      %lt3A_479 = arith.constant 48 : i32
      %lt3A_480 = arith.cmpi slt, %scan3A_192, %lt3A_479 : i32
      %convert_element_type3A_481 = arith.extui %lt3A_480 : i1 to i32
      %cond3A_482 = arith.constant 0 : i32
      %cond3A_483 = arith.cmpi ne, %convert_element_type3A_481, %cond3A_482 : i32
      scf.if %cond3A_483 {
        %add3A_484 = arith.constant 3 : i32
        %add3A_485 = arith.addi %add3A_454, %add3A_484 : i32
        %mul3A_486 = arith.constant 128 : i32
        %mul3A_487 = arith.muli %add3A_485, %mul3A_486 : i32
        %add3A_488 = arith.addi %mul3A_23, %mul3A_487 : i32
        %dma_wait3A_489 = tpu.memref_slice %arg3[%add3A_488] : memref<1605632xi32, #tpu.memory_space<hbm>> -> memref<128xi32, #tpu.memory_space<hbm>>
        %dma_wait3A_490 = tpu.memref_slice %arg3[%add3A_488] : memref<1605632xi32, #tpu.memory_space<hbm>> -> memref<128xi32, #tpu.memory_space<hbm>>
        tpu.wait_dma2 semaphore(%arg35 : memref<!tpu.dma_semaphore, #tpu.memory_space<semaphore_mem>>) src(%dma_wait3A_490 : memref<128xi32, #tpu.memory_space<hbm>>) dst(%arg9 : memref<128xi32, #tpu.memory_space<vmem>>)
        %dma_start3A_491 = arith.constant 0 : i32
        %dma_start3A_492 = arith.constant 0 : i32
        %dma_start3A_493 = tpu.memref_slice %arg2[%dma_start3A_491, %dma_start3A_492] : memref<106496x32xf32, #tpu.memory_space<hbm>> -> memref<106496x32xf32, #tpu.memory_space<hbm>>
        tpu.enqueue_indirect_dma source(%dma_start3A_493 : memref<106496x32xf32, #tpu.memory_space<hbm>>) target(%arg25 : memref<128x32xf32, #tpu.memory_space<vmem>>) offsets(%arg9 : memref<128xi32, #tpu.memory_space<vmem>>) semaphore(%arg31 : memref<!tpu.dma_semaphore, #tpu.memory_space<semaphore_mem>>)
      } else {
      }
    }
    %scan3A_111 = arith.constant 49 : i32
    %dma_wait3A_112 = arith.constant 0 : i32
    %dma_wait3A_113 = arith.constant 0 : i32
    %dma_wait3A_114 = tpu.memref_slice %arg28[%dma_wait3A_112, %dma_wait3A_113] : memref<53248x32xf32, #tpu.memory_space<vmem_shared>> -> memref<53248x32xf32, #tpu.memory_space<vmem_shared>>
    tpu.wait_indirect_dma semaphore(%arg52 : memref<!tpu.dma_semaphore, #tpu.memory_space<semaphore_mem>>) src(%arg26 : memref<128x32xf32, #tpu.memory_space<vmem>>) dst(%dma_wait3A_114 : memref<53248x32xf32, #tpu.memory_space<vmem_shared>>)
    %barrier3A_115 = arith.constant 0 : index
    tpu.barrier barrier_id(%barrier3A_115)
    %mul3A_116 = arith.constant 16 : i32
    %mul3A_117 = arith.muli %arg0, %mul3A_116 : i32
    %add3A_118 = arith.addi %mul3A_117, %arg1 : i32
    %broadcast_in_dim3A = arith.constant 0.000000e+00 : f32
    %broadcast_in_dim3A_119 = vector.broadcast %broadcast_in_dim3A : f32 to vector<16xf32>
    %add3A_120 = arith.constant 0 : i32
    %add3A_121 = arith.addi %mul3A_0, %add3A_120 : i32
    %dma_start3A_122 = arith.constant 0 : i32
    %dma_start3A_123 = tpu.memref_slice %arg28[%add3A_121, %dma_start3A_122] : memref<53248x32xf32, #tpu.memory_space<vmem_shared>> -> memref<128x32xf32, #tpu.memory_space<vmem_shared>>
    %dma_start3A_124 = arith.constant 0 : i32
    %dma_start3A_125 = tpu.memref_slice %arg28[%add3A_121, %dma_start3A_124] : memref<53248x32xf32, #tpu.memory_space<vmem_shared>> -> memref<128x32xf32, #tpu.memory_space<vmem_shared>>
    tpu.enqueue_dma source(%dma_start3A_125 : memref<128x32xf32, #tpu.memory_space<vmem_shared>>) target(%arg23 : memref<128x32xf32, #tpu.memory_space<vmem>>) target_semaphore(%arg29 : memref<!tpu.dma_semaphore, #tpu.memory_space<semaphore_mem>>)
    %add3A_126 = arith.constant 128 : i32
    %add3A_127 = arith.addi %mul3A_0, %add3A_126 : i32
    %dma_start3A_128 = arith.constant 0 : i32
    %dma_start3A_129 = tpu.memref_slice %arg28[%add3A_127, %dma_start3A_128] : memref<53248x32xf32, #tpu.memory_space<vmem_shared>> -> memref<128x32xf32, #tpu.memory_space<vmem_shared>>
    %dma_start3A_130 = arith.constant 0 : i32
    %dma_start3A_131 = tpu.memref_slice %arg28[%add3A_127, %dma_start3A_130] : memref<53248x32xf32, #tpu.memory_space<vmem_shared>> -> memref<128x32xf32, #tpu.memory_space<vmem_shared>>
    tpu.enqueue_dma source(%dma_start3A_131 : memref<128x32xf32, #tpu.memory_space<vmem_shared>>) target(%arg24 : memref<128x32xf32, #tpu.memory_space<vmem>>) target_semaphore(%arg30 : memref<!tpu.dma_semaphore, #tpu.memory_space<semaphore_mem>>)
    %scan3A_132 = arith.constant 0 : i32
    %scan3A_133 = arith.constant 13 : i32
    %scan3A_134 = arith.addi %scan3A_132, %scan3A_133 : i32
    %scan3A_135 = arith.constant 1 : i32
    %scan3A_136:4 = scf.for %scan3A_192 = %scan3A_132 to %scan3A_134 step %scan3A_135 iter_args(%scan3A_193 = %broadcast_in_dim3A_119, %scan3A_194 = %broadcast_in_dim3A_119, %scan3A_195 = %broadcast_in_dim3A_119, %scan3A_196 = %broadcast_in_dim3A_119) -> (vector<16xf32>, vector<16xf32>, vector<16xf32>, vector<16xf32>)  : i32 {
      %mul3A_197 = arith.constant 2 : i32
      %mul3A_198 = arith.muli %mul3A_197, %scan3A_192 : i32
      %add3A_199 = arith.constant 0 : i32
      %add3A_200 = arith.addi %mul3A_198, %add3A_199 : i32
      %mul3A_201 = arith.constant 128 : i32
      %mul3A_202 = arith.muli %add3A_200, %mul3A_201 : i32
      %add3A_203 = arith.addi %mul3A_0, %mul3A_202 : i32
      %dma_wait3A_204 = arith.constant 0 : i32
      %dma_wait3A_205 = tpu.memref_slice %arg28[%add3A_203, %dma_wait3A_204] : memref<53248x32xf32, #tpu.memory_space<vmem_shared>> -> memref<128x32xf32, #tpu.memory_space<vmem_shared>>
      %dma_wait3A_206 = arith.constant 0 : i32
      %dma_wait3A_207 = tpu.memref_slice %arg28[%add3A_203, %dma_wait3A_206] : memref<53248x32xf32, #tpu.memory_space<vmem_shared>> -> memref<128x32xf32, #tpu.memory_space<vmem_shared>>
      tpu.wait_dma2 semaphore(%arg29 : memref<!tpu.dma_semaphore, #tpu.memory_space<semaphore_mem>>) src(%dma_wait3A_207 : memref<128x32xf32, #tpu.memory_space<vmem_shared>>) dst(%arg23 : memref<128x32xf32, #tpu.memory_space<vmem>>)
      %mul3A_208 = arith.constant 128 : i32
      %mul3A_209 = arith.muli %add3A_200, %mul3A_208 : i32
      %add3A_210 = arith.addi %add3A, %mul3A_209 : i32
      "tpu.region"() ({
        %run_scoped3A = tpu.sem_alloc : memref<!tpu.dma_semaphore, #tpu.memory_space<semaphore_mem>>
        %dma_start3A_281 = arith.constant 0 : i32
        %dma_start3A_282 = tpu.memref_slice %arg5[%add3A_210, %dma_start3A_281] : memref<106496x32xf32, #tpu.memory_space<hbm>> -> memref<128x32xf32, #tpu.memory_space<hbm>>
        %dma_start3A_283 = arith.constant 0 : i32
        %dma_start3A_284 = tpu.memref_slice %arg5[%add3A_210, %dma_start3A_283] : memref<106496x32xf32, #tpu.memory_space<hbm>> -> memref<128x32xf32, #tpu.memory_space<hbm>>
        tpu.enqueue_dma source(%arg23 : memref<128x32xf32, #tpu.memory_space<vmem>>) target(%dma_start3A_284 : memref<128x32xf32, #tpu.memory_space<hbm>>) target_semaphore(%run_scoped3A : memref<!tpu.dma_semaphore, #tpu.memory_space<semaphore_mem>>)
        %dma_wait3A_285 = arith.constant 0 : i32
        %dma_wait3A_286 = tpu.memref_slice %arg5[%add3A_210, %dma_wait3A_285] : memref<106496x32xf32, #tpu.memory_space<hbm>> -> memref<128x32xf32, #tpu.memory_space<hbm>>
        %dma_wait3A_287 = arith.constant 0 : i32
        %dma_wait3A_288 = tpu.memref_slice %arg5[%add3A_210, %dma_wait3A_287] : memref<106496x32xf32, #tpu.memory_space<hbm>> -> memref<128x32xf32, #tpu.memory_space<hbm>>
        tpu.wait_dma2 semaphore(%run_scoped3A : memref<!tpu.dma_semaphore, #tpu.memory_space<semaphore_mem>>) src(%arg23 : memref<128x32xf32, #tpu.memory_space<vmem>>) dst(%dma_wait3A_288 : memref<128x32xf32, #tpu.memory_space<hbm>>)
        tpu.yield
      }) : () -> ()
      %lt3A = arith.constant 12 : i32
      %lt3A_211 = arith.cmpi slt, %scan3A_192, %lt3A : i32
      %convert_element_type3A_212 = arith.extui %lt3A_211 : i1 to i32
      %cond3A_213 = arith.constant 0 : i32
      %cond3A_214 = arith.cmpi ne, %convert_element_type3A_212, %cond3A_213 : i32
      scf.if %cond3A_214 {
        %add3A_281 = arith.constant 2 : i32
        %add3A_282 = arith.addi %add3A_200, %add3A_281 : i32
        %mul3A_283 = arith.constant 128 : i32
        %mul3A_284 = arith.muli %add3A_282, %mul3A_283 : i32
        %add3A_285 = arith.addi %mul3A_0, %mul3A_284 : i32
        %dma_start3A_286 = arith.constant 0 : i32
        %dma_start3A_287 = tpu.memref_slice %arg28[%add3A_285, %dma_start3A_286] : memref<53248x32xf32, #tpu.memory_space<vmem_shared>> -> memref<128x32xf32, #tpu.memory_space<vmem_shared>>
        %dma_start3A_288 = arith.constant 0 : i32
        %dma_start3A_289 = tpu.memref_slice %arg28[%add3A_285, %dma_start3A_288] : memref<53248x32xf32, #tpu.memory_space<vmem_shared>> -> memref<128x32xf32, #tpu.memory_space<vmem_shared>>
        tpu.enqueue_dma source(%dma_start3A_289 : memref<128x32xf32, #tpu.memory_space<vmem_shared>>) target(%arg23 : memref<128x32xf32, #tpu.memory_space<vmem>>) target_semaphore(%arg29 : memref<!tpu.dma_semaphore, #tpu.memory_space<semaphore_mem>>)
      } else {
      }
      %mul3A_215 = arith.constant 128 : i32
      %mul3A_216 = arith.muli %add3A_200, %mul3A_215 : i32
      %add3A_217 = arith.addi %mul3A_0, %mul3A_216 : i32
      %sub3A = arith.constant 50000 : i32
      %sub3A_218 = arith.subi %sub3A, %add3A_217 : i32
      %jit3A = arith.constant 0 : i32
      %jit3A_219 = arith.constant 128 : i32
      %max3A = arith.maxsi %jit3A, %sub3A_218 : i32
      %min3A = arith.minsi %jit3A_219, %max3A : i32
      %broadcast_in_dim3A_220 = arith.constant 0.000000e+00 : f32
      %broadcast_in_dim3A_221 = vector.broadcast %broadcast_in_dim3A_220 : f32 to vector<16xf32>
      %while3A = arith.constant 0 : i32
      %while3A_222 = arith.subi %min3A, %while3A : i32
      %while3A_223 = arith.addi %while3A, %while3A_222 : i32
      %while3A_224 = arith.constant 1 : i32
      %while3A_225 = arith.divsi %while3A_222, %while3A_224 : i32
      %while3A_226 = arith.muli %while3A_225, %while3A_224 : i32
      %while3A_227 = arith.addi %while3A, %while3A_226 : i32
      %while3A_228 = arith.constant 1 : i32
      %while3A_229:4 = scf.for %while3A_281 = %while3A to %while3A_227 step %while3A_228 iter_args(%while3A_282 = %broadcast_in_dim3A_221, %while3A_283 = %broadcast_in_dim3A_221, %while3A_284 = %broadcast_in_dim3A_221, %while3A_285 = %broadcast_in_dim3A_221) -> (vector<16xf32>, vector<16xf32>, vector<16xf32>, vector<16xf32>)  : i32 {
        %get3A = arith.index_cast %while3A_281 : i32 to index
        %get3A_286 = arith.constant 0 : index
        %get3A_287 = tpu.vector_load %arg23[%get3A, %get3A_286] {strides = array<i32>} : memref<128x32xf32, #tpu.memory_space<vmem>>, vector<1x16xf32>,
        %get3A_288 = vector.shape_cast %get3A_287 : vector<1x16xf32> to vector<16xf32>
        %get3A_289 = arith.index_cast %while3A_281 : i32 to index
        %get3A_290 = arith.constant 16 : index
        %get3A_291 = tpu.vector_load %arg23[%get3A_289, %get3A_290] {strides = array<i32>} : memref<128x32xf32, #tpu.memory_space<vmem>>, vector<1x16xf32>,
        %get3A_292 = vector.shape_cast %get3A_291 : vector<1x16xf32> to vector<16xf32>
        %add3A_293 = arith.addf %while3A_282, %get3A_288 : vector<16xf32>
        %add3A_294 = arith.addf %while3A_283, %get3A_292 : vector<16xf32>
        %mul3A_295 = arith.mulf %get3A_288, %get3A_288 : vector<16xf32>
        %add3A_296 = arith.addf %while3A_284, %mul3A_295 : vector<16xf32>
        %mul3A_297 = arith.mulf %get3A_292, %get3A_292 : vector<16xf32>
        %add3A_298 = arith.addf %while3A_285, %mul3A_297 : vector<16xf32>
        scf.yield %add3A_293, %add3A_294, %add3A_296, %add3A_298 : vector<16xf32>, vector<16xf32>, vector<16xf32>, vector<16xf32>
      }
      %while3A_230 = arith.constant 1 : i32
      %while3A_231:4 = scf.for %while3A_281 = %while3A_227 to %while3A_223 step %while3A_230 iter_args(%while3A_282 = %while3A_229#0, %while3A_283 = %while3A_229#1, %while3A_284 = %while3A_229#2, %while3A_285 = %while3A_229#3) -> (vector<16xf32>, vector<16xf32>, vector<16xf32>, vector<16xf32>)  : i32 {
        %get3A = arith.index_cast %while3A_281 : i32 to index
        %get3A_286 = arith.constant 0 : index
        %get3A_287 = tpu.vector_load %arg23[%get3A, %get3A_286] {strides = array<i32>} : memref<128x32xf32, #tpu.memory_space<vmem>>, vector<1x16xf32>,
        %get3A_288 = vector.shape_cast %get3A_287 : vector<1x16xf32> to vector<16xf32>
        %get3A_289 = arith.index_cast %while3A_281 : i32 to index
        %get3A_290 = arith.constant 16 : index
        %get3A_291 = tpu.vector_load %arg23[%get3A_289, %get3A_290] {strides = array<i32>} : memref<128x32xf32, #tpu.memory_space<vmem>>, vector<1x16xf32>,
        %get3A_292 = vector.shape_cast %get3A_291 : vector<1x16xf32> to vector<16xf32>
        %add3A_293 = arith.addf %while3A_282, %get3A_288 : vector<16xf32>
        %add3A_294 = arith.addf %while3A_283, %get3A_292 : vector<16xf32>
        %mul3A_295 = arith.mulf %get3A_288, %get3A_288 : vector<16xf32>
        %add3A_296 = arith.addf %while3A_284, %mul3A_295 : vector<16xf32>
        %mul3A_297 = arith.mulf %get3A_292, %get3A_292 : vector<16xf32>
        %add3A_298 = arith.addf %while3A_285, %mul3A_297 : vector<16xf32>
        scf.yield %add3A_293, %add3A_294, %add3A_296, %add3A_298 : vector<16xf32>, vector<16xf32>, vector<16xf32>, vector<16xf32>
      }
      %add3A_232 = arith.addf %scan3A_193, %while3A_231#0 : vector<16xf32>
      %add3A_233 = arith.addf %scan3A_194, %while3A_231#1 : vector<16xf32>
      %add3A_234 = arith.addf %scan3A_195, %while3A_231#2 : vector<16xf32>
      %add3A_235 = arith.addf %scan3A_196, %while3A_231#3 : vector<16xf32>
      %mul3A_236 = arith.constant 2 : i32
      %mul3A_237 = arith.muli %mul3A_236, %scan3A_192 : i32
      %add3A_238 = arith.constant 1 : i32
      %add3A_239 = arith.addi %mul3A_237, %add3A_238 : i32
      %mul3A_240 = arith.constant 128 : i32
      %mul3A_241 = arith.muli %add3A_239, %mul3A_240 : i32
      %add3A_242 = arith.addi %mul3A_0, %mul3A_241 : i32
      %dma_wait3A_243 = arith.constant 0 : i32
      %dma_wait3A_244 = tpu.memref_slice %arg28[%add3A_242, %dma_wait3A_243] : memref<53248x32xf32, #tpu.memory_space<vmem_shared>> -> memref<128x32xf32, #tpu.memory_space<vmem_shared>>
      %dma_wait3A_245 = arith.constant 0 : i32
      %dma_wait3A_246 = tpu.memref_slice %arg28[%add3A_242, %dma_wait3A_245] : memref<53248x32xf32, #tpu.memory_space<vmem_shared>> -> memref<128x32xf32, #tpu.memory_space<vmem_shared>>
      tpu.wait_dma2 semaphore(%arg30 : memref<!tpu.dma_semaphore, #tpu.memory_space<semaphore_mem>>) src(%dma_wait3A_246 : memref<128x32xf32, #tpu.memory_space<vmem_shared>>) dst(%arg24 : memref<128x32xf32, #tpu.memory_space<vmem>>)
      %mul3A_247 = arith.constant 128 : i32
      %mul3A_248 = arith.muli %add3A_239, %mul3A_247 : i32
      %add3A_249 = arith.addi %add3A, %mul3A_248 : i32
      "tpu.region"() ({
        %run_scoped3A = tpu.sem_alloc : memref<!tpu.dma_semaphore, #tpu.memory_space<semaphore_mem>>
        %dma_start3A_281 = arith.constant 0 : i32
        %dma_start3A_282 = tpu.memref_slice %arg5[%add3A_249, %dma_start3A_281] : memref<106496x32xf32, #tpu.memory_space<hbm>> -> memref<128x32xf32, #tpu.memory_space<hbm>>
        %dma_start3A_283 = arith.constant 0 : i32
        %dma_start3A_284 = tpu.memref_slice %arg5[%add3A_249, %dma_start3A_283] : memref<106496x32xf32, #tpu.memory_space<hbm>> -> memref<128x32xf32, #tpu.memory_space<hbm>>
        tpu.enqueue_dma source(%arg24 : memref<128x32xf32, #tpu.memory_space<vmem>>) target(%dma_start3A_284 : memref<128x32xf32, #tpu.memory_space<hbm>>) target_semaphore(%run_scoped3A : memref<!tpu.dma_semaphore, #tpu.memory_space<semaphore_mem>>)
        %dma_wait3A_285 = arith.constant 0 : i32
        %dma_wait3A_286 = tpu.memref_slice %arg5[%add3A_249, %dma_wait3A_285] : memref<106496x32xf32, #tpu.memory_space<hbm>> -> memref<128x32xf32, #tpu.memory_space<hbm>>
        %dma_wait3A_287 = arith.constant 0 : i32
        %dma_wait3A_288 = tpu.memref_slice %arg5[%add3A_249, %dma_wait3A_287] : memref<106496x32xf32, #tpu.memory_space<hbm>> -> memref<128x32xf32, #tpu.memory_space<hbm>>
        tpu.wait_dma2 semaphore(%run_scoped3A : memref<!tpu.dma_semaphore, #tpu.memory_space<semaphore_mem>>) src(%arg24 : memref<128x32xf32, #tpu.memory_space<vmem>>) dst(%dma_wait3A_288 : memref<128x32xf32, #tpu.memory_space<hbm>>)
        tpu.yield
      }) : () -> ()
      %lt3A_250 = arith.constant 12 : i32
      %lt3A_251 = arith.cmpi slt, %scan3A_192, %lt3A_250 : i32
      %convert_element_type3A_252 = arith.extui %lt3A_251 : i1 to i32
      %cond3A_253 = arith.constant 0 : i32
      %cond3A_254 = arith.cmpi ne, %convert_element_type3A_252, %cond3A_253 : i32
      scf.if %cond3A_254 {
        %add3A_281 = arith.constant 2 : i32
        %add3A_282 = arith.addi %add3A_239, %add3A_281 : i32
        %mul3A_283 = arith.constant 128 : i32
        %mul3A_284 = arith.muli %add3A_282, %mul3A_283 : i32
        %add3A_285 = arith.addi %mul3A_0, %mul3A_284 : i32
        %dma_start3A_286 = arith.constant 0 : i32
        %dma_start3A_287 = tpu.memref_slice %arg28[%add3A_285, %dma_start3A_286] : memref<53248x32xf32, #tpu.memory_space<vmem_shared>> -> memref<128x32xf32, #tpu.memory_space<vmem_shared>>
        %dma_start3A_288 = arith.constant 0 : i32
        %dma_start3A_289 = tpu.memref_slice %arg28[%add3A_285, %dma_start3A_288] : memref<53248x32xf32, #tpu.memory_space<vmem_shared>> -> memref<128x32xf32, #tpu.memory_space<vmem_shared>>
        tpu.enqueue_dma source(%dma_start3A_289 : memref<128x32xf32, #tpu.memory_space<vmem_shared>>) target(%arg24 : memref<128x32xf32, #tpu.memory_space<vmem>>) target_semaphore(%arg30 : memref<!tpu.dma_semaphore, #tpu.memory_space<semaphore_mem>>)
      } else {
      }
      %mul3A_255 = arith.constant 128 : i32
      %mul3A_256 = arith.muli %add3A_239, %mul3A_255 : i32
      %add3A_257 = arith.addi %mul3A_0, %mul3A_256 : i32
      %sub3A_258 = arith.constant 50000 : i32
      %sub3A_259 = arith.subi %sub3A_258, %add3A_257 : i32
      %jit3A_260 = arith.constant 0 : i32
      %jit3A_261 = arith.constant 128 : i32
      %max3A_262 = arith.maxsi %jit3A_260, %sub3A_259 : i32
      %min3A_263 = arith.minsi %jit3A_261, %max3A_262 : i32
      %broadcast_in_dim3A_264 = arith.constant 0.000000e+00 : f32
      %broadcast_in_dim3A_265 = vector.broadcast %broadcast_in_dim3A_264 : f32 to vector<16xf32>
      %while3A_266 = arith.constant 0 : i32
      %while3A_267 = arith.subi %min3A_263, %while3A_266 : i32
      %while3A_268 = arith.addi %while3A_266, %while3A_267 : i32
      %while3A_269 = arith.constant 1 : i32
      %while3A_270 = arith.divsi %while3A_267, %while3A_269 : i32
      %while3A_271 = arith.muli %while3A_270, %while3A_269 : i32
      %while3A_272 = arith.addi %while3A_266, %while3A_271 : i32
      %while3A_273 = arith.constant 1 : i32
      %while3A_274:4 = scf.for %while3A_281 = %while3A_266 to %while3A_272 step %while3A_273 iter_args(%while3A_282 = %broadcast_in_dim3A_265, %while3A_283 = %broadcast_in_dim3A_265, %while3A_284 = %broadcast_in_dim3A_265, %while3A_285 = %broadcast_in_dim3A_265) -> (vector<16xf32>, vector<16xf32>, vector<16xf32>, vector<16xf32>)  : i32 {
        %get3A = arith.index_cast %while3A_281 : i32 to index
        %get3A_286 = arith.constant 0 : index
        %get3A_287 = tpu.vector_load %arg24[%get3A, %get3A_286] {strides = array<i32>} : memref<128x32xf32, #tpu.memory_space<vmem>>, vector<1x16xf32>,
        %get3A_288 = vector.shape_cast %get3A_287 : vector<1x16xf32> to vector<16xf32>
        %get3A_289 = arith.index_cast %while3A_281 : i32 to index
        %get3A_290 = arith.constant 16 : index
        %get3A_291 = tpu.vector_load %arg24[%get3A_289, %get3A_290] {strides = array<i32>} : memref<128x32xf32, #tpu.memory_space<vmem>>, vector<1x16xf32>,
        %get3A_292 = vector.shape_cast %get3A_291 : vector<1x16xf32> to vector<16xf32>
        %add3A_293 = arith.addf %while3A_282, %get3A_288 : vector<16xf32>
        %add3A_294 = arith.addf %while3A_283, %get3A_292 : vector<16xf32>
        %mul3A_295 = arith.mulf %get3A_288, %get3A_288 : vector<16xf32>
        %add3A_296 = arith.addf %while3A_284, %mul3A_295 : vector<16xf32>
        %mul3A_297 = arith.mulf %get3A_292, %get3A_292 : vector<16xf32>
        %add3A_298 = arith.addf %while3A_285, %mul3A_297 : vector<16xf32>
        scf.yield %add3A_293, %add3A_294, %add3A_296, %add3A_298 : vector<16xf32>, vector<16xf32>, vector<16xf32>, vector<16xf32>
      }
      %while3A_275 = arith.constant 1 : i32
      %while3A_276:4 = scf.for %while3A_281 = %while3A_272 to %while3A_268 step %while3A_275 iter_args(%while3A_282 = %while3A_274#0, %while3A_283 = %while3A_274#1, %while3A_284 = %while3A_274#2, %while3A_285 = %while3A_274#3) -> (vector<16xf32>, vector<16xf32>, vector<16xf32>, vector<16xf32>)  : i32 {
        %get3A = arith.index_cast %while3A_281 : i32 to index
        %get3A_286 = arith.constant 0 : index
        %get3A_287 = tpu.vector_load %arg24[%get3A, %get3A_286] {strides = array<i32>} : memref<128x32xf32, #tpu.memory_space<vmem>>, vector<1x16xf32>,
        %get3A_288 = vector.shape_cast %get3A_287 : vector<1x16xf32> to vector<16xf32>
        %get3A_289 = arith.index_cast %while3A_281 : i32 to index
        %get3A_290 = arith.constant 16 : index
        %get3A_291 = tpu.vector_load %arg24[%get3A_289, %get3A_290] {strides = array<i32>} : memref<128x32xf32, #tpu.memory_space<vmem>>, vector<1x16xf32>,
        %get3A_292 = vector.shape_cast %get3A_291 : vector<1x16xf32> to vector<16xf32>
        %add3A_293 = arith.addf %while3A_282, %get3A_288 : vector<16xf32>
        %add3A_294 = arith.addf %while3A_283, %get3A_292 : vector<16xf32>
        %mul3A_295 = arith.mulf %get3A_288, %get3A_288 : vector<16xf32>
        %add3A_296 = arith.addf %while3A_284, %mul3A_295 : vector<16xf32>
        %mul3A_297 = arith.mulf %get3A_292, %get3A_292 : vector<16xf32>
        %add3A_298 = arith.addf %while3A_285, %mul3A_297 : vector<16xf32>
        scf.yield %add3A_293, %add3A_294, %add3A_296, %add3A_298 : vector<16xf32>, vector<16xf32>, vector<16xf32>, vector<16xf32>
      }
      %add3A_277 = arith.addf %add3A_232, %while3A_276#0 : vector<16xf32>
      %add3A_278 = arith.addf %add3A_233, %while3A_276#1 : vector<16xf32>
      %add3A_279 = arith.addf %add3A_234, %while3A_276#2 : vector<16xf32>
      %add3A_280 = arith.addf %add3A_235, %while3A_276#3 : vector<16xf32>
      scf.yield %add3A_277, %add3A_278, %add3A_279, %add3A_280 : vector<16xf32>, vector<16xf32>, vector<16xf32>, vector<16xf32>
    }
    %scan3A_137 = arith.constant 13 : i32
    %swap3A = arith.constant 0 : i32
    %swap3A_138 = arith.index_cast %swap3A : i32 to index
    %swap3A_139 = arith.constant 0 : index
    %swap3A_140 = tpu.vector_load %arg27[%swap3A_138, %swap3A_139] {strides = array<i32>} : memref<2x64xf32, #tpu.memory_space<vmem>>, vector<1x16xf32>,
    %swap3A_141 = vector.shape_cast %swap3A_140 : vector<1x16xf32> to vector<16xf32>
    %swap3A_142 = vector.shape_cast %broadcast_in_dim3A_119 : vector<16xf32> to vector<1x16xf32>
    tpu.vector_store %arg27[%swap3A_138, %swap3A_139], %swap3A_142 {strides = array<i32>} : memref<2x64xf32, #tpu.memory_space<vmem>>, vector<1x16xf32>,
    %swap3A_143 = arith.constant 0 : i32
    %swap3A_144 = arith.index_cast %swap3A_143 : i32 to index
    %swap3A_145 = arith.constant 16 : index
    %swap3A_146 = tpu.vector_load %arg27[%swap3A_144, %swap3A_145] {strides = array<i32>} : memref<2x64xf32, #tpu.memory_space<vmem>>, vector<1x16xf32>,
    %swap3A_147 = vector.shape_cast %swap3A_146 : vector<1x16xf32> to vector<16xf32>
    %swap3A_148 = vector.shape_cast %broadcast_in_dim3A_119 : vector<16xf32> to vector<1x16xf32>
    tpu.vector_store %arg27[%swap3A_144, %swap3A_145], %swap3A_148 {strides = array<i32>} : memref<2x64xf32, #tpu.memory_space<vmem>>, vector<1x16xf32>,
    %swap3A_149 = arith.constant 0 : i32
    %swap3A_150 = arith.index_cast %swap3A_149 : i32 to index
    %swap3A_151 = arith.constant 32 : index
    %swap3A_152 = tpu.vector_load %arg27[%swap3A_150, %swap3A_151] {strides = array<i32>} : memref<2x64xf32, #tpu.memory_space<vmem>>, vector<1x16xf32>,
    %swap3A_153 = vector.shape_cast %swap3A_152 : vector<1x16xf32> to vector<16xf32>
    %swap3A_154 = vector.shape_cast %broadcast_in_dim3A_119 : vector<16xf32> to vector<1x16xf32>
    tpu.vector_store %arg27[%swap3A_150, %swap3A_151], %swap3A_154 {strides = array<i32>} : memref<2x64xf32, #tpu.memory_space<vmem>>, vector<1x16xf32>,
    %swap3A_155 = arith.constant 0 : i32
    %swap3A_156 = arith.index_cast %swap3A_155 : i32 to index
    %swap3A_157 = arith.constant 48 : index
    %swap3A_158 = tpu.vector_load %arg27[%swap3A_156, %swap3A_157] {strides = array<i32>} : memref<2x64xf32, #tpu.memory_space<vmem>>, vector<1x16xf32>,
    %swap3A_159 = vector.shape_cast %swap3A_158 : vector<1x16xf32> to vector<16xf32>
    %swap3A_160 = vector.shape_cast %broadcast_in_dim3A_119 : vector<16xf32> to vector<1x16xf32>
    tpu.vector_store %arg27[%swap3A_156, %swap3A_157], %swap3A_160 {strides = array<i32>} : memref<2x64xf32, #tpu.memory_space<vmem>>, vector<1x16xf32>,
    %swap3A_161 = arith.constant 1 : i32
    %swap3A_162 = arith.index_cast %swap3A_161 : i32 to index
    %swap3A_163 = arith.constant 0 : index
    %swap3A_164 = tpu.vector_load %arg27[%swap3A_162, %swap3A_163] {strides = array<i32>} : memref<2x64xf32, #tpu.memory_space<vmem>>, vector<1x16xf32>,
    %swap3A_165 = vector.shape_cast %swap3A_164 : vector<1x16xf32> to vector<16xf32>
    %swap3A_166 = vector.shape_cast %broadcast_in_dim3A_119 : vector<16xf32> to vector<1x16xf32>
    tpu.vector_store %arg27[%swap3A_162, %swap3A_163], %swap3A_166 {strides = array<i32>} : memref<2x64xf32, #tpu.memory_space<vmem>>, vector<1x16xf32>,
    %swap3A_167 = arith.constant 1 : i32
    %swap3A_168 = arith.index_cast %swap3A_167 : i32 to index
    %swap3A_169 = arith.constant 16 : index
    %swap3A_170 = tpu.vector_load %arg27[%swap3A_168, %swap3A_169] {strides = array<i32>} : memref<2x64xf32, #tpu.memory_space<vmem>>, vector<1x16xf32>,
    %swap3A_171 = vector.shape_cast %swap3A_170 : vector<1x16xf32> to vector<16xf32>
    %swap3A_172 = vector.shape_cast %broadcast_in_dim3A_119 : vector<16xf32> to vector<1x16xf32>
    tpu.vector_store %arg27[%swap3A_168, %swap3A_169], %swap3A_172 {strides = array<i32>} : memref<2x64xf32, #tpu.memory_space<vmem>>, vector<1x16xf32>,
    %swap3A_173 = arith.constant 1 : i32
    %swap3A_174 = arith.index_cast %swap3A_173 : i32 to index
    %swap3A_175 = arith.constant 32 : index
    %swap3A_176 = tpu.vector_load %arg27[%swap3A_174, %swap3A_175] {strides = array<i32>} : memref<2x64xf32, #tpu.memory_space<vmem>>, vector<1x16xf32>,
    %swap3A_177 = vector.shape_cast %swap3A_176 : vector<1x16xf32> to vector<16xf32>
    %swap3A_178 = vector.shape_cast %broadcast_in_dim3A_119 : vector<16xf32> to vector<1x16xf32>
    tpu.vector_store %arg27[%swap3A_174, %swap3A_175], %swap3A_178 {strides = array<i32>} : memref<2x64xf32, #tpu.memory_space<vmem>>, vector<1x16xf32>,
    %swap3A_179 = arith.constant 1 : i32
    %swap3A_180 = arith.index_cast %swap3A_179 : i32 to index
    %swap3A_181 = arith.constant 48 : index
    %swap3A_182 = tpu.vector_load %arg27[%swap3A_180, %swap3A_181] {strides = array<i32>} : memref<2x64xf32, #tpu.memory_space<vmem>>, vector<1x16xf32>,
    %swap3A_183 = vector.shape_cast %swap3A_182 : vector<1x16xf32> to vector<16xf32>
    %swap3A_184 = vector.shape_cast %broadcast_in_dim3A_119 : vector<16xf32> to vector<1x16xf32>
    tpu.vector_store %arg27[%swap3A_180, %swap3A_181], %swap3A_184 {strides = array<i32>} : memref<2x64xf32, #tpu.memory_space<vmem>>, vector<1x16xf32>,
    %eq3A = arith.constant 0 : i32
    %eq3A_185 = arith.cmpi eq, %arg0, %eq3A : i32
    %convert_element_type3A = arith.extui %eq3A_185 : i1 to i32
    %cond3A = arith.constant 0 : i32
    %cond3A_186 = arith.cmpi ne, %convert_element_type3A, %cond3A : i32
    scf.if %cond3A_186 {
      %swap3A_192 = arith.constant 0 : i32
      %swap3A_193 = arith.index_cast %swap3A_192 : i32 to index
      %swap3A_194 = arith.constant 0 : index
      %swap3A_195 = tpu.vector_load %arg27[%swap3A_193, %swap3A_194] {strides = array<i32>} : memref<2x64xf32, #tpu.memory_space<vmem>>, vector<1x16xf32>,
      %swap3A_196 = vector.shape_cast %swap3A_195 : vector<1x16xf32> to vector<16xf32>
      %swap3A_197 = vector.shape_cast %scan3A_136#0 : vector<16xf32> to vector<1x16xf32>
      tpu.vector_store %arg27[%swap3A_193, %swap3A_194], %swap3A_197 {strides = array<i32>} : memref<2x64xf32, #tpu.memory_space<vmem>>, vector<1x16xf32>,
      %swap3A_198 = arith.constant 0 : i32
      %swap3A_199 = arith.index_cast %swap3A_198 : i32 to index
      %swap3A_200 = arith.constant 16 : index
      %swap3A_201 = tpu.vector_load %arg27[%swap3A_199, %swap3A_200] {strides = array<i32>} : memref<2x64xf32, #tpu.memory_space<vmem>>, vector<1x16xf32>,
      %swap3A_202 = vector.shape_cast %swap3A_201 : vector<1x16xf32> to vector<16xf32>
      %swap3A_203 = vector.shape_cast %scan3A_136#1 : vector<16xf32> to vector<1x16xf32>
      tpu.vector_store %arg27[%swap3A_199, %swap3A_200], %swap3A_203 {strides = array<i32>} : memref<2x64xf32, #tpu.memory_space<vmem>>, vector<1x16xf32>,
      %swap3A_204 = arith.constant 1 : i32
      %swap3A_205 = arith.index_cast %swap3A_204 : i32 to index
      %swap3A_206 = arith.constant 0 : index
      %swap3A_207 = tpu.vector_load %arg27[%swap3A_205, %swap3A_206] {strides = array<i32>} : memref<2x64xf32, #tpu.memory_space<vmem>>, vector<1x16xf32>,
      %swap3A_208 = vector.shape_cast %swap3A_207 : vector<1x16xf32> to vector<16xf32>
      %swap3A_209 = vector.shape_cast %scan3A_136#2 : vector<16xf32> to vector<1x16xf32>
      tpu.vector_store %arg27[%swap3A_205, %swap3A_206], %swap3A_209 {strides = array<i32>} : memref<2x64xf32, #tpu.memory_space<vmem>>, vector<1x16xf32>,
      %swap3A_210 = arith.constant 1 : i32
      %swap3A_211 = arith.index_cast %swap3A_210 : i32 to index
      %swap3A_212 = arith.constant 16 : index
      %swap3A_213 = tpu.vector_load %arg27[%swap3A_211, %swap3A_212] {strides = array<i32>} : memref<2x64xf32, #tpu.memory_space<vmem>>, vector<1x16xf32>,
      %swap3A_214 = vector.shape_cast %swap3A_213 : vector<1x16xf32> to vector<16xf32>
      %swap3A_215 = vector.shape_cast %scan3A_136#3 : vector<16xf32> to vector<1x16xf32>
      tpu.vector_store %arg27[%swap3A_211, %swap3A_212], %swap3A_215 {strides = array<i32>} : memref<2x64xf32, #tpu.memory_space<vmem>>, vector<1x16xf32>,
    } else {
    }
    %eq3A_187 = arith.constant 1 : i32
    %eq3A_188 = arith.cmpi eq, %arg0, %eq3A_187 : i32
    %convert_element_type3A_189 = arith.extui %eq3A_188 : i1 to i32
    %cond3A_190 = arith.constant 0 : i32
    %cond3A_191 = arith.cmpi ne, %convert_element_type3A_189, %cond3A_190 : i32
    scf.if %cond3A_191 {
      %swap3A_192 = arith.constant 0 : i32
      %swap3A_193 = arith.index_cast %swap3A_192 : i32 to index
      %swap3A_194 = arith.constant 32 : index
      %swap3A_195 = tpu.vector_load %arg27[%swap3A_193, %swap3A_194] {strides = array<i32>} : memref<2x64xf32, #tpu.memory_space<vmem>>, vector<1x16xf32>,
      %swap3A_196 = vector.shape_cast %swap3A_195 : vector<1x16xf32> to vector<16xf32>
      %swap3A_197 = vector.shape_cast %scan3A_136#0 : vector<16xf32> to vector<1x16xf32>
      tpu.vector_store %arg27[%swap3A_193, %swap3A_194], %swap3A_197 {strides = array<i32>} : memref<2x64xf32, #tpu.memory_space<vmem>>, vector<1x16xf32>,
      %swap3A_198 = arith.constant 0 : i32
      %swap3A_199 = arith.index_cast %swap3A_198 : i32 to index
      %swap3A_200 = arith.constant 48 : index
      %swap3A_201 = tpu.vector_load %arg27[%swap3A_199, %swap3A_200] {strides = array<i32>} : memref<2x64xf32, #tpu.memory_space<vmem>>, vector<1x16xf32>,
      %swap3A_202 = vector.shape_cast %swap3A_201 : vector<1x16xf32> to vector<16xf32>
      %swap3A_203 = vector.shape_cast %scan3A_136#1 : vector<16xf32> to vector<1x16xf32>
      tpu.vector_store %arg27[%swap3A_199, %swap3A_200], %swap3A_203 {strides = array<i32>} : memref<2x64xf32, #tpu.memory_space<vmem>>, vector<1x16xf32>,
      %swap3A_204 = arith.constant 1 : i32
      %swap3A_205 = arith.index_cast %swap3A_204 : i32 to index
      %swap3A_206 = arith.constant 32 : index
      %swap3A_207 = tpu.vector_load %arg27[%swap3A_205, %swap3A_206] {strides = array<i32>} : memref<2x64xf32, #tpu.memory_space<vmem>>, vector<1x16xf32>,
      %swap3A_208 = vector.shape_cast %swap3A_207 : vector<1x16xf32> to vector<16xf32>
      %swap3A_209 = vector.shape_cast %scan3A_136#2 : vector<16xf32> to vector<1x16xf32>
      tpu.vector_store %arg27[%swap3A_205, %swap3A_206], %swap3A_209 {strides = array<i32>} : memref<2x64xf32, #tpu.memory_space<vmem>>, vector<1x16xf32>,
      %swap3A_210 = arith.constant 1 : i32
      %swap3A_211 = arith.index_cast %swap3A_210 : i32 to index
      %swap3A_212 = arith.constant 48 : index
      %swap3A_213 = tpu.vector_load %arg27[%swap3A_211, %swap3A_212] {strides = array<i32>} : memref<2x64xf32, #tpu.memory_space<vmem>>, vector<1x16xf32>,
      %swap3A_214 = vector.shape_cast %swap3A_213 : vector<1x16xf32> to vector<16xf32>
      %swap3A_215 = vector.shape_cast %scan3A_136#3 : vector<16xf32> to vector<1x16xf32>
      tpu.vector_store %arg27[%swap3A_211, %swap3A_212], %swap3A_215 {strides = array<i32>} : memref<2x64xf32, #tpu.memory_space<vmem>>, vector<1x16xf32>,
    } else {
    }
    "tpu.region"() ({
      %run_scoped3A = tpu.sem_alloc : memref<!tpu.dma_semaphore, #tpu.memory_space<semaphore_mem>>
      %dma_start3A_192 = arith.constant 0 : i32
      %dma_start3A_193 = arith.constant 0 : i32
      %dma_start3A_194 = tpu.memref_slice %arg6[%add3A_118, %dma_start3A_192, %dma_start3A_193] : memref<32x2x64xf32, #tpu.memory_space<hbm>> -> memref<1x2x64xf32, #tpu.memory_space<hbm>>
      %dma_start3A_195 = tpu.memref_squeeze %dma_start3A_194 : memref<1x2x64xf32, #tpu.memory_space<hbm>> -> memref<2x64xf32, #tpu.memory_space<hbm>>
      %dma_start3A_196 = arith.constant 0 : i32
      %dma_start3A_197 = arith.constant 0 : i32
      %dma_start3A_198 = tpu.memref_slice %arg6[%add3A_118, %dma_start3A_196, %dma_start3A_197] : memref<32x2x64xf32, #tpu.memory_space<hbm>> -> memref<1x2x64xf32, #tpu.memory_space<hbm>>
      %dma_start3A_199 = tpu.memref_squeeze %dma_start3A_198 : memref<1x2x64xf32, #tpu.memory_space<hbm>> -> memref<2x64xf32, #tpu.memory_space<hbm>>
      tpu.enqueue_dma source(%arg27 : memref<2x64xf32, #tpu.memory_space<vmem>>) target(%dma_start3A_199 : memref<2x64xf32, #tpu.memory_space<hbm>>) target_semaphore(%run_scoped3A : memref<!tpu.dma_semaphore, #tpu.memory_space<semaphore_mem>>)
      %dma_wait3A_200 = arith.constant 0 : i32
      %dma_wait3A_201 = arith.constant 0 : i32
      %dma_wait3A_202 = tpu.memref_slice %arg6[%add3A_118, %dma_wait3A_200, %dma_wait3A_201] : memref<32x2x64xf32, #tpu.memory_space<hbm>> -> memref<1x2x64xf32, #tpu.memory_space<hbm>>
      %dma_wait3A_203 = tpu.memref_squeeze %dma_wait3A_202 : memref<1x2x64xf32, #tpu.memory_space<hbm>> -> memref<2x64xf32, #tpu.memory_space<hbm>>
      %dma_wait3A_204 = arith.constant 0 : i32
      %dma_wait3A_205 = arith.constant 0 : i32
      %dma_wait3A_206 = tpu.memref_slice %arg6[%add3A_118, %dma_wait3A_204, %dma_wait3A_205] : memref<32x2x64xf32, #tpu.memory_space<hbm>> -> memref<1x2x64xf32, #tpu.memory_space<hbm>>
      %dma_wait3A_207 = tpu.memref_squeeze %dma_wait3A_206 : memref<1x2x64xf32, #tpu.memory_space<hbm>> -> memref<2x64xf32, #tpu.memory_space<hbm>>
      tpu.wait_dma2 semaphore(%run_scoped3A : memref<!tpu.dma_semaphore, #tpu.memory_space<semaphore_mem>>) src(%arg27 : memref<2x64xf32, #tpu.memory_space<vmem>>) dst(%dma_wait3A_207 : memref<2x64xf32, #tpu.memory_space<hbm>>)
      tpu.yield
    }) : () -> ()
    return
  }
}

module attributes {stable_mosaic.version = 14 : i64} {
  func.func @_tbl_body(%arg0: memref<80x64xf32, #tpu.memory_space<vmem>>, %arg1: memref<2048x32xf32, #tpu.memory_space<vmem>>) attributes {dimension_semantics = [], scalar_prefetch = 0 : i64, scratch_operands = 0 : i64, tpu.core_type = #tpu.core_type<tc>} {
    %get3A = arith.constant 0 : index
    %get3A_0 = arith.constant 0 : index
    %get3A_1 = vector.load %arg0[%get3A, %get3A_0] : memref<80x64xf32, #tpu.memory_space<vmem>>, vector<64x64xf32>
    %get3A_2 = arith.constant 64 : index
    %get3A_3 = arith.constant 0 : index
    %get3A_4 = vector.load %arg0[%get3A_2, %get3A_3] : memref<80x64xf32, #tpu.memory_space<vmem>>, vector<16x64xf32>
    %iota3A = tpu.iota {dimensions = array<i32: 0>} : vector<1024x64xi32>
    %iota3A_5 = tpu.iota {dimensions = array<i32: 1>} : vector<1024x64xi32>
    %jit3A = arith.constant 16 : i32
    %div3A = vector.broadcast %jit3A : i32 to vector<1024x64xi32>
    %div3A_6 = arith.divsi %iota3A, %div3A : vector<1024x64xi32>
    %sign3A = arith.constant 0 : i32
    %sign3A_7 = vector.broadcast %sign3A : i32 to vector<1024x64xi32>
    %sign3A_8 = arith.cmpi sgt, %iota3A, %sign3A_7 : vector<1024x64xi32>
    %sign3A_9 = arith.extui %sign3A_8 : vector<1024x64xi1> to vector<1024x64xi32>
    %sign3A_10 = arith.constant 0 : i32
    %sign3A_11 = vector.broadcast %sign3A_10 : i32 to vector<1024x64xi32>
    %sign3A_12 = arith.cmpi slt, %iota3A, %sign3A_11 : vector<1024x64xi32>
    %sign3A_13 = arith.extui %sign3A_12 : vector<1024x64xi1> to vector<1024x64xi32>
    %sign3A_14 = arith.subi %sign3A_9, %sign3A_13 : vector<1024x64xi32>
    %sign3A_15 = arith.constant 0 : i32
    %sign3A_16 = arith.cmpi sgt, %jit3A, %sign3A_15 : i32
    %sign3A_17 = arith.extui %sign3A_16 : i1 to i32
    %sign3A_18 = arith.constant 0 : i32
    %sign3A_19 = arith.cmpi slt, %jit3A, %sign3A_18 : i32
    %sign3A_20 = arith.extui %sign3A_19 : i1 to i32
    %sign3A_21 = arith.subi %sign3A_17, %sign3A_20 : i32
    %ne3A = vector.broadcast %sign3A_21 : i32 to vector<1024x64xi32>
    %ne3A_22 = arith.cmpi ne, %sign3A_14, %ne3A : vector<1024x64xi32>
    %rem3A = vector.broadcast %jit3A : i32 to vector<1024x64xi32>
    %rem3A_23 = arith.remsi %iota3A, %rem3A : vector<1024x64xi32>
    %ne3A_24 = arith.constant 0 : i32
    %ne3A_25 = vector.broadcast %ne3A_24 : i32 to vector<1024x64xi32>
    %ne3A_26 = arith.cmpi ne, %rem3A_23, %ne3A_25 : vector<1024x64xi32>
    %and3A = arith.andi %ne3A_22, %ne3A_26 : vector<1024x64xi1>
    %sub3A = arith.constant 1 : i32
    %sub3A_27 = vector.broadcast %sub3A : i32 to vector<1024x64xi32>
    %sub3A_28 = arith.subi %div3A_6, %sub3A_27 : vector<1024x64xi32>
    %select_n3A = arith.select %and3A, %sub3A_28, %div3A_6 : vector<1024x64xi1>, vector<1024x64xi32>
    %eq3A = arith.cmpi eq, %select_n3A, %iota3A_5 : vector<1024x64xi32>
    %convert_element_type3A = arith.extui %eq3A : vector<1024x64xi1> to vector<1024x64xi32>
    %convert_element_type3A_29 = arith.sitofp %convert_element_type3A : vector<1024x64xi32> to vector<1024x64xf32>
    %iota3A_30 = tpu.iota {dimensions = array<i32: 0>} : vector<1024x16xi32>
    %iota3A_31 = tpu.iota {dimensions = array<i32: 1>} : vector<1024x16xi32>
    %jit3A_32 = arith.constant 16 : i32
    %eq3A_33 = arith.constant 0 : i32
    %eq3A_34 = arith.cmpi eq, %jit3A_32, %eq3A_33 : i32
    %jit3A_35 = arith.constant 1 : i32
    %select_n3A_36 = arith.select %eq3A_34, %jit3A_35, %jit3A_32 : i32
    %rem3A_37 = vector.broadcast %select_n3A_36 : i32 to vector<1024x16xi32>
    %rem3A_38 = arith.remsi %iota3A_30, %rem3A_37 : vector<1024x16xi32>
    %ne3A_39 = arith.constant 0 : i32
    %ne3A_40 = vector.broadcast %ne3A_39 : i32 to vector<1024x16xi32>
    %ne3A_41 = arith.cmpi ne, %rem3A_38, %ne3A_40 : vector<1024x16xi32>
    %lt3A = arith.constant 0 : i32
    %lt3A_42 = vector.broadcast %lt3A : i32 to vector<1024x16xi32>
    %lt3A_43 = arith.cmpi slt, %rem3A_38, %lt3A_42 : vector<1024x16xi32>
    %lt3A_44 = arith.constant 0 : i32
    %lt3A_45 = arith.cmpi slt, %select_n3A_36, %lt3A_44 : i32
    %ne3A_46 = vector.broadcast %lt3A_45 : i1 to vector<1024x16xi1>
    %ne3A_47 = vector.broadcast %ne3A_46 : vector<1024x16xi1> to vector<1024x16xi1>
    %ne3A_48 = arith.xori %lt3A_43, %ne3A_47 : vector<1024x16xi1>
    %and3A_49 = arith.andi %ne3A_48, %ne3A_41 : vector<1024x16xi1>
    %add3A = vector.broadcast %select_n3A_36 : i32 to vector<1024x16xi32>
    %add3A_50 = arith.addi %rem3A_38, %add3A : vector<1024x16xi32>
    %select_n3A_51 = arith.select %and3A_49, %add3A_50, %rem3A_38 : vector<1024x16xi1>, vector<1024x16xi32>
    %eq3A_52 = arith.cmpi eq, %select_n3A_51, %iota3A_31 : vector<1024x16xi32>
    %convert_element_type3A_53 = arith.extui %eq3A_52 : vector<1024x16xi1> to vector<1024x16xi32>
    %convert_element_type3A_54 = arith.sitofp %convert_element_type3A_53 : vector<1024x16xi32> to vector<1024x16xf32>
    %dot_general3A = arith.constant dense<0.000000e+00> : vector<1024x64xf32>
    %dot_general3A_55 = tpu.matmul %convert_element_type3A_29, %get3A_1, %dot_general3A {dimension_numbers = #tpu.dot_dimension_numbers<[1], [0], [0], [1], [0, 0, 1, 1], [], []>, transpose_lhs_hint = false} : vector<1024x64xf32>, vector<64x64xf32>, vector<1024x64xf32> -> vector<1024x64xf32>
    %dot_general3A_56 = arith.constant dense<0.000000e+00> : vector<1024x64xf32>
    %dot_general3A_57 = tpu.matmul %convert_element_type3A_54, %get3A_4, %dot_general3A_56 {dimension_numbers = #tpu.dot_dimension_numbers<[1], [0], [0], [1], [0, 0, 1, 1], [], []>, transpose_lhs_hint = false} : vector<1024x16xf32>, vector<16x64xf32>, vector<1024x64xf32> -> vector<1024x64xf32>
    %add3A_58 = arith.addf %dot_general3A_55, %dot_general3A_57 : vector<1024x64xf32>
    %slice3A = vector.extract_strided_slice %add3A_58 {offsets = [0, 0], sizes = [1024, 32], strides = [1, 1]} : vector<1024x64xf32> to vector<1024x32xf32>
    %swap3A = arith.constant 0 : index
    %swap3A_59 = arith.constant 0 : index
    %swap3A_60 = vector.load %arg1[%swap3A, %swap3A_59] : memref<2048x32xf32, #tpu.memory_space<vmem>>, vector<1024x32xf32>
    tpu.vector_store %arg1[%swap3A, %swap3A_59], %slice3A {strides = array<i32>} : memref<2048x32xf32, #tpu.memory_space<vmem>>, vector<1024x32xf32>,
    %slice3A_61 = vector.extract_strided_slice %add3A_58 {offsets = [0, 32], sizes = [1024, 32], strides = [1, 1]} : vector<1024x64xf32> to vector<1024x32xf32>
    %swap3A_62 = arith.constant 1024 : index
    %swap3A_63 = arith.constant 0 : index
    %swap3A_64 = vector.load %arg1[%swap3A_62, %swap3A_63] : memref<2048x32xf32, #tpu.memory_space<vmem>>, vector<1024x32xf32>
    tpu.vector_store %arg1[%swap3A_62, %swap3A_63], %slice3A_61 {strides = array<i32>} : memref<2048x32xf32, #tpu.memory_space<vmem>>, vector<1024x32xf32>,
    return
  }
}

module attributes {stable_mosaic.version = 14 : i64} {
  func.func @_mid_body(%arg0: i32, %arg1: memref<2x416x32xf32, #tpu.memory_space<vmem>>, %arg2: memref<32x2x64xf32, #tpu.memory_space<vmem>>, %arg3: memref<1x64xf32, #tpu.memory_space<vmem>>, %arg4: memref<1x64xf32, #tpu.memory_space<vmem>>, %arg5: memref<64x64xf32, #tpu.memory_space<vmem>>, %arg6: memref<2x416x32xf32, #tpu.memory_space<vmem>>, %arg7: memref<1x64xf32, #tpu.memory_space<vmem>>, %arg8: memref<1x64xf32, #tpu.memory_space<vmem>>) attributes {dimension_semantics = [#tpu.dimension_semantics<arbitrary>], iteration_bounds = array<i64: 128>, scalar_prefetch = 0 : i64, scratch_operands = 2 : i64, tpu.core_type = #tpu.core_type<tc>, window_params = [{transform_indices = @transform_0, window_bounds = array<i64: 2, 416, 32>}, {pipeline_mode = #tpu.pipeline_mode<synchronous>, transform_indices = @transform_1, window_bounds = array<i64: 32, 2, 64>}, {pipeline_mode = #tpu.pipeline_mode<synchronous>, transform_indices = @transform_2, window_bounds = array<i64: 1, 64>}, {pipeline_mode = #tpu.pipeline_mode<synchronous>, transform_indices = @transform_3, window_bounds = array<i64: 1, 64>}, {pipeline_mode = #tpu.pipeline_mode<synchronous>, transform_indices = @transform_4, window_bounds = array<i64: 64, 64>}, {transform_indices = @transform_5, window_bounds = array<i64: 2, 416, 32>}]} {
    %eq3A = arith.constant 0 : i32
    %eq3A_0 = arith.cmpi eq, %arg0, %eq3A : i32
    %convert_element_type3A = arith.extui %eq3A_0 : i1 to i32
    %cond3A = arith.constant 0 : i32
    %cond3A_1 = arith.cmpi ne, %convert_element_type3A, %cond3A : i32
    scf.if %cond3A_1 {
      %get3A_49 = arith.constant 0 : index
      %get3A_50 = arith.constant 0 : index
      %get3A_51 = arith.constant 0 : index
      %get3A_52 = vector.load %arg2[%get3A_49, %get3A_50, %get3A_51] : memref<32x2x64xf32, #tpu.memory_space<vmem>>, vector<32x2x64xf32>
      %reduce_sum3A = arith.constant dense<0.000000e+00> : vector<2x64xf32>
      %reduce_sum3A_53 = vector.multi_reduction <add>, %get3A_52, %reduce_sum3A [0] : vector<32x2x64xf32> to vector<2x64xf32>
      %slice3A_54 = vector.extract_strided_slice %reduce_sum3A_53 {offsets = [0, 0], sizes = [1, 64], strides = [1, 1]} : vector<2x64xf32> to vector<1x64xf32>
      %mul3A_55 = arith.constant 2.000000e-05 : f32
      %mul3A_56 = vector.broadcast %mul3A_55 : f32 to vector<1x64xf32>
      %mul3A_57 = arith.mulf %slice3A_54, %mul3A_56 : vector<1x64xf32>
      %slice3A_58 = vector.extract_strided_slice %reduce_sum3A_53 {offsets = [1, 0], sizes = [1, 64], strides = [1, 1]} : vector<2x64xf32> to vector<1x64xf32>
      %mul3A_59 = arith.constant 2.000000e-05 : f32
      %mul3A_60 = vector.broadcast %mul3A_59 : f32 to vector<1x64xf32>
      %mul3A_61 = arith.mulf %slice3A_58, %mul3A_60 : vector<1x64xf32>
      %mul3A_62 = arith.mulf %mul3A_57, %mul3A_57 : vector<1x64xf32>
      %sub3A_63 = arith.subf %mul3A_61, %mul3A_62 : vector<1x64xf32>
      %swap3A_64 = arith.constant 0 : index
      %swap3A_65 = arith.constant 0 : index
      %swap3A_66 = vector.load %arg7[%swap3A_64, %swap3A_65] : memref<1x64xf32, #tpu.memory_space<vmem>>, vector<1x64xf32>
      tpu.vector_store %arg7[%swap3A_64, %swap3A_65], %mul3A_57 {strides = array<i32>} : memref<1x64xf32, #tpu.memory_space<vmem>>, vector<1x64xf32>,
      %add3A_67 = arith.constant 9.99999974E-6 : f32
      %add3A_68 = vector.broadcast %add3A_67 : f32 to vector<1x64xf32>
      %add3A_69 = arith.addf %sub3A_63, %add3A_68 : vector<1x64xf32>
      %rsqrt3A = math.rsqrt %add3A_69 : vector<1x64xf32>
      %swap3A_70 = arith.constant 0 : index
      %swap3A_71 = arith.constant 0 : index
      %swap3A_72 = vector.load %arg8[%swap3A_70, %swap3A_71] : memref<1x64xf32, #tpu.memory_space<vmem>>, vector<1x64xf32>
      tpu.vector_store %arg8[%swap3A_70, %swap3A_71], %rsqrt3A {strides = array<i32>} : memref<1x64xf32, #tpu.memory_space<vmem>>, vector<1x64xf32>,
    } else {
    }
    %get3A = arith.constant 0 : index
    %get3A_2 = arith.constant 0 : index
    %get3A_3 = arith.constant 0 : index
    %get3A_4 = vector.load %arg1[%get3A, %get3A_2, %get3A_3] : memref<2x416x32xf32, #tpu.memory_space<vmem>>, vector<1x416x32xf32>
    %get3A_5 = vector.shape_cast %get3A_4 : vector<1x416x32xf32> to vector<416x32xf32>
    %get3A_6 = arith.constant 1 : index
    %get3A_7 = arith.constant 0 : index
    %get3A_8 = arith.constant 0 : index
    %get3A_9 = vector.load %arg1[%get3A_6, %get3A_7, %get3A_8] : memref<2x416x32xf32, #tpu.memory_space<vmem>>, vector<1x416x32xf32>
    %get3A_10 = vector.shape_cast %get3A_9 : vector<1x416x32xf32> to vector<416x32xf32>
    %concatenate3A = tpu.concatenate %get3A_5, %get3A_10 in 1 : vector<416x32xf32>, vector<416x32xf32> -> vector<416x64xf32>
    %get3A_11 = arith.constant 0 : index
    %get3A_12 = arith.constant 0 : index
    %get3A_13 = vector.load %arg7[%get3A_11, %get3A_12] : memref<1x64xf32, #tpu.memory_space<vmem>>, vector<1x64xf32>
    %sub3A = vector.broadcast %get3A_13 : vector<1x64xf32> to vector<416x64xf32>
    %sub3A_14 = arith.subf %concatenate3A, %sub3A : vector<416x64xf32>
    %get3A_15 = arith.constant 0 : index
    %get3A_16 = arith.constant 0 : index
    %get3A_17 = vector.load %arg8[%get3A_15, %get3A_16] : memref<1x64xf32, #tpu.memory_space<vmem>>, vector<1x64xf32>
    %mul3A = vector.broadcast %get3A_17 : vector<1x64xf32> to vector<416x64xf32>
    %mul3A_18 = arith.mulf %sub3A_14, %mul3A : vector<416x64xf32>
    %get3A_19 = arith.constant 0 : index
    %get3A_20 = arith.constant 0 : index
    %get3A_21 = vector.load %arg3[%get3A_19, %get3A_20] : memref<1x64xf32, #tpu.memory_space<vmem>>, vector<1x64xf32>
    %mul3A_22 = vector.broadcast %get3A_21 : vector<1x64xf32> to vector<416x64xf32>
    %mul3A_23 = arith.mulf %mul3A_18, %mul3A_22 : vector<416x64xf32>
    %get3A_24 = arith.constant 0 : index
    %get3A_25 = arith.constant 0 : index
    %get3A_26 = vector.load %arg4[%get3A_24, %get3A_25] : memref<1x64xf32, #tpu.memory_space<vmem>>, vector<1x64xf32>
    %add3A = vector.broadcast %get3A_26 : vector<1x64xf32> to vector<416x64xf32>
    %add3A_27 = arith.addf %mul3A_23, %add3A : vector<416x64xf32>
    %gt3A = arith.constant 0.000000e+00 : f32
    %gt3A_28 = vector.broadcast %gt3A : f32 to vector<416x64xf32>
    %gt3A_29 = arith.cmpf ogt, %add3A_27, %gt3A_28 : vector<416x64xf32>
    %mul3A_30 = arith.constant 0.00999999977 : f32
    %mul3A_31 = vector.broadcast %mul3A_30 : f32 to vector<416x64xf32>
    %mul3A_32 = arith.mulf %mul3A_31, %add3A_27 : vector<416x64xf32>
    %select_n3A = arith.select %gt3A_29, %add3A_27, %mul3A_32 : vector<416x64xi1>, vector<416x64xf32>
    %get3A_33 = arith.constant 0 : index
    %get3A_34 = arith.constant 0 : index
    %get3A_35 = vector.load %arg5[%get3A_33, %get3A_34] : memref<64x64xf32, #tpu.memory_space<vmem>>, vector<64x64xf32>
    %dot_general3A = arith.constant dense<0.000000e+00> : vector<416x64xf32>
    %dot_general3A_36 = tpu.matmul %select_n3A, %get3A_35, %dot_general3A {dimension_numbers = #tpu.dot_dimension_numbers<[1], [0], [0], [1], [0, 0, 1, 1], [], []>, transpose_lhs_hint = false} : vector<416x64xf32>, vector<64x64xf32>, vector<416x64xf32> -> vector<416x64xf32>
    %slice3A = vector.extract_strided_slice %dot_general3A_36 {offsets = [0, 0], sizes = [416, 32], strides = [1, 1]} : vector<416x64xf32> to vector<416x32xf32>
    %swap3A = arith.constant 0 : index
    %swap3A_37 = arith.constant 0 : index
    %swap3A_38 = arith.constant 0 : index
    %swap3A_39 = vector.load %arg6[%swap3A, %swap3A_37, %swap3A_38] : memref<2x416x32xf32, #tpu.memory_space<vmem>>, vector<1x416x32xf32>
    %swap3A_40 = vector.shape_cast %swap3A_39 : vector<1x416x32xf32> to vector<416x32xf32>
    %swap3A_41 = vector.shape_cast %slice3A : vector<416x32xf32> to vector<1x416x32xf32>
    tpu.vector_store %arg6[%swap3A, %swap3A_37, %swap3A_38], %swap3A_41 {strides = array<i32>} : memref<2x416x32xf32, #tpu.memory_space<vmem>>, vector<1x416x32xf32>,
    %slice3A_42 = vector.extract_strided_slice %dot_general3A_36 {offsets = [0, 32], sizes = [416, 32], strides = [1, 1]} : vector<416x64xf32> to vector<416x32xf32>
    %swap3A_43 = arith.constant 1 : index
    %swap3A_44 = arith.constant 0 : index
    %swap3A_45 = arith.constant 0 : index
    %swap3A_46 = vector.load %arg6[%swap3A_43, %swap3A_44, %swap3A_45] : memref<2x416x32xf32, #tpu.memory_space<vmem>>, vector<1x416x32xf32>
    %swap3A_47 = vector.shape_cast %swap3A_46 : vector<1x416x32xf32> to vector<416x32xf32>
    %swap3A_48 = vector.shape_cast %slice3A_42 : vector<416x32xf32> to vector<1x416x32xf32>
    tpu.vector_store %arg6[%swap3A_43, %swap3A_44, %swap3A_45], %swap3A_48 {strides = array<i32>} : memref<2x416x32xf32, #tpu.memory_space<vmem>>, vector<1x416x32xf32>,
    return
  }
  func.func @transform_0(%arg0: i32) -> (i32, i32, i32) {
    %c0_i32 = arith.constant 0 : i32
    %c0_i32_0 = arith.constant 0 : i32
    %c0_i32_1 = arith.constant 0 : i32
    return %c0_i32, %arg0, %c0_i32_0 : i32, i32, i32
  }
  func.func @transform_1(%arg0: i32) -> (i32, i32, i32) {
    %c0_i32 = arith.constant 0 : i32
    %c0_i32_0 = arith.constant 0 : i32
    %c0_i32_1 = arith.constant 0 : i32
    %c0_i32_2 = arith.constant 0 : i32
    return %c0_i32, %c0_i32_0, %c0_i32_1 : i32, i32, i32
  }
  func.func @transform_2(%arg0: i32) -> (i32, i32) {
    %c0_i32 = arith.constant 0 : i32
    %c0_i32_0 = arith.constant 0 : i32
    %c0_i32_1 = arith.constant 0 : i32
    return %c0_i32, %c0_i32_0 : i32, i32
  }
  func.func @transform_3(%arg0: i32) -> (i32, i32) {
    %c0_i32 = arith.constant 0 : i32
    %c0_i32_0 = arith.constant 0 : i32
    %c0_i32_1 = arith.constant 0 : i32
    return %c0_i32, %c0_i32_0 : i32, i32
  }
  func.func @transform_4(%arg0: i32) -> (i32, i32) {
    %c0_i32 = arith.constant 0 : i32
    %c0_i32_0 = arith.constant 0 : i32
    %c0_i32_1 = arith.constant 0 : i32
    return %c0_i32, %c0_i32_0 : i32, i32
  }
  func.func @transform_5(%arg0: i32) -> (i32, i32, i32) {
    %c0_i32 = arith.constant 0 : i32
    %c0_i32_0 = arith.constant 0 : i32
    %c0_i32_1 = arith.constant 0 : i32
    return %c0_i32, %arg0, %c0_i32_0 : i32, i32, i32
  }
}

module attributes {stable_mosaic.version = 14 : i64} {
  func.func @_out_body(%arg0: i32, %arg1: memref<2x416x32xf32, #tpu.memory_space<vmem>>, %arg2: memref<32x2x64xf32, #tpu.memory_space<vmem>>, %arg3: memref<416x1xi32, #tpu.memory_space<vmem>>, %arg4: memref<1x64xf32, #tpu.memory_space<vmem>>, %arg5: memref<1x64xf32, #tpu.memory_space<vmem>>, %arg6: memref<64x64xf32, #tpu.memory_space<vmem>>, %arg7: memref<1x64xf32, #tpu.memory_space<vmem>>, %arg8: memref<64x10xf32, #tpu.memory_space<vmem>>, %arg9: memref<1x10xf32, #tpu.memory_space<vmem>>, %arg10: memref<128x10xf32, #tpu.memory_space<vmem>>, %arg11: memref<1x64xf32, #tpu.memory_space<vmem>>, %arg12: memref<1x64xf32, #tpu.memory_space<vmem>>, %arg13: memref<128x64xf32, #tpu.memory_space<vmem>>) attributes {dimension_semantics = [#tpu.dimension_semantics<arbitrary>], iteration_bounds = array<i64: 128>, scalar_prefetch = 0 : i64, scratch_operands = 3 : i64, tpu.core_type = #tpu.core_type<tc>, window_params = [{transform_indices = @transform_0, window_bounds = array<i64: 2, 416, 32>}, {pipeline_mode = #tpu.pipeline_mode<synchronous>, transform_indices = @transform_1, window_bounds = array<i64: 32, 2, 64>}, {transform_indices = @transform_2, window_bounds = array<i64: 416, 1>}, {pipeline_mode = #tpu.pipeline_mode<synchronous>, transform_indices = @transform_3, window_bounds = array<i64: 1, 64>}, {pipeline_mode = #tpu.pipeline_mode<synchronous>, transform_indices = @transform_4, window_bounds = array<i64: 1, 64>}, {pipeline_mode = #tpu.pipeline_mode<synchronous>, transform_indices = @transform_5, window_bounds = array<i64: 64, 64>}, {pipeline_mode = #tpu.pipeline_mode<synchronous>, transform_indices = @transform_6, window_bounds = array<i64: 1, 64>}, {pipeline_mode = #tpu.pipeline_mode<synchronous>, transform_indices = @transform_7, window_bounds = array<i64: 64, 10>}, {pipeline_mode = #tpu.pipeline_mode<synchronous>, transform_indices = @transform_8, window_bounds = array<i64: 1, 10>}, {pipeline_mode = #tpu.pipeline_mode<synchronous>, transform_indices = @transform_9, window_bounds = array<i64: 128, 10>}]} {
    %eq3A = arith.constant 0 : i32
    %eq3A_0 = arith.cmpi eq, %arg0, %eq3A : i32
    %convert_element_type3A = arith.extui %eq3A_0 : i1 to i32
    %cond3A = arith.constant 0 : i32
    %cond3A_1 = arith.cmpi ne, %convert_element_type3A, %cond3A : i32
    scf.if %cond3A_1 {
      %get3A_52 = arith.constant 0 : index
      %get3A_53 = arith.constant 0 : index
      %get3A_54 = arith.constant 0 : index
      %get3A_55 = vector.load %arg2[%get3A_52, %get3A_53, %get3A_54] : memref<32x2x64xf32, #tpu.memory_space<vmem>>, vector<32x2x64xf32>
      %reduce_sum3A = arith.constant dense<0.000000e+00> : vector<2x64xf32>
      %reduce_sum3A_56 = vector.multi_reduction <add>, %get3A_55, %reduce_sum3A [0] : vector<32x2x64xf32> to vector<2x64xf32>
      %slice3A = vector.extract_strided_slice %reduce_sum3A_56 {offsets = [0, 0], sizes = [1, 64], strides = [1, 1]} : vector<2x64xf32> to vector<1x64xf32>
      %mul3A_57 = arith.constant 2.000000e-05 : f32
      %mul3A_58 = vector.broadcast %mul3A_57 : f32 to vector<1x64xf32>
      %mul3A_59 = arith.mulf %slice3A, %mul3A_58 : vector<1x64xf32>
      %slice3A_60 = vector.extract_strided_slice %reduce_sum3A_56 {offsets = [1, 0], sizes = [1, 64], strides = [1, 1]} : vector<2x64xf32> to vector<1x64xf32>
      %mul3A_61 = arith.constant 2.000000e-05 : f32
      %mul3A_62 = vector.broadcast %mul3A_61 : f32 to vector<1x64xf32>
      %mul3A_63 = arith.mulf %slice3A_60, %mul3A_62 : vector<1x64xf32>
      %mul3A_64 = arith.mulf %mul3A_59, %mul3A_59 : vector<1x64xf32>
      %sub3A_65 = arith.subf %mul3A_63, %mul3A_64 : vector<1x64xf32>
      %swap3A_66 = arith.constant 0 : index
      %swap3A_67 = arith.constant 0 : index
      %swap3A_68 = vector.load %arg11[%swap3A_66, %swap3A_67] : memref<1x64xf32, #tpu.memory_space<vmem>>, vector<1x64xf32>
      tpu.vector_store %arg11[%swap3A_66, %swap3A_67], %mul3A_59 {strides = array<i32>} : memref<1x64xf32, #tpu.memory_space<vmem>>, vector<1x64xf32>,
      %add3A_69 = arith.constant 9.99999974E-6 : f32
      %add3A_70 = vector.broadcast %add3A_69 : f32 to vector<1x64xf32>
      %add3A_71 = arith.addf %sub3A_65, %add3A_70 : vector<1x64xf32>
      %rsqrt3A = math.rsqrt %add3A_71 : vector<1x64xf32>
      %swap3A_72 = arith.constant 0 : index
      %swap3A_73 = arith.constant 0 : index
      %swap3A_74 = vector.load %arg12[%swap3A_72, %swap3A_73] : memref<1x64xf32, #tpu.memory_space<vmem>>, vector<1x64xf32>
      tpu.vector_store %arg12[%swap3A_72, %swap3A_73], %rsqrt3A {strides = array<i32>} : memref<1x64xf32, #tpu.memory_space<vmem>>, vector<1x64xf32>,
      %broadcast_in_dim3A = arith.constant 0.000000e+00 : f32
      %broadcast_in_dim3A_75 = vector.broadcast %broadcast_in_dim3A : f32 to vector<128x64xf32>
      %swap3A_76 = arith.constant 0 : index
      %swap3A_77 = arith.constant 0 : index
      %swap3A_78 = vector.load %arg13[%swap3A_76, %swap3A_77] : memref<128x64xf32, #tpu.memory_space<vmem>>, vector<128x64xf32>
      tpu.vector_store %arg13[%swap3A_76, %swap3A_77], %broadcast_in_dim3A_75 {strides = array<i32>} : memref<128x64xf32, #tpu.memory_space<vmem>>, vector<128x64xf32>,
    } else {
    }
    %get3A = arith.constant 0 : index
    %get3A_2 = arith.constant 0 : index
    %get3A_3 = arith.constant 0 : index
    %get3A_4 = vector.load %arg1[%get3A, %get3A_2, %get3A_3] : memref<2x416x32xf32, #tpu.memory_space<vmem>>, vector<1x416x32xf32>
    %get3A_5 = vector.shape_cast %get3A_4 : vector<1x416x32xf32> to vector<416x32xf32>
    %get3A_6 = arith.constant 1 : index
    %get3A_7 = arith.constant 0 : index
    %get3A_8 = arith.constant 0 : index
    %get3A_9 = vector.load %arg1[%get3A_6, %get3A_7, %get3A_8] : memref<2x416x32xf32, #tpu.memory_space<vmem>>, vector<1x416x32xf32>
    %get3A_10 = vector.shape_cast %get3A_9 : vector<1x416x32xf32> to vector<416x32xf32>
    %concatenate3A = tpu.concatenate %get3A_5, %get3A_10 in 1 : vector<416x32xf32>, vector<416x32xf32> -> vector<416x64xf32>
    %get3A_11 = arith.constant 0 : index
    %get3A_12 = arith.constant 0 : index
    %get3A_13 = vector.load %arg11[%get3A_11, %get3A_12] : memref<1x64xf32, #tpu.memory_space<vmem>>, vector<1x64xf32>
    %sub3A = vector.broadcast %get3A_13 : vector<1x64xf32> to vector<416x64xf32>
    %sub3A_14 = arith.subf %concatenate3A, %sub3A : vector<416x64xf32>
    %get3A_15 = arith.constant 0 : index
    %get3A_16 = arith.constant 0 : index
    %get3A_17 = vector.load %arg12[%get3A_15, %get3A_16] : memref<1x64xf32, #tpu.memory_space<vmem>>, vector<1x64xf32>
    %mul3A = vector.broadcast %get3A_17 : vector<1x64xf32> to vector<416x64xf32>
    %mul3A_18 = arith.mulf %sub3A_14, %mul3A : vector<416x64xf32>
    %get3A_19 = arith.constant 0 : index
    %get3A_20 = arith.constant 0 : index
    %get3A_21 = vector.load %arg4[%get3A_19, %get3A_20] : memref<1x64xf32, #tpu.memory_space<vmem>>, vector<1x64xf32>
    %mul3A_22 = vector.broadcast %get3A_21 : vector<1x64xf32> to vector<416x64xf32>
    %mul3A_23 = arith.mulf %mul3A_18, %mul3A_22 : vector<416x64xf32>
    %get3A_24 = arith.constant 0 : index
    %get3A_25 = arith.constant 0 : index
    %get3A_26 = vector.load %arg5[%get3A_24, %get3A_25] : memref<1x64xf32, #tpu.memory_space<vmem>>, vector<1x64xf32>
    %add3A = vector.broadcast %get3A_26 : vector<1x64xf32> to vector<416x64xf32>
    %add3A_27 = arith.addf %mul3A_23, %add3A : vector<416x64xf32>
    %gt3A = arith.constant 0.000000e+00 : f32
    %gt3A_28 = vector.broadcast %gt3A : f32 to vector<416x64xf32>
    %gt3A_29 = arith.cmpf ogt, %add3A_27, %gt3A_28 : vector<416x64xf32>
    %mul3A_30 = arith.constant 0.00999999977 : f32
    %mul3A_31 = vector.broadcast %mul3A_30 : f32 to vector<416x64xf32>
    %mul3A_32 = arith.mulf %mul3A_31, %add3A_27 : vector<416x64xf32>
    %select_n3A = arith.select %gt3A_29, %add3A_27, %mul3A_32 : vector<416x64xi1>, vector<416x64xf32>
    %get3A_33 = arith.constant 0 : index
    %get3A_34 = arith.constant 0 : index
    %get3A_35 = vector.load %arg3[%get3A_33, %get3A_34] : memref<416x1xi32, #tpu.memory_space<vmem>>, vector<416x1xi32>
    %iota3A = tpu.iota {dimensions = array<i32: 1>} : vector<416x128xi32>
    %eq3A_36 = vector.broadcast %get3A_35 : vector<416x1xi32> to vector<416x128xi32>
    %eq3A_37 = arith.cmpi eq, %eq3A_36, %iota3A : vector<416x128xi32>
    %convert_element_type3A_38 = arith.extui %eq3A_37 : vector<416x128xi1> to vector<416x128xi32>
    %convert_element_type3A_39 = arith.sitofp %convert_element_type3A_38 : vector<416x128xi32> to vector<416x128xf32>
    %get3A_40 = arith.constant 0 : index
    %get3A_41 = arith.constant 0 : index
    %get3A_42 = vector.load %arg13[%get3A_40, %get3A_41] : memref<128x64xf32, #tpu.memory_space<vmem>>, vector<128x64xf32>
    %dot_general3A = arith.constant dense<0.000000e+00> : vector<128x64xf32>
    %dot_general3A_43 = tpu.matmul %convert_element_type3A_39, %select_n3A, %dot_general3A {dimension_numbers = #tpu.dot_dimension_numbers<[0], [0], [1], [1], [0, 1, 1, 1], [], []>, transpose_lhs_hint = false} : vector<416x128xf32>, vector<416x64xf32>, vector<128x64xf32> -> vector<128x64xf32>
    %add3A_44 = arith.addf %get3A_42, %dot_general3A_43 : vector<128x64xf32>
    %swap3A = arith.constant 0 : index
    %swap3A_45 = arith.constant 0 : index
    %swap3A_46 = vector.load %arg13[%swap3A, %swap3A_45] : memref<128x64xf32, #tpu.memory_space<vmem>>, vector<128x64xf32>
    tpu.vector_store %arg13[%swap3A, %swap3A_45], %add3A_44 {strides = array<i32>} : memref<128x64xf32, #tpu.memory_space<vmem>>, vector<128x64xf32>,
    %eq3A_47 = arith.constant 127 : i32
    %eq3A_48 = arith.cmpi eq, %arg0, %eq3A_47 : i32
    %convert_element_type3A_49 = arith.extui %eq3A_48 : i1 to i32
    %cond3A_50 = arith.constant 0 : i32
    %cond3A_51 = arith.cmpi ne, %convert_element_type3A_49, %cond3A_50 : i32
    scf.if %cond3A_51 {
      %get3A_52 = arith.constant 0 : index
      %get3A_53 = arith.constant 0 : index
      %get3A_54 = vector.load %arg13[%get3A_52, %get3A_53] : memref<128x64xf32, #tpu.memory_space<vmem>>, vector<128x64xf32>
      %gt3A_55 = arith.constant 0.000000e+00 : f32
      %gt3A_56 = vector.broadcast %gt3A_55 : f32 to vector<128x64xf32>
      %gt3A_57 = arith.cmpf ogt, %get3A_54, %gt3A_56 : vector<128x64xf32>
      %mul3A_58 = arith.constant 0.00999999977 : f32
      %mul3A_59 = vector.broadcast %mul3A_58 : f32 to vector<128x64xf32>
      %mul3A_60 = arith.mulf %mul3A_59, %get3A_54 : vector<128x64xf32>
      %select_n3A_61 = arith.select %gt3A_57, %get3A_54, %mul3A_60 : vector<128x64xi1>, vector<128x64xf32>
      %get3A_62 = arith.constant 0 : index
      %get3A_63 = arith.constant 0 : index
      %get3A_64 = vector.load %arg6[%get3A_62, %get3A_63] : memref<64x64xf32, #tpu.memory_space<vmem>>, vector<64x64xf32>
      %dot_general3A_65 = arith.constant dense<0.000000e+00> : vector<128x64xf32>
      %dot_general3A_66 = tpu.matmul %select_n3A_61, %get3A_64, %dot_general3A_65 {dimension_numbers = #tpu.dot_dimension_numbers<[1], [0], [0], [1], [0, 0, 1, 1], [], []>, transpose_lhs_hint = false} : vector<128x64xf32>, vector<64x64xf32>, vector<128x64xf32> -> vector<128x64xf32>
      %get3A_67 = arith.constant 0 : index
      %get3A_68 = arith.constant 0 : index
      %get3A_69 = vector.load %arg7[%get3A_67, %get3A_68] : memref<1x64xf32, #tpu.memory_space<vmem>>, vector<1x64xf32>
      %add3A_70 = vector.broadcast %get3A_69 : vector<1x64xf32> to vector<128x64xf32>
      %add3A_71 = arith.addf %dot_general3A_66, %add3A_70 : vector<128x64xf32>
      %get3A_72 = arith.constant 0 : index
      %get3A_73 = arith.constant 0 : index
      %get3A_74 = vector.load %arg8[%get3A_72, %get3A_73] : memref<64x10xf32, #tpu.memory_space<vmem>>, vector<64x10xf32>
      %dot_general3A_75 = arith.constant dense<0.000000e+00> : vector<128x10xf32>
      %dot_general3A_76 = tpu.matmul %add3A_71, %get3A_74, %dot_general3A_75 {dimension_numbers = #tpu.dot_dimension_numbers<[1], [0], [0], [1], [0, 0, 1, 1], [], []>, transpose_lhs_hint = false} : vector<128x64xf32>, vector<64x10xf32>, vector<128x10xf32> -> vector<128x10xf32>
      %get3A_77 = arith.constant 0 : index
      %get3A_78 = arith.constant 0 : index
      %get3A_79 = vector.load %arg9[%get3A_77, %get3A_78] : memref<1x10xf32, #tpu.memory_space<vmem>>, vector<1x10xf32>
      %add3A_80 = vector.broadcast %get3A_79 : vector<1x10xf32> to vector<128x10xf32>
      %add3A_81 = arith.addf %dot_general3A_76, %add3A_80 : vector<128x10xf32>
      %swap3A_82 = arith.constant 0 : index
      %swap3A_83 = arith.constant 0 : index
      %swap3A_84 = vector.load %arg10[%swap3A_82, %swap3A_83] : memref<128x10xf32, #tpu.memory_space<vmem>>, vector<128x10xf32>
      tpu.vector_store %arg10[%swap3A_82, %swap3A_83], %add3A_81 {strides = array<i32>} : memref<128x10xf32, #tpu.memory_space<vmem>>, vector<128x10xf32>,
    } else {
    }
    return
  }
  func.func @transform_0(%arg0: i32) -> (i32, i32, i32) {
    %c0_i32 = arith.constant 0 : i32
    %c0_i32_0 = arith.constant 0 : i32
    %c0_i32_1 = arith.constant 0 : i32
    return %c0_i32, %arg0, %c0_i32_0 : i32, i32, i32
  }
  func.func @transform_1(%arg0: i32) -> (i32, i32, i32) {
    %c0_i32 = arith.constant 0 : i32
    %c0_i32_0 = arith.constant 0 : i32
    %c0_i32_1 = arith.constant 0 : i32
    %c0_i32_2 = arith.constant 0 : i32
    return %c0_i32, %c0_i32_0, %c0_i32_1 : i32, i32, i32
  }
  func.func @transform_2(%arg0: i32) -> (i32, i32) {
    %c0_i32 = arith.constant 0 : i32
    %c0_i32_0 = arith.constant 0 : i32
    return %arg0, %c0_i32 : i32, i32
  }
  func.func @transform_3(%arg0: i32) -> (i32, i32) {
    %c0_i32 = arith.constant 0 : i32
    %c0_i32_0 = arith.constant 0 : i32
    %c0_i32_1 = arith.constant 0 : i32
    return %c0_i32, %c0_i32_0 : i32, i32
  }
  func.func @transform_4(%arg0: i32) -> (i32, i32) {
    %c0_i32 = arith.constant 0 : i32
    %c0_i32_0 = arith.constant 0 : i32
    %c0_i32_1 = arith.constant 0 : i32
    return %c0_i32, %c0_i32_0 : i32, i32
  }
  func.func @transform_5(%arg0: i32) -> (i32, i32) {
    %c0_i32 = arith.constant 0 : i32
    %c0_i32_0 = arith.constant 0 : i32
    %c0_i32_1 = arith.constant 0 : i32
    return %c0_i32, %c0_i32_0 : i32, i32
  }
  func.func @transform_6(%arg0: i32) -> (i32, i32) {
    %c0_i32 = arith.constant 0 : i32
    %c0_i32_0 = arith.constant 0 : i32
    %c0_i32_1 = arith.constant 0 : i32
    return %c0_i32, %c0_i32_0 : i32, i32
  }
  func.func @transform_7(%arg0: i32) -> (i32, i32) {
    %c0_i32 = arith.constant 0 : i32
    %c0_i32_0 = arith.constant 0 : i32
    %c0_i32_1 = arith.constant 0 : i32
    return %c0_i32, %c0_i32_0 : i32, i32
  }
  func.func @transform_8(%arg0: i32) -> (i32, i32) {
    %c0_i32 = arith.constant 0 : i32
    %c0_i32_0 = arith.constant 0 : i32
    %c0_i32_1 = arith.constant 0 : i32
    return %c0_i32, %c0_i32_0 : i32, i32
  }
  func.func @transform_9(%arg0: i32) -> (i32, i32) {
    %c0_i32 = arith.constant 0 : i32
    %c0_i32_0 = arith.constant 0 : i32
    %c0_i32_1 = arith.constant 0 : i32
    return %c0_i32, %c0_i32_0 : i32, i32
  }
}

</mosaic_0001>

<sc_bundles>
// kernel: kernel.10.cloned.1.call-start
scs
__scs_entry_jumppad:
0x0: {  	(pc) =	sbr.rel $0x88, $3  }
0x1: {  	(tag) =	ssettag $0x0;
	lr =	simm.s32 $0x1  }
0x2: {  	[smem:$0x3F93] =	sst lr;
	_ =	strace $0xD0000000  }
0x3: {  	_ = 	snop  }
0x4: {  	_ = 	snop  }
0x5: {  	_ = 	snop  }
0x6: {  	_ = 	snop  }
0x7: {  	_ = 	snop  }
__scs_overlays_trampoline_lowered:
0x8: {  	[smem:$0x3FA2] =	sst s0  }
0x9: {  	[smem:$0x3FA3] =	sst s1  }
0xa: {  	[smem:$0x3FA4] =	sst s2  }
0xb: {  	[smem:$0x3FA5] =	sst s3  }
0xc: {  	[smem:$0x3FA6] =	sst s4  }
0xd: {  	[smem:$0x3FA7] =	sst s5  }
0xe: {  	[smem:$0x3FA8] =	sst s6  }
0xf: {  	[smem:$0x3FA9] =	sst s7  }
0x10: {  	[smem:$0x3FAA] =	sst s8  }
0x11: {  	[smem:$0x3FAB] =	sst s9;
	s0 =	simm.s32 @!p0 $0x0  }
0x12: {  	s1 =	sld [smem:$0x3F91];
	s0 =	simm.s32 @p0 $0x1  }
0x13: {  	[smem:$0x3FAC] =	sst s0;
	s0 =	simm.s32 @!p1 $0x0  }
0x14: {  	s2 =	sld [smem:$0x3F90];
	s0 =	simm.s32 @p1 $0x1  }
0x15: {  	[smem:$0x3FAD] =	sst s0;
	s0 =	simm.s32 @!p2 $0x0  }
0x16: {  	s3 =	sld [smem:$0x3FDB];
	s0 =	simm.s32 @p2 $0x1  }
0x17: {  	s4 =	simm.s32 $0x1BF5;
	[smem:$0x3FAF] =	sst s0  }
0x18: {  	s0 =	sld [smem:$0x3F92];
	_ =	swait.ge [sflag:s4], $0x0  }
0x19: {  	s7 =	sld [smem:$0x3F93]  }
0x1a: {  	s8 =	sadd.s32 $0xFFFFE003, lr  }
0x1b: {  	s9 =	sadd.s32 $0xFFFFFEF7, lr;
	s5 =	simm.s32 $0xFFFFFFFF;
	p2 =	slt.u32 s8, $0xFFFFF086  }
0x1c: {  	p1 =	slt.u32 s9, $0xF7A;
	s5 =	simm.s32 @!p2 $0x0  }
0x1d: {  	s5 =	simm.s32 @p1 $0x1;
	p0 =	seq.s32 s7, s2  }
0x1e: {  	s7 =	smul.u32 @!p0 $0xF7A, s2;
	p2 =	seq.s32 @!p0 s5, $0x0  }
0x1f: {  	s9 =	smul.u32 $0xF7A, s1;
	s8 =	simm.s32 @!p0 $0x1BF5;
	p2 =	por !p2, p0  }
0x20: {  	[sflag:s8] =	ssyncset.s32 @!p0 $0xFFFFF086;
	s6 =	sadd.s32 @!p0 s3, s7;
	s7 =	simm.s32 @!p0 $0x108  }
0x21: {  	s3 =	sadd.s32 s3, s9;
	s6 =	sadd.s32 @!p0 $0x88, s6;
	s7 =	simm.s32 @p2 $0x1082  }
0x22: {  	[simem:s7], [sflag:s8] =	dma.local @!p0 [hbm:s6], $0xF7A  }
0x23: {  	s9 =	sor.u32 $0xD0000000, s2;
	s6 =	simm.s32 $0x108;
	_ =	swait.ge @!p0 [sflag:s8], $0x0  }
0x24: {  	s3 =	sadd.s32 $0x88, s3;
	s6 =	simm.s32 @!p1 $0x1082;
	[sflag:s4] =	ssyncset.s32 $0xFFFFF086  }
0x25: {  	[simem:s6], [sflag:s4] =	dma.local [hbm:s3], $0xF7A  }
0x26: {  	[smem:$0x3F93] =	sst s1;
	(tag) =	ssettag s2;
	_ =	strace s9  }
0x27: {  	s1 =	sld [smem:$0x3FA3]  }
0x28: {  	s2 =	sld [smem:$0x3FA4]  }
0x29: {  	s4 =	sld [smem:$0x3FA6]  }
0x2a: {  	p0 =	seq.s32 s5, $0x0;
	s5 =	sld [smem:$0x3FA7]  }
0x2b: {  	s6 =	sld [smem:$0x3FA8]  }
0x2c: {  	s7 =	sld [smem:$0x3FA9]  }
0x2d: {  	s3 =	simm.s32 $0x108;
	s8 =	sld [smem:$0x3FAA]  }
0x2e: {  	s3 =	simm.s32 @!p0 $0x1082;
	s9 =	sld [smem:$0x3FAB]  }
0x2f: {  	lr =	sadd.s32 s0, s3;
	s0 =	sld [smem:$0x3FA2]  }
0x30: {  	s3 =	sld [smem:$0x3FA5]  }
0x31: {  	[smem:$0x3FAE] =	sst s10  }
0x32: {  	s10 =	sld [smem:$0x3FAC];
	_ =	sdelay $0x3  }
0x33: {  	p0 =	seq.s32 s10, $0x1;
	s10 =	sld [smem:$0x3FAE];
	_ =	sdelay $0x3  }
0x34: {  	[smem:$0x3FAE] =	sst s10  }
0x35: {  	s10 =	sld [smem:$0x3FAD];
	_ =	sdelay $0x3  }
0x36: {  	p1 =	seq.s32 s10, $0x1;
	s10 =	sld [smem:$0x3FAE];
	_ =	sdelay $0x3  }
0x37: {  	[smem:$0x3FAE] =	sst s10  }
0x38: {  	s10 =	sld [smem:$0x3FAF]  }
0x39: {  	_ = 	snop;
	(pc) =	sbr.ind lr, $3  }
0x3a: {  	_ = 	snop  }
0x3b: {  	_ = 	snop  }
0x3c: {  	p2 =	seq.s32 s10, $0x1;
	s10 =	sld [smem:$0x3FAE]  }
0x3d: {  	_ =	shalt  }
0x3e: {  	_ =	shalt  }
0x3f: {  	_ =	shalt  }
0x40: {  	_ =	shalt  }
0x41: {  	_ =	shalt  }
0x42: {  	_ =	shalt  }
0x43: {  	_ =	shalt  }
0x44: {  	_ =	shalt  }
0x45: {  	_ =	shalt  }
0x46: {  	_ =	shalt  }
0x47: {  	_ =	shalt  }
0x48: {  	_ =	shalt  }
0x49: {  	_ =	shalt  }
0x4a: {  	_ =	shalt  }
0x4b: {  	_ =	shalt  }
0x4c: {  	_ =	shalt  }
0x4d: {  	_ =	shalt  }
0x4e: {  	_ =	shalt  }
0x4f: {  	_ =	shalt  }
0x50: {  	_ =	shalt  }
0x51: {  	_ =	shalt  }
0x52: {  	_ =	shalt  }
0x53: {  	_ =	shalt  }
0x54: {  	_ =	shalt  }
0x55: {  	_ =	shalt  }
0x56: {  	_ =	shalt  }
0x57: {  	_ =	shalt  }
0x58: {  	_ =	shalt  }
0x59: {  	_ =	shalt  }
0x5a: {  	_ =	shalt  }
0x5b: {  	_ =	shalt  }
0x5c: {  	_ =	shalt  }
0x5d: {  	_ =	shalt  }
0x5e: {  	_ =	shalt  }
0x5f: {  	_ =	shalt  }
0x60: {  	_ =	shalt  }
0x61: {  	_ =	shalt  }
0x62: {  	_ =	shalt  }
0x63: {  	_ =	shalt  }
0x64: {  	_ =	shalt  }
0x65: {  	_ =	shalt  }
0x66: {  	_ =	shalt  }
0x67: {  	_ =	shalt  }
0x68: {  	_ =	shalt  }
0x69: {  	_ =	shalt  }
0x6a: {  	_ =	shalt  }
0x6b: {  	_ =	shalt  }
0x6c: {  	_ =	shalt  }
0x6d: {  	_ =	shalt  }
0x6e: {  	_ =	shalt  }
0x6f: {  	_ =	shalt  }
0x70: {  	_ =	shalt  }
0x71: {  	_ =	shalt  }
0x72: {  	_ =	shalt  }
0x73: {  	_ =	shalt  }
0x74: {  	_ =	shalt  }
0x75: {  	_ =	shalt  }
0x76: {  	_ =	shalt  }
0x77: {  	_ =	shalt  }
0x78: {  	_ =	shalt  }
0x79: {  	_ =	shalt  }
0x7a: {  	_ =	shalt  }
0x7b: {  	_ =	shalt  }
0x7c: {  	_ =	shalt  }
0x7d: {  	_ =	shalt  }
0x7e: {  	_ =	shalt  }
0x7f: {  	_ =	shalt  }
0x80: {  	_ =	shalt  }
0x81: {  	_ =	shalt  }
0x82: {  	_ =	shalt  }
0x83: {  	_ =	shalt  }
0x84: {  	_ =	shalt  }
0x85: {  	_ =	shalt  }
0x86: {  	_ =	shalt  }
0x87: {  	_ =	shalt  }
.Lfunc_end0:
.L_simem_size_0:
called_computation.1_lowered:
.L_overlay_start_0:
0x88: {  	s2 =	sld [smem:$0x3FD9]  }
0x89: {  	s3 =	sld [smem:$0x3FFE];
	_ =	sdelay $0x1  }
0x8a: {  	s1 =	srdreg.scid  }
0x8b: {  	s0 =	sand.u32 $0x1, s1  }
0x8c: {  	s16 =	sshll.u32 s0, $0xA;
	s2 =	sadd.s32 s3, s2  }
0x8d: {  	s2 =	sadd.s32 s2, s16  }
0x8e: {  	[smem:$0x3FBA] =	sst s2  }
0x8f: {  	_ = 	snop  }
0x90: {  	(tm) =	ssettm $0x1  }
0x91: {  	s17 =	sld [smem:$0x3FFB];
	_ =	sdelay $0x3  }
0x92: {  	_ =	strace s17  }
0x93: {  	s2 =	sld [smem:$0x3FFC];
	_ =	sdelay $0x3  }
0x94: {  	_ =	strace s2  }
0x95: {  	s2 =	sld [smem:$0x3FFD];
	_ =	sdelay $0x3  }
0x96: {  	_ =	strace s2  }
0x97: {  	_ =	strace $0x8FFFFFFF  }
0x98: {  	s18 =	sld [smem:$0x3FDB];
	_ =	sdelay $0x1  }
0x99: {  	s19 =	simm.s32 $_scs_section_size  }
0x9a: {  	s4 =	simm.s32 $_size__tile_overlayer_lowered;
	s5 =	simm.s32 $_tile_overlayer_lowered  }
0x9b: {  	s22 =	simm.s32 $0x1BFF;
	s21 =	sshll.u32 s5, $0x1;
	s2 =	sadd.s32 s19, s18  }
0x9c: {  	s6 =	simm.s32 $0x0;
	s20 =	sshll.u32 s4, $0x1;
	s4 =	sadd.s32 s21, s2  }
0x9d: {  	[timem:s6], [sflag:s22] =	dma.local [hbm:s4], s20  }
0x9e: {  	_ =	swait.ge [sflag:s22], s20  }
0x9f: {  	s3 =	ssub.s32 $0x0, s20;
	[sflag:s22] =	ssyncset.done $0x0  }
0xa0: {  	[sflag:s22] =	ssyncadd.s32 s3;
	_ =	sdelay $0x1  }
0xa1: {  	s23 =	simm.s32 $0x1B8B  }
0xa2: {  	_ =	swait.ge [sflag:s23], $0x1  }
0xa3: {  	[sflag:s23] =	ssyncset.done $0x0  }
0xa4: {  	s25 =	simm.s32 $0x1B8E;
	s24 =	sld [smem:$0x3FFE];
	[sflag:s23] =	ssyncadd.s32 $0xFFFFFFFF  }
0xa5: {  	s26 =	simm.s32 $execute0_lowered;
	[smem:$0x3FD2] =	sst s25  }
0xa6: {  	s4 =	sshll.u32 s26, $0x1;
	_ =	strace $0x80000049;
	[dreg:$0x1] =	wrdreg $0xFFFFFFFF  }
0xa7: {  	s28 =	simm.s32 $_size_execute0_lowered;
	s2 =	sadd.s32 s2, s4;
	[dreg:$0x0] =	wrdreg $0x0  }
0xa8: {  	s4 =	sshll.u32 s28, $0x1;
	[dreg:$0x2] =	wrdreg s2  }
0xa9: {  	[dreg:$0x3] =	wrdreg s4  }
0xaa: {  	[dreg:$0x4] =	wrdreg $0xC0  }
0xab: {  	_ =	task [dreg:s6], $0x5FFFF  }
0xac: {  	[dreg:$0x1] =	wrdreg $0xFFFFFFFF  }
0xad: {  	[dreg:$0x0] =	wrdreg $0x60  }
0xae: {  	[dreg:$0x2] =	wrdreg s24  }
0xaf: {  	[dreg:$0x3] =	wrdreg $0x48800  }
0xb0: {  	[dreg:$0x4] =	wrdreg $0x9  }
0xb1: {  	_ =	task.clear_ibuf [dreg:s6], $0x5FFFF;
	_ =	strace $0x90000049  }
0xb2: {  	s29 =	simm.s32 $0x9;
	_ =	strace $0x8000004B  }
0xb3: {  	_ =	swait.ge [sflag:s29], $0x1  }
0xb4: {  	[sflag:s29] =	ssyncadd.s32 $0xFFFFFFFF  }
0xb5: {  	_ =	strace $0x9000004B  }
0xb6: {  	_ =	sfence  }
0xb7: {  	s30 =	sld [smem:$0x0];
	_ =	sdelay $0x2  }
0xb8: {  	s31 =	sshll.u32 s1, $0xD;
	s1 =	sshrl.u32 s1, $0x2  }
0xb9: {  	s3 =	sand.u32 $0x4000, s31;
	s1 =	sadd.s32 s1, s30  }
0xba: {  	s0 =	sor.u32 s3, s0;
	s1 =	sshll.u32 s1, $0x11  }
0xbb: {  	s0 =	sor.u32 s1, s0  }
0xbc: {  	s0 =	sadd.s32 $0x8F2B, s0  }
0xbd: {  	[sflag:s0] =	ssyncadd.remote.s32 $0x1  }
0xbe: {  	_ =	sfence.sel $0xFFFF  }
0xbf: {  	[dreg:$0x0] =	wrdreg $0xFFFFFFFF;
	(pc) =	sbr.abs _section_cstart, $3  }
0xc0: {  	[dreg:$0x1] =	wrdreg $0xFFFFFFFF  }
0xc1: {  	_ =	task.clear_ibuf [dreg:s6], $0x2FFFF;
	_ =	strace $0x9FFFFFFF  }
0xc2: {  	(tm) =	ssettm $0x7FFFFFFF  }
0xc3: {  	_ =	shalt  }
tec
execute0_lowered:
.L_overlay_start_1:
0x0: {  	(tag) =	ssettag $0x1  }
0x1: {  	s0 =	rddreg [dreg:$0x0];
	s15 =	stileid.u32  }
0x2: {  	s1 =	rddreg [dreg:$0x1];
	s18 =	smul.u32 $0xD00, s15  }
0x3: {  	s2 =	simm.s32 $0x0;
	s3 =	srdreg.scid;
	s21 =	smul.u32 $0x68000, s15  }
0x4: {  	[smem:$0x7FF] =	sst s2;
	s12 =	smul.u32 $0xC400, s15  }
0x5: {  	s3 =	sand.u32 $0x1, s3;
	s4 =	sadd.s32 $0x4C000, s0;
	s14 =	smul.u32 $0x3400, s15  }
0x6: {  	s16 =	sadd.s32 $0x2800, s0;
	s6 =	sadd.s32 $0x33800, s0;
	s26 =	smul.u32 $0x1880, s15  }
0x7: {  	s7 =	sadd.s32 $0xB4000, s0;
	_ =	strace $0x8000004A;
	s9 =	smul.u32 $0xD000, s3  }
0x8: {  	s5 =	sshll.u32 s3, $0x4;
	s10 =	ssub.s32 $0x2, s3;
	s23 =	smul.u32 $0x34000, s3  }
0x9: {  	s24 =	smul.u32 $0xC4000, s3;
	p0 =	seq.s32 s3, $0x1;
	[dreg:$0x3] =	wrdreg s16  }
0xa: {  	s5 =	sor.u32 s15, s5;
	s11 =	sshrl.u32 s10, $0x1;
	s13 =	sshrl.u32 s12, $0x3  }
0xb: {  	s17 =	sadd.s32 s26, s6;
	[dreg:$0x4] =	wrdreg s18;
	s8 =	sshll.u32 s5, $0x4  }
0xc: {  	s10 =	ssub.s32 s10, s11;
	s5 =	smul.u32 $0xC400, s5;
	s13 =	sadd.s32 s6, s13  }
0xd: {  	s25 =	sadd.s32 s23, s4;
	s0 =	sadd.s32 s8, s0;
	s8 =	sadd.s32 s18, s9  }
0xe: {  	s9 =	sshrl.u32 s21, $0x2;
	s30 =	smax.u32 s10, $0x1;
	[dreg:$0x8] =	wrdreg s13  }
0xf: {  	s22 =	sshll.u32 s8, $0x2;
	s5 =	sshrl.u32 s5, $0x3;
	s0 =	sadd.s32 $0x11C000, s0  }
0x10: {  	[dreg:$0xa] =	wrdreg s30;
	s11 =	sadd.s32 s4, s22;
	s19 =	sadd.s32 s16, s5  }
0x11: {  	[dreg:$0x9] =	wrdreg s0;
	s0 =	sadd.s32 s14, s25;
	s5 =	sadd.s32 s12, s24  }
0x12: {  	[dreg:$0x5] =	wrdreg s11;
	s11 =	sadd.s32 $0x200, s11;
	s0 =	sadd.s32 $0x600, s0  }
0x13: {  	s31 =	sadd.s32 $0x780, s5;
	s12 =	sadd.s32 $0x600, s5;
	[dreg:$0x7] =	wrdreg s19  }
0x14: {  	s15 =	sadd.s32 $0x580, s5;
	s21 =	sadd.s32 $0x500, s5;
	[dreg:$0x6] =	wrdreg s11  }
0x15: {  	s23 =	sadd.s32 $0x480, s5;
	s26 =	sadd.s32 $0x400, s5;
	[dreg:$0xb] =	wrdreg s0  }
0x16: {  	s25 =	sadd.s32 $0x680, s5;
	s3 =	sadd.s32 $0x20, s19;
	[dreg:$0x12] =	wrdreg s26  }
0x17: {  	s6 =	sadd.s32 $0x40, s19;
	s11 =	sadd.s32 s9, s1;
	[dreg:$0x15] =	wrdreg s3  }
0x18: {  	s0 =	sshrl.u32 s31, $0x3;
	s31 =	sadd.s32 $0x10, s19;
	[dreg:$0x17] =	wrdreg s6  }
0x19: {  	s9 =	sadd.s32 $0x700, s5;
	s5 =	sadd.s32 $0x30, s19;
	[dreg:$0x14] =	wrdreg s31  }
0x1a: {  	s14 =	sshrl.u32 s12, $0x3;
	s12 =	sadd.s32 $0x70, s19;
	[dreg:$0x16] =	wrdreg s5  }
0x1b: {  	s20 =	sshrl.u32 s15, $0x3;
	s15 =	sadd.s32 $0x20, s13;
	[dreg:$0x1a] =	wrdreg s12  }
0x1c: {  	s22 =	sshrl.u32 s21, $0x3;
	s21 =	sadd.s32 $0x60, s13;
	[dreg:$0x1c] =	wrdreg s15  }
0x1d: {  	s24 =	sshrl.u32 s23, $0x3;
	s23 =	sadd.s32 $0x100, s18;
	[smem:$0x7F6] =	sst s21  }
0x1e: {  	s30 =	sshrl.u32 s25, $0x3;
	s25 =	ssub.s32 $0xC350, s18;
	[smem:$0x7F8] =	sst s23  }
0x1f: {  	s26 =	ssub.s32 $0xC2D0, s18;
	[smem:$0x7FA] =	sst s25  }
0x20: {  	s0 =	sadd.s32 s0, s16;
	[smem:$0x7FB] =	sst s26  }
0x21: {  	s10 =	sshrl.u32 s9, $0x3;
	s9 =	sadd.s32 $0x50, s19;
	[dreg:$0xc] =	wrdreg s0  }
0x22: {  	s31 =	sadd.s32 $0x19000, s11;
	[dreg:$0x18] =	wrdreg s9  }
0x23: {  	s28 =	simm.s32 $0x2;
	s0 =	sadd.s32 s10, s16;
	[smem:$0x7FD] =	sst s31  }
0x24: {  	s29 =	simm.s32 $0x80;
	s10 =	sadd.s32 $0x60, s19;
	[dreg:$0xd] =	wrdreg s0  }
0x25: {  	s15 =	simm.s32 $0x1800;
	s19 =	sadd.s32 $0x40, s13;
	[dreg:$0x19] =	wrdreg s10  }
0x26: {  	s26 =	simm.s32 $0x19;
	s0 =	sadd.s32 s14, s16;
	[dreg:$0x1e] =	wrdreg s19  }
0x27: {  	s21 =	simm.s32 $0x4;
	s14 =	sadd.s32 $0x10, s13;
	[dreg:$0xe] =	wrdreg s0  }
0x28: {  	s23 =	simm.s32 $0x17;
	s0 =	sadd.s32 s20, s16;
	[dreg:$0x1b] =	wrdreg s14  }
0x29: {  	s12 =	simm.s32 $0x14;
	s20 =	sadd.s32 $0x50, s13;
	[dreg:$0xf] =	wrdreg s0  }
0x2a: {  	s5 =	simm.s32 $0x0;
	s0 =	sadd.s32 s22, s16;
	[dreg:$0x1f] =	wrdreg s20  }
0x2b: {  	s9 =	simm.s32 $0x1;
	s22 =	sadd.s32 $0x1000, s11;
	[dreg:$0x10] =	wrdreg s0  }
0x2c: {  	s10 =	simm.s32 $0x3800;
	s0 =	sadd.s32 s24, s16;
	[smem:$0x7F7] =	sst s22  }
.Ltmp0:
0x2d: {  	s24 =	sadd.s32 $0x180, s18;
	[dreg:$0x11] =	wrdreg s0;
	(pc) =	sbr.rel .LBB2_1-.Ltmp0, $4  }
0x2e: {  	s14 =	simm.s32 $0x800;
	s0 =	sadd.s32 s30, s16;
	[smem:$0x7F9] =	sst s24  }
0x2f: {  	s16 =	sadd.s32 $0x30, s13;
	s30 =	sadd.s32 $0x18000, s11;
	[dreg:$0x13] =	wrdreg s0  }
0x30: {  	s24 =	simm.s32 $0x18;
	s13 =	simm.s32 $0x780;
	[dreg:$0x1d] =	wrdreg s16  }
0x31: {  	v0 =	vimm.f32 $0.0e+00;
	v5 =	vimm.f32 $0.0e+00;
	[smem:$0x7FC] =	sst s30;
	s16 =	simm.s32 $0x2800;
	s0 =	simm.s32 $0x15  }
.LBB2_20:
0x32: {  	[tilespmem:$0x4800] =	vst v0  }
0x33: {  	[tilespmem:$0x4810] =	vst v0  }
0x34: {  	[tilespmem:$0x4820] =	vst v0  }
0x35: {  	[tilespmem:$0x4830] =	vst v0  }
0x36: {  	[tilespmem:$0x4840] =	vst v0  }
0x37: {  	[tilespmem:$0x4850] =	vst v0  }
0x38: {  	[tilespmem:$0x4860] =	vst v0  }
0x39: {  	[tilespmem:$0x4870] =	vst v0  }
0x3a: {  	[tilespmem:$0x4820] =	vst @p0 v4  }
0x3b: {  	[tilespmem:$0x4830] =	vst @p0 v3  }
0x3c: {  	[tilespmem:$0x4860] =	vst @p0 v2  }
0x3d: {  	[tilespmem:$0x4870] =	vst @p0 v1  }
0x3e: {  	[tilespmem:$0x4800] =	vst @!p0 v4  }
0x3f: {  	[tilespmem:$0x4810] =	vst @!p0 v3  }
0x40: {  	[tilespmem:$0x4840] =	vst @!p0 v2  }
0x41: {  	s3 =	rddreg [dreg:$0x9];
	s5 =	simm.s32 $0x4800;
	[tilespmem:$0x4850] =	vst @!p0 v1  }
0x42: {  	[hbm4b:s3+s2] =	stream.linear.scatter [tilespmem:s5], [sflag:$0x19], $0x80, $0x38;
	[tilespmem:$0x1E880] =	vst v63  }
0x43: {  	_ =	swait.ge [sflag:s26], $0x80  }
0x44: {  	s30 =	sld [smem:$0x7F5];
	_ =	sdelay $0x2  }
0x45: {  	s31 =	rddreg [dreg:$0xa];
	s5 =	sadd.s32 $0x1, s30  }
0x46: {  	p1 =	sne.s32 s5, s31  }
.Ltmp1:
0x47: {  	_ = 	snop;
	(pc) =	sbr.rel @!p1 .LBB2_21-.Ltmp1, $3  }
0x48: {  	_ =	sdelay $0x1  }
0x49: {  	[sflag:s26] =	ssyncset.done $0x0  }
0x4a: {  	[sflag:s26] =	ssyncadd.s32 $0xFFFFFF80  }
.LBB2_1:
0x4b: {  	[smem:$0x7F5] =	sst s5  }
0x4c: {  	s3 =	rddreg [dreg:$0x5]  }
0x4d: {  	[tilespmem:s14], [sflag:$0x1] =	stream.linear.gather [hbm4b:s3+s2], $0x1000, $0x38;
	[tilespmem:$0x1E880] =	vst v63  }
0x4e: {  	s25 =	rddreg [dreg:$0x6]  }
0x4f: {  	[tilespmem:s15], [sflag:$0x2] =	stream.linear.gather [hbm4b:s25+s2], $0x1000, $0x38;
	[tilespmem:$0x1E880] =	vst v63  }
0x50: {  	_ =	swait.ge [sflag:s9], $0x1000  }
0x51: {  	[sflag:s9] =	ssyncset.done $0x0  }
0x52: {  	s30 =	sadd.s32 $0x0, s11;
	[sflag:s9] =	ssyncadd.s32 $0xFFFFF000  }
0x53: {  	[spmem:s30] =	stream.linear.scatter [tilespmem:s14], [sflag:$0x19], $0x1000, $0x38;
	[tilespmem:$0x1E880] =	vst v63  }
0x54: {  	_ =	swait.ge [sflag:s26], $0x1000  }
0x55: {  	[sflag:s26] =	ssyncset.done $0x0;
	s6 =	rddreg [dreg:$0xb]  }
0x56: {  	[sflag:s26] =	ssyncadd.s32 $0xFFFFF000;
	s31 =	sadd.s32 $0xFFFFFE00, s6  }
0x57: {  	[tilespmem:s14], [sflag:$0x1] =	stream.linear.gather [hbm4b:s31+s2], $0x1000, $0x38;
	[tilespmem:$0x1E880] =	vst v63  }
0x58: {  	_ =	swait.ge [sflag:s28], $0x1000  }
0x59: {  	[sflag:s28] =	ssyncset.done $0x0  }
0x5a: {  	s3 =	sadd.s32 $0x1000, s30;
	[sflag:s28] =	ssyncadd.s32 $0xFFFFF000  }
0x5b: {  	[spmem:s3] =	stream.linear.scatter [tilespmem:s15], [sflag:$0x19], $0x1000, $0x38;
	[tilespmem:$0x1E880] =	vst v63  }
0x5c: {  	_ =	swait.ge [sflag:s26], $0x1000  }
0x5d: {  	[sflag:s26] =	ssyncset.done $0x0  }
0x5e: {  	s5 =	sadd.s32 $0x400, s6;
	s3 =	simm.s32 $0x8000;
	[sflag:s26] =	ssyncadd.s32 $0xFFFFF000  }
.LBB2_2:
0x5f: {  	[tilespmem:s15], [sflag:$0x2] =	stream.linear.gather [hbm4b:s6+s2], $0x1000, $0x38;
	[tilespmem:$0x1E880] =	vst v63  }
0x60: {  	s18 =	smov.u32 s3;
	s6 =	smov.u32 s5  }
0x61: {  	p1 =	sne.s32 s3, $0x58000;
	s3 =	sadd.s32 $0x8000, s3;
	_ =	swait.ge [sflag:s9], $0x1000  }
0x62: {  	s18 =	sshra.s32 s18, $0x2;
	[sflag:s9] =	ssyncset.done $0x0  }
0x63: {  	s18 =	sadd.s32 s18, s11;
	[sflag:s9] =	ssyncadd.s32 $0xFFFFF000  }
0x64: {  	[spmem:s18] =	stream.linear.scatter [tilespmem:s14], [sflag:$0x19], $0x1000, $0x38;
	[tilespmem:$0x1E880] =	vst v63  }
0x65: {  	_ =	swait.ge [sflag:s26], $0x1000  }
0x66: {  	[sflag:s26] =	ssyncset.done $0x0  }
0x67: {  	s19 =	sadd.s32 $0xFFFFFE00, s5;
	[sflag:s26] =	ssyncadd.s32 $0xFFFFF000  }
0x68: {  	[tilespmem:s14], [sflag:$0x1] =	stream.linear.gather [hbm4b:s19+s2], $0x1000, $0x38;
	[tilespmem:$0x1E880] =	vst v63  }
0x69: {  	_ =	swait.ge [sflag:s28], $0x1000  }
0x6a: {  	[sflag:s28] =	ssyncset.done $0x0  }
.Ltmp2:
0x6b: {  	s18 =	sadd.s32 $0x1000, s18;
	[sflag:s28] =	ssyncadd.s32 $0xFFFFF000;
	(pc) =	sbr.rel @p1 .LBB2_2-.Ltmp2, $4  }
0x6c: {  	[spmem:s18] =	stream.linear.scatter [tilespmem:s15], [sflag:$0x19], $0x1000, $0x38;
	[tilespmem:$0x1E880] =	vst v63  }
0x6d: {  	_ =	swait.ge [sflag:s26], $0x1000  }
0x6e: {  	[sflag:s26] =	ssyncset.done $0x0  }
0x6f: {  	s5 =	sadd.s32 $0x400, s5;
	[sflag:s26] =	ssyncadd.s32 $0xFFFFF000  }
0x70: {  	[tilespmem:s15], [sflag:$0x2] =	stream.linear.gather [hbm4b:s6+s2], $0x1000, $0x38;
	[tilespmem:$0x1E880] =	vst v63  }
0x71: {  	_ =	swait.ge [sflag:s9], $0x1000  }
0x72: {  	s3 =	sld [smem:$0x7FC]  }
0x73: {  	[sflag:s9] =	ssyncset.done $0x0  }
0x74: {  	[sflag:s9] =	ssyncadd.s32 $0xFFFFF000  }
0x75: {  	[spmem:s3] =	stream.linear.scatter [tilespmem:s14], [sflag:$0x19], $0x1000, $0x38;
	[tilespmem:$0x1E880] =	vst v63  }
0x76: {  	_ =	swait.ge [sflag:s26], $0x1000  }
0x77: {  	[sflag:s26] =	ssyncset.done $0x0  }
0x78: {  	[sflag:s26] =	ssyncadd.s32 $0xFFFFF000  }
0x79: {  	_ =	swait.ge [sflag:s28], $0x1000  }
0x7a: {  	s18 =	sld [smem:$0x7FD]  }
0x7b: {  	[sflag:s28] =	ssyncset.done $0x0  }
0x7c: {  	[sflag:s28] =	ssyncadd.s32 $0xFFFFF000  }
0x7d: {  	[spmem:s18] =	stream.linear.scatter [tilespmem:s15], [sflag:$0x19], $0x1000, $0x38;
	[tilespmem:$0x1E880] =	vst v63  }
0x7e: {  	_ =	swait.ge [sflag:s26], $0x1000  }
0x7f: {  	[sflag:s26] =	ssyncset.done $0x0  }
0x80: {  	[sflag:s26] =	ssyncadd.s32 $0xFFFFF000  }
0x81: {  	[bflag:$0x0] =	sbarrier.arrive $0xFFFF  }
0x82: {  	s5 =	rddreg [dreg:$0x7]  }
0x83: {  	s3 =	simm.s32 $0x0;
	s19 =	rddreg [dreg:$0x14]  }
0x84: {  	[tilespmem:s3], [sflag:$0x5] =	stream.linear.gather [hbm4b:s5+s3], $0x80, $0x38;
	[tilespmem:$0x1E880] =	vst v63  }
0x85: {  	s20 =	rddreg [dreg:$0x15]  }
0x86: {  	[tilespmem:s29], [sflag:$0x6] =	stream.linear.gather [hbm4b:s19+s3], $0x80, $0x38;
	[tilespmem:$0x1E880] =	vst v63  }
0x87: {  	s6 =	simm.s32 $0x100;
	s22 =	rddreg [dreg:$0x16]  }
0x88: {  	[tilespmem:s6], [sflag:$0x7] =	stream.linear.gather [hbm4b:s20+s3], $0x80, $0x38;
	[tilespmem:$0x1E880] =	vst v63  }
0x89: {  	s18 =	simm.s32 $0x180;
	s25 =	rddreg [dreg:$0x17]  }
0x8a: {  	[tilespmem:s18], [sflag:$0x8] =	stream.linear.gather [hbm4b:s22+s3], $0x80, $0x38;
	[tilespmem:$0x1E880] =	vst v63  }
0x8b: {  	s30 =	simm.s32 $0x200;
	s20 =	rddreg [dreg:$0x19]  }
0x8c: {  	[tilespmem:s30], [sflag:$0x9] =	stream.linear.gather [hbm4b:s25+s3], $0x80, $0x38;
	[tilespmem:$0x1E880] =	vst v63  }
0x8d: {  	s19 =	simm.s32 $0x280;
	s18 =	rddreg [dreg:$0x18]  }
0x8e: {  	[tilespmem:s19], [sflag:$0xA] =	stream.linear.gather [hbm4b:s18+s3], $0x80, $0x38;
	[tilespmem:$0x1E880] =	vst v63  }
0x8f: {  	s22 =	simm.s32 $0x300;
	s25 =	rddreg [dreg:$0x1a]  }
0x90: {  	[tilespmem:s22], [sflag:$0xB] =	stream.linear.gather [hbm4b:s20+s3], $0x80, $0x38;
	[tilespmem:$0x1E880] =	vst v63  }
0x91: {  	s30 =	simm.s32 $0x380;
	s18 =	rddreg [dreg:$0x8]  }
0x92: {  	[tilespmem:s30], [sflag:$0xC] =	stream.linear.gather [hbm4b:s25+s3], $0x80, $0x38;
	[tilespmem:$0x1E880] =	vst v63  }
0x93: {  	s19 =	simm.s32 $0x400;
	s20 =	rddreg [dreg:$0x1b]  }
0x94: {  	[tilespmem:s19], [sflag:$0xD] =	stream.linear.gather [hbm4b:s18+s3], $0x80, $0x38;
	[tilespmem:$0x1E880] =	vst v63  }
0x95: {  	s22 =	simm.s32 $0x480;
	s25 =	rddreg [dreg:$0x1c]  }
0x96: {  	[tilespmem:s22], [sflag:$0xE] =	stream.linear.gather [hbm4b:s20+s3], $0x80, $0x38;
	[tilespmem:$0x1E880] =	vst v63  }
0x97: {  	s30 =	simm.s32 $0x500;
	s18 =	rddreg [dreg:$0x1d]  }
0x98: {  	[tilespmem:s30], [sflag:$0xF] =	stream.linear.gather [hbm4b:s25+s3], $0x80, $0x38;
	[tilespmem:$0x1E880] =	vst v63  }
0x99: {  	s19 =	simm.s32 $0x580;
	s20 =	rddreg [dreg:$0x1e]  }
0x9a: {  	[tilespmem:s19], [sflag:$0x10] =	stream.linear.gather [hbm4b:s18+s3], $0x80, $0x38;
	[tilespmem:$0x1E880] =	vst v63  }
0x9b: {  	s22 =	simm.s32 $0x600;
	s25 =	rddreg [dreg:$0x1f]  }
0x9c: {  	[tilespmem:s22], [sflag:$0x11] =	stream.linear.gather [hbm4b:s20+s3], $0x80, $0x38;
	[tilespmem:$0x1E880] =	vst v63  }
0x9d: {  	s30 =	simm.s32 $0x680;
	s19 =	sld [smem:$0x7F6]  }
0x9e: {  	[tilespmem:s30], [sflag:$0x12] =	stream.linear.gather [hbm4b:s25+s3], $0x80, $0x38;
	[tilespmem:$0x1E880] =	vst v63  }
0x9f: {  	s20 =	simm.s32 $0x700;
	s22 =	simm.s32 $0x5  }
0xa0: {  	[tilespmem:s20], [sflag:$0x13] =	stream.linear.gather [hbm4b:s19+s3], $0x80, $0x38;
	[tilespmem:$0x1E880] =	vst v63  }
0xa1: {  	_ =	swait.ge [sflag:s22], $0x80  }
0xa2: {  	[sflag:s22] =	ssyncset.done $0x0  }
0xa3: {  	s25 =	simm.s32 $0x6;
	[sflag:s22] =	ssyncadd.s32 $0xFFFFFF80  }
0xa4: {  	[tilespmem:s14], [sflag:$0x1] =	stream.indirect.gather [hbm4b:s4+s29], $0x20, s3, s29, $0xb8;
	[tilespmem:$0x1E880] =	vst v63  }
0xa5: {  	_ =	swait.ge [sflag:s25], $0x80  }
0xa6: {  	[sflag:s25] =	ssyncset.done $0x0  }
0xa7: {  	[sflag:s25] =	ssyncadd.s32 $0xFFFFFF80  }
0xa8: {  	[tilespmem:s15], [sflag:$0x2] =	stream.indirect.gather [hbm4b:s4+s29], $0x20, s29, s29, $0xb8;
	[tilespmem:$0x1E880] =	vst v63  }
.Ltmp3:
0xa9: {  	s30 =	simm.s32 $0x7;
	(pc) =	sbr.rel .LBB2_4-.Ltmp3, $4  }
0xaa: {  	_ =	swait.ge [sflag:s30], $0x80  }
0xab: {  	[sflag:s30] =	ssyncset.done $0x0  }
0xac: {  	s31 =	rddreg [dreg:$0x12];
	[sflag:s30] =	ssyncadd.s32 $0xFFFFFF80  }
0xad: {  	[tilespmem:s16], [sflag:$0x3] =	stream.indirect.gather [hbm4b:s4+s29], $0x20, s6, s29, $0xb8;
	[tilespmem:$0x1E880] =	vst v63  }
.LBB2_5:
0xae: {  	s5 =	simm.s32 $0x400  }
0xaf: {  	[spmem:s1] =	stream.indirect.scatter.add.f32 [tilespmem:s14], [sflag:$0x15], $0x20, s5, s29, $0xb8;
	[tilespmem:$0x1E880] =	vst v63  }
.LBB2_7:
0xb0: {  	s5 =	sshrl.u32 s31, $0x3;
	s6 =	rddreg [dreg:$0x3]  }
0xb1: {  	p1 =	por $0x0, $0x0;
	s5 =	sadd.s32 s6, s5  }
0xb2: {  	[tilespmem:s2], [sflag:$0x5] =	stream.linear.gather [hbm4b:s5+s2], $0x80, $0x38;
	[tilespmem:$0x1E880] =	vst v63  }
.LBB2_8:
0xb3: {  	s5 =	sadd.s32 s3, s17  }
0xb4: {  	s6 =	simm.s32 $0x8;
	s5 =	sadd.s32 $0x70, s5  }
0xb5: {  	[tilespmem:s13], [sflag:$0x14] =	stream.linear.gather [hbm4b:s5+s2], $0x80, $0x38;
	[tilespmem:$0x1E880] =	vst v63  }
0xb6: {  	_ =	swait.ge [sflag:s6], $0x80  }
0xb7: {  	[sflag:s6] =	ssyncset.done $0x0  }
0xb8: {  	s16 =	simm.s32 $0x180;
	[sflag:s6] =	ssyncadd.s32 $0xFFFFFF80  }
0xb9: {  	[tilespmem:s10], [sflag:$0x4] =	stream.indirect.gather [hbm4b:s4+s29], $0x20, s16, s29, $0xb8;
	[tilespmem:$0x1E880] =	vst v63  }
0xba: {  	_ =	swait.ge [sflag:s28], $0x1000  }
0xbb: {  	[sflag:s28] =	ssyncset.done $0x0  }
0xbc: {  	s18 =	simm.s32 $0xE;
	[sflag:s28] =	ssyncadd.s32 $0xFFFFF000  }
0xbd: {  	_ =	swait.ge [sflag:s18], $0x80  }
0xbe: {  	[sflag:s18] =	ssyncset.done $0x0  }
0xbf: {  	[sflag:s18] =	ssyncadd.s32 $0xFFFFFF80  }
0xc0: {  	_ =	swait.ge [sflag:s0], $0x1000  }
0xc1: {  	[sflag:s0] =	ssyncset.done $0x0  }
0xc2: {  	s19 =	simm.s32 $0x480;
	s5 =	rddreg [dreg:$0x11];
	[sflag:s0] =	ssyncadd.s32 $0xFFFFF000  }
0xc3: {  	[spmem:s1] =	stream.indirect.scatter.add.f32 [tilespmem:s15], [sflag:$0x16], $0x20, s19, s29, $0xb8;
	[tilespmem:$0x1E880] =	vst v63  }
0xc4: {  	s6 =	simm.s32 @!p1 $0x0;
	s18 =	sadd.s32 @!p1 s3, s5;
	s5 =	simm.s32 @!p1 $0x80  }
0xc5: {  	[tilespmem:s5], [sflag:$0x6] =	stream.linear.gather @!p1 [hbm4b:s18+s6], $0x80, $0x38;
	[tilespmem:$0x1E880] =	vst v63  }
0xc6: {  	s18 =	sadd.s32 @!p1 s3, s17  }
0xc7: {  	s20 =	simm.s32 @!p1 $0x400;
	s16 =	simm.s32 $0x9;
	s19 =	sadd.s32 @!p1 $0x80, s18  }
0xc8: {  	[tilespmem:s20], [sflag:$0xD] =	stream.linear.gather @!p1 [hbm4b:s19+s6], $0x80, $0x38;
	[tilespmem:$0x1E880] =	vst v63  }
0xc9: {  	_ =	swait.ge [sflag:s16], $0x80  }
0xca: {  	[sflag:s16] =	ssyncset.done $0x0  }
0xcb: {  	s22 =	simm.s32 $0x3;
	s20 =	simm.s32 $0x200;
	[sflag:s16] =	ssyncadd.s32 $0xFFFFFF80  }
0xcc: {  	[tilespmem:s14], [sflag:$0x1] =	stream.indirect.gather [hbm4b:s4+s29], $0x20, s20, s29, $0xb8;
	[tilespmem:$0x1E880] =	vst v63  }
0xcd: {  	_ =	swait.ge [sflag:s22], $0x1000  }
0xce: {  	[sflag:s22] =	ssyncset.done $0x0  }
0xcf: {  	s25 =	simm.s32 $0xF;
	[sflag:s22] =	ssyncadd.s32 $0xFFFFF000  }
0xd0: {  	_ =	swait.ge [sflag:s25], $0x80  }
0xd1: {  	[sflag:s25] =	ssyncset.done $0x0  }
0xd2: {  	s30 =	simm.s32 $0x16;
	[sflag:s25] =	ssyncadd.s32 $0xFFFFFF80  }
0xd3: {  	_ =	swait.ge [sflag:s30], $0x1000  }
0xd4: {  	s16 =	simm.s32 $0x500;
	[sflag:s30] =	ssyncset.done $0x0  }
0xd5: {  	s25 =	simm.s32 $0x2800;
	s19 =	rddreg [dreg:$0x10];
	[sflag:s30] =	ssyncadd.s32 $0xFFFFF000  }
0xd6: {  	[spmem:s1] =	stream.indirect.scatter.add.f32 [tilespmem:s25], [sflag:$0x17], $0x20, s16, s29, $0xb8;
	[tilespmem:$0x1E880] =	vst v63  }
0xd7: {  	s20 =	sadd.s32 @!p1 s3, s19;
	s19 =	simm.s32 @!p1 $0x100  }
0xd8: {  	[tilespmem:s19], [sflag:$0x7] =	stream.linear.gather @!p1 [hbm4b:s20+s6], $0x80, $0x38;
	[tilespmem:$0x1E880] =	vst v63  }
0xd9: {  	s22 =	simm.s32 @!p1 $0x480;
	s20 =	sadd.s32 @!p1 $0x90, s18  }
0xda: {  	[tilespmem:s22], [sflag:$0xE] =	stream.linear.gather @!p1 [hbm4b:s20+s6], $0x80, $0x38;
	[tilespmem:$0x1E880] =	vst v63  }
0xdb: {  	s20 =	simm.s32 $0xA  }
0xdc: {  	_ =	swait.ge [sflag:s20], $0x80  }
0xdd: {  	[sflag:s20] =	ssyncset.done $0x0  }
0xde: {  	s22 =	simm.s32 $0x280;
	[sflag:s20] =	ssyncadd.s32 $0xFFFFFF80  }
0xdf: {  	[tilespmem:s15], [sflag:$0x2] =	stream.indirect.gather [hbm4b:s4+s29], $0x20, s22, s29, $0xb8;
	[tilespmem:$0x1E880] =	vst v63  }
0xe0: {  	_ =	swait.ge [sflag:s21], $0x1000  }
0xe1: {  	[sflag:s21] =	ssyncset.done $0x0  }
0xe2: {  	s30 =	simm.s32 $0x10;
	[sflag:s21] =	ssyncadd.s32 $0xFFFFF000  }
0xe3: {  	_ =	swait.ge [sflag:s30], $0x80  }
0xe4: {  	[sflag:s30] =	ssyncset.done $0x0  }
0xe5: {  	[sflag:s30] =	ssyncadd.s32 $0xFFFFFF80  }
0xe6: {  	_ =	swait.ge [sflag:s23], $0x1000  }
0xe7: {  	[sflag:s23] =	ssyncset.done $0x0  }
0xe8: {  	s16 =	simm.s32 $0x580;
	s20 =	rddreg [dreg:$0xf];
	[sflag:s23] =	ssyncadd.s32 $0xFFFFF000  }
0xe9: {  	[spmem:s1] =	stream.indirect.scatter.add.f32 [tilespmem:s10], [sflag:$0x18], $0x20, s16, s29, $0xb8;
	[tilespmem:$0x1E880] =	vst v63  }
0xea: {  	s22 =	simm.s32 @!p1 $0x180;
	s20 =	sadd.s32 @!p1 s3, s20  }
0xeb: {  	[tilespmem:s22], [sflag:$0x8] =	stream.linear.gather @!p1 [hbm4b:s20+s6], $0x80, $0x38;
	[tilespmem:$0x1E880] =	vst v63  }
0xec: {  	s20 =	sadd.s32 @!p1 $0xA0, s18;
	s22 =	simm.s32 @!p1 $0x500  }
0xed: {  	[tilespmem:s22], [sflag:$0xF] =	stream.linear.gather @!p1 [hbm4b:s20+s6], $0x80, $0x38;
	[tilespmem:$0x1E880] =	vst v63  }
0xee: {  	s22 =	simm.s32 $0xB  }
0xef: {  	_ =	swait.ge [sflag:s22], $0x80  }
0xf0: {  	[sflag:s22] =	ssyncset.done $0x0  }
0xf1: {  	s30 =	simm.s32 $0x300;
	[sflag:s22] =	ssyncadd.s32 $0xFFFFFF80  }
0xf2: {  	[tilespmem:s25], [sflag:$0x3] =	stream.indirect.gather [hbm4b:s4+s29], $0x20, s30, s29, $0xb8;
	[tilespmem:$0x1E880] =	vst v63  }
0xf3: {  	_ =	swait.ge [sflag:s9], $0x1000  }
0xf4: {  	[sflag:s9] =	ssyncset.done $0x0  }
0xf5: {  	s22 =	simm.s32 $0x11;
	[sflag:s9] =	ssyncadd.s32 $0xFFFFF000  }
0xf6: {  	_ =	swait.ge [sflag:s22], $0x80  }
0xf7: {  	[sflag:s22] =	ssyncset.done $0x0  }
0xf8: {  	[sflag:s22] =	ssyncadd.s32 $0xFFFFFF80  }
0xf9: {  	_ =	swait.ge [sflag:s24], $0x1000  }
0xfa: {  	[sflag:s24] =	ssyncset.done $0x0  }
0xfb: {  	s25 =	simm.s32 $0x600;
	s20 =	rddreg [dreg:$0xe];
	[sflag:s24] =	ssyncadd.s32 $0xFFFFF000  }
0xfc: {  	[spmem:s1] =	stream.indirect.scatter.add.f32 [tilespmem:s14], [sflag:$0x15], $0x20, s25, s29, $0xb8;
	[tilespmem:$0x1E880] =	vst v63  }
0xfd: {  	s22 =	simm.s32 @!p1 $0x200;
	s20 =	sadd.s32 @!p1 s3, s20  }
0xfe: {  	[tilespmem:s22], [sflag:$0x9] =	stream.linear.gather @!p1 [hbm4b:s20+s6], $0x80, $0x38;
	[tilespmem:$0x1E880] =	vst v63  }
0xff: {  	s30 =	simm.s32 $0xC;
	s20 =	sadd.s32 @!p1 $0xB0, s18;
	s22 =	simm.s32 @!p1 $0x580  }
0x100: {  	[tilespmem:s22], [sflag:$0x10] =	stream.linear.gather @!p1 [hbm4b:s20+s6], $0x80, $0x38;
	[tilespmem:$0x1E880] =	vst v63  }
0x101: {  	_ =	swait.ge [sflag:s30], $0x80  }
0x102: {  	[sflag:s30] =	ssyncset.done $0x0  }
0x103: {  	s22 =	simm.s32 $0x380;
	[sflag:s30] =	ssyncadd.s32 $0xFFFFFF80  }
0x104: {  	[tilespmem:s10], [sflag:$0x4] =	stream.indirect.gather [hbm4b:s4+s29], $0x20, s22, s29, $0xb8;
	[tilespmem:$0x1E880] =	vst v63  }
0x105: {  	_ =	swait.ge [sflag:s28], $0x1000  }
0x106: {  	[sflag:s28] =	ssyncset.done $0x0  }
0x107: {  	s25 =	simm.s32 $0x12;
	[sflag:s28] =	ssyncadd.s32 $0xFFFFF000  }
0x108: {  	_ =	swait.ge [sflag:s25], $0x80  }
0x109: {  	[sflag:s25] =	ssyncset.done $0x0  }
0x10a: {  	[sflag:s25] =	ssyncadd.s32 $0xFFFFFF80  }
0x10b: {  	_ =	swait.ge [sflag:s0], $0x1000  }
0x10c: {  	[sflag:s0] =	ssyncset.done $0x0  }
0x10d: {  	s20 =	simm.s32 @p1 $0x3;
	s30 =	simm.s32 $0x680;
	[sflag:s0] =	ssyncadd.s32 $0xFFFFF000  }
0x10e: {  	[spmem:s1] =	stream.indirect.scatter.add.f32 [tilespmem:s15], [sflag:$0x16], $0x20, s30, s29, $0xb8;
	[tilespmem:$0x1E880] =	vst v63  }
0x10f: {  	_ =	swait.ge @p1 [sflag:s20], $0x1000  }
0x110: {  	[sflag:s20] =	ssyncset.done @p1 $0x0  }
0x111: {  	[sflag:s20] =	ssyncadd.s32 @p1 $0xFFFFF000;
	s20 =	simm.s32 @p1 $0x13  }
0x112: {  	_ =	swait.ge @p1 [sflag:s20], $0x80  }
0x113: {  	[sflag:s20] =	ssyncset.done @p1 $0x0  }
0x114: {  	[sflag:s20] =	ssyncadd.s32 @p1 $0xFFFFFF80;
	s20 =	simm.s32 @p1 $0x16  }
0x115: {  	_ =	swait.ge @p1 [sflag:s20], $0x1000  }
0x116: {  	s22 =	simm.s32 @p1 $0x700;
	[sflag:s20] =	ssyncset.done @p1 $0x0  }
0x117: {  	s25 =	simm.s32 @p1 $0x2800;
	[sflag:s20] =	ssyncadd.s32 @p1 $0xFFFFF000;
	s20 =	simm.s32 @p1 $0x80  }
0x118: {  	[spmem:s1] =	stream.indirect.scatter.add.f32 @p1 [tilespmem:s25], [sflag:$0x17], $0x20, s22, s20, $0xb8;
	[tilespmem:$0x1E880] =	vst v63  }
0x119: {  	s20 =	rddreg [dreg:$0x13]  }
0x11a: {  	s22 =	simm.s32 @!p1 $0x280;
	s20 =	sadd.s32 @!p1 s3, s20  }
0x11b: {  	[tilespmem:s22], [sflag:$0xA] =	stream.linear.gather @!p1 [hbm4b:s20+s6], $0x80, $0x38;
	[tilespmem:$0x1E880] =	vst v63  }
0x11c: {  	s20 =	sadd.s32 @!p1 $0xC0, s18;
	s22 =	simm.s32 @!p1 $0x600  }
0x11d: {  	[tilespmem:s22], [sflag:$0x11] =	stream.linear.gather @!p1 [hbm4b:s20+s6], $0x80, $0x38;
	[tilespmem:$0x1E880] =	vst v63  }
0x11e: {  	s20 =	simm.s32 @!p1 $0x5  }
0x11f: {  	_ =	swait.ge @!p1 [sflag:s20], $0x80  }
0x120: {  	[sflag:s20] =	ssyncset.done @!p1 $0x0  }
0x121: {  	[sflag:s20] =	ssyncadd.s32 @!p1 $0xFFFFFF80;
	s20 =	simm.s32 @!p1 $0x800  }
0x122: {  	[tilespmem:s20], [sflag:$0x1] =	stream.indirect.gather @!p1 [hbm4b:s4+s5], $0x20, s6, s5, $0xb8;
	[tilespmem:$0x1E880] =	vst v63  }
0x123: {  	s20 =	simm.s32 @!p1 $0x3  }
0x124: {  	_ =	swait.ge @!p1 [sflag:s20], $0x1000  }
0x125: {  	[sflag:s20] =	ssyncset.done @!p1 $0x0  }
0x126: {  	[sflag:s20] =	ssyncadd.s32 @!p1 $0xFFFFF000;
	s20 =	simm.s32 @!p1 $0x13  }
0x127: {  	_ =	swait.ge @!p1 [sflag:s20], $0x80  }
0x128: {  	[sflag:s20] =	ssyncset.done @!p1 $0x0  }
0x129: {  	[sflag:s20] =	ssyncadd.s32 @!p1 $0xFFFFFF80;
	s20 =	simm.s32 @!p1 $0x16  }
0x12a: {  	_ =	swait.ge @!p1 [sflag:s20], $0x1000  }
0x12b: {  	s22 =	simm.s32 @!p1 $0x2800;
	[sflag:s20] =	ssyncset.done @!p1 $0x0  }
0x12c: {  	s25 =	rddreg [dreg:$0xd];
	[sflag:s20] =	ssyncadd.s32 @!p1 $0xFFFFF000;
	s20 =	simm.s32 @!p1 $0x700  }
0x12d: {  	[spmem:s1] =	stream.indirect.scatter.add.f32 @!p1 [tilespmem:s22], [sflag:$0x17], $0x20, s20, s5, $0xb8;
	[tilespmem:$0x1E880] =	vst v63  }
0x12e: {  	s30 =	simm.s32 @!p1 $0x300;
	s25 =	sadd.s32 @!p1 s3, s25  }
0x12f: {  	[tilespmem:s30], [sflag:$0xB] =	stream.linear.gather @!p1 [hbm4b:s25+s6], $0x80, $0x38;
	[tilespmem:$0x1E880] =	vst v63  }
0x130: {  	s25 =	sadd.s32 @!p1 $0xD0, s18;
	s30 =	simm.s32 @!p1 $0x680  }
0x131: {  	[tilespmem:s30], [sflag:$0x12] =	stream.linear.gather @!p1 [hbm4b:s25+s6], $0x80, $0x38;
	[tilespmem:$0x1E880] =	vst v63  }
0x132: {  	s25 =	simm.s32 @!p1 $0x6  }
0x133: {  	_ =	swait.ge @!p1 [sflag:s25], $0x80  }
0x134: {  	[sflag:s25] =	ssyncset.done @!p1 $0x0  }
0x135: {  	[sflag:s25] =	ssyncadd.s32 @!p1 $0xFFFFFF80;
	s25 =	simm.s32 @!p1 $0x1800  }
0x136: {  	[tilespmem:s25], [sflag:$0x2] =	stream.indirect.gather @!p1 [hbm4b:s4+s5], $0x20, s5, s5, $0xb8;
	[tilespmem:$0x1E880] =	vst v63  }
0x137: {  	_ =	swait.ge [sflag:s21], $0x1000  }
0x138: {  	[sflag:s21] =	ssyncset.done $0x0  }
0x139: {  	[sflag:s21] =	ssyncadd.s32 $0xFFFFF000  }
0x13a: {  	_ =	swait.ge [sflag:s12], $0x80  }
0x13b: {  	[sflag:s12] =	ssyncset.done $0x0  }
0x13c: {  	[sflag:s12] =	ssyncadd.s32 $0xFFFFFF80  }
0x13d: {  	_ =	swait.ge [sflag:s23], $0x1000  }
0x13e: {  	[sflag:s23] =	ssyncset.done $0x0  }
0x13f: {  	s25 =	rddreg [dreg:$0xc];
	[sflag:s23] =	ssyncadd.s32 $0xFFFFF000  }
0x140: {  	[spmem:s1] =	stream.indirect.scatter.add.f32 [tilespmem:s10], [sflag:$0x18], $0x20, s13, s29, $0xb8;
	[tilespmem:$0x1E880] =	vst v63  }
0x141: {  	s30 =	simm.s32 @!p1 $0x380;
	s25 =	sadd.s32 @!p1 s3, s25  }
0x142: {  	[tilespmem:s30], [sflag:$0xC] =	stream.linear.gather @!p1 [hbm4b:s25+s6], $0x80, $0x38;
	[tilespmem:$0x1E880] =	vst v63  }
0x143: {  	s18 =	sadd.s32 @!p1 $0xE0, s18  }
0x144: {  	[tilespmem:s20], [sflag:$0x13] =	stream.linear.gather @!p1 [hbm4b:s18+s6], $0x80, $0x38;
	[tilespmem:$0x1E880] =	vst v63  }
0x145: {  	s6 =	simm.s32 @!p1 $0x7  }
0x146: {  	_ =	swait.ge @!p1 [sflag:s6], $0x80  }
0x147: {  	[sflag:s6] =	ssyncset.done @!p1 $0x0  }
0x148: {  	s3 =	sadd.s32 $0x80, s3;
	[sflag:s6] =	ssyncadd.s32 @!p1 $0xFFFFFF80  }
0x149: {  	[tilespmem:s22], [sflag:$0x3] =	stream.indirect.gather @!p1 [hbm4b:s4+s5], $0x20, s19, s5, $0xb8;
	[tilespmem:$0x1E880] =	vst v63  }
0x14a: {  	p1 =	sne.s32 s3, $0x1880  }
.Ltmp4:
0x14b: {  	_ = 	snop;
	(pc) =	sbr.rel @!p1 .LBB2_9-.Ltmp4, $2  }
0x14c: {  	_ =	sdelay $0x2  }
0x14d: {  	s31 =	sadd.s32 $0x400, s31;
	s16 =	simm.s32 $0x2800  }
.LBB2_4:
0x14e: {  	_ =	swait.ge [sflag:s9], $0x1000;
	p1 =	sne.s32 s3, $0x0  }
.Ltmp5:
0x14f: {  	[sflag:s9] =	ssyncset.done $0x0;
	(pc) =	sbr.rel @!p1 .LBB2_5-.Ltmp5, $4  }
0x150: {  	s5 =	simm.s32 $0xD;
	[sflag:s9] =	ssyncadd.s32 $0xFFFFF000  }
0x151: {  	_ =	swait.ge [sflag:s5], $0x80  }
0x152: {  	[sflag:s5] =	ssyncset.done $0x0  }
0x153: {  	[sflag:s5] =	ssyncadd.s32 $0xFFFFFF80  }
0x154: {  	p2 =	seq.s32 s3, $0x1800  }
.Ltmp6:
0x155: {  	_ = 	snop;
	(pc) =	sbr.rel @p2 .LBB2_8-.Ltmp6, $4  }
.Ltmp7:
0x156: {  	_ =	swait.ge [sflag:s24], $0x1000;
	(pc) =	sbr.rel @!p2 .LBB2_7-.Ltmp7, $4  }
0x157: {  	[sflag:s24] =	ssyncset.done $0x0  }
0x158: {  	s5 =	simm.s32 $0x400;
	p1 =	por $0x1, $0x1;
	[sflag:s24] =	ssyncadd.s32 $0xFFFFF000  }
0x159: {  	[spmem:s1] =	stream.indirect.scatter.add.f32 [tilespmem:s14], [sflag:$0x15], $0x20, s5, s29, $0xb8;
	[tilespmem:$0x1E880] =	vst v63  }
0x15a: {  	_ = 	snop  }
.LBB2_9:
0x15b: {  	_ =	swait.ge [sflag:s24], $0x1000  }
0x15c: {  	[sflag:s24] =	ssyncset.done $0x0  }
0x15d: {  	[sflag:s24] =	ssyncadd.s32 $0xFFFFF000  }
0x15e: {  	[bflag:$0x0] =	sbarrier.arrive $0xFFFF  }
.Ltmp8:
0x15f: {  	s3 =	sld [smem:$0x7F7];
	(pc) =	sbr.rel .LBB2_10-.Ltmp8, $4  }
0x160: {  	[tilespmem:s14], [sflag:$0x1] =	stream.linear.gather [spmem:s11], $0x1000, $0x38;
	[tilespmem:$0x1E880] =	vst v63  }
0x161: {  	s31 =	sld [smem:$0x7FB]  }
0x162: {  	v1 =	vimm.f32 $0.0e+00;
	[tilespmem:s15], [sflag:$0x2] =	stream.linear.gather [spmem:s3], $0x1000, $0x38;
	[tilespmem:$0x1E880] =	vst v63  }
0x163: {  	v2 =	vimm.f32 $0.0e+00;
	v3 =	vimm.f32 $0.0e+00;
	v4 =	vimm.f32 $0.0e+00;
	s5 =	sld [smem:$0x7FA];
	s3 =	simm.s32 $0x0  }
.LBB2_15:
0x164: {  	v9 =	vimm.f32 $0.0e+00  }
.LBB2_19:
0x165: {  	s3 =	sadd.s32 $0x1, s3  }
0x166: {  	p1 =	sne.s32 s3, $0xD  }
.Ltmp9:
0x167: {  	_ = 	snop;
	(pc) =	sbr.rel @!p1 .LBB2_20-.Ltmp9, $3  }
0x168: {  	_ = 	snop  }
0x169: {  	v4 =	vadd.f32 v7, v4;
	v3 =	vadd.f32 v6, v3;
	_ =	sdelay $0x1  }
0x16a: {  	s31 =	sadd.s32 $0xFFFFFF00, s31;
	s5 =	sadd.s32 $0xFFFFFF00, s5;
	v4 =	vadd.f32 v8, v4;
	v3 =	vadd.f32 v9, v3  }
.LBB2_10:
0x16b: {  	s6 =	sshll.u32 s3, $0x8  }
0x16c: {  	_ =	swait.ge [sflag:s9], $0x1000;
	s18 =	sadd.s32 s8, s6  }
0x16d: {  	[sflag:s9] =	ssyncset.done $0x0;
	s18 =	sshll.u32 s18, $0x2  }
0x16e: {  	[sflag:s9] =	ssyncadd.s32 $0xFFFFF000;
	s18 =	sadd.s32 s7, s18  }
0x16f: {  	[hbm4b:s18+s2] =	stream.linear.scatter [tilespmem:s14], [sflag:$0x19], $0x1000, $0x38;
	[tilespmem:$0x1E880] =	vst v63  }
0x170: {  	s18 =	sld [smem:$0x7F8];
	_ =	sdelay $0x1  }
0x171: {  	p1 =	seq.s32 s3, $0xC  }
0x172: {  	s18 =	sadd.s32 @!p1 s6, s18  }
0x173: {  	_ =	swait.ge [sflag:s26], $0x1000;
	s18 =	sshll.u32 @!p1 s18, $0x5  }
0x174: {  	s19 =	simm.s32 @!p1 $0x800;
	[sflag:s26] =	ssyncset.done $0x0;
	s18 =	sand.u32 @!p1 $0x3FFFFFE0, s18  }
0x175: {  	s30 =	rddreg [dreg:$0x4];
	[sflag:s26] =	ssyncadd.s32 $0xFFFFF000;
	s18 =	sadd.s32 @!p1 s18, s1  }
0x176: {  	[tilespmem:s19], [sflag:$0x1] =	stream.linear.gather @!p1 [spmem:s18], $0x1000, $0x38;
	[tilespmem:$0x1E880] =	vst v63  }
0x177: {  	s18 =	sadd.s32 s6, s30  }
0x178: {  	s19 =	ssub.s32 $0xC350, s18  }
0x179: {  	p2 =	sgt.s32 s19, $0x0  }
0x17a: {  	s19 =	simm.s32 @!p2 $0x0  }
0x17b: {  	p2 =	seq.s32 s19, $0x0  }
.Ltmp10:
0x17c: {  	_ = 	snop;
	(pc) =	sbr.rel @p2 .LBB2_14-.Ltmp10, $3  }
0x17d: {  	_ =	sdelay $0x1  }
0x17e: {  	v7 =	vimm.f32 $0.0e+00  }
0x17f: {  	v6 =	vimm.f32 $0.0e+00;
	v9 =	vimm.f32 $0.0e+00;
	v8 =	vimm.f32 $0.0e+00  }
0x180: {  	p2 =	sgt.s32 s5, $0x1;
	s19 =	smov.u32 s5  }
0x181: {  	s19 =	simm.s32 @!p2 $0x1  }
0x182: {  	s20 =	simm.s32 $0x810;
	s19 =	smin.u32 s19, $0x80  }
0x183: {  	v7 =	vld [tilespmem:s20+$0x0];
	p2 =	sne.s32 s19, $0x1  }
.Ltmp11:
0x184: {  	v8 =	vld [tilespmem:s20+$0xFFFFFFF0];
	(pc) =	sbr.rel @!p2 .LBB2_13-.Ltmp11, $3  }
0x185: {  	_ =	sdelay $0x1  }
0x186: {  	v9 =	vimm.f32 $0.0e+00;
	v10 =	vimm.f32 $0.0e+00  }
0x187: {  	s20 =	simm.s32 $0x830;
	s19 =	sadd.s32 $0xFFFFFFFF, s19;
	v6 =	vadd.f32 v7, v5;
	v11 =	vmul.f32 v7, v7;
	v7 =	vimm.f32 $0.0e+00  }
.LBB2_12:
0x188: {  	v12 =	vld [tilespmem:s20+$0x0];
	p2 =	sne.s32 s19, $0x1;
	s19 =	sadd.s32 $0xFFFFFFFF, s19;
	v7 =	vadd.f32 v8, v7;
	v13 =	vmul.f32 v8, v8  }
.Ltmp12:
0x189: {  	v8 =	vld [tilespmem:s20+$0xFFFFFFF0];
	v9 =	vadd.f32 v11, v9;
	(pc) =	sbr.rel @p2 .LBB2_12-.Ltmp12, $2  }
0x18a: {  	v10 =	vadd.f32 v13, v10;
	_ =	sdelay $0x2  }
0x18b: {  	s20 =	sadd.s32 $0x20, s20;
	v6 =	vadd.f32 v12, v6;
	v11 =	vmul.f32 v12, v12  }
.LBB2_13:
0x18c: {  	v12 =	vmul.f32 v8, v8  }
0x18d: {  	v7 =	vadd.f32 v8, v7  }
0x18e: {  	v8 =	vadd.f32 v11, v9;
	v9 =	vadd.f32 v12, v10  }
.LBB2_14:
0x18f: {  	s19 =	sadd.s32 s6, s8  }
0x190: {  	_ =	swait.ge [sflag:s28], $0x1000;
	s19 =	sshll.u32 s19, $0x2  }
0x191: {  	[sflag:s28] =	ssyncset.done $0x0;
	s19 =	sadd.s32 s7, s19  }
0x192: {  	[sflag:s28] =	ssyncadd.s32 $0xFFFFF000;
	s19 =	sadd.s32 $0x200, s19  }
0x193: {  	[hbm4b:s19+s2] =	stream.linear.scatter [tilespmem:s15], [sflag:$0x19], $0x1000, $0x38;
	[tilespmem:$0x1E880] =	vst v63  }
0x194: {  	s19 =	sld [smem:$0x7F9];
	_ =	sdelay $0x2  }
0x195: {  	s6 =	sadd.s32 @!p1 s6, s19  }
0x196: {  	_ =	swait.ge [sflag:s26], $0x1000;
	s6 =	sshll.u32 @!p1 s6, $0x5  }
0x197: {  	[sflag:s26] =	ssyncset.done $0x0;
	s6 =	sand.u32 @!p1 $0x3FFFFFE0, s6  }
0x198: {  	[sflag:s26] =	ssyncadd.s32 $0xFFFFF000;
	s19 =	simm.s32 @!p1 $0x1800;
	s6 =	sadd.s32 @!p1 s6, s1  }
0x199: {  	[tilespmem:s19], [sflag:$0x2] =	stream.linear.gather @!p1 [spmem:s6], $0x1000, $0x38;
	[tilespmem:$0x1E880] =	vst v63  }
0x19a: {  	s6 =	ssub.s32 $0xC2D0, s18  }
0x19b: {  	p1 =	sgt.s32 s6, $0x0  }
0x19c: {  	s6 =	simm.s32 @!p1 $0x0  }
0x19d: {  	p1 =	seq.s32 s6, $0x0  }
.Ltmp13:
0x19e: {  	_ = 	snop;
	(pc) =	sbr.rel @p1 .LBB2_15-.Ltmp13, $2  }
0x19f: {  	_ =	sdelay $0x2  }
0x1a0: {  	v2 =	vadd.f32 v9, v2;
	v1 =	vadd.f32 v8, v1;
	v8 =	vimm.f32 $0.0e+00  }
0x1a1: {  	p1 =	sgt.s32 s31, $0x1;
	s6 =	smov.u32 s31  }
0x1a2: {  	s6 =	simm.s32 @!p1 $0x1  }
0x1a3: {  	s18 =	simm.s32 $0x1810;
	s6 =	smin.u32 s6, $0x80  }
0x1a4: {  	v11 =	vld [tilespmem:s18+$0x0];
	p1 =	sne.s32 s6, $0x1  }
.Ltmp14:
0x1a5: {  	v10 =	vld [tilespmem:s18+$0xFFFFFFF0];
	(pc) =	sbr.rel @!p1 .LBB2_18-.Ltmp14, $3  }
0x1a6: {  	_ =	sdelay $0x1  }
0x1a7: {  	v12 =	vimm.f32 $0.0e+00  }
0x1a8: {  	s18 =	simm.s32 $0x1830;
	s6 =	sadd.s32 $0xFFFFFFFF, s6;
	v9 =	vadd.f32 v11, v8;
	v13 =	vmul.f32 v11, v11;
	v11 =	vimm.f32 $0.0e+00  }
.LBB2_17:
0x1a9: {  	v14 =	vld [tilespmem:s18+$0x0];
	p1 =	sne.s32 s6, $0x1;
	s6 =	sadd.s32 $0xFFFFFFFF, s6;
	v8 =	vadd.f32 v10, v8;
	v15 =	vmul.f32 v10, v10  }
.Ltmp15:
0x1aa: {  	v10 =	vld [tilespmem:s18+$0xFFFFFFF0];
	v11 =	vadd.f32 v13, v11;
	(pc) =	sbr.rel @p1 .LBB2_17-.Ltmp15, $2  }
0x1ab: {  	v12 =	vadd.f32 v15, v12;
	_ =	sdelay $0x2  }
0x1ac: {  	s18 =	sadd.s32 $0x20, s18;
	v9 =	vadd.f32 v14, v9;
	v13 =	vmul.f32 v14, v14  }
.LBB2_18:
.Ltmp16:
0x1ad: {  	v14 =	vmul.f32 v10, v10;
	(pc) =	sbr.rel .LBB2_19-.Ltmp16, $4  }
0x1ae: {  	_ = 	snop  }
0x1af: {  	v11 =	vadd.f32 v13, v11;
	v12 =	vadd.f32 v14, v12  }
0x1b0: {  	v8 =	vadd.f32 v10, v8  }
0x1b1: {  	v1 =	vadd.f32 v11, v1;
	v2 =	vadd.f32 v12, v2  }
.LBB2_21:
0x1b2: {  	_ =	sfence.sel $0x180000  }
0x1b3: {  	[bflag:$0x0] =	sbarrier.arrive $0xFFFF  }
0x1b4: {  	_ =	strace $0x9000004A  }
0x1b5: {  	s0 =	stileid.u32;
	[bflag:$0x2] =	sbarrier.arrive $0xFFFF  }
0x1b6: {  	p0 =	sne.s32 s0, $0x0;
	s0 =	rddreg [dreg:$0x2]  }
0x1b7: {  	s0 =	sadd.s32 @!p0 $0x100000, s0  }
0x1b8: {  	[sflag:s0] =	ssyncadd.tile.s32 @!p0 $0x1;
	_ =	shalt  }
.Lfunc_end2:
_tile_overlayer_lowered:
.L_overlay_start_2:
0x1b9: {  	(tag) =	ssettag $0x2  }
0x1ba: {  	s0 =	rddreg [dreg:$0x0];
	s2 =	stileid.u32  }
0x1bb: {  	s1 =	rddreg [dreg:$0x1];
	p0 =	sne.s32 s2, $0x0  }
0x1bc: {  	s3 =	rddreg [dreg:$0x2];
	[bflag:$0x3] =	sbarrier.arrive $0xFFFF;
	s2 =	simm.s32 @!p0 $0x1C19  }
0x1bd: {  	[timem:s3], [sflag:s2] =	dma.local @!p0 [hbm:s0], s1  }
0x1be: {  	s0 =	simm.s32 @!p0 $0x19  }
0x1bf: {  	_ =	swait.ge @!p0 [sflag:s0], s1  }
0x1c0: {  	s1 =	ssub.s32 @!p0 $0x0, s1;
	[sflag:s0] =	ssyncset.done @!p0 $0x0  }
0x1c1: {  	[sflag:s0] =	ssyncadd.s32 @!p0 s1  }
0x1c2: {  	[bflag:$0x3] =	sbarrier.arrive $0xFFFF  }
0x1c3: {  	_ =	shalt  }

// kernel: kernel.7.cloned.1.call-start
scs
__scs_entry_jumppad:
0x0: {  	(pc) =	sbr.rel $0x88, $3  }
0x1: {  	(tag) =	ssettag $0x0;
	lr =	simm.s32 $0x1  }
0x2: {  	[smem:$0x3F93] =	sst lr;
	_ =	strace $0xD0000000  }
0x3: {  	_ = 	snop  }
0x4: {  	_ = 	snop  }
0x5: {  	_ = 	snop  }
0x6: {  	_ = 	snop  }
0x7: {  	_ = 	snop  }
__scs_overlays_trampoline_lowered:
0x8: {  	[smem:$0x3FA2] =	sst s0  }
0x9: {  	[smem:$0x3FA3] =	sst s1  }
0xa: {  	[smem:$0x3FA4] =	sst s2  }
0xb: {  	[smem:$0x3FA5] =	sst s3  }
0xc: {  	[smem:$0x3FA6] =	sst s4  }
0xd: {  	[smem:$0x3FA7] =	sst s5  }
0xe: {  	[smem:$0x3FA8] =	sst s6  }
0xf: {  	[smem:$0x3FA9] =	sst s7  }
0x10: {  	[smem:$0x3FAA] =	sst s8  }
0x11: {  	[smem:$0x3FAB] =	sst s9;
	s0 =	simm.s32 @!p0 $0x0  }
0x12: {  	s1 =	sld [smem:$0x3F91];
	s0 =	simm.s32 @p0 $0x1  }
0x13: {  	[smem:$0x3FAC] =	sst s0;
	s0 =	simm.s32 @!p1 $0x0  }
0x14: {  	s2 =	sld [smem:$0x3F90];
	s0 =	simm.s32 @p1 $0x1  }
0x15: {  	[smem:$0x3FAD] =	sst s0;
	s0 =	simm.s32 @!p2 $0x0  }
0x16: {  	s3 =	sld [smem:$0x3FDB];
	s0 =	simm.s32 @p2 $0x1  }
0x17: {  	s4 =	simm.s32 $0x1BF5;
	[smem:$0x3FAF] =	sst s0  }
0x18: {  	s0 =	sld [smem:$0x3F92];
	_ =	swait.ge [sflag:s4], $0x0  }
0x19: {  	s7 =	sld [smem:$0x3F93]  }
0x1a: {  	s8 =	sadd.s32 $0xFFFFE003, lr  }
0x1b: {  	s9 =	sadd.s32 $0xFFFFFEF7, lr;
	s5 =	simm.s32 $0xFFFFFFFF;
	p2 =	slt.u32 s8, $0xFFFFF086  }
0x1c: {  	p1 =	slt.u32 s9, $0xF7A;
	s5 =	simm.s32 @!p2 $0x0  }
0x1d: {  	s5 =	simm.s32 @p1 $0x1;
	p0 =	seq.s32 s7, s2  }
0x1e: {  	s7 =	smul.u32 @!p0 $0xF7A, s2;
	p2 =	seq.s32 @!p0 s5, $0x0  }
0x1f: {  	s9 =	smul.u32 $0xF7A, s1;
	s8 =	simm.s32 @!p0 $0x1BF5;
	p2 =	por !p2, p0  }
0x20: {  	[sflag:s8] =	ssyncset.s32 @!p0 $0xFFFFF086;
	s6 =	sadd.s32 @!p0 s3, s7;
	s7 =	simm.s32 @!p0 $0x108  }
0x21: {  	s3 =	sadd.s32 s3, s9;
	s6 =	sadd.s32 @!p0 $0x88, s6;
	s7 =	simm.s32 @p2 $0x1082  }
0x22: {  	[simem:s7], [sflag:s8] =	dma.local @!p0 [hbm:s6], $0xF7A  }
0x23: {  	s9 =	sor.u32 $0xD0000000, s2;
	s6 =	simm.s32 $0x108;
	_ =	swait.ge @!p0 [sflag:s8], $0x0  }
0x24: {  	s3 =	sadd.s32 $0x88, s3;
	s6 =	simm.s32 @!p1 $0x1082;
	[sflag:s4] =	ssyncset.s32 $0xFFFFF086  }
0x25: {  	[simem:s6], [sflag:s4] =	dma.local [hbm:s3], $0xF7A  }
0x26: {  	[smem:$0x3F93] =	sst s1;
	(tag) =	ssettag s2;
	_ =	strace s9  }
0x27: {  	s1 =	sld [smem:$0x3FA3]  }
0x28: {  	s2 =	sld [smem:$0x3FA4]  }
0x29: {  	s4 =	sld [smem:$0x3FA6]  }
0x2a: {  	p0 =	seq.s32 s5, $0x0;
	s5 =	sld [smem:$0x3FA7]  }
0x2b: {  	s6 =	sld [smem:$0x3FA8]  }
0x2c: {  	s7 =	sld [smem:$0x3FA9]  }
0x2d: {  	s3 =	simm.s32 $0x108;
	s8 =	sld [smem:$0x3FAA]  }
0x2e: {  	s3 =	simm.s32 @!p0 $0x1082;
	s9 =	sld [smem:$0x3FAB]  }
0x2f: {  	lr =	sadd.s32 s0, s3;
	s0 =	sld [smem:$0x3FA2]  }
0x30: {  	s3 =	sld [smem:$0x3FA5]  }
0x31: {  	[smem:$0x3FAE] =	sst s10  }
0x32: {  	s10 =	sld [smem:$0x3FAC];
	_ =	sdelay $0x3  }
0x33: {  	p0 =	seq.s32 s10, $0x1;
	s10 =	sld [smem:$0x3FAE];
	_ =	sdelay $0x3  }
0x34: {  	[smem:$0x3FAE] =	sst s10  }
0x35: {  	s10 =	sld [smem:$0x3FAD];
	_ =	sdelay $0x3  }
0x36: {  	p1 =	seq.s32 s10, $0x1;
	s10 =	sld [smem:$0x3FAE];
	_ =	sdelay $0x3  }
0x37: {  	[smem:$0x3FAE] =	sst s10  }
0x38: {  	s10 =	sld [smem:$0x3FAF]  }
0x39: {  	_ = 	snop;
	(pc) =	sbr.ind lr, $3  }
0x3a: {  	_ = 	snop  }
0x3b: {  	_ = 	snop  }
0x3c: {  	p2 =	seq.s32 s10, $0x1;
	s10 =	sld [smem:$0x3FAE]  }
0x3d: {  	_ =	shalt  }
0x3e: {  	_ =	shalt  }
0x3f: {  	_ =	shalt  }
0x40: {  	_ =	shalt  }
0x41: {  	_ =	shalt  }
0x42: {  	_ =	shalt  }
0x43: {  	_ =	shalt  }
0x44: {  	_ =	shalt  }
0x45: {  	_ =	shalt  }
0x46: {  	_ =	shalt  }
0x47: {  	_ =	shalt  }
0x48: {  	_ =	shalt  }
0x49: {  	_ =	shalt  }
0x4a: {  	_ =	shalt  }
0x4b: {  	_ =	shalt  }
0x4c: {  	_ =	shalt  }
0x4d: {  	_ =	shalt  }
0x4e: {  	_ =	shalt  }
0x4f: {  	_ =	shalt  }
0x50: {  	_ =	shalt  }
0x51: {  	_ =	shalt  }
0x52: {  	_ =	shalt  }
0x53: {  	_ =	shalt  }
0x54: {  	_ =	shalt  }
0x55: {  	_ =	shalt  }
0x56: {  	_ =	shalt  }
0x57: {  	_ =	shalt  }
0x58: {  	_ =	shalt  }
0x59: {  	_ =	shalt  }
0x5a: {  	_ =	shalt  }
0x5b: {  	_ =	shalt  }
0x5c: {  	_ =	shalt  }
0x5d: {  	_ =	shalt  }
0x5e: {  	_ =	shalt  }
0x5f: {  	_ =	shalt  }
0x60: {  	_ =	shalt  }
0x61: {  	_ =	shalt  }
0x62: {  	_ =	shalt  }
0x63: {  	_ =	shalt  }
0x64: {  	_ =	shalt  }
0x65: {  	_ =	shalt  }
0x66: {  	_ =	shalt  }
0x67: {  	_ =	shalt  }
0x68: {  	_ =	shalt  }
0x69: {  	_ =	shalt  }
0x6a: {  	_ =	shalt  }
0x6b: {  	_ =	shalt  }
0x6c: {  	_ =	shalt  }
0x6d: {  	_ =	shalt  }
0x6e: {  	_ =	shalt  }
0x6f: {  	_ =	shalt  }
0x70: {  	_ =	shalt  }
0x71: {  	_ =	shalt  }
0x72: {  	_ =	shalt  }
0x73: {  	_ =	shalt  }
0x74: {  	_ =	shalt  }
0x75: {  	_ =	shalt  }
0x76: {  	_ =	shalt  }
0x77: {  	_ =	shalt  }
0x78: {  	_ =	shalt  }
0x79: {  	_ =	shalt  }
0x7a: {  	_ =	shalt  }
0x7b: {  	_ =	shalt  }
0x7c: {  	_ =	shalt  }
0x7d: {  	_ =	shalt  }
0x7e: {  	_ =	shalt  }
0x7f: {  	_ =	shalt  }
0x80: {  	_ =	shalt  }
0x81: {  	_ =	shalt  }
0x82: {  	_ =	shalt  }
0x83: {  	_ =	shalt  }
0x84: {  	_ =	shalt  }
0x85: {  	_ =	shalt  }
0x86: {  	_ =	shalt  }
0x87: {  	_ =	shalt  }
.Lfunc_end0:
.L_simem_size_0:
called_computation_lowered:
.L_overlay_start_0:
0x88: {  	s2 =	sld [smem:$0x3FD9]  }
0x89: {  	s3 =	sld [smem:$0x3FFE];
	_ =	sdelay $0x1  }
0x8a: {  	s1 =	srdreg.scid  }
0x8b: {  	s0 =	sand.u32 $0x1, s1  }
0x8c: {  	s16 =	sshll.u32 s0, $0xA;
	s2 =	sadd.s32 s3, s2  }
0x8d: {  	s2 =	sadd.s32 s2, s16  }
0x8e: {  	[smem:$0x3FBA] =	sst s2  }
0x8f: {  	_ = 	snop  }
0x90: {  	(tm) =	ssettm $0x1  }
0x91: {  	s17 =	sld [smem:$0x3FFB];
	_ =	sdelay $0x3  }
0x92: {  	_ =	strace s17  }
0x93: {  	s2 =	sld [smem:$0x3FFC];
	_ =	sdelay $0x3  }
0x94: {  	_ =	strace s2  }
0x95: {  	s2 =	sld [smem:$0x3FFD];
	_ =	sdelay $0x3  }
0x96: {  	_ =	strace s2  }
0x97: {  	_ =	strace $0x8FFFFFFF  }
0x98: {  	s18 =	sld [smem:$0x3FDB];
	_ =	sdelay $0x1  }
0x99: {  	s19 =	simm.s32 $_scs_section_size  }
0x9a: {  	s4 =	simm.s32 $_size__tile_overlayer_lowered;
	s5 =	simm.s32 $_tile_overlayer_lowered  }
0x9b: {  	s22 =	simm.s32 $0x1BFF;
	s21 =	sshll.u32 s5, $0x1;
	s2 =	sadd.s32 s19, s18  }
0x9c: {  	s6 =	simm.s32 $0x0;
	s20 =	sshll.u32 s4, $0x1;
	s4 =	sadd.s32 s21, s2  }
0x9d: {  	[timem:s6], [sflag:s22] =	dma.local [hbm:s4], s20  }
0x9e: {  	_ =	swait.ge [sflag:s22], s20  }
0x9f: {  	s3 =	ssub.s32 $0x0, s20;
	[sflag:s22] =	ssyncset.done $0x0  }
0xa0: {  	[sflag:s22] =	ssyncadd.s32 s3;
	_ =	sdelay $0x1  }
0xa1: {  	s23 =	simm.s32 $0x1B8B  }
0xa2: {  	_ =	swait.ge [sflag:s23], $0x1  }
0xa3: {  	[sflag:s23] =	ssyncset.done $0x0  }
0xa4: {  	s25 =	simm.s32 $0x1B8E;
	s24 =	sld [smem:$0x3FFE];
	[sflag:s23] =	ssyncadd.s32 $0xFFFFFFFF  }
0xa5: {  	s26 =	simm.s32 $execute0_lowered;
	[smem:$0x3FD2] =	sst s25  }
0xa6: {  	s4 =	sshll.u32 s26, $0x1;
	_ =	strace $0x80000046;
	[dreg:$0x1] =	wrdreg $0xFFFFFFFF  }
0xa7: {  	s28 =	simm.s32 $_size_execute0_lowered;
	s2 =	sadd.s32 s2, s4;
	[dreg:$0x0] =	wrdreg $0x0  }
0xa8: {  	s4 =	sshll.u32 s28, $0x1;
	[dreg:$0x2] =	wrdreg s2  }
0xa9: {  	[dreg:$0x3] =	wrdreg s4  }
0xaa: {  	[dreg:$0x4] =	wrdreg $0xC0  }
0xab: {  	_ =	task [dreg:s6], $0x5FFFF  }
0xac: {  	[dreg:$0x1] =	wrdreg $0xFFFFFFFF  }
0xad: {  	[dreg:$0x0] =	wrdreg $0x60  }
0xae: {  	[dreg:$0x2] =	wrdreg s24  }
0xaf: {  	[dreg:$0x3] =	wrdreg $0x48800  }
0xb0: {  	[dreg:$0x4] =	wrdreg $0x9  }
0xb1: {  	_ =	task.clear_ibuf [dreg:s6], $0x5FFFF;
	_ =	strace $0x90000046  }
0xb2: {  	s29 =	simm.s32 $0x9;
	_ =	strace $0x80000048  }
0xb3: {  	_ =	swait.ge [sflag:s29], $0x1  }
0xb4: {  	[sflag:s29] =	ssyncadd.s32 $0xFFFFFFFF  }
0xb5: {  	_ =	strace $0x90000048  }
0xb6: {  	_ =	sfence  }
0xb7: {  	s30 =	sld [smem:$0x0];
	_ =	sdelay $0x2  }
0xb8: {  	s31 =	sshll.u32 s1, $0xD;
	s1 =	sshrl.u32 s1, $0x2  }
0xb9: {  	s3 =	sand.u32 $0x4000, s31;
	s1 =	sadd.s32 s1, s30  }
0xba: {  	s0 =	sor.u32 s3, s0;
	s1 =	sshll.u32 s1, $0x11  }
0xbb: {  	s0 =	sor.u32 s1, s0  }
0xbc: {  	s0 =	sadd.s32 $0x8F2B, s0  }
0xbd: {  	[sflag:s0] =	ssyncadd.remote.s32 $0x1  }
0xbe: {  	_ =	sfence.sel $0xFFFF  }
0xbf: {  	[dreg:$0x0] =	wrdreg $0xFFFFFFFF;
	(pc) =	sbr.abs _section_cstart, $3  }
0xc0: {  	[dreg:$0x1] =	wrdreg $0xFFFFFFFF  }
0xc1: {  	_ =	task.clear_ibuf [dreg:s6], $0x2FFFF;
	_ =	strace $0x9FFFFFFF  }
0xc2: {  	(tm) =	ssettm $0x7FFFFFFF  }
0xc3: {  	_ =	shalt  }
tec
execute0_lowered:
.L_overlay_start_1:
0x0: {  	(tag) =	ssettag $0x1  }
0x1: {  	s0 =	rddreg [dreg:$0x0]  }
0x2: {  	s1 =	rddreg [dreg:$0x1];
	s2 =	simm.s32 $0x0;
	s3 =	srdreg.scid  }
0x3: {  	s9 =	stileid.u32;
	[smem:$0x7FF] =	sst s2;
	s4 =	sadd.s32 $0x4C000, s0  }
0x4: {  	s5 =	sadd.s32 $0x4E000, s0;
	s17 =	sadd.s32 $0x2800, s0;
	s18 =	smul.u32 $0xD00, s9  }
0x5: {  	s3 =	sand.u32 $0x1, s3;
	s6 =	sadd.s32 $0x33800, s0;
	s13 =	smul.u32 $0xC400, s9  }
0x6: {  	s8 =	sadd.s32 $0x51400, s0;
	s20 =	sadd.s32 $0xB9400, s0;
	s16 =	smul.u32 $0x68000, s9  }
0x7: {  	s24 =	smul.u32 $0x3400, s9;
	_ =	strace $0x80000047;
	s7 =	sshll.u32 s3, $0x4  }
0x8: {  	s10 =	smul.u32 $0xD000, s3;
	s12 =	ssub.s32 $0x2, s3;
	[dreg:$0x3] =	wrdreg s17  }
0x9: {  	p0 =	seq.s32 s3, $0x1;
	[dreg:$0x5] =	wrdreg s20;
	s7 =	sor.u32 s9, s7  }
0xa: {  	s14 =	sshrl.u32 s12, $0x1;
	s26 =	sshrl.u32 s13, $0x3;
	s28 =	sshrl.u32 s16, $0x2  }
0xb: {  	[dreg:$0x4] =	wrdreg s18;
	s11 =	sshll.u32 s7, $0x4;
	s7 =	smul.u32 $0xC400, s7  }
0xc: {  	s10 =	sadd.s32 s18, s10;
	s25 =	ssub.s32 s12, s14;
	s12 =	smul.u32 $0x34000, s3  }
0xd: {  	s19 =	sadd.s32 s6, s26;
	s14 =	sadd.s32 s28, s1;
	s3 =	smul.u32 $0xC4000, s3  }
0xe: {  	[smem:$0x7EF] =	sst s10;
	s15 =	sshrl.u32 s10, $0x3;
	s0 =	sadd.s32 s11, s0  }
0xf: {  	s30 =	sshll.u32 s10, $0x2;
	s11 =	smax.u32 s25, $0x1;
	s22 =	sadd.s32 $0x180, s10  }
0x10: {  	s25 =	smul.u32 $0x1880, s9;
	[dreg:$0x8] =	wrdreg s19;
	s15 =	sadd.s32 s5, s15  }
0x11: {  	s7 =	sshrl.u32 s7, $0x3;
	s0 =	sadd.s32 $0x121400, s0;
	[dreg:$0xa] =	wrdreg s11  }
0x12: {  	s23 =	sshrl.u32 s22, $0x3;
	s3 =	sadd.s32 s13, s3;
	s16 =	sadd.s32 s17, s7  }
0x13: {  	[dreg:$0x9] =	wrdreg s0;
	s0 =	sadd.s32 s8, s30;
	s7 =	sadd.s32 s12, s8  }
0x14: {  	s28 =	sadd.s32 $0x780, s3;
	s30 =	sadd.s32 s25, s6;
	[dreg:$0x6] =	wrdreg s15  }
0x15: {  	s9 =	sadd.s32 $0x600, s3;
	s11 =	sadd.s32 $0x580, s3;
	[smem:$0x7F0] =	sst s30  }
0x16: {  	s22 =	sadd.s32 $0x480, s3;
	s21 =	sadd.s32 $0x3000, s0;
	[dreg:$0x7] =	wrdreg s16  }
0x17: {  	s0 =	sadd.s32 $0x3200, s0;
	s26 =	sadd.s32 s24, s7;
	[dreg:$0xb] =	wrdreg s21  }
0x18: {  	s6 =	sshrl.u32 s28, $0x3;
	s28 =	sadd.s32 $0x10, s16;
	[dreg:$0xc] =	wrdreg s0  }
0x19: {  	s7 =	sadd.s32 $0x700, s3;
	s30 =	sadd.s32 $0x20, s16;
	[dreg:$0x18] =	wrdreg s28  }
0x1a: {  	s13 =	sshrl.u32 s11, $0x3;
	s11 =	sadd.s32 $0x70, s16;
	[dreg:$0x19] =	wrdreg s30  }
0x1b: {  	s0 =	sadd.s32 s23, s5;
	s21 =	sadd.s32 $0x500, s3;
	[dreg:$0x1e] =	wrdreg s11  }
0x1c: {  	s23 =	sadd.s32 $0x680, s3;
	s3 =	sadd.s32 $0x400, s3;
	[dreg:$0xd] =	wrdreg s0  }
0x1d: {  	s28 =	sadd.s32 $0x19000, s14;
	[dreg:$0x15] =	wrdreg s3  }
0x1e: {  	s30 =	sadd.s32 $0x100, s10;
	[smem:$0x7FC] =	sst s28  }
0x1f: {  	s0 =	sadd.s32 $0x200, s26;
	[smem:$0x7FD] =	sst s30  }
0x20: {  	s26 =	sadd.s32 $0x10, s15;
	[dreg:$0xe] =	wrdreg s0  }
0x21: {  	s3 =	sadd.s32 $0x30, s16;
	[dreg:$0x17] =	wrdreg s26  }
0x22: {  	s15 =	sadd.s32 $0x30, s19;
	[dreg:$0x1a] =	wrdreg s3  }
0x23: {  	s25 =	sshrl.u32 s23, $0x3;
	s23 =	sadd.s32 $0x180, s18;
	[smem:$0x7F2] =	sst s15  }
0x24: {  	s0 =	sadd.s32 s6, s17;
	[smem:$0x7F8] =	sst s23  }
0x25: {  	s6 =	sshrl.u32 s9, $0x3;
	s9 =	sadd.s32 $0x60, s16;
	[dreg:$0xf] =	wrdreg s0  }
0x26: {  	s29 =	simm.s32 $0x80;
	s26 =	sadd.s32 $0x18000, s14;
	[dreg:$0x1d] =	wrdreg s9  }
0x27: {  	s31 =	simm.s32 $0x19;
	s12 =	sadd.s32 s6, s17;
	[smem:$0x7FB] =	sst s26  }
0x28: {  	s0 =	sshrl.u32 s7, $0x3;
	s7 =	sadd.s32 $0x50, s16;
	[dreg:$0x11] =	wrdreg s12  }
0x29: {  	s6 =	sshrl.u32 s22, $0x3;
	s22 =	sadd.s32 $0x100, s18;
	[dreg:$0x1c] =	wrdreg s7  }
0x2a: {  	s10 =	simm.s32 $0x2800;
	s0 =	sadd.s32 s0, s17;
	[smem:$0x7F7] =	sst s22  }
0x2b: {  	s11 =	simm.s32 $0x0;
	s24 =	sadd.s32 s6, s17;
	[dreg:$0x10] =	wrdreg s0  }
0x2c: {  	s3 =	simm.s32 $0x800;
	s6 =	sadd.s32 $0x40, s16;
	[dreg:$0x14] =	wrdreg s24  }
0x2d: {  	s15 =	simm.s32 $0x1;
	s12 =	sadd.s32 $0x10, s19;
	[dreg:$0x1b] =	wrdreg s6  }
0x2e: {  	s23 =	simm.s32 $0x15;
	s16 =	sadd.s32 $0x40, s19;
	[dreg:$0x1f] =	wrdreg s12  }
0x2f: {  	s7 =	simm.s32 $0x3800;
	s0 =	sadd.s32 s13, s17;
	[smem:$0x7F3] =	sst s16  }
0x30: {  	s13 =	sadd.s32 $0x20, s19;
	s24 =	ssub.s32 $0xC350, s18;
	[dreg:$0x12] =	wrdreg s0  }
0x31: {  	s12 =	simm.s32 $0x2;
	s16 =	simm.s32 $0x17;
	[smem:$0x7F1] =	sst s13  }
0x32: {  	s0 =	sshrl.u32 s21, $0x3;
	s21 =	sadd.s32 $0x1000, s14;
	[smem:$0x7F9] =	sst s24  }
0x33: {  	s6 =	simm.s32 $0x18;
	s0 =	sadd.s32 s0, s17;
	[smem:$0x7F6] =	sst s21  }
.Ltmp0:
0x34: {  	[dreg:$0x13] =	wrdreg s0;
	s0 =	sadd.s32 s25, s17;
	(pc) =	sbr.rel .LBB2_1-.Ltmp0, $4  }
0x35: {  	s13 =	simm.s32 $0x1800;
	s17 =	sadd.s32 $0x50, s19;
	[dreg:$0x16] =	wrdreg s0  }
0x36: {  	s21 =	simm.s32 $0x780;
	s19 =	sadd.s32 $0x60, s19;
	[smem:$0x7F4] =	sst s17  }
0x37: {  	s25 =	ssub.s32 $0xC2D0, s18;
	s18 =	simm.s32 $0x4;
	[smem:$0x7F5] =	sst s19  }
0x38: {  	v0 =	vimm.f32 $0.0e+00;
	v5 =	vimm.f32 $0.0e+00;
	[smem:$0x7FA] =	sst s25;
	s17 =	simm.s32 $0x5;
	s0 =	simm.s32 $0x6  }
.LBB2_20:
0x39: {  	[tilespmem:$0x4800] =	vst v0  }
0x3a: {  	[tilespmem:$0x4810] =	vst v0  }
0x3b: {  	[tilespmem:$0x4820] =	vst v0  }
0x3c: {  	[tilespmem:$0x4830] =	vst v0  }
0x3d: {  	[tilespmem:$0x4840] =	vst v0  }
0x3e: {  	[tilespmem:$0x4850] =	vst v0  }
0x3f: {  	[tilespmem:$0x4860] =	vst v0  }
0x40: {  	[tilespmem:$0x4870] =	vst v0  }
0x41: {  	[tilespmem:$0x4820] =	vst @p0 v4  }
0x42: {  	[tilespmem:$0x4830] =	vst @p0 v3  }
0x43: {  	[tilespmem:$0x4860] =	vst @p0 v2  }
0x44: {  	[tilespmem:$0x4870] =	vst @p0 v1  }
0x45: {  	[tilespmem:$0x4800] =	vst @!p0 v4  }
0x46: {  	[tilespmem:$0x4810] =	vst @!p0 v3  }
0x47: {  	[tilespmem:$0x4840] =	vst @!p0 v2  }
0x48: {  	s9 =	rddreg [dreg:$0x9];
	s11 =	simm.s32 $0x4800;
	[tilespmem:$0x4850] =	vst @!p0 v1  }
0x49: {  	[hbm4b:s9+s2] =	stream.linear.scatter [tilespmem:s11], [sflag:$0x19], $0x80, $0x38;
	[tilespmem:$0x1E880] =	vst v63  }
0x4a: {  	_ =	swait.ge [sflag:s31], $0x80  }
0x4b: {  	s28 =	sld [smem:$0x7EE];
	_ =	sdelay $0x2  }
0x4c: {  	s30 =	rddreg [dreg:$0xa];
	s11 =	sadd.s32 $0x1, s28  }
0x4d: {  	p1 =	sne.s32 s11, s30  }
.Ltmp1:
0x4e: {  	_ = 	snop;
	(pc) =	sbr.rel @!p1 .LBB2_21-.Ltmp1, $3  }
0x4f: {  	_ =	sdelay $0x1  }
0x50: {  	[sflag:s31] =	ssyncset.done $0x0  }
0x51: {  	[sflag:s31] =	ssyncadd.s32 $0xFFFFFF80  }
.LBB2_1:
0x52: {  	[smem:$0x7EE] =	sst s11  }
0x53: {  	s9 =	rddreg [dreg:$0x6]  }
0x54: {  	[tilespmem:s2], [sflag:$0x5] =	stream.linear.gather [hbm4b:s9+s2], $0x80, $0x38;
	[tilespmem:$0x1E880] =	vst v63  }
0x55: {  	s25 =	rddreg [dreg:$0x17]  }
0x56: {  	[tilespmem:s29], [sflag:$0x6] =	stream.linear.gather [hbm4b:s25+s2], $0x80, $0x38;
	[tilespmem:$0x1E880] =	vst v63  }
0x57: {  	_ =	swait.ge [sflag:s17], $0x80  }
0x58: {  	[sflag:s17] =	ssyncset.done $0x0  }
0x59: {  	[sflag:s17] =	ssyncadd.s32 $0xFFFFFF80  }
0x5a: {  	[tilespmem:s3], [sflag:$0x1] =	stream.indirect.gather [hbm4b:s4+s29], $0x20, s2, s29, $0xb8;
	[tilespmem:$0x1E880] =	vst v63  }
0x5b: {  	_ =	swait.ge [sflag:s15], $0x1000  }
0x5c: {  	[sflag:s15] =	ssyncset.done $0x0;
	s20 =	rddreg [dreg:$0xe]  }
0x5d: {  	[sflag:s15] =	ssyncadd.s32 $0xFFFFF000;
	s26 =	sadd.s32 $0xFFFFFE00, s20  }
0x5e: {  	[hbm4b:s26+s2] =	stream.linear.scatter [tilespmem:s3], [sflag:$0x19], $0x1000, $0x38;
	[tilespmem:$0x1E880] =	vst v63  }
0x5f: {  	_ =	swait.ge [sflag:s31], $0x1000  }
0x60: {  	[sflag:s31] =	ssyncset.done $0x0  }
0x61: {  	s28 =	sadd.s32 $0x0, s14;
	[sflag:s31] =	ssyncadd.s32 $0xFFFFF000  }
0x62: {  	[spmem:s28] =	stream.linear.scatter [tilespmem:s3], [sflag:$0x19], $0x1000, $0x38;
	[tilespmem:$0x1E880] =	vst v63  }
0x63: {  	_ =	swait.ge [sflag:s31], $0x1000  }
0x64: {  	s22 =	sld [smem:$0x7FD];
	_ =	sdelay $0x2  }
0x65: {  	[sflag:s31] =	ssyncset.done $0x0;
	s19 =	sshrl.u32 s22, $0x3  }
0x66: {  	[sflag:s31] =	ssyncadd.s32 $0xFFFFF000;
	s19 =	sadd.s32 s5, s19  }
0x67: {  	[tilespmem:s2], [sflag:$0x5] =	stream.linear.gather [hbm4b:s19+s2], $0x80, $0x38;
	[tilespmem:$0x1E880] =	vst v63  }
0x68: {  	_ =	swait.ge [sflag:s0], $0x80  }
0x69: {  	[sflag:s0] =	ssyncset.done $0x0  }
0x6a: {  	[sflag:s0] =	ssyncadd.s32 $0xFFFFFF80  }
0x6b: {  	[tilespmem:s13], [sflag:$0x2] =	stream.indirect.gather [hbm4b:s4+s29], $0x20, s29, s29, $0xb8;
	[tilespmem:$0x1E880] =	vst v63  }
0x6c: {  	_ =	swait.ge [sflag:s12], $0x1000  }
0x6d: {  	[sflag:s12] =	ssyncset.done $0x0  }
0x6e: {  	[sflag:s12] =	ssyncadd.s32 $0xFFFFF000  }
0x6f: {  	[hbm4b:s20+s2] =	stream.linear.scatter [tilespmem:s13], [sflag:$0x19], $0x1000, $0x38;
	[tilespmem:$0x1E880] =	vst v63  }
0x70: {  	_ =	swait.ge [sflag:s31], $0x1000  }
0x71: {  	[sflag:s31] =	ssyncset.done $0x0  }
0x72: {  	s11 =	sadd.s32 $0x1000, s28;
	[sflag:s31] =	ssyncadd.s32 $0xFFFFF000  }
0x73: {  	[spmem:s11] =	stream.linear.scatter [tilespmem:s13], [sflag:$0x19], $0x1000, $0x38;
	[tilespmem:$0x1E880] =	vst v63  }
0x74: {  	_ =	swait.ge [sflag:s31], $0x1000  }
0x75: {  	[sflag:s31] =	ssyncset.done $0x0  }
0x76: {  	s30 =	rddreg [dreg:$0xd];
	[sflag:s31] =	ssyncadd.s32 $0xFFFFF000  }
0x77: {  	[tilespmem:s29], [sflag:$0x6] =	stream.linear.gather [hbm4b:s30+s2], $0x80, $0x38;
	[tilespmem:$0x1E880] =	vst v63  }
0x78: {  	_ =	swait.ge [sflag:s17], $0x80  }
0x79: {  	s26 =	sadd.s32 $0x100, s22;
	s19 =	sadd.s32 $0x400, s20;
	[sflag:s17] =	ssyncset.done $0x0  }
0x7a: {  	s11 =	simm.s32 $0x8000;
	s20 =	sadd.s32 $0x20, s30;
	[sflag:s17] =	ssyncadd.s32 $0xFFFFFF80  }
.LBB2_2:
0x7b: {  	[tilespmem:s3], [sflag:$0x1] =	stream.indirect.gather [hbm4b:s4+s29], $0x20, s2, s29, $0xb8;
	[tilespmem:$0x1E880] =	vst v63  }
0x7c: {  	s22 =	smov.u32 s11  }
0x7d: {  	p1 =	sne.s32 s11, $0x58000;
	s11 =	sadd.s32 $0x8000, s11;
	_ =	swait.ge [sflag:s15], $0x1000  }
0x7e: {  	[sflag:s15] =	ssyncset.done $0x0  }
0x7f: {  	s28 =	sadd.s32 $0xFFFFFE00, s19;
	[sflag:s15] =	ssyncadd.s32 $0xFFFFF000  }
0x80: {  	[hbm4b:s28+s2] =	stream.linear.scatter [tilespmem:s3], [sflag:$0x19], $0x1000, $0x38;
	[tilespmem:$0x1E880] =	vst v63  }
0x81: {  	_ =	swait.ge [sflag:s31], $0x1000  }
0x82: {  	s22 =	sshra.s32 s22, $0x2;
	[sflag:s31] =	ssyncset.done $0x0  }
0x83: {  	s22 =	sadd.s32 s22, s14;
	[sflag:s31] =	ssyncadd.s32 $0xFFFFF000  }
0x84: {  	[spmem:s22] =	stream.linear.scatter [tilespmem:s3], [sflag:$0x19], $0x1000, $0x38;
	[tilespmem:$0x1E880] =	vst v63  }
0x85: {  	_ =	swait.ge [sflag:s31], $0x1000  }
0x86: {  	s28 =	sshrl.u32 s26, $0x3;
	[sflag:s31] =	ssyncset.done $0x0  }
0x87: {  	s28 =	sadd.s32 s5, s28;
	[sflag:s31] =	ssyncadd.s32 $0xFFFFF000  }
0x88: {  	[tilespmem:s2], [sflag:$0x5] =	stream.linear.gather [hbm4b:s28+s2], $0x80, $0x38;
	[tilespmem:$0x1E880] =	vst v63  }
0x89: {  	_ =	swait.ge [sflag:s0], $0x80  }
0x8a: {  	[sflag:s0] =	ssyncset.done $0x0  }
0x8b: {  	[sflag:s0] =	ssyncadd.s32 $0xFFFFFF80  }
0x8c: {  	[tilespmem:s13], [sflag:$0x2] =	stream.indirect.gather [hbm4b:s4+s29], $0x20, s29, s29, $0xb8;
	[tilespmem:$0x1E880] =	vst v63  }
0x8d: {  	_ =	swait.ge [sflag:s12], $0x1000  }
0x8e: {  	[sflag:s12] =	ssyncset.done $0x0  }
0x8f: {  	[sflag:s12] =	ssyncadd.s32 $0xFFFFF000  }
0x90: {  	[hbm4b:s19+s2] =	stream.linear.scatter [tilespmem:s13], [sflag:$0x19], $0x1000, $0x38;
	[tilespmem:$0x1E880] =	vst v63  }
0x91: {  	_ =	swait.ge [sflag:s31], $0x1000  }
0x92: {  	[sflag:s31] =	ssyncset.done $0x0  }
0x93: {  	s22 =	sadd.s32 $0x1000, s22;
	[sflag:s31] =	ssyncadd.s32 $0xFFFFF000  }
0x94: {  	[spmem:s22] =	stream.linear.scatter [tilespmem:s13], [sflag:$0x19], $0x1000, $0x38;
	[tilespmem:$0x1E880] =	vst v63  }
0x95: {  	_ =	swait.ge [sflag:s31], $0x1000  }
0x96: {  	[sflag:s31] =	ssyncset.done $0x0  }
.Ltmp2:
0x97: {  	[sflag:s31] =	ssyncadd.s32 $0xFFFFF000;
	(pc) =	sbr.rel @p1 .LBB2_2-.Ltmp2, $4  }
0x98: {  	[tilespmem:s29], [sflag:$0x6] =	stream.linear.gather [hbm4b:s20+s2], $0x80, $0x38;
	[tilespmem:$0x1E880] =	vst v63  }
0x99: {  	_ =	swait.ge [sflag:s17], $0x80  }
0x9a: {  	s19 =	sadd.s32 $0x400, s19;
	[sflag:s17] =	ssyncset.done $0x0  }
0x9b: {  	s26 =	sadd.s32 $0x100, s26;
	s20 =	sadd.s32 $0x20, s20;
	[sflag:s17] =	ssyncadd.s32 $0xFFFFFF80  }
0x9c: {  	[tilespmem:s3], [sflag:$0x1] =	stream.indirect.gather [hbm4b:s4+s29], $0x20, s2, s29, $0xb8;
	[tilespmem:$0x1E880] =	vst v63  }
0x9d: {  	_ =	swait.ge [sflag:s15], $0x1000  }
0x9e: {  	[sflag:s15] =	ssyncset.done $0x0  }
0x9f: {  	s26 =	simm.s32 $0x0;
	s9 =	rddreg [dreg:$0xb];
	[sflag:s15] =	ssyncadd.s32 $0xFFFFF000  }
0xa0: {  	[hbm4b:s9+s26] =	stream.linear.scatter [tilespmem:s3], [sflag:$0x19], $0x1000, $0x38;
	[tilespmem:$0x1E880] =	vst v63  }
0xa1: {  	_ =	swait.ge [sflag:s31], $0x1000  }
0xa2: {  	s11 =	sld [smem:$0x7FB]  }
0xa3: {  	[sflag:s31] =	ssyncset.done $0x0  }
0xa4: {  	[sflag:s31] =	ssyncadd.s32 $0xFFFFF000  }
0xa5: {  	[spmem:s11] =	stream.linear.scatter [tilespmem:s3], [sflag:$0x19], $0x1000, $0x38;
	[tilespmem:$0x1E880] =	vst v63  }
0xa6: {  	_ =	swait.ge [sflag:s31], $0x1000  }
0xa7: {  	[sflag:s31] =	ssyncset.done $0x0  }
0xa8: {  	[sflag:s31] =	ssyncadd.s32 $0xFFFFF000  }
0xa9: {  	_ =	swait.ge [sflag:s0], $0x80  }
0xaa: {  	[sflag:s0] =	ssyncset.done $0x0  }
0xab: {  	[sflag:s0] =	ssyncadd.s32 $0xFFFFFF80  }
0xac: {  	[tilespmem:s13], [sflag:$0x2] =	stream.indirect.gather [hbm4b:s4+s29], $0x20, s29, s29, $0xb8;
	[tilespmem:$0x1E880] =	vst v63  }
0xad: {  	_ =	swait.ge [sflag:s12], $0x1000  }
0xae: {  	[sflag:s12] =	ssyncset.done $0x0  }
0xaf: {  	s19 =	rddreg [dreg:$0xc];
	[sflag:s12] =	ssyncadd.s32 $0xFFFFF000  }
0xb0: {  	[hbm4b:s19+s26] =	stream.linear.scatter [tilespmem:s13], [sflag:$0x19], $0x1000, $0x38;
	[tilespmem:$0x1E880] =	vst v63  }
0xb1: {  	_ =	swait.ge [sflag:s31], $0x1000  }
0xb2: {  	s20 =	sld [smem:$0x7FC]  }
0xb3: {  	[sflag:s31] =	ssyncset.done $0x0  }
0xb4: {  	[sflag:s31] =	ssyncadd.s32 $0xFFFFF000  }
0xb5: {  	[spmem:s20] =	stream.linear.scatter [tilespmem:s13], [sflag:$0x19], $0x1000, $0x38;
	[tilespmem:$0x1E880] =	vst v63  }
0xb6: {  	_ =	swait.ge [sflag:s31], $0x1000  }
0xb7: {  	[sflag:s31] =	ssyncset.done $0x0  }
0xb8: {  	[sflag:s31] =	ssyncadd.s32 $0xFFFFF000  }
0xb9: {  	[bflag:$0x0] =	sbarrier.arrive $0xFFFF  }
0xba: {  	s22 =	rddreg [dreg:$0x7]  }
0xbb: {  	s24 =	rddreg [dreg:$0x18]  }
0xbc: {  	[tilespmem:s26], [sflag:$0x5] =	stream.linear.gather [hbm4b:s22+s26], $0x80, $0x38;
	[tilespmem:$0x1E880] =	vst v63  }
0xbd: {  	s25 =	rddreg [dreg:$0x19]  }
0xbe: {  	[tilespmem:s29], [sflag:$0x6] =	stream.linear.gather [hbm4b:s24+s26], $0x80, $0x38;
	[tilespmem:$0x1E880] =	vst v63  }
0xbf: {  	s11 =	simm.s32 $0x100;
	s30 =	rddreg [dreg:$0x1a]  }
0xc0: {  	[tilespmem:s11], [sflag:$0x7] =	stream.linear.gather [hbm4b:s25+s26], $0x80, $0x38;
	[tilespmem:$0x1E880] =	vst v63  }
0xc1: {  	s19 =	simm.s32 $0x180;
	s22 =	rddreg [dreg:$0x1c]  }
0xc2: {  	[tilespmem:s19], [sflag:$0x8] =	stream.linear.gather [hbm4b:s30+s26], $0x80, $0x38;
	[tilespmem:$0x1E880] =	vst v63  }
0xc3: {  	s20 =	simm.s32 $0x200;
	s19 =	rddreg [dreg:$0x1b]  }
0xc4: {  	[tilespmem:s20], [sflag:$0x9] =	stream.linear.gather [hbm4b:s19+s26], $0x80, $0x38;
	[tilespmem:$0x1E880] =	vst v63  }
0xc5: {  	s24 =	simm.s32 $0x280;
	s25 =	rddreg [dreg:$0x1d]  }
0xc6: {  	[tilespmem:s24], [sflag:$0xA] =	stream.linear.gather [hbm4b:s22+s26], $0x80, $0x38;
	[tilespmem:$0x1E880] =	vst v63  }
0xc7: {  	s30 =	simm.s32 $0x300;
	s19 =	rddreg [dreg:$0x1e]  }
0xc8: {  	[tilespmem:s30], [sflag:$0xB] =	stream.linear.gather [hbm4b:s25+s26], $0x80, $0x38;
	[tilespmem:$0x1E880] =	vst v63  }
0xc9: {  	s20 =	simm.s32 $0x380;
	s22 =	rddreg [dreg:$0x8]  }
0xca: {  	[tilespmem:s20], [sflag:$0xC] =	stream.linear.gather [hbm4b:s19+s26], $0x80, $0x38;
	[tilespmem:$0x1E880] =	vst v63  }
0xcb: {  	s24 =	simm.s32 $0x400;
	s25 =	rddreg [dreg:$0x1f]  }
0xcc: {  	[tilespmem:s24], [sflag:$0xD] =	stream.linear.gather [hbm4b:s22+s26], $0x80, $0x38;
	[tilespmem:$0x1E880] =	vst v63  }
0xcd: {  	s30 =	simm.s32 $0x480;
	s19 =	sld [smem:$0x7F1]  }
0xce: {  	[tilespmem:s30], [sflag:$0xE] =	stream.linear.gather [hbm4b:s25+s26], $0x80, $0x38;
	[tilespmem:$0x1E880] =	vst v63  }
0xcf: {  	s20 =	simm.s32 $0x500;
	s22 =	sld [smem:$0x7F2]  }
0xd0: {  	[tilespmem:s20], [sflag:$0xF] =	stream.linear.gather [hbm4b:s19+s26], $0x80, $0x38;
	[tilespmem:$0x1E880] =	vst v63  }
0xd1: {  	s24 =	simm.s32 $0x580;
	s25 =	sld [smem:$0x7F3]  }
0xd2: {  	[tilespmem:s24], [sflag:$0x10] =	stream.linear.gather [hbm4b:s22+s26], $0x80, $0x38;
	[tilespmem:$0x1E880] =	vst v63  }
0xd3: {  	s30 =	simm.s32 $0x600;
	s20 =	sld [smem:$0x7F4]  }
0xd4: {  	[tilespmem:s30], [sflag:$0x11] =	stream.linear.gather [hbm4b:s25+s26], $0x80, $0x38;
	[tilespmem:$0x1E880] =	vst v63  }
0xd5: {  	s22 =	simm.s32 $0x680;
	s24 =	sld [smem:$0x7F5]  }
0xd6: {  	[tilespmem:s22], [sflag:$0x12] =	stream.linear.gather [hbm4b:s20+s26], $0x80, $0x38;
	[tilespmem:$0x1E880] =	vst v63  }
0xd7: {  	s25 =	simm.s32 $0x700  }
0xd8: {  	[tilespmem:s25], [sflag:$0x13] =	stream.linear.gather [hbm4b:s24+s26], $0x80, $0x38;
	[tilespmem:$0x1E880] =	vst v63  }
0xd9: {  	_ =	swait.ge [sflag:s17], $0x80  }
0xda: {  	[sflag:s17] =	ssyncset.done $0x0  }
0xdb: {  	[sflag:s17] =	ssyncadd.s32 $0xFFFFFF80  }
0xdc: {  	[tilespmem:s3], [sflag:$0x1] =	stream.indirect.gather [hbm4b:s8+s29], $0x20, s26, s29, $0xb8;
	[tilespmem:$0x1E880] =	vst v63  }
0xdd: {  	_ =	swait.ge [sflag:s0], $0x80  }
0xde: {  	[sflag:s0] =	ssyncset.done $0x0  }
0xdf: {  	[sflag:s0] =	ssyncadd.s32 $0xFFFFFF80  }
0xe0: {  	[tilespmem:s13], [sflag:$0x2] =	stream.indirect.gather [hbm4b:s8+s29], $0x20, s29, s29, $0xb8;
	[tilespmem:$0x1E880] =	vst v63  }
.Ltmp3:
0xe1: {  	s30 =	simm.s32 $0x7;
	(pc) =	sbr.rel .LBB2_4-.Ltmp3, $4  }
0xe2: {  	_ =	swait.ge [sflag:s30], $0x80  }
0xe3: {  	[sflag:s30] =	ssyncset.done $0x0  }
0xe4: {  	s28 =	rddreg [dreg:$0x15];
	[sflag:s30] =	ssyncadd.s32 $0xFFFFFF80  }
0xe5: {  	[tilespmem:s10], [sflag:$0x3] =	stream.indirect.gather [hbm4b:s8+s29], $0x20, s11, s29, $0xb8;
	[tilespmem:$0x1E880] =	vst v63  }
.LBB2_5:
0xe6: {  	s9 =	simm.s32 $0x400  }
0xe7: {  	[spmem:s1] =	stream.indirect.scatter.add.f32 [tilespmem:s3], [sflag:$0x15], $0x20, s9, s29, $0xb8;
	[tilespmem:$0x1E880] =	vst v63  }
.LBB2_7:
0xe8: {  	s11 =	sshrl.u32 s28, $0x3;
	s9 =	rddreg [dreg:$0x3]  }
0xe9: {  	p1 =	por $0x0, $0x0;
	s11 =	sadd.s32 s9, s11  }
0xea: {  	[tilespmem:s2], [sflag:$0x5] =	stream.linear.gather [hbm4b:s11+s2], $0x80, $0x38;
	[tilespmem:$0x1E880] =	vst v63  }
.LBB2_8:
0xeb: {  	s10 =	sld [smem:$0x7F0];
	_ =	sdelay $0x2  }
0xec: {  	s11 =	sadd.s32 s26, s10  }
0xed: {  	s9 =	simm.s32 $0x8;
	s11 =	sadd.s32 $0x70, s11  }
0xee: {  	[tilespmem:s21], [sflag:$0x14] =	stream.linear.gather [hbm4b:s11+s2], $0x80, $0x38;
	[tilespmem:$0x1E880] =	vst v63  }
0xef: {  	_ =	swait.ge [sflag:s9], $0x80  }
0xf0: {  	[sflag:s9] =	ssyncset.done $0x0  }
0xf1: {  	s19 =	simm.s32 $0x180;
	[sflag:s9] =	ssyncadd.s32 $0xFFFFFF80  }
0xf2: {  	[tilespmem:s7], [sflag:$0x4] =	stream.indirect.gather [hbm4b:s8+s29], $0x20, s19, s29, $0xb8;
	[tilespmem:$0x1E880] =	vst v63  }
0xf3: {  	_ =	swait.ge [sflag:s12], $0x1000  }
0xf4: {  	[sflag:s12] =	ssyncset.done $0x0  }
0xf5: {  	s20 =	simm.s32 $0xE;
	[sflag:s12] =	ssyncadd.s32 $0xFFFFF000  }
0xf6: {  	_ =	swait.ge [sflag:s20], $0x80  }
0xf7: {  	[sflag:s20] =	ssyncset.done $0x0  }
0xf8: {  	[sflag:s20] =	ssyncadd.s32 $0xFFFFFF80  }
0xf9: {  	_ =	swait.ge [sflag:s23], $0x1000  }
0xfa: {  	s22 =	simm.s32 $0x480;
	[sflag:s23] =	ssyncset.done $0x0  }
0xfb: {  	s30 =	simm.s32 @!p1 $0x80;
	s9 =	rddreg [dreg:$0x14];
	[sflag:s23] =	ssyncadd.s32 $0xFFFFF000  }
0xfc: {  	[spmem:s1] =	stream.indirect.scatter.add.f32 [tilespmem:s13], [sflag:$0x16], $0x20, s22, s29, $0xb8;
	[tilespmem:$0x1E880] =	vst v63  }
0xfd: {  	s11 =	simm.s32 @!p1 $0x0;
	s20 =	sadd.s32 @!p1 s26, s10;
	s19 =	sadd.s32 @!p1 s26, s9  }
0xfe: {  	[tilespmem:s30], [sflag:$0x6] =	stream.linear.gather @!p1 [hbm4b:s19+s11], $0x80, $0x38;
	[tilespmem:$0x1E880] =	vst v63  }
0xff: {  	s24 =	simm.s32 $0x9;
	s22 =	simm.s32 @!p1 $0x400;
	s19 =	sadd.s32 @!p1 $0x80, s20  }
0x100: {  	[tilespmem:s22], [sflag:$0xD] =	stream.linear.gather @!p1 [hbm4b:s19+s11], $0x80, $0x38;
	[tilespmem:$0x1E880] =	vst v63  }
0x101: {  	_ =	swait.ge [sflag:s24], $0x80  }
0x102: {  	[sflag:s24] =	ssyncset.done $0x0  }
0x103: {  	s25 =	simm.s32 $0x200;
	s10 =	simm.s32 $0x3;
	[sflag:s24] =	ssyncadd.s32 $0xFFFFFF80  }
0x104: {  	[tilespmem:s3], [sflag:$0x1] =	stream.indirect.gather [hbm4b:s8+s29], $0x20, s25, s29, $0xb8;
	[tilespmem:$0x1E880] =	vst v63  }
0x105: {  	_ =	swait.ge [sflag:s10], $0x1000  }
0x106: {  	[sflag:s10] =	ssyncset.done $0x0  }
0x107: {  	s19 =	simm.s32 $0xF;
	[sflag:s10] =	ssyncadd.s32 $0xFFFFF000  }
0x108: {  	_ =	swait.ge [sflag:s19], $0x80  }
0x109: {  	[sflag:s19] =	ssyncset.done $0x0  }
0x10a: {  	s22 =	simm.s32 $0x16;
	[sflag:s19] =	ssyncadd.s32 $0xFFFFFF80  }
0x10b: {  	_ =	swait.ge [sflag:s22], $0x1000  }
0x10c: {  	s24 =	simm.s32 $0x500;
	[sflag:s22] =	ssyncset.done $0x0  }
0x10d: {  	s25 =	simm.s32 $0x2800;
	s9 =	rddreg [dreg:$0x13];
	[sflag:s22] =	ssyncadd.s32 $0xFFFFF000  }
0x10e: {  	[spmem:s1] =	stream.indirect.scatter.add.f32 [tilespmem:s25], [sflag:$0x17], $0x20, s24, s29, $0xb8;
	[tilespmem:$0x1E880] =	vst v63  }
0x10f: {  	s19 =	simm.s32 @!p1 $0x100;
	s22 =	sadd.s32 @!p1 s26, s9  }
0x110: {  	[tilespmem:s19], [sflag:$0x7] =	stream.linear.gather @!p1 [hbm4b:s22+s11], $0x80, $0x38;
	[tilespmem:$0x1E880] =	vst v63  }
0x111: {  	s10 =	simm.s32 $0xA;
	s24 =	simm.s32 @!p1 $0x480;
	s22 =	sadd.s32 @!p1 $0x90, s20  }
0x112: {  	[tilespmem:s24], [sflag:$0xE] =	stream.linear.gather @!p1 [hbm4b:s22+s11], $0x80, $0x38;
	[tilespmem:$0x1E880] =	vst v63  }
0x113: {  	_ =	swait.ge [sflag:s10], $0x80  }
0x114: {  	[sflag:s10] =	ssyncset.done $0x0  }
0x115: {  	s22 =	simm.s32 $0x280;
	[sflag:s10] =	ssyncadd.s32 $0xFFFFFF80  }
0x116: {  	[tilespmem:s13], [sflag:$0x2] =	stream.indirect.gather [hbm4b:s8+s29], $0x20, s22, s29, $0xb8;
	[tilespmem:$0x1E880] =	vst v63  }
0x117: {  	_ =	swait.ge [sflag:s18], $0x1000  }
0x118: {  	[sflag:s18] =	ssyncset.done $0x0  }
0x119: {  	s24 =	simm.s32 $0x10;
	[sflag:s18] =	ssyncadd.s32 $0xFFFFF000  }
0x11a: {  	_ =	swait.ge [sflag:s24], $0x80  }
0x11b: {  	[sflag:s24] =	ssyncset.done $0x0  }
0x11c: {  	[sflag:s24] =	ssyncadd.s32 $0xFFFFFF80  }
0x11d: {  	_ =	swait.ge [sflag:s16], $0x1000  }
0x11e: {  	[sflag:s16] =	ssyncset.done $0x0  }
0x11f: {  	s10 =	simm.s32 $0x580;
	s9 =	rddreg [dreg:$0x12];
	[sflag:s16] =	ssyncadd.s32 $0xFFFFF000  }
0x120: {  	[spmem:s1] =	stream.indirect.scatter.add.f32 [tilespmem:s7], [sflag:$0x18], $0x20, s10, s29, $0xb8;
	[tilespmem:$0x1E880] =	vst v63  }
0x121: {  	s24 =	simm.s32 @!p1 $0x180;
	s22 =	sadd.s32 @!p1 s26, s9  }
0x122: {  	[tilespmem:s24], [sflag:$0x8] =	stream.linear.gather @!p1 [hbm4b:s22+s11], $0x80, $0x38;
	[tilespmem:$0x1E880] =	vst v63  }
0x123: {  	s22 =	sadd.s32 @!p1 $0xA0, s20;
	s24 =	simm.s32 @!p1 $0x500  }
0x124: {  	[tilespmem:s24], [sflag:$0xF] =	stream.linear.gather @!p1 [hbm4b:s22+s11], $0x80, $0x38;
	[tilespmem:$0x1E880] =	vst v63  }
0x125: {  	s22 =	simm.s32 $0xB  }
0x126: {  	_ =	swait.ge [sflag:s22], $0x80  }
0x127: {  	[sflag:s22] =	ssyncset.done $0x0  }
0x128: {  	s24 =	simm.s32 $0x300;
	[sflag:s22] =	ssyncadd.s32 $0xFFFFFF80  }
0x129: {  	[tilespmem:s25], [sflag:$0x3] =	stream.indirect.gather [hbm4b:s8+s29], $0x20, s24, s29, $0xb8;
	[tilespmem:$0x1E880] =	vst v63  }
0x12a: {  	_ =	swait.ge [sflag:s15], $0x1000  }
0x12b: {  	[sflag:s15] =	ssyncset.done $0x0  }
0x12c: {  	s25 =	simm.s32 $0x11;
	[sflag:s15] =	ssyncadd.s32 $0xFFFFF000  }
0x12d: {  	_ =	swait.ge [sflag:s25], $0x80  }
0x12e: {  	[sflag:s25] =	ssyncset.done $0x0  }
0x12f: {  	[sflag:s25] =	ssyncadd.s32 $0xFFFFFF80  }
0x130: {  	_ =	swait.ge [sflag:s6], $0x1000  }
0x131: {  	[sflag:s6] =	ssyncset.done $0x0  }
0x132: {  	s22 =	simm.s32 $0x600;
	s9 =	rddreg [dreg:$0x11];
	[sflag:s6] =	ssyncadd.s32 $0xFFFFF000  }
0x133: {  	[spmem:s1] =	stream.indirect.scatter.add.f32 [tilespmem:s3], [sflag:$0x15], $0x20, s22, s29, $0xb8;
	[tilespmem:$0x1E880] =	vst v63  }
0x134: {  	s24 =	simm.s32 @!p1 $0x200;
	s22 =	sadd.s32 @!p1 s26, s9  }
0x135: {  	[tilespmem:s24], [sflag:$0x9] =	stream.linear.gather @!p1 [hbm4b:s22+s11], $0x80, $0x38;
	[tilespmem:$0x1E880] =	vst v63  }
0x136: {  	s22 =	sadd.s32 @!p1 $0xB0, s20;
	s24 =	simm.s32 @!p1 $0x580  }
0x137: {  	[tilespmem:s24], [sflag:$0x10] =	stream.linear.gather @!p1 [hbm4b:s22+s11], $0x80, $0x38;
	[tilespmem:$0x1E880] =	vst v63  }
0x138: {  	s24 =	simm.s32 $0xC  }
0x139: {  	_ =	swait.ge [sflag:s24], $0x80  }
0x13a: {  	[sflag:s24] =	ssyncset.done $0x0  }
0x13b: {  	s25 =	simm.s32 $0x380;
	[sflag:s24] =	ssyncadd.s32 $0xFFFFFF80  }
0x13c: {  	[tilespmem:s7], [sflag:$0x4] =	stream.indirect.gather [hbm4b:s8+s29], $0x20, s25, s29, $0xb8;
	[tilespmem:$0x1E880] =	vst v63  }
0x13d: {  	_ =	swait.ge [sflag:s12], $0x1000  }
0x13e: {  	[sflag:s12] =	ssyncset.done $0x0  }
0x13f: {  	s22 =	simm.s32 $0x12;
	[sflag:s12] =	ssyncadd.s32 $0xFFFFF000  }
0x140: {  	_ =	swait.ge [sflag:s22], $0x80  }
0x141: {  	[sflag:s22] =	ssyncset.done $0x0  }
0x142: {  	[sflag:s22] =	ssyncadd.s32 $0xFFFFFF80  }
0x143: {  	_ =	swait.ge [sflag:s23], $0x1000  }
0x144: {  	[sflag:s23] =	ssyncset.done $0x0  }
0x145: {  	s24 =	simm.s32 $0x680;
	s22 =	simm.s32 @p1 $0x3;
	[sflag:s23] =	ssyncadd.s32 $0xFFFFF000  }
0x146: {  	[spmem:s1] =	stream.indirect.scatter.add.f32 [tilespmem:s13], [sflag:$0x16], $0x20, s24, s29, $0xb8;
	[tilespmem:$0x1E880] =	vst v63  }
0x147: {  	_ =	swait.ge @p1 [sflag:s22], $0x1000  }
0x148: {  	[sflag:s22] =	ssyncset.done @p1 $0x0  }
0x149: {  	[sflag:s22] =	ssyncadd.s32 @p1 $0xFFFFF000;
	s22 =	simm.s32 @p1 $0x13  }
0x14a: {  	_ =	swait.ge @p1 [sflag:s22], $0x80  }
0x14b: {  	[sflag:s22] =	ssyncset.done @p1 $0x0  }
0x14c: {  	[sflag:s22] =	ssyncadd.s32 @p1 $0xFFFFFF80;
	s22 =	simm.s32 @p1 $0x16  }
0x14d: {  	_ =	swait.ge @p1 [sflag:s22], $0x1000  }
0x14e: {  	s25 =	simm.s32 @p1 $0x2800;
	s24 =	simm.s32 @p1 $0x700;
	[sflag:s22] =	ssyncset.done @p1 $0x0  }
0x14f: {  	s9 =	rddreg [dreg:$0x16];
	[sflag:s22] =	ssyncadd.s32 @p1 $0xFFFFF000;
	s22 =	simm.s32 @p1 $0x80  }
0x150: {  	[spmem:s1] =	stream.indirect.scatter.add.f32 @p1 [tilespmem:s25], [sflag:$0x17], $0x20, s24, s22, $0xb8;
	[tilespmem:$0x1E880] =	vst v63  }
0x151: {  	s22 =	sadd.s32 @!p1 s26, s9;
	s24 =	simm.s32 @!p1 $0x280  }
0x152: {  	[tilespmem:s24], [sflag:$0xA] =	stream.linear.gather @!p1 [hbm4b:s22+s11], $0x80, $0x38;
	[tilespmem:$0x1E880] =	vst v63  }
0x153: {  	s22 =	sadd.s32 @!p1 $0xC0, s20;
	s24 =	simm.s32 @!p1 $0x600  }
0x154: {  	[tilespmem:s24], [sflag:$0x11] =	stream.linear.gather @!p1 [hbm4b:s22+s11], $0x80, $0x38;
	[tilespmem:$0x1E880] =	vst v63  }
0x155: {  	s22 =	simm.s32 @!p1 $0x5  }
0x156: {  	_ =	swait.ge @!p1 [sflag:s22], $0x80  }
0x157: {  	[sflag:s22] =	ssyncset.done @!p1 $0x0  }
0x158: {  	[sflag:s22] =	ssyncadd.s32 @!p1 $0xFFFFFF80;
	s22 =	simm.s32 @!p1 $0x800  }
0x159: {  	[tilespmem:s22], [sflag:$0x1] =	stream.indirect.gather @!p1 [hbm4b:s8+s30], $0x20, s11, s30, $0xb8;
	[tilespmem:$0x1E880] =	vst v63  }
0x15a: {  	s22 =	simm.s32 @!p1 $0x3  }
0x15b: {  	_ =	swait.ge @!p1 [sflag:s22], $0x1000  }
0x15c: {  	[sflag:s22] =	ssyncset.done @!p1 $0x0  }
0x15d: {  	[sflag:s22] =	ssyncadd.s32 @!p1 $0xFFFFF000;
	s22 =	simm.s32 @!p1 $0x13  }
0x15e: {  	_ =	swait.ge @!p1 [sflag:s22], $0x80  }
0x15f: {  	[sflag:s22] =	ssyncset.done @!p1 $0x0  }
0x160: {  	[sflag:s22] =	ssyncadd.s32 @!p1 $0xFFFFFF80;
	s22 =	simm.s32 @!p1 $0x16  }
0x161: {  	_ =	swait.ge @!p1 [sflag:s22], $0x1000  }
0x162: {  	s24 =	simm.s32 @!p1 $0x2800;
	[sflag:s22] =	ssyncset.done @!p1 $0x0  }
0x163: {  	s9 =	rddreg [dreg:$0x10];
	[sflag:s22] =	ssyncadd.s32 @!p1 $0xFFFFF000;
	s22 =	simm.s32 @!p1 $0x700  }
0x164: {  	[spmem:s1] =	stream.indirect.scatter.add.f32 @!p1 [tilespmem:s24], [sflag:$0x17], $0x20, s22, s30, $0xb8;
	[tilespmem:$0x1E880] =	vst v63  }
0x165: {  	s25 =	sadd.s32 @!p1 s26, s9;
	s9 =	simm.s32 @!p1 $0x300  }
0x166: {  	[tilespmem:s9], [sflag:$0xB] =	stream.linear.gather @!p1 [hbm4b:s25+s11], $0x80, $0x38;
	[tilespmem:$0x1E880] =	vst v63  }
0x167: {  	s9 =	sadd.s32 @!p1 $0xD0, s20;
	s25 =	simm.s32 @!p1 $0x680  }
0x168: {  	[tilespmem:s25], [sflag:$0x12] =	stream.linear.gather @!p1 [hbm4b:s9+s11], $0x80, $0x38;
	[tilespmem:$0x1E880] =	vst v63  }
0x169: {  	s9 =	simm.s32 @!p1 $0x6  }
0x16a: {  	_ =	swait.ge @!p1 [sflag:s9], $0x80  }
0x16b: {  	[sflag:s9] =	ssyncset.done @!p1 $0x0  }
0x16c: {  	[sflag:s9] =	ssyncadd.s32 @!p1 $0xFFFFFF80;
	s9 =	simm.s32 @!p1 $0x1800  }
0x16d: {  	[tilespmem:s9], [sflag:$0x2] =	stream.indirect.gather @!p1 [hbm4b:s8+s30], $0x20, s30, s30, $0xb8;
	[tilespmem:$0x1E880] =	vst v63  }
0x16e: {  	_ =	swait.ge [sflag:s18], $0x1000  }
0x16f: {  	[sflag:s18] =	ssyncset.done $0x0  }
0x170: {  	s25 =	simm.s32 $0x14;
	[sflag:s18] =	ssyncadd.s32 $0xFFFFF000  }
0x171: {  	_ =	swait.ge [sflag:s25], $0x80  }
0x172: {  	[sflag:s25] =	ssyncset.done $0x0  }
0x173: {  	[sflag:s25] =	ssyncadd.s32 $0xFFFFFF80  }
0x174: {  	_ =	swait.ge [sflag:s16], $0x1000  }
0x175: {  	[sflag:s16] =	ssyncset.done $0x0  }
0x176: {  	s9 =	rddreg [dreg:$0xf];
	[sflag:s16] =	ssyncadd.s32 $0xFFFFF000  }
0x177: {  	[spmem:s1] =	stream.indirect.scatter.add.f32 [tilespmem:s7], [sflag:$0x18], $0x20, s21, s29, $0xb8;
	[tilespmem:$0x1E880] =	vst v63  }
0x178: {  	s25 =	simm.s32 @!p1 $0x380;
	s9 =	sadd.s32 @!p1 s26, s9  }
0x179: {  	[tilespmem:s25], [sflag:$0xC] =	stream.linear.gather @!p1 [hbm4b:s9+s11], $0x80, $0x38;
	[tilespmem:$0x1E880] =	vst v63  }
0x17a: {  	s9 =	sadd.s32 @!p1 $0xE0, s20  }
0x17b: {  	[tilespmem:s22], [sflag:$0x13] =	stream.linear.gather @!p1 [hbm4b:s9+s11], $0x80, $0x38;
	[tilespmem:$0x1E880] =	vst v63  }
0x17c: {  	s9 =	simm.s32 @!p1 $0x7  }
0x17d: {  	_ =	swait.ge @!p1 [sflag:s9], $0x80  }
0x17e: {  	[sflag:s9] =	ssyncset.done @!p1 $0x0  }
0x17f: {  	s26 =	sadd.s32 $0x80, s26;
	[sflag:s9] =	ssyncadd.s32 @!p1 $0xFFFFFF80  }
0x180: {  	[tilespmem:s24], [sflag:$0x3] =	stream.indirect.gather @!p1 [hbm4b:s8+s30], $0x20, s19, s30, $0xb8;
	[tilespmem:$0x1E880] =	vst v63  }
0x181: {  	p1 =	sne.s32 s26, $0x1880  }
.Ltmp4:
0x182: {  	_ = 	snop;
	(pc) =	sbr.rel @!p1 .LBB2_9-.Ltmp4, $2  }
0x183: {  	_ =	sdelay $0x2  }
0x184: {  	s28 =	sadd.s32 $0x400, s28;
	s10 =	simm.s32 $0x2800;
	s24 =	sld [smem:$0x7EF]  }
.LBB2_4:
0x185: {  	_ =	swait.ge [sflag:s15], $0x1000;
	p1 =	sne.s32 s26, $0x0  }
.Ltmp5:
0x186: {  	[sflag:s15] =	ssyncset.done $0x0;
	(pc) =	sbr.rel @!p1 .LBB2_5-.Ltmp5, $4  }
0x187: {  	s9 =	simm.s32 $0xD;
	[sflag:s15] =	ssyncadd.s32 $0xFFFFF000  }
0x188: {  	_ =	swait.ge [sflag:s9], $0x80  }
0x189: {  	[sflag:s9] =	ssyncset.done $0x0  }
0x18a: {  	[sflag:s9] =	ssyncadd.s32 $0xFFFFFF80  }
0x18b: {  	p2 =	seq.s32 s26, $0x1800  }
.Ltmp6:
0x18c: {  	_ = 	snop;
	(pc) =	sbr.rel @p2 .LBB2_8-.Ltmp6, $4  }
.Ltmp7:
0x18d: {  	_ =	swait.ge [sflag:s6], $0x1000;
	(pc) =	sbr.rel @!p2 .LBB2_7-.Ltmp7, $4  }
0x18e: {  	[sflag:s6] =	ssyncset.done $0x0  }
0x18f: {  	s9 =	simm.s32 $0x400;
	p1 =	por $0x1, $0x1;
	[sflag:s6] =	ssyncadd.s32 $0xFFFFF000  }
0x190: {  	[spmem:s1] =	stream.indirect.scatter.add.f32 [tilespmem:s3], [sflag:$0x15], $0x20, s9, s29, $0xb8;
	[tilespmem:$0x1E880] =	vst v63  }
0x191: {  	_ = 	snop  }
.LBB2_9:
0x192: {  	_ =	swait.ge [sflag:s6], $0x1000  }
0x193: {  	[sflag:s6] =	ssyncset.done $0x0  }
0x194: {  	[sflag:s6] =	ssyncadd.s32 $0xFFFFF000  }
0x195: {  	[bflag:$0x0] =	sbarrier.arrive $0xFFFF  }
0x196: {  	[tilespmem:s3], [sflag:$0x1] =	stream.linear.gather [spmem:s14], $0x1000, $0x38;
	[tilespmem:$0x1E880] =	vst v63  }
.Ltmp8:
0x197: {  	s9 =	sld [smem:$0x7F6];
	(pc) =	sbr.rel .LBB2_10-.Ltmp8, $4  }
0x198: {  	s28 =	sld [smem:$0x7FA]  }
0x199: {  	s30 =	sld [smem:$0x7F9]  }
0x19a: {  	v1 =	vimm.f32 $0.0e+00;
	s26 =	simm.s32 $0x0;
	s20 =	rddreg [dreg:$0x5]  }
0x19b: {  	v2 =	vimm.f32 $0.0e+00;
	v3 =	vimm.f32 $0.0e+00;
	v4 =	vimm.f32 $0.0e+00;
	[tilespmem:s13], [sflag:$0x2] =	stream.linear.gather [spmem:s9], $0x1000, $0x38;
	[tilespmem:$0x1E880] =	vst v63  }
.LBB2_15:
0x19c: {  	v9 =	vimm.f32 $0.0e+00  }
.LBB2_19:
0x19d: {  	s26 =	sadd.s32 $0x1, s26  }
0x19e: {  	p1 =	sne.s32 s26, $0xD  }
.Ltmp9:
0x19f: {  	_ = 	snop;
	(pc) =	sbr.rel @!p1 .LBB2_20-.Ltmp9, $3  }
0x1a0: {  	_ = 	snop  }
0x1a1: {  	v4 =	vadd.f32 v7, v4;
	v3 =	vadd.f32 v6, v3;
	_ =	sdelay $0x1  }
0x1a2: {  	s30 =	sadd.s32 $0xFFFFFF00, s30;
	s28 =	sadd.s32 $0xFFFFFF00, s28;
	v4 =	vadd.f32 v8, v4;
	v3 =	vadd.f32 v9, v3  }
.LBB2_10:
0x1a3: {  	s11 =	sshll.u32 s26, $0x8  }
0x1a4: {  	_ =	swait.ge [sflag:s15], $0x1000;
	s9 =	sadd.s32 s24, s11  }
0x1a5: {  	[sflag:s15] =	ssyncset.done $0x0;
	s9 =	sshll.u32 s9, $0x2  }
0x1a6: {  	[sflag:s15] =	ssyncadd.s32 $0xFFFFF000;
	s9 =	sadd.s32 s20, s9  }
0x1a7: {  	[hbm4b:s9+s2] =	stream.linear.scatter [tilespmem:s3], [sflag:$0x19], $0x1000, $0x38;
	[tilespmem:$0x1E880] =	vst v63  }
0x1a8: {  	s9 =	sld [smem:$0x7F7];
	_ =	sdelay $0x1  }
0x1a9: {  	p1 =	seq.s32 s26, $0xC  }
0x1aa: {  	s9 =	sadd.s32 @!p1 s11, s9  }
0x1ab: {  	_ =	swait.ge [sflag:s31], $0x1000;
	s9 =	sshll.u32 @!p1 s9, $0x5  }
0x1ac: {  	s19 =	simm.s32 @!p1 $0x800;
	[sflag:s31] =	ssyncset.done $0x0;
	s9 =	sand.u32 @!p1 $0x3FFFFFE0, s9  }
0x1ad: {  	s25 =	rddreg [dreg:$0x4];
	[sflag:s31] =	ssyncadd.s32 $0xFFFFF000;
	s9 =	sadd.s32 @!p1 s9, s1  }
0x1ae: {  	[tilespmem:s19], [sflag:$0x1] =	stream.linear.gather @!p1 [spmem:s9], $0x1000, $0x38;
	[tilespmem:$0x1E880] =	vst v63  }
0x1af: {  	s19 =	sadd.s32 s11, s25  }
0x1b0: {  	s9 =	ssub.s32 $0xC350, s19  }
0x1b1: {  	p2 =	sgt.s32 s9, $0x0  }
0x1b2: {  	s9 =	simm.s32 @!p2 $0x0  }
0x1b3: {  	p2 =	seq.s32 s9, $0x0  }
.Ltmp10:
0x1b4: {  	_ = 	snop;
	(pc) =	sbr.rel @p2 .LBB2_14-.Ltmp10, $3  }
0x1b5: {  	_ =	sdelay $0x1  }
0x1b6: {  	v7 =	vimm.f32 $0.0e+00  }
0x1b7: {  	v6 =	vimm.f32 $0.0e+00;
	v9 =	vimm.f32 $0.0e+00;
	v8 =	vimm.f32 $0.0e+00  }
0x1b8: {  	p2 =	sgt.s32 s30, $0x1;
	s20 =	smov.u32 s30  }
0x1b9: {  	s20 =	simm.s32 @!p2 $0x1  }
0x1ba: {  	s9 =	simm.s32 $0x810;
	s20 =	smin.u32 s20, $0x80  }
0x1bb: {  	v7 =	vld [tilespmem:s9+$0x0];
	p2 =	sne.s32 s20, $0x1  }
.Ltmp11:
0x1bc: {  	v8 =	vld [tilespmem:s9+$0xFFFFFFF0];
	(pc) =	sbr.rel @!p2 .LBB2_13-.Ltmp11, $3  }
0x1bd: {  	_ =	sdelay $0x1  }
0x1be: {  	v9 =	vimm.f32 $0.0e+00;
	v10 =	vimm.f32 $0.0e+00  }
0x1bf: {  	s22 =	simm.s32 $0x830;
	s20 =	sadd.s32 $0xFFFFFFFF, s20;
	v6 =	vadd.f32 v7, v5;
	v11 =	vmul.f32 v7, v7;
	v7 =	vimm.f32 $0.0e+00  }
.LBB2_12:
0x1c0: {  	v12 =	vld [tilespmem:s22+$0x0];
	p2 =	sne.s32 s20, $0x1;
	s20 =	sadd.s32 $0xFFFFFFFF, s20;
	v7 =	vadd.f32 v8, v7;
	v13 =	vmul.f32 v8, v8  }
.Ltmp12:
0x1c1: {  	v8 =	vld [tilespmem:s22+$0xFFFFFFF0];
	v9 =	vadd.f32 v11, v9;
	(pc) =	sbr.rel @p2 .LBB2_12-.Ltmp12, $2  }
0x1c2: {  	v10 =	vadd.f32 v13, v10;
	_ =	sdelay $0x2  }
0x1c3: {  	s22 =	sadd.s32 $0x20, s22;
	v6 =	vadd.f32 v12, v6;
	v11 =	vmul.f32 v12, v12  }
.LBB2_13:
0x1c4: {  	v12 =	vmul.f32 v8, v8  }
0x1c5: {  	v7 =	vadd.f32 v8, v7  }
0x1c6: {  	s20 =	rddreg [dreg:$0x5];
	v8 =	vadd.f32 v11, v9;
	v9 =	vadd.f32 v12, v10  }
.LBB2_14:
0x1c7: {  	s9 =	sadd.s32 s11, s24  }
0x1c8: {  	_ =	swait.ge [sflag:s12], $0x1000;
	s9 =	sshll.u32 s9, $0x2  }
0x1c9: {  	[sflag:s12] =	ssyncset.done $0x0;
	s9 =	sadd.s32 s20, s9  }
0x1ca: {  	[sflag:s12] =	ssyncadd.s32 $0xFFFFF000;
	s9 =	sadd.s32 $0x200, s9  }
0x1cb: {  	[hbm4b:s9+s2] =	stream.linear.scatter [tilespmem:s13], [sflag:$0x19], $0x1000, $0x38;
	[tilespmem:$0x1E880] =	vst v63  }
0x1cc: {  	s9 =	sld [smem:$0x7F8];
	_ =	sdelay $0x2  }
0x1cd: {  	s9 =	sadd.s32 @!p1 s11, s9  }
0x1ce: {  	_ =	swait.ge [sflag:s31], $0x1000;
	s9 =	sshll.u32 @!p1 s9, $0x5  }
0x1cf: {  	[sflag:s31] =	ssyncset.done $0x0;
	s9 =	sand.u32 @!p1 $0x3FFFFFE0, s9  }
0x1d0: {  	[sflag:s31] =	ssyncadd.s32 $0xFFFFF000;
	s11 =	simm.s32 @!p1 $0x1800;
	s9 =	sadd.s32 @!p1 s9, s1  }
0x1d1: {  	[tilespmem:s11], [sflag:$0x2] =	stream.linear.gather @!p1 [spmem:s9], $0x1000, $0x38;
	[tilespmem:$0x1E880] =	vst v63  }
0x1d2: {  	s9 =	ssub.s32 $0xC2D0, s19  }
0x1d3: {  	p1 =	sgt.s32 s9, $0x0  }
0x1d4: {  	s9 =	simm.s32 @!p1 $0x0  }
0x1d5: {  	p1 =	seq.s32 s9, $0x0  }
.Ltmp13:
0x1d6: {  	_ = 	snop;
	(pc) =	sbr.rel @p1 .LBB2_15-.Ltmp13, $2  }
0x1d7: {  	_ =	sdelay $0x2  }
0x1d8: {  	v2 =	vadd.f32 v9, v2;
	v1 =	vadd.f32 v8, v1;
	v8 =	vimm.f32 $0.0e+00  }
0x1d9: {  	p1 =	sgt.s32 s28, $0x1;
	s11 =	smov.u32 s28  }
0x1da: {  	s11 =	simm.s32 @!p1 $0x1  }
0x1db: {  	s9 =	simm.s32 $0x1810;
	s11 =	smin.u32 s11, $0x80  }
0x1dc: {  	v11 =	vld [tilespmem:s9+$0x0];
	p1 =	sne.s32 s11, $0x1  }
.Ltmp14:
0x1dd: {  	v10 =	vld [tilespmem:s9+$0xFFFFFFF0];
	(pc) =	sbr.rel @!p1 .LBB2_18-.Ltmp14, $3  }
0x1de: {  	_ =	sdelay $0x1  }
0x1df: {  	v12 =	vimm.f32 $0.0e+00  }
0x1e0: {  	s19 =	simm.s32 $0x1830;
	s11 =	sadd.s32 $0xFFFFFFFF, s11;
	v9 =	vadd.f32 v11, v8;
	v13 =	vmul.f32 v11, v11;
	v11 =	vimm.f32 $0.0e+00  }
.LBB2_17:
0x1e1: {  	v14 =	vld [tilespmem:s19+$0x0];
	p1 =	sne.s32 s11, $0x1;
	s11 =	sadd.s32 $0xFFFFFFFF, s11;
	v8 =	vadd.f32 v10, v8;
	v15 =	vmul.f32 v10, v10  }
.Ltmp15:
0x1e2: {  	v10 =	vld [tilespmem:s19+$0xFFFFFFF0];
	v11 =	vadd.f32 v13, v11;
	(pc) =	sbr.rel @p1 .LBB2_17-.Ltmp15, $2  }
0x1e3: {  	v12 =	vadd.f32 v15, v12;
	_ =	sdelay $0x2  }
0x1e4: {  	s19 =	sadd.s32 $0x20, s19;
	v9 =	vadd.f32 v14, v9;
	v13 =	vmul.f32 v14, v14  }
.LBB2_18:
.Ltmp16:
0x1e5: {  	v14 =	vmul.f32 v10, v10;
	(pc) =	sbr.rel .LBB2_19-.Ltmp16, $4  }
0x1e6: {  	_ = 	snop  }
0x1e7: {  	v11 =	vadd.f32 v13, v11;
	v12 =	vadd.f32 v14, v12  }
0x1e8: {  	v8 =	vadd.f32 v10, v8  }
0x1e9: {  	v1 =	vadd.f32 v11, v1;
	v2 =	vadd.f32 v12, v2  }
.LBB2_21:
0x1ea: {  	_ =	sfence.sel $0x180000  }
0x1eb: {  	[bflag:$0x0] =	sbarrier.arrive $0xFFFF  }
0x1ec: {  	_ =	strace $0x90000047  }
0x1ed: {  	s0 =	stileid.u32;
	[bflag:$0x2] =	sbarrier.arrive $0xFFFF  }
0x1ee: {  	p0 =	sne.s32 s0, $0x0;
	s0 =	rddreg [dreg:$0x2]  }
0x1ef: {  	s0 =	sadd.s32 @!p0 $0x100000, s0  }
0x1f0: {  	[sflag:s0] =	ssyncadd.tile.s32 @!p0 $0x1;
	_ =	shalt  }
.Lfunc_end2:
_tile_overlayer_lowered:
.L_overlay_start_2:
0x1f1: {  	(tag) =	ssettag $0x2  }
0x1f2: {  	s0 =	rddreg [dreg:$0x0];
	s2 =	stileid.u32  }
0x1f3: {  	s1 =	rddreg [dreg:$0x1];
	p0 =	sne.s32 s2, $0x0  }
0x1f4: {  	s3 =	rddreg [dreg:$0x2];
	[bflag:$0x3] =	sbarrier.arrive $0xFFFF;
	s2 =	simm.s32 @!p0 $0x1C19  }
0x1f5: {  	[timem:s3], [sflag:s2] =	dma.local @!p0 [hbm:s0], s1  }
0x1f6: {  	s0 =	simm.s32 @!p0 $0x19  }
0x1f7: {  	_ =	swait.ge @!p0 [sflag:s0], s1  }
0x1f8: {  	s1 =	ssub.s32 @!p0 $0x0, s1;
	[sflag:s0] =	ssyncset.done @!p0 $0x0  }
0x1f9: {  	[sflag:s0] =	ssyncadd.s32 @!p0 s1  }
0x1fa: {  	[bflag:$0x3] =	sbarrier.arrive $0xFFFF  }
0x1fb: {  	_ =	shalt  }

</sc_bundles>
